<compile_context>
chip_gen: v7x
topology: tpu7x:2x2x1
jax: 0.10.2.dev20260603
libtpu: 0.0.44.dev20260713+nightly
codegen_flags: <defaults>
</compile_context>

<pallas_src>
import functools
import jax
import jax.numpy as jnp
from jax import lax
from jax.experimental import pallas as pl
from jax.experimental.pallas import tpu as pltpu
from jax.experimental.pallas import tpu_sc as plsc

N = 10000
E = 160000
IN = 128
OUT = 64
K = 5
KK = K * K

ER = 1250
EC = 128
NEG_INF = float("-inf")

CG, NH, EQ = 4, 2, 4
NHALF = N // NH
EQN = E // EQ
CHUNK = 800
GCHUNK = 400
GPT = (4 * E) // 32


def _basis_body(a0_ref, a1_ref, src_ref, b4_ref, fidx_ref):
    a0 = a0_ref[...]
    a1 = a1_ref[...]
    src = src_ref[...]
    f0 = a0 * (K - 1)
    f1 = a1 * (K - 1)
    lo0 = jnp.floor(f0)
    lo1 = jnp.floor(f1)
    t0 = f0 - lo0
    t1 = f1 - lo1
    li0 = jnp.clip(lo0.astype(jnp.int32), 0, K - 1)
    li1 = jnp.clip(lo1.astype(jnp.int32), 0, K - 1)
    j = 0
    for b0 in (0, 1):
        for b1 in (0, 1):
            w = (t0 if b0 else 1.0 - t0) * (t1 if b1 else 1.0 - t1)
            i0 = jnp.clip(li0 + b0, 0, K - 1)
            i1 = jnp.clip(li1 + b1, 0, K - 1)
            b4_ref[j] = w
            fidx_ref[j] = src * KK + (i1 * K + i0)
            j += 1


def _basis(a0, a1, src):
    return pl.pallas_call(
        _basis_body,
        out_shape=[
            jax.ShapeDtypeStruct((4, ER, EC), jnp.float32),
            jax.ShapeDtypeStruct((4, ER, EC), jnp.int32),
        ],
    )(a0, a1, src)


def _matmul_body(x_ref, w_ref, o_ref):
    o_ref[...] = jnp.dot(x_ref[...], w_ref[...],
                         preferred_element_type=jnp.float32)


def _features(x, w2):
    cin = x.shape[1]
    nb = 1000
    return pl.pallas_call(
        _matmul_body,
        grid=(N // nb,),
        in_specs=[
            pl.BlockSpec((nb, cin), lambda i: (i, 0)),
            pl.BlockSpec((cin, KK * OUT), lambda i: (0, 0)),
        ],
        out_specs=pl.BlockSpec((nb, KK * OUT), lambda i: (i, 0)),
        out_shape=jax.ShapeDtypeStruct((N, KK * OUT), jnp.float32),
    )(x, w2)


def _gather_body(y_hbm, fidx_hbm, out_hbm,
                 idx_v0, idx_v1, rows_v0, rows_v1, sem0, sem1):
    c = lax.axis_index("c")
    s = lax.axis_index("s")
    wid = s * 2 + c
    base = wid * GPT

    def pair(k2, _):
        oa = base + (2 * k2) * GCHUNK
        ob = oa + GCHUNK
        pltpu.sync_copy(fidx_hbm.at[pl.ds(oa, GCHUNK)], idx_v0)
        cpa = pltpu.async_copy(y_hbm.at[idx_v0], rows_v0, sem0)
        pltpu.sync_copy(fidx_hbm.at[pl.ds(ob, GCHUNK)], idx_v1)
        cpb = pltpu.async_copy(y_hbm.at[idx_v1], rows_v1, sem1)
        cpa.wait()
        pltpu.sync_copy(rows_v0, out_hbm.at[pl.ds(oa, GCHUNK)])
        cpb.wait()
        pltpu.sync_copy(rows_v1, out_hbm.at[pl.ds(ob, GCHUNK)])
        return 0

    lax.fori_loop(0, GPT // (2 * GCHUNK), pair, 0)


def _gather(y, fidx):
    mesh = plsc.VectorSubcoreMesh(core_axis_name="c", subcore_axis_name="s")
    f = pl.kernel(
        _gather_body,
        out_type=jax.ShapeDtypeStruct((4 * E, OUT), jnp.float32),
        mesh=mesh,
        compiler_params=pltpu.CompilerParams(use_tc_tiling_on_sc=False),
        scratch_types=[
            pltpu.VMEM((GCHUNK,), jnp.int32),
            pltpu.VMEM((GCHUNK,), jnp.int32),
            pltpu.VMEM((GCHUNK, OUT), jnp.float32),
            pltpu.VMEM((GCHUNK, OUT), jnp.float32),
            pltpu.SemaphoreType.DMA,
            pltpu.SemaphoreType.DMA,
        ],
    )
    return f(y, fidx)


def _combine_body(rows_ref, b4_ref, m_ref):
    acc = b4_ref[0] * rows_ref[0]
    for j in range(1, 4):
        acc = acc + b4_ref[j] * rows_ref[j]
    m_ref[...] = acc


def _combine(rows, b4):
    nblk = 100
    eb = E // nblk
    return pl.pallas_call(
        _combine_body,
        grid=(nblk,),
        in_specs=[
            pl.BlockSpec((4, eb, OUT), lambda i: (0, i, 0)),
            pl.BlockSpec((4, eb, 1), lambda i: (0, i, 0)),
        ],
        out_specs=pl.BlockSpec((eb, OUT), lambda i: (i, 0)),
        out_shape=jax.ShapeDtypeStruct((E, OUT), jnp.float32),
    )(rows, b4)


def _scatter_body(m_hbm, dst_hbm, out_hbm, acc,
                  dst_v, m_v, sd0, sd1, sm0, sm1):
    c = lax.axis_index("c")
    s = lax.axis_index("s")
    wid = s * 2 + c
    eqr = wid & 3
    nh = (wid >> 2) & 1
    cg = wid >> 3
    ebase = eqr * EQN
    nbase = nh * NHALF
    cbase = cg * 16
    nck = EQN // CHUNK
    sds = (sd0, sd1)
    sms = (sm0, sm1)

    def init(r, _):
        acc[r] = jnp.full((16,), NEG_INF, jnp.float32)
        return 0

    def dslice(k):
        e0 = ebase + k * CHUNK
        return dst_hbm.at[pl.ds(e0 // 16, CHUNK // 16)]

    def mslice(k):
        e0 = ebase + k * CHUNK
        return m_hbm.at[pl.ds(e0, CHUNK), pl.ds(cbase, 16)]

    def start(k, b):
        pltpu.async_copy(dslice(k), dst_v.at[b], sds[b])
        pltpu.async_copy(mslice(k), m_v.at[b], sms[b])

    def wait(b):
        pltpu.make_async_copy(dslice(0), dst_v.at[b], sds[b]).wait()
        pltpu.make_async_copy(mslice(0), m_v.at[b], sms[b]).wait()

    def process(b):
        dst_vb = dst_v.at[b]
        m_vb = m_v.at[b]

        def group(g, _):
            rvec = dst_vb[g] - nbase
            ok = (rvec >= 0) & (rvec < NHALF)
            rvec = jnp.where(ok, rvec, NHALF)
            for q in range(4):
                rs = [rvec[4 * q + i] for i in range(4)]
                ms = [m_vb[g * 16 + 4 * q + i] for i in range(4)]
                for i in range(4):
                    for j in range(i + 1, 4):
                        same = rs[j] == rs[i]
                        ms[i] = jnp.where(same, jnp.maximum(ms[i], ms[j]),
                                          ms[i])
                        rs[j] = jnp.where(same, NHALF, rs[j])
                vals = [jnp.maximum(acc[rs[i]], ms[i]) for i in range(4)]
                for i in range(4):
                    acc[rs[i]] = vals[i]
            return 0

        lax.fori_loop(0, CHUNK // 16, group, 0)

    start(0, 0)
    lax.fori_loop(0, NHALF, init, 0)

    def pairloop(k2, _):
        for b in range(2):
            k = 2 * k2 + b
            wait(b)

            @pl.when(k + 1 < nck)
            def _():
                start(k + 1, 1 - b)

            process(b)
        return 0

    lax.fori_loop(0, nck // 2, pairloop, 0)
    pltpu.sync_copy(acc.at[pl.ds(0, NHALF)], out_hbm.at[wid])


def _scatter_max(m, dst16):
    mesh = plsc.VectorSubcoreMesh(core_axis_name="c", subcore_axis_name="s")
    f = pl.kernel(
        _scatter_body,
        out_type=jax.ShapeDtypeStruct((32, NHALF, 16), jnp.float32),
        mesh=mesh,
        compiler_params=pltpu.CompilerParams(use_tc_tiling_on_sc=False),
        scratch_types=[
            pltpu.VMEM((NHALF + 1, 16), jnp.float32),
            pltpu.VMEM((2, CHUNK // 16, 16), jnp.int32),
            pltpu.VMEM((2, CHUNK, 16), jnp.float32),
            pltpu.SemaphoreType.DMA,
            pltpu.SemaphoreType.DMA,
            pltpu.SemaphoreType.DMA,
            pltpu.SemaphoreType.DMA,
        ],
    )
    return f(m, dst16)


def _merge_value(p_ref, x_ref, root_ref, b_ref):
    p = p_ref[...]
    mx = jnp.max(p, axis=2)
    cols = [mx[g, 0] for g in range(4)]
    agg = jnp.concatenate(cols, axis=-1)
    agg = jnp.where(jnp.isfinite(agg), agg, 0.0)
    out = agg + jnp.dot(x_ref[...], root_ref[...],
                        preferred_element_type=jnp.float32) + b_ref[...]
    return jnp.maximum(out, 0.0)


def _merge_body(p_ref, x_ref, root_ref, b_ref, h_ref):
    h_ref[...] = _merge_value(p_ref, x_ref, root_ref, b_ref)


def _merge_feat_body(p_ref, x_ref, root_ref, b_ref, w2_ref, h_ref, y_ref):
    h = _merge_value(p_ref, x_ref, root_ref, b_ref)
    h_ref[...] = h
    y_ref[...] = jnp.dot(h, w2_ref[...], preferred_element_type=jnp.float32)


def _merge(partials, x, root, bias):
    cin = x.shape[1]
    nb = 1000
    nblk = NHALF // nb
    return pl.pallas_call(
        _merge_body,
        grid=(NH, nblk),
        in_specs=[
            pl.BlockSpec((CG, 1, EQ, nb, 16), lambda h, i: (0, h, 0, i, 0)),
            pl.BlockSpec((nb, cin), lambda h, i: (h * nblk + i, 0)),
            pl.BlockSpec((cin, OUT), lambda h, i: (0, 0)),
            pl.BlockSpec((1, OUT), lambda h, i: (0, 0)),
        ],
        out_specs=pl.BlockSpec((nb, OUT), lambda h, i: (h * nblk + i, 0)),
        out_shape=jax.ShapeDtypeStruct((N, OUT), jnp.float32),
    )(partials, x, root, bias)


def _merge_feat(partials, x, root, bias, w2):
    cin = x.shape[1]
    nb = 1000
    nblk = NHALF // nb
    return pl.pallas_call(
        _merge_feat_body,
        grid=(NH, nblk),
        in_specs=[
            pl.BlockSpec((CG, 1, EQ, nb, 16), lambda h, i: (0, h, 0, i, 0)),
            pl.BlockSpec((nb, cin), lambda h, i: (h * nblk + i, 0)),
            pl.BlockSpec((cin, OUT), lambda h, i: (0, 0)),
            pl.BlockSpec((1, OUT), lambda h, i: (0, 0)),
            pl.BlockSpec((OUT, KK * OUT), lambda h, i: (0, 0)),
        ],
        out_specs=[
            pl.BlockSpec((nb, OUT), lambda h, i: (h * nblk + i, 0)),
            pl.BlockSpec((nb, KK * OUT), lambda h, i: (h * nblk + i, 0)),
        ],
        out_shape=[
            jax.ShapeDtypeStruct((N, OUT), jnp.float32),
            jax.ShapeDtypeStruct((N, KK * OUT), jnp.float32),
        ],
    )(partials, x, root, bias, w2)


def _final_body(x_ref, h0_ref, h1_ref, w_ref, b_ref, o_ref):
    w = w_ref[...]
    out = jnp.dot(x_ref[...], w[:IN], preferred_element_type=jnp.float32)
    out = out + jnp.dot(h0_ref[...], w[IN:IN + OUT],
                        preferred_element_type=jnp.float32)
    out = out + jnp.dot(h1_ref[...], w[IN + OUT:],
                        preferred_element_type=jnp.float32)
    o_ref[...] = out + b_ref[...]


def _final(x, h0, h1, wf, bf):
    nb = 1000
    return pl.pallas_call(
        _final_body,
        grid=(N // nb,),
        in_specs=[
            pl.BlockSpec((nb, IN), lambda i: (i, 0)),
            pl.BlockSpec((nb, OUT), lambda i: (i, 0)),
            pl.BlockSpec((nb, OUT), lambda i: (i, 0)),
            pl.BlockSpec((IN + 2 * OUT, OUT), lambda i: (0, 0)),
            pl.BlockSpec((1, OUT), lambda i: (0, 0)),
        ],
        out_specs=pl.BlockSpec((nb, OUT), lambda i: (i, 0)),
        out_shape=jax.ShapeDtypeStruct((N, OUT), jnp.float32),
    )(x, h0, h1, wf, bf)


def _sparse_part(y, fidx_flat, b4, dst16):
    rows = _gather(y.reshape(KK * N, OUT), fidx_flat)
    m = _combine(rows.reshape(4, E, OUT),
                 b4.reshape(4, E, 1))
    partials = _scatter_max(m, dst16)
    return partials.reshape(CG, NH, EQ, NHALF, 16)


@jax.jit
def kernel(x, edge_index, edge_attr, w0, root0, b0, w1, root1, b1,
           w_final, b_final):
    src = edge_index[0].astype(jnp.int32)
    dst16 = edge_index[1].astype(jnp.int32).reshape(E // 16, 16)
    a0 = edge_attr[:, 0].reshape(ER, EC)
    a1 = edge_attr[:, 1].reshape(ER, EC)
    b4, fidx = _basis(a0, a1, src.reshape(ER, EC))
    fidx_flat = fidx.reshape(4 * E)

    w2_0 = w0.transpose(1, 0, 2).reshape(IN, KK * OUT)
    w2_1 = w1.transpose(1, 0, 2).reshape(OUT, KK * OUT)

    y0 = _features(x, w2_0)
    p0 = _sparse_part(y0, fidx_flat, b4, dst16)
    h0, y1 = _merge_feat(p0, x, root0, b0.reshape(1, OUT), w2_1)
    p1 = _sparse_part(y1, fidx_flat, b4, dst16)
    h1 = _merge(p1, h0, root1, b1.reshape(1, OUT))
    return _final(x, h0, h1, w_final, b_final.reshape(1, OUT))

# --- scband reference (transcript-rebuilt; emitter-appended) ---
"""Pipeline reference for scband-spline-cnn-46059229283035 (READ-ONLY COPY).

The authoritative reference and input builder live on the scoring server;
editing this copy changes nothing except your own understanding.
"""

import jax, jax.numpy as jnp
import numpy as np

N = 10000
E = 160000
IN = 128
OUT = 64
K = 5
KK = K * K
NUM_LAYERS = 2


def _spline_basis(pseudo):
    # degree-1 open B-spline basis, dim=2, kernel_size=5 per dim (torch_spline_conv semantics)
    frac = pseudo * (K - 1)
    lo = jnp.floor(frac)
    t = frac - lo
    lo_i = jnp.clip(lo.astype(jnp.int32), 0, K - 1)
    bs, ids = [], []
    for b0 in (0, 1):
        for b1 in (0, 1):
            w0d = t[:, 0] if b0 else 1.0 - t[:, 0]
            w1d = t[:, 1] if b1 else 1.0 - t[:, 1]
            i0 = jnp.clip(lo_i[:, 0] + b0, 0, K - 1)
            i1 = jnp.clip(lo_i[:, 1] + b1, 0, K - 1)
            bs.append(w0d * w1d)
            ids.append(i1 * K + i0)
    return jnp.stack(bs, 1), jnp.stack(ids, 1)


def _dense_basis(pseudo):
    basis, idx = _spline_basis(pseudo)
    B = jnp.zeros((pseudo.shape[0], KK), dtype=pseudo.dtype)
    B = B.at[jnp.arange(pseudo.shape[0])[:, None], idx].add(basis)
    return B


def _spline_conv(x, src, dst, B, W, root, bias):
    x_j = jnp.take(x, src, axis=0)
    m = jnp.zeros((x_j.shape[0], W.shape[2]), dtype=x.dtype)
    for k in range(KK):
        m = m + B[:, k:k + 1] * (x_j @ W[k])
    agg = jax.ops.segment_max(m, dst, num_segments=N)
    agg = jnp.where(jnp.isfinite(agg), agg, 0.0)
    return agg + x @ root + bias


def setup_inputs(seed: int = 0):
    key = jax.random.key(seed)
    ks = jax.random.split(key, 16)
    inp = {}
    inp["x"] = jax.random.normal(ks[0], (N, IN), dtype=jnp.float32)
    inp["edge_index"] = jax.random.randint(ks[1], (2, E), 0, N)
    inp["edge_attr"] = jax.random.uniform(ks[2], (E, 2), dtype=jnp.float32)
    inp["w0"] = jax.random.normal(ks[3], (KK, IN, OUT), dtype=jnp.float32) * (1.0 / np.sqrt(IN * 4))
    inp["root0"] = jax.random.normal(ks[4], (IN, OUT), dtype=jnp.float32) * (1.0 / np.sqrt(IN))
    inp["b0"] = jnp.zeros((OUT,), dtype=jnp.float32)
    inp["w1"] = jax.random.normal(ks[5], (KK, OUT, OUT), dtype=jnp.float32) * (1.0 / np.sqrt(OUT * 4))
    inp["root1"] = jax.random.normal(ks[6], (OUT, OUT), dtype=jnp.float32) * (1.0 / np.sqrt(OUT))
    inp["b1"] = jnp.zeros((OUT,), dtype=jnp.float32)
    inp["w_final"] = jax.random.normal(ks[7], (IN + NUM_LAYERS * OUT, OUT), dtype=jnp.float32) * (1.0 / np.sqrt(IN + NUM_LAYERS * OUT))
    inp["b_final"] = jnp.zeros((OUT,), dtype=jnp.float32)
    return inp


def reference(x, edge_index, edge_attr, w0, root0, b0, w1, root1, b1, w_final, b_final):
    src = edge_index[0]
    dst = edge_index[1]
    B = _dense_basis(edge_attr)
    xs = [x]
    h = jax.nn.relu(_spline_conv(xs[-1], src, dst, B, w0, root0, b0))
    xs.append(h)
    h = jax.nn.relu(_spline_conv(xs[-1], src, dst, B, w1, root1, b1))
    xs.append(h)
    hcat = jnp.concatenate(xs, axis=-1)
    # dropout p=0.0 is a no-op
    return hcat @ w_final + b_final

if __name__ == "__main__":
    import jax
    _d = setup_inputs()
    print(jax.jit(kernel)(*tuple(_d.values())))

</pallas_src>

<mosaic_0001>
#map = affine_map<(d0, d1) -> (0, 0)>
#map1 = affine_map<(d0, d1) -> (0, 0, 0)>
module attributes {stable_mosaic.version = 14 : i64} {
  func.func @_scatter_body(%arg0: i32, %arg1: i32, %arg2: memref<160000x64xf32, #tpu.memory_space<hbm>>, %arg3: memref<10000x16xi32, #tpu.memory_space<hbm>>, %arg4: memref<32x5000x16xf32, #tpu.memory_space<hbm>>, %arg5: memref<5001x16xf32, #tpu.memory_space<vmem>>, %arg6: memref<2x50x16xi32, #tpu.memory_space<vmem>>, %arg7: memref<2x800x16xf32, #tpu.memory_space<vmem>>, %arg8: memref<!tpu.dma_semaphore, #tpu.memory_space<semaphore_mem>>, %arg9: memref<!tpu.dma_semaphore, #tpu.memory_space<semaphore_mem>>, %arg10: memref<!tpu.dma_semaphore, #tpu.memory_space<semaphore_mem>>, %arg11: memref<!tpu.dma_semaphore, #tpu.memory_space<semaphore_mem>>) attributes {dimension_semantics = [#tpu.dimension_semantics<core_parallel>, #tpu.dimension_semantics<subcore_parallel>], iteration_bounds = array<i64: 2, 16>, scalar_prefetch = 0 : i64, scratch_operands = 7 : i64, tpu.core_type = #tpu.core_type<sc_vector_subcore>, window_params = [{transform_indices = #map}, {transform_indices = #map}, {transform_indices = #map1}]} {
    %mul3A = arith.constant 2 : i32
    %mul3A_0 = arith.muli %arg1, %mul3A : i32
    %add3A = arith.addi %mul3A_0, %arg0 : i32
    %and3A = arith.constant 3 : i32
    %and3A_1 = arith.andi %add3A, %and3A : i32
    %shift_right_arithmetic3A = arith.constant 2 : i32
    %shift_right_arithmetic3A_2 = arith.shrsi %add3A, %shift_right_arithmetic3A : i32
    %and3A_3 = arith.constant 1 : i32
    %and3A_4 = arith.andi %shift_right_arithmetic3A_2, %and3A_3 : i32
    %shift_right_arithmetic3A_5 = arith.constant 3 : i32
    %shift_right_arithmetic3A_6 = arith.shrsi %add3A, %shift_right_arithmetic3A_5 : i32
    %mul3A_7 = arith.constant 40000 : i32
    %mul3A_8 = arith.muli %and3A_1, %mul3A_7 : i32
    %mul3A_9 = arith.constant 5000 : i32
    %mul3A_10 = arith.muli %and3A_4, %mul3A_9 : i32
    %mul3A_11 = arith.constant 16 : i32
    %mul3A_12 = arith.muli %shift_right_arithmetic3A_6, %mul3A_11 : i32
    %add3A_13 = arith.constant 0 : i32
    %add3A_14 = arith.addi %mul3A_8, %add3A_13 : i32
    %jit3A = arith.constant 16 : i32
    %div3A = arith.divsi %add3A_14, %jit3A : i32
    %sign3A = arith.constant 0 : i32
    %sign3A_15 = arith.cmpi sgt, %add3A_14, %sign3A : i32
    %sign3A_16 = arith.extui %sign3A_15 : i1 to i32
    %sign3A_17 = arith.constant 0 : i32
    %sign3A_18 = arith.cmpi slt, %add3A_14, %sign3A_17 : i32
    %sign3A_19 = arith.extui %sign3A_18 : i1 to i32
    %sign3A_20 = arith.subi %sign3A_16, %sign3A_19 : i32
    %sign3A_21 = arith.constant 0 : i32
    %sign3A_22 = arith.cmpi sgt, %jit3A, %sign3A_21 : i32
    %sign3A_23 = arith.extui %sign3A_22 : i1 to i32
    %sign3A_24 = arith.constant 0 : i32
    %sign3A_25 = arith.cmpi slt, %jit3A, %sign3A_24 : i32
    %sign3A_26 = arith.extui %sign3A_25 : i1 to i32
    %sign3A_27 = arith.subi %sign3A_23, %sign3A_26 : i32
    %ne3A = arith.cmpi ne, %sign3A_20, %sign3A_27 : i32
    %rem3A = arith.remsi %add3A_14, %jit3A : i32
    %ne3A_28 = arith.constant 0 : i32
    %ne3A_29 = arith.cmpi ne, %rem3A, %ne3A_28 : i32
    %and3A_30 = arith.andi %ne3A, %ne3A_29 : i1
    %sub3A = arith.constant 1 : i32
    %sub3A_31 = arith.subi %div3A, %sub3A : i32
    %select_n3A = arith.select %and3A_30, %sub3A_31, %div3A : i32
    %dma_start3A = arith.constant 0 : i32
    %dma_start3A_32 = arith.constant 0 : i32
    %dma_start3A_33 = arith.constant 0 : i32
    %dma_start3A_34 = tpu.memref_slice %arg6[%dma_start3A, %dma_start3A_32, %dma_start3A_33] : memref<2x50x16xi32, #tpu.memory_space<vmem>> -> memref<1x50x16xi32, #tpu.memory_space<vmem>>
    %dma_start3A_35 = tpu.memref_squeeze %dma_start3A_34 : memref<1x50x16xi32, #tpu.memory_space<vmem>> -> memref<50x16xi32, #tpu.memory_space<vmem>>
    %dma_start3A_36 = arith.constant 0 : i32
    %dma_start3A_37 = tpu.memref_slice %arg3[%select_n3A, %dma_start3A_36] : memref<10000x16xi32, #tpu.memory_space<hbm>> -> memref<50x16xi32, #tpu.memory_space<hbm>>
    %dma_start3A_38 = arith.constant 0 : i32
    %dma_start3A_39 = arith.constant 0 : i32
    %dma_start3A_40 = tpu.memref_slice %arg6[%dma_start3A, %dma_start3A_38, %dma_start3A_39] : memref<2x50x16xi32, #tpu.memory_space<vmem>> -> memref<1x50x16xi32, #tpu.memory_space<vmem>>
    %dma_start3A_41 = tpu.memref_squeeze %dma_start3A_40 : memref<1x50x16xi32, #tpu.memory_space<vmem>> -> memref<50x16xi32, #tpu.memory_space<vmem>>
    %dma_start3A_42 = arith.constant 0 : i32
    %dma_start3A_43 = tpu.memref_slice %arg3[%select_n3A, %dma_start3A_42] : memref<10000x16xi32, #tpu.memory_space<hbm>> -> memref<50x16xi32, #tpu.memory_space<hbm>>
    tpu.enqueue_dma source(%dma_start3A_43 : memref<50x16xi32, #tpu.memory_space<hbm>>) target(%dma_start3A_41 : memref<50x16xi32, #tpu.memory_space<vmem>>) target_semaphore(%arg8 : memref<!tpu.dma_semaphore, #tpu.memory_space<semaphore_mem>>)
    %add3A_44 = arith.constant 0 : i32
    %add3A_45 = arith.addi %mul3A_8, %add3A_44 : i32
    %dma_start3A_46 = arith.constant 0 : i32
    %dma_start3A_47 = arith.constant 0 : i32
    %dma_start3A_48 = arith.constant 0 : i32
    %dma_start3A_49 = tpu.memref_slice %arg7[%dma_start3A_46, %dma_start3A_47, %dma_start3A_48] : memref<2x800x16xf32, #tpu.memory_space<vmem>> -> memref<1x800x16xf32, #tpu.memory_space<vmem>>
    %dma_start3A_50 = tpu.memref_squeeze %dma_start3A_49 : memref<1x800x16xf32, #tpu.memory_space<vmem>> -> memref<800x16xf32, #tpu.memory_space<vmem>>
    %dma_start3A_51 = tpu.memref_slice %arg2[%add3A_45, %mul3A_12] : memref<160000x64xf32, #tpu.memory_space<hbm>> -> memref<800x16xf32, #tpu.memory_space<hbm>>
    %dma_start3A_52 = arith.constant 0 : i32
    %dma_start3A_53 = arith.constant 0 : i32
    %dma_start3A_54 = tpu.memref_slice %arg7[%dma_start3A_46, %dma_start3A_52, %dma_start3A_53] : memref<2x800x16xf32, #tpu.memory_space<vmem>> -> memref<1x800x16xf32, #tpu.memory_space<vmem>>
    %dma_start3A_55 = tpu.memref_squeeze %dma_start3A_54 : memref<1x800x16xf32, #tpu.memory_space<vmem>> -> memref<800x16xf32, #tpu.memory_space<vmem>>
    %dma_start3A_56 = tpu.memref_slice %arg2[%add3A_45, %mul3A_12] : memref<160000x64xf32, #tpu.memory_space<hbm>> -> memref<800x16xf32, #tpu.memory_space<hbm>>
    tpu.enqueue_dma source(%dma_start3A_56 : memref<800x16xf32, #tpu.memory_space<hbm>>) target(%dma_start3A_55 : memref<800x16xf32, #tpu.memory_space<vmem>>) target_semaphore(%arg10 : memref<!tpu.dma_semaphore, #tpu.memory_space<semaphore_mem>>)
    %scan3A = arith.constant 0 : i32
    %scan3A_57 = arith.constant 0 : i32
    %scan3A_58 = arith.constant 5000 : i32
    %scan3A_59 = arith.addi %scan3A_57, %scan3A_58 : i32
    %scan3A_60 = arith.constant 1 : i32
    %scan3A_61 = scf.for %scan3A_70 = %scan3A_57 to %scan3A_59 step %scan3A_60 iter_args(%scan3A_71 = %scan3A) -> (i32)  : i32 {
      %broadcast_in_dim3A = arith.constant 0xFF800000 : f32
      %broadcast_in_dim3A_72 = vector.broadcast %broadcast_in_dim3A : f32 to vector<16xf32>
      %swap3A = arith.index_cast %scan3A_70 : i32 to index
      %swap3A_73 = arith.constant 0 : index
      %swap3A_74 = tpu.vector_load %arg5[%swap3A, %swap3A_73] {strides = array<i32>} : memref<5001x16xf32, #tpu.memory_space<vmem>>, vector<1x16xf32>,
      %swap3A_75 = vector.shape_cast %swap3A_74 : vector<1x16xf32> to vector<16xf32>
      %swap3A_76 = vector.shape_cast %broadcast_in_dim3A_72 : vector<16xf32> to vector<1x16xf32>
      tpu.vector_store %arg5[%swap3A, %swap3A_73], %swap3A_76 {strides = array<i32>} : memref<5001x16xf32, #tpu.memory_space<vmem>>, vector<1x16xf32>,
      %scan3A_77 = arith.constant 0 : i32
      scf.yield %scan3A_77 : i32
    }
    %scan3A_62 = arith.constant 5000 : i32
    %scan3A_63 = arith.constant 0 : i32
    %scan3A_64 = arith.constant 0 : i32
    %scan3A_65 = arith.constant 25 : i32
    %scan3A_66 = arith.addi %scan3A_64, %scan3A_65 : i32
    %scan3A_67 = arith.constant 1 : i32
    %scan3A_68 = scf.for %scan3A_70 = %scan3A_64 to %scan3A_66 step %scan3A_67 iter_args(%scan3A_71 = %scan3A_63) -> (i32)  : i32 {
      %mul3A_72 = arith.constant 2 : i32
      %mul3A_73 = arith.muli %mul3A_72, %scan3A_70 : i32
      %add3A_74 = arith.constant 0 : i32
      %add3A_75 = arith.addi %mul3A_73, %add3A_74 : i32
      %add3A_76 = arith.constant 0 : i32
      %add3A_77 = arith.addi %mul3A_8, %add3A_76 : i32
      %jit3A_78 = arith.constant 16 : i32
      %div3A_79 = arith.divsi %add3A_77, %jit3A_78 : i32
      %sign3A_80 = arith.constant 0 : i32
      %sign3A_81 = arith.cmpi sgt, %add3A_77, %sign3A_80 : i32
      %sign3A_82 = arith.extui %sign3A_81 : i1 to i32
      %sign3A_83 = arith.constant 0 : i32
      %sign3A_84 = arith.cmpi slt, %add3A_77, %sign3A_83 : i32
      %sign3A_85 = arith.extui %sign3A_84 : i1 to i32
      %sign3A_86 = arith.subi %sign3A_82, %sign3A_85 : i32
      %sign3A_87 = arith.constant 0 : i32
      %sign3A_88 = arith.cmpi sgt, %jit3A_78, %sign3A_87 : i32
      %sign3A_89 = arith.extui %sign3A_88 : i1 to i32
      %sign3A_90 = arith.constant 0 : i32
      %sign3A_91 = arith.cmpi slt, %jit3A_78, %sign3A_90 : i32
      %sign3A_92 = arith.extui %sign3A_91 : i1 to i32
      %sign3A_93 = arith.subi %sign3A_89, %sign3A_92 : i32
      %ne3A_94 = arith.cmpi ne, %sign3A_86, %sign3A_93 : i32
      %rem3A_95 = arith.remsi %add3A_77, %jit3A_78 : i32
      %ne3A_96 = arith.constant 0 : i32
      %ne3A_97 = arith.cmpi ne, %rem3A_95, %ne3A_96 : i32
      %and3A_98 = arith.andi %ne3A_94, %ne3A_97 : i1
      %sub3A_99 = arith.constant 1 : i32
      %sub3A_100 = arith.subi %div3A_79, %sub3A_99 : i32
      %select_n3A_101 = arith.select %and3A_98, %sub3A_100, %div3A_79 : i32
      %dma_wait3A = arith.constant 0 : i32
      %dma_wait3A_102 = arith.constant 0 : i32
      %dma_wait3A_103 = arith.constant 0 : i32
      %dma_wait3A_104 = tpu.memref_slice %arg6[%dma_wait3A, %dma_wait3A_102, %dma_wait3A_103] : memref<2x50x16xi32, #tpu.memory_space<vmem>> -> memref<1x50x16xi32, #tpu.memory_space<vmem>>
      %dma_wait3A_105 = tpu.memref_squeeze %dma_wait3A_104 : memref<1x50x16xi32, #tpu.memory_space<vmem>> -> memref<50x16xi32, #tpu.memory_space<vmem>>
      %dma_wait3A_106 = arith.constant 0 : i32
      %dma_wait3A_107 = tpu.memref_slice %arg3[%select_n3A_101, %dma_wait3A_106] : memref<10000x16xi32, #tpu.memory_space<hbm>> -> memref<50x16xi32, #tpu.memory_space<hbm>>
      %dma_wait3A_108 = arith.constant 0 : i32
      %dma_wait3A_109 = arith.constant 0 : i32
      %dma_wait3A_110 = tpu.memref_slice %arg6[%dma_wait3A, %dma_wait3A_108, %dma_wait3A_109] : memref<2x50x16xi32, #tpu.memory_space<vmem>> -> memref<1x50x16xi32, #tpu.memory_space<vmem>>
      %dma_wait3A_111 = tpu.memref_squeeze %dma_wait3A_110 : memref<1x50x16xi32, #tpu.memory_space<vmem>> -> memref<50x16xi32, #tpu.memory_space<vmem>>
      %dma_wait3A_112 = arith.constant 0 : i32
      %dma_wait3A_113 = tpu.memref_slice %arg3[%select_n3A_101, %dma_wait3A_112] : memref<10000x16xi32, #tpu.memory_space<hbm>> -> memref<50x16xi32, #tpu.memory_space<hbm>>
      tpu.wait_dma2 semaphore(%arg8 : memref<!tpu.dma_semaphore, #tpu.memory_space<semaphore_mem>>) src(%dma_wait3A_113 : memref<50x16xi32, #tpu.memory_space<hbm>>) dst(%dma_wait3A_111 : memref<50x16xi32, #tpu.memory_space<vmem>>)
      %add3A_114 = arith.constant 0 : i32
      %add3A_115 = arith.addi %mul3A_8, %add3A_114 : i32
      %dma_wait3A_116 = arith.constant 0 : i32
      %dma_wait3A_117 = arith.constant 0 : i32
      %dma_wait3A_118 = arith.constant 0 : i32
      %dma_wait3A_119 = tpu.memref_slice %arg7[%dma_wait3A_116, %dma_wait3A_117, %dma_wait3A_118] : memref<2x800x16xf32, #tpu.memory_space<vmem>> -> memref<1x800x16xf32, #tpu.memory_space<vmem>>
      %dma_wait3A_120 = tpu.memref_squeeze %dma_wait3A_119 : memref<1x800x16xf32, #tpu.memory_space<vmem>> -> memref<800x16xf32, #tpu.memory_space<vmem>>
      %dma_wait3A_121 = tpu.memref_slice %arg2[%add3A_115, %mul3A_12] : memref<160000x64xf32, #tpu.memory_space<hbm>> -> memref<800x16xf32, #tpu.memory_space<hbm>>
      %dma_wait3A_122 = arith.constant 0 : i32
      %dma_wait3A_123 = arith.constant 0 : i32
      %dma_wait3A_124 = tpu.memref_slice %arg7[%dma_wait3A_116, %dma_wait3A_122, %dma_wait3A_123] : memref<2x800x16xf32, #tpu.memory_space<vmem>> -> memref<1x800x16xf32, #tpu.memory_space<vmem>>
      %dma_wait3A_125 = tpu.memref_squeeze %dma_wait3A_124 : memref<1x800x16xf32, #tpu.memory_space<vmem>> -> memref<800x16xf32, #tpu.memory_space<vmem>>
      %dma_wait3A_126 = tpu.memref_slice %arg2[%add3A_115, %mul3A_12] : memref<160000x64xf32, #tpu.memory_space<hbm>> -> memref<800x16xf32, #tpu.memory_space<hbm>>
      tpu.wait_dma2 semaphore(%arg10 : memref<!tpu.dma_semaphore, #tpu.memory_space<semaphore_mem>>) src(%dma_wait3A_126 : memref<800x16xf32, #tpu.memory_space<hbm>>) dst(%dma_wait3A_125 : memref<800x16xf32, #tpu.memory_space<vmem>>)
      %add3A_127 = arith.constant 1 : i32
      %add3A_128 = arith.addi %add3A_75, %add3A_127 : i32
      %lt3A = arith.constant 50 : i32
      %lt3A_129 = arith.cmpi slt, %add3A_128, %lt3A : i32
      %convert_element_type3A = arith.extui %lt3A_129 : i1 to i32
      %cond3A = arith.constant 0 : i32
      %cond3A_130 = arith.cmpi ne, %convert_element_type3A, %cond3A : i32
      scf.if %cond3A_130 {
        %add3A_213 = arith.constant 1 : i32
        %add3A_214 = arith.addi %add3A_75, %add3A_213 : i32
        %mul3A_215 = arith.constant 800 : i32
        %mul3A_216 = arith.muli %add3A_214, %mul3A_215 : i32
        %add3A_217 = arith.addi %mul3A_8, %mul3A_216 : i32
        %jit3A_218 = arith.constant 16 : i32
        %div3A_219 = arith.divsi %add3A_217, %jit3A_218 : i32
        %sign3A_220 = arith.constant 0 : i32
        %sign3A_221 = arith.cmpi sgt, %add3A_217, %sign3A_220 : i32
        %sign3A_222 = arith.extui %sign3A_221 : i1 to i32
        %sign3A_223 = arith.constant 0 : i32
        %sign3A_224 = arith.cmpi slt, %add3A_217, %sign3A_223 : i32
        %sign3A_225 = arith.extui %sign3A_224 : i1 to i32
        %sign3A_226 = arith.subi %sign3A_222, %sign3A_225 : i32
        %sign3A_227 = arith.constant 0 : i32
        %sign3A_228 = arith.cmpi sgt, %jit3A_218, %sign3A_227 : i32
        %sign3A_229 = arith.extui %sign3A_228 : i1 to i32
        %sign3A_230 = arith.constant 0 : i32
        %sign3A_231 = arith.cmpi slt, %jit3A_218, %sign3A_230 : i32
        %sign3A_232 = arith.extui %sign3A_231 : i1 to i32
        %sign3A_233 = arith.subi %sign3A_229, %sign3A_232 : i32
        %ne3A_234 = arith.cmpi ne, %sign3A_226, %sign3A_233 : i32
        %rem3A_235 = arith.remsi %add3A_217, %jit3A_218 : i32
        %ne3A_236 = arith.constant 0 : i32
        %ne3A_237 = arith.cmpi ne, %rem3A_235, %ne3A_236 : i32
        %and3A_238 = arith.andi %ne3A_234, %ne3A_237 : i1
        %sub3A_239 = arith.constant 1 : i32
        %sub3A_240 = arith.subi %div3A_219, %sub3A_239 : i32
        %select_n3A_241 = arith.select %and3A_238, %sub3A_240, %div3A_219 : i32
        %dma_start3A_242 = arith.constant 1 : i32
        %dma_start3A_243 = arith.constant 0 : i32
        %dma_start3A_244 = arith.constant 0 : i32
        %dma_start3A_245 = tpu.memref_slice %arg6[%dma_start3A_242, %dma_start3A_243, %dma_start3A_244] : memref<2x50x16xi32, #tpu.memory_space<vmem>> -> memref<1x50x16xi32, #tpu.memory_space<vmem>>
        %dma_start3A_246 = tpu.memref_squeeze %dma_start3A_245 : memref<1x50x16xi32, #tpu.memory_space<vmem>> -> memref<50x16xi32, #tpu.memory_space<vmem>>
        %dma_start3A_247 = arith.constant 0 : i32
        %dma_start3A_248 = tpu.memref_slice %arg3[%select_n3A_241, %dma_start3A_247] : memref<10000x16xi32, #tpu.memory_space<hbm>> -> memref<50x16xi32, #tpu.memory_space<hbm>>
        %dma_start3A_249 = arith.constant 0 : i32
        %dma_start3A_250 = arith.constant 0 : i32
        %dma_start3A_251 = tpu.memref_slice %arg6[%dma_start3A_242, %dma_start3A_249, %dma_start3A_250] : memref<2x50x16xi32, #tpu.memory_space<vmem>> -> memref<1x50x16xi32, #tpu.memory_space<vmem>>
        %dma_start3A_252 = tpu.memref_squeeze %dma_start3A_251 : memref<1x50x16xi32, #tpu.memory_space<vmem>> -> memref<50x16xi32, #tpu.memory_space<vmem>>
        %dma_start3A_253 = arith.constant 0 : i32
        %dma_start3A_254 = tpu.memref_slice %arg3[%select_n3A_241, %dma_start3A_253] : memref<10000x16xi32, #tpu.memory_space<hbm>> -> memref<50x16xi32, #tpu.memory_space<hbm>>
        tpu.enqueue_dma source(%dma_start3A_254 : memref<50x16xi32, #tpu.memory_space<hbm>>) target(%dma_start3A_252 : memref<50x16xi32, #tpu.memory_space<vmem>>) target_semaphore(%arg9 : memref<!tpu.dma_semaphore, #tpu.memory_space<semaphore_mem>>)
        %mul3A_255 = arith.constant 800 : i32
        %mul3A_256 = arith.muli %add3A_214, %mul3A_255 : i32
        %add3A_257 = arith.addi %mul3A_8, %mul3A_256 : i32
        %dma_start3A_258 = arith.constant 1 : i32
        %dma_start3A_259 = arith.constant 0 : i32
        %dma_start3A_260 = arith.constant 0 : i32
        %dma_start3A_261 = tpu.memref_slice %arg7[%dma_start3A_258, %dma_start3A_259, %dma_start3A_260] : memref<2x800x16xf32, #tpu.memory_space<vmem>> -> memref<1x800x16xf32, #tpu.memory_space<vmem>>
        %dma_start3A_262 = tpu.memref_squeeze %dma_start3A_261 : memref<1x800x16xf32, #tpu.memory_space<vmem>> -> memref<800x16xf32, #tpu.memory_space<vmem>>
        %dma_start3A_263 = tpu.memref_slice %arg2[%add3A_257, %mul3A_12] : memref<160000x64xf32, #tpu.memory_space<hbm>> -> memref<800x16xf32, #tpu.memory_space<hbm>>
        %dma_start3A_264 = arith.constant 0 : i32
        %dma_start3A_265 = arith.constant 0 : i32
        %dma_start3A_266 = tpu.memref_slice %arg7[%dma_start3A_258, %dma_start3A_264, %dma_start3A_265] : memref<2x800x16xf32, #tpu.memory_space<vmem>> -> memref<1x800x16xf32, #tpu.memory_space<vmem>>
        %dma_start3A_267 = tpu.memref_squeeze %dma_start3A_266 : memref<1x800x16xf32, #tpu.memory_space<vmem>> -> memref<800x16xf32, #tpu.memory_space<vmem>>
        %dma_start3A_268 = tpu.memref_slice %arg2[%add3A_257, %mul3A_12] : memref<160000x64xf32, #tpu.memory_space<hbm>> -> memref<800x16xf32, #tpu.memory_space<hbm>>
        tpu.enqueue_dma source(%dma_start3A_268 : memref<800x16xf32, #tpu.memory_space<hbm>>) target(%dma_start3A_267 : memref<800x16xf32, #tpu.memory_space<vmem>>) target_semaphore(%arg11 : memref<!tpu.dma_semaphore, #tpu.memory_space<semaphore_mem>>)
      } else {
      }
      %scan3A_131 = arith.constant 0 : i32
      %scan3A_132 = arith.constant 0 : i32
      %scan3A_133 = arith.constant 0 : i32
      %scan3A_134 = arith.constant 0 : i32
      %scan3A_135 = arith.constant 50 : i32
      %scan3A_136 = arith.addi %scan3A_134, %scan3A_135 : i32
      %scan3A_137 = arith.constant 1 : i32
      %scan3A_138 = scf.for %scan3A_213 = %scan3A_134 to %scan3A_136 step %scan3A_137 iter_args(%scan3A_214 = %scan3A_133) -> (i32)  : i32 {
        %get3A = arith.constant 0 : i32
        %get3A_215 = arith.constant 0 : i32
        %get3A_216 = tpu.memref_slice %arg6[%scan3A_131, %get3A, %get3A_215] : memref<2x50x16xi32, #tpu.memory_space<vmem>> -> memref<1x50x16xi32, #tpu.memory_space<vmem>>
        %get3A_217 = tpu.memref_squeeze %get3A_216 : memref<1x50x16xi32, #tpu.memory_space<vmem>> -> memref<50x16xi32, #tpu.memory_space<vmem>>
        %get3A_218 = arith.index_cast %scan3A_213 : i32 to index
        %get3A_219 = arith.constant 0 : index
        %get3A_220 = tpu.vector_load %get3A_217[%get3A_218, %get3A_219] {strides = array<i32>} : memref<50x16xi32, #tpu.memory_space<vmem>>, vector<1x16xi32>,
        %get3A_221 = vector.shape_cast %get3A_220 : vector<1x16xi32> to vector<16xi32>
        %sub3A_222 = vector.broadcast %mul3A_10 : i32 to vector<16xi32>
        %sub3A_223 = arith.subi %get3A_221, %sub3A_222 : vector<16xi32>
        %ge3A = arith.constant 0 : i32
        %ge3A_224 = vector.broadcast %ge3A : i32 to vector<16xi32>
        %ge3A_225 = arith.cmpi sge, %sub3A_223, %ge3A_224 : vector<16xi32>
        %lt3A_226 = arith.constant 5000 : i32
        %lt3A_227 = vector.broadcast %lt3A_226 : i32 to vector<16xi32>
        %lt3A_228 = arith.cmpi slt, %sub3A_223, %lt3A_227 : vector<16xi32>
        %and3A_229 = arith.andi %ge3A_225, %lt3A_228 : vector<16xi1>
        %jit3A_230 = arith.constant 5000 : i32
        %broadcast_in_dim3A = vector.broadcast %jit3A_230 : i32 to vector<16xi32>
        %select_n3A_231 = arith.select %and3A_229, %sub3A_223, %broadcast_in_dim3A : vector<16xi1>, vector<16xi32>
        %slice3A = vector.extract_strided_slice %select_n3A_231 {offsets = [0], sizes = [1], strides = [1]} : vector<16xi32> to vector<1xi32>
        %squeeze3A = vector.extract %slice3A[0] : i32 from vector<1xi32>
        %slice3A_232 = vector.extract_strided_slice %select_n3A_231 {offsets = [1], sizes = [1], strides = [1]} : vector<16xi32> to vector<1xi32>
        %squeeze3A_233 = vector.extract %slice3A_232[0] : i32 from vector<1xi32>
        %slice3A_234 = vector.extract_strided_slice %select_n3A_231 {offsets = [2], sizes = [1], strides = [1]} : vector<16xi32> to vector<1xi32>
        %squeeze3A_235 = vector.extract %slice3A_234[0] : i32 from vector<1xi32>
        %slice3A_236 = vector.extract_strided_slice %select_n3A_231 {offsets = [3], sizes = [1], strides = [1]} : vector<16xi32> to vector<1xi32>
        %squeeze3A_237 = vector.extract %slice3A_236[0] : i32 from vector<1xi32>
        %mul3A_238 = arith.constant 16 : i32
        %mul3A_239 = arith.muli %scan3A_213, %mul3A_238 : i32
        %add3A_240 = arith.constant 0 : i32
        %add3A_241 = arith.addi %mul3A_239, %add3A_240 : i32
        %add3A_242 = arith.constant 0 : i32
        %add3A_243 = arith.addi %add3A_241, %add3A_242 : i32
        %get3A_244 = arith.constant 0 : i32
        %get3A_245 = arith.constant 0 : i32
        %get3A_246 = tpu.memref_slice %arg7[%scan3A_132, %get3A_244, %get3A_245] : memref<2x800x16xf32, #tpu.memory_space<vmem>> -> memref<1x800x16xf32, #tpu.memory_space<vmem>>
        %get3A_247 = tpu.memref_squeeze %get3A_246 : memref<1x800x16xf32, #tpu.memory_space<vmem>> -> memref<800x16xf32, #tpu.memory_space<vmem>>
        %get3A_248 = arith.index_cast %add3A_243 : i32 to index
        %get3A_249 = arith.constant 0 : index
        %get3A_250 = tpu.vector_load %get3A_247[%get3A_248, %get3A_249] {strides = array<i32>} : memref<800x16xf32, #tpu.memory_space<vmem>>, vector<1x16xf32>,
        %get3A_251 = vector.shape_cast %get3A_250 : vector<1x16xf32> to vector<16xf32>
        %mul3A_252 = arith.constant 16 : i32
        %mul3A_253 = arith.muli %scan3A_213, %mul3A_252 : i32
        %add3A_254 = arith.constant 0 : i32
        %add3A_255 = arith.addi %mul3A_253, %add3A_254 : i32
        %add3A_256 = arith.constant 1 : i32
        %add3A_257 = arith.addi %add3A_255, %add3A_256 : i32
        %get3A_258 = arith.constant 0 : i32
        %get3A_259 = arith.constant 0 : i32
        %get3A_260 = tpu.memref_slice %arg7[%scan3A_132, %get3A_258, %get3A_259] : memref<2x800x16xf32, #tpu.memory_space<vmem>> -> memref<1x800x16xf32, #tpu.memory_space<vmem>>
        %get3A_261 = tpu.memref_squeeze %get3A_260 : memref<1x800x16xf32, #tpu.memory_space<vmem>> -> memref<800x16xf32, #tpu.memory_space<vmem>>
        %get3A_262 = arith.index_cast %add3A_257 : i32 to index
        %get3A_263 = arith.constant 0 : index
        %get3A_264 = tpu.vector_load %get3A_261[%get3A_262, %get3A_263] {strides = array<i32>} : memref<800x16xf32, #tpu.memory_space<vmem>>, vector<1x16xf32>,
        %get3A_265 = vector.shape_cast %get3A_264 : vector<1x16xf32> to vector<16xf32>
        %mul3A_266 = arith.constant 16 : i32
        %mul3A_267 = arith.muli %scan3A_213, %mul3A_266 : i32
        %add3A_268 = arith.constant 0 : i32
        %add3A_269 = arith.addi %mul3A_267, %add3A_268 : i32
        %add3A_270 = arith.constant 2 : i32
        %add3A_271 = arith.addi %add3A_269, %add3A_270 : i32
        %get3A_272 = arith.constant 0 : i32
        %get3A_273 = arith.constant 0 : i32
        %get3A_274 = tpu.memref_slice %arg7[%scan3A_132, %get3A_272, %get3A_273] : memref<2x800x16xf32, #tpu.memory_space<vmem>> -> memref<1x800x16xf32, #tpu.memory_space<vmem>>
        %get3A_275 = tpu.memref_squeeze %get3A_274 : memref<1x800x16xf32, #tpu.memory_space<vmem>> -> memref<800x16xf32, #tpu.memory_space<vmem>>
        %get3A_276 = arith.index_cast %add3A_271 : i32 to index
        %get3A_277 = arith.constant 0 : index
        %get3A_278 = tpu.vector_load %get3A_275[%get3A_276, %get3A_277] {strides = array<i32>} : memref<800x16xf32, #tpu.memory_space<vmem>>, vector<1x16xf32>,
        %get3A_279 = vector.shape_cast %get3A_278 : vector<1x16xf32> to vector<16xf32>
        %mul3A_280 = arith.constant 16 : i32
        %mul3A_281 = arith.muli %scan3A_213, %mul3A_280 : i32
        %add3A_282 = arith.constant 0 : i32
        %add3A_283 = arith.addi %mul3A_281, %add3A_282 : i32
        %add3A_284 = arith.constant 3 : i32
        %add3A_285 = arith.addi %add3A_283, %add3A_284 : i32
        %get3A_286 = arith.constant 0 : i32
        %get3A_287 = arith.constant 0 : i32
        %get3A_288 = tpu.memref_slice %arg7[%scan3A_132, %get3A_286, %get3A_287] : memref<2x800x16xf32, #tpu.memory_space<vmem>> -> memref<1x800x16xf32, #tpu.memory_space<vmem>>
        %get3A_289 = tpu.memref_squeeze %get3A_288 : memref<1x800x16xf32, #tpu.memory_space<vmem>> -> memref<800x16xf32, #tpu.memory_space<vmem>>
        %get3A_290 = arith.index_cast %add3A_285 : i32 to index
        %get3A_291 = arith.constant 0 : index
        %get3A_292 = tpu.vector_load %get3A_289[%get3A_290, %get3A_291] {strides = array<i32>} : memref<800x16xf32, #tpu.memory_space<vmem>>, vector<1x16xf32>,
        %get3A_293 = vector.shape_cast %get3A_292 : vector<1x16xf32> to vector<16xf32>
        %eq3A = arith.cmpi eq, %squeeze3A_233, %squeeze3A : i32
        %max3A = arith.maximumf %get3A_251, %get3A_265 : vector<16xf32>
        %select_n3A_294 = arith.select %eq3A, %max3A, %get3A_251 : vector<16xf32>
        %jit3A_295 = arith.constant 5000 : i32
        %select_n3A_296 = arith.select %eq3A, %jit3A_295, %squeeze3A_233 : i32
        %eq3A_297 = arith.cmpi eq, %squeeze3A_235, %squeeze3A : i32
        %max3A_298 = arith.maximumf %select_n3A_294, %get3A_279 : vector<16xf32>
        %select_n3A_299 = arith.select %eq3A_297, %max3A_298, %select_n3A_294 : vector<16xf32>
        %jit3A_300 = arith.constant 5000 : i32
        %select_n3A_301 = arith.select %eq3A_297, %jit3A_300, %squeeze3A_235 : i32
        %eq3A_302 = arith.cmpi eq, %squeeze3A_237, %squeeze3A : i32
        %max3A_303 = arith.maximumf %select_n3A_299, %get3A_293 : vector<16xf32>
        %select_n3A_304 = arith.select %eq3A_302, %max3A_303, %select_n3A_299 : vector<16xf32>
        %jit3A_305 = arith.constant 5000 : i32
        %select_n3A_306 = arith.select %eq3A_302, %jit3A_305, %squeeze3A_237 : i32
        %eq3A_307 = arith.cmpi eq, %select_n3A_301, %select_n3A_296 : i32
        %max3A_308 = arith.maximumf %get3A_265, %get3A_279 : vector<16xf32>
        %select_n3A_309 = arith.select %eq3A_307, %max3A_308, %get3A_265 : vector<16xf32>
        %jit3A_310 = arith.constant 5000 : i32
        %select_n3A_311 = arith.select %eq3A_307, %jit3A_310, %select_n3A_301 : i32
        %eq3A_312 = arith.cmpi eq, %select_n3A_306, %select_n3A_296 : i32
        %max3A_313 = arith.maximumf %select_n3A_309, %get3A_293 : vector<16xf32>
        %select_n3A_314 = arith.select %eq3A_312, %max3A_313, %select_n3A_309 : vector<16xf32>
        %jit3A_315 = arith.constant 5000 : i32
        %select_n3A_316 = arith.select %eq3A_312, %jit3A_315, %select_n3A_306 : i32
        %eq3A_317 = arith.cmpi eq, %select_n3A_316, %select_n3A_311 : i32
        %max3A_318 = arith.maximumf %get3A_279, %get3A_293 : vector<16xf32>
        %select_n3A_319 = arith.select %eq3A_317, %max3A_318, %get3A_279 : vector<16xf32>
        %jit3A_320 = arith.constant 5000 : i32
        %select_n3A_321 = arith.select %eq3A_317, %jit3A_320, %select_n3A_316 : i32
        %get3A_322 = arith.index_cast %squeeze3A : i32 to index
        %get3A_323 = arith.constant 0 : index
        %get3A_324 = tpu.vector_load %arg5[%get3A_322, %get3A_323] {strides = array<i32>} : memref<5001x16xf32, #tpu.memory_space<vmem>>, vector<1x16xf32>,
        %get3A_325 = vector.shape_cast %get3A_324 : vector<1x16xf32> to vector<16xf32>
        %max3A_326 = arith.maximumf %get3A_325, %select_n3A_304 : vector<16xf32>
        %get3A_327 = arith.index_cast %select_n3A_296 : i32 to index
        %get3A_328 = arith.constant 0 : index
        %get3A_329 = tpu.vector_load %arg5[%get3A_327, %get3A_328] {strides = array<i32>} : memref<5001x16xf32, #tpu.memory_space<vmem>>, vector<1x16xf32>,
        %get3A_330 = vector.shape_cast %get3A_329 : vector<1x16xf32> to vector<16xf32>
        %max3A_331 = arith.maximumf %get3A_330, %select_n3A_314 : vector<16xf32>
        %get3A_332 = arith.index_cast %select_n3A_311 : i32 to index
        %get3A_333 = arith.constant 0 : index
        %get3A_334 = tpu.vector_load %arg5[%get3A_332, %get3A_333] {strides = array<i32>} : memref<5001x16xf32, #tpu.memory_space<vmem>>, vector<1x16xf32>,
        %get3A_335 = vector.shape_cast %get3A_334 : vector<1x16xf32> to vector<16xf32>
        %max3A_336 = arith.maximumf %get3A_335, %select_n3A_319 : vector<16xf32>
        %get3A_337 = arith.index_cast %select_n3A_321 : i32 to index
        %get3A_338 = arith.constant 0 : index
        %get3A_339 = tpu.vector_load %arg5[%get3A_337, %get3A_338] {strides = array<i32>} : memref<5001x16xf32, #tpu.memory_space<vmem>>, vector<1x16xf32>,
        %get3A_340 = vector.shape_cast %get3A_339 : vector<1x16xf32> to vector<16xf32>
        %max3A_341 = arith.maximumf %get3A_340, %get3A_293 : vector<16xf32>
        %swap3A = arith.index_cast %squeeze3A : i32 to index
        %swap3A_342 = arith.constant 0 : index
        %swap3A_343 = tpu.vector_load %arg5[%swap3A, %swap3A_342] {strides = array<i32>} : memref<5001x16xf32, #tpu.memory_space<vmem>>, vector<1x16xf32>,
        %swap3A_344 = vector.shape_cast %swap3A_343 : vector<1x16xf32> to vector<16xf32>
        %swap3A_345 = vector.shape_cast %max3A_326 : vector<16xf32> to vector<1x16xf32>
        tpu.vector_store %arg5[%swap3A, %swap3A_342], %swap3A_345 {strides = array<i32>} : memref<5001x16xf32, #tpu.memory_space<vmem>>, vector<1x16xf32>,
        %swap3A_346 = arith.index_cast %select_n3A_296 : i32 to index
        %swap3A_347 = arith.constant 0 : index
        %swap3A_348 = tpu.vector_load %arg5[%swap3A_346, %swap3A_347] {strides = array<i32>} : memref<5001x16xf32, #tpu.memory_space<vmem>>, vector<1x16xf32>,
        %swap3A_349 = vector.shape_cast %swap3A_348 : vector<1x16xf32> to vector<16xf32>
        %swap3A_350 = vector.shape_cast %max3A_331 : vector<16xf32> to vector<1x16xf32>
        tpu.vector_store %arg5[%swap3A_346, %swap3A_347], %swap3A_350 {strides = array<i32>} : memref<5001x16xf32, #tpu.memory_space<vmem>>, vector<1x16xf32>,
        %swap3A_351 = arith.index_cast %select_n3A_311 : i32 to index
        %swap3A_352 = arith.constant 0 : index
        %swap3A_353 = tpu.vector_load %arg5[%swap3A_351, %swap3A_352] {strides = array<i32>} : memref<5001x16xf32, #tpu.memory_space<vmem>>, vector<1x16xf32>,
        %swap3A_354 = vector.shape_cast %swap3A_353 : vector<1x16xf32> to vector<16xf32>
        %swap3A_355 = vector.shape_cast %max3A_336 : vector<16xf32> to vector<1x16xf32>
        tpu.vector_store %arg5[%swap3A_351, %swap3A_352], %swap3A_355 {strides = array<i32>} : memref<5001x16xf32, #tpu.memory_space<vmem>>, vector<1x16xf32>,
        %swap3A_356 = arith.index_cast %select_n3A_321 : i32 to index
        %swap3A_357 = arith.constant 0 : index
        %swap3A_358 = tpu.vector_load %arg5[%swap3A_356, %swap3A_357] {strides = array<i32>} : memref<5001x16xf32, #tpu.memory_space<vmem>>, vector<1x16xf32>,
        %swap3A_359 = vector.shape_cast %swap3A_358 : vector<1x16xf32> to vector<16xf32>
        %swap3A_360 = vector.shape_cast %max3A_341 : vector<16xf32> to vector<1x16xf32>
        tpu.vector_store %arg5[%swap3A_356, %swap3A_357], %swap3A_360 {strides = array<i32>} : memref<5001x16xf32, #tpu.memory_space<vmem>>, vector<1x16xf32>,
        %slice3A_361 = vector.extract_strided_slice %select_n3A_231 {offsets = [4], sizes = [1], strides = [1]} : vector<16xi32> to vector<1xi32>
        %squeeze3A_362 = vector.extract %slice3A_361[0] : i32 from vector<1xi32>
        %slice3A_363 = vector.extract_strided_slice %select_n3A_231 {offsets = [5], sizes = [1], strides = [1]} : vector<16xi32> to vector<1xi32>
        %squeeze3A_364 = vector.extract %slice3A_363[0] : i32 from vector<1xi32>
        %slice3A_365 = vector.extract_strided_slice %select_n3A_231 {offsets = [6], sizes = [1], strides = [1]} : vector<16xi32> to vector<1xi32>
        %squeeze3A_366 = vector.extract %slice3A_365[0] : i32 from vector<1xi32>
        %slice3A_367 = vector.extract_strided_slice %select_n3A_231 {offsets = [7], sizes = [1], strides = [1]} : vector<16xi32> to vector<1xi32>
        %squeeze3A_368 = vector.extract %slice3A_367[0] : i32 from vector<1xi32>
        %mul3A_369 = arith.constant 16 : i32
        %mul3A_370 = arith.muli %scan3A_213, %mul3A_369 : i32
        %add3A_371 = arith.constant 4 : i32
        %add3A_372 = arith.addi %mul3A_370, %add3A_371 : i32
        %add3A_373 = arith.constant 0 : i32
        %add3A_374 = arith.addi %add3A_372, %add3A_373 : i32
        %get3A_375 = arith.constant 0 : i32
        %get3A_376 = arith.constant 0 : i32
        %get3A_377 = tpu.memref_slice %arg7[%scan3A_132, %get3A_375, %get3A_376] : memref<2x800x16xf32, #tpu.memory_space<vmem>> -> memref<1x800x16xf32, #tpu.memory_space<vmem>>
        %get3A_378 = tpu.memref_squeeze %get3A_377 : memref<1x800x16xf32, #tpu.memory_space<vmem>> -> memref<800x16xf32, #tpu.memory_space<vmem>>
        %get3A_379 = arith.index_cast %add3A_374 : i32 to index
        %get3A_380 = arith.constant 0 : index
        %get3A_381 = tpu.vector_load %get3A_378[%get3A_379, %get3A_380] {strides = array<i32>} : memref<800x16xf32, #tpu.memory_space<vmem>>, vector<1x16xf32>,
        %get3A_382 = vector.shape_cast %get3A_381 : vector<1x16xf32> to vector<16xf32>
        %mul3A_383 = arith.constant 16 : i32
        %mul3A_384 = arith.muli %scan3A_213, %mul3A_383 : i32
        %add3A_385 = arith.constant 4 : i32
        %add3A_386 = arith.addi %mul3A_384, %add3A_385 : i32
        %add3A_387 = arith.constant 1 : i32
        %add3A_388 = arith.addi %add3A_386, %add3A_387 : i32
        %get3A_389 = arith.constant 0 : i32
        %get3A_390 = arith.constant 0 : i32
        %get3A_391 = tpu.memref_slice %arg7[%scan3A_132, %get3A_389, %get3A_390] : memref<2x800x16xf32, #tpu.memory_space<vmem>> -> memref<1x800x16xf32, #tpu.memory_space<vmem>>
        %get3A_392 = tpu.memref_squeeze %get3A_391 : memref<1x800x16xf32, #tpu.memory_space<vmem>> -> memref<800x16xf32, #tpu.memory_space<vmem>>
        %get3A_393 = arith.index_cast %add3A_388 : i32 to index
        %get3A_394 = arith.constant 0 : index
        %get3A_395 = tpu.vector_load %get3A_392[%get3A_393, %get3A_394] {strides = array<i32>} : memref<800x16xf32, #tpu.memory_space<vmem>>, vector<1x16xf32>,
        %get3A_396 = vector.shape_cast %get3A_395 : vector<1x16xf32> to vector<16xf32>
        %mul3A_397 = arith.constant 16 : i32
        %mul3A_398 = arith.muli %scan3A_213, %mul3A_397 : i32
        %add3A_399 = arith.constant 4 : i32
        %add3A_400 = arith.addi %mul3A_398, %add3A_399 : i32
        %add3A_401 = arith.constant 2 : i32
        %add3A_402 = arith.addi %add3A_400, %add3A_401 : i32
        %get3A_403 = arith.constant 0 : i32
        %get3A_404 = arith.constant 0 : i32
        %get3A_405 = tpu.memref_slice %arg7[%scan3A_132, %get3A_403, %get3A_404] : memref<2x800x16xf32, #tpu.memory_space<vmem>> -> memref<1x800x16xf32, #tpu.memory_space<vmem>>
        %get3A_406 = tpu.memref_squeeze %get3A_405 : memref<1x800x16xf32, #tpu.memory_space<vmem>> -> memref<800x16xf32, #tpu.memory_space<vmem>>
        %get3A_407 = arith.index_cast %add3A_402 : i32 to index
        %get3A_408 = arith.constant 0 : index
        %get3A_409 = tpu.vector_load %get3A_406[%get3A_407, %get3A_408] {strides = array<i32>} : memref<800x16xf32, #tpu.memory_space<vmem>>, vector<1x16xf32>,
        %get3A_410 = vector.shape_cast %get3A_409 : vector<1x16xf32> to vector<16xf32>
        %mul3A_411 = arith.constant 16 : i32
        %mul3A_412 = arith.muli %scan3A_213, %mul3A_411 : i32
        %add3A_413 = arith.constant 4 : i32
        %add3A_414 = arith.addi %mul3A_412, %add3A_413 : i32
        %add3A_415 = arith.constant 3 : i32
        %add3A_416 = arith.addi %add3A_414, %add3A_415 : i32
        %get3A_417 = arith.constant 0 : i32
        %get3A_418 = arith.constant 0 : i32
        %get3A_419 = tpu.memref_slice %arg7[%scan3A_132, %get3A_417, %get3A_418] : memref<2x800x16xf32, #tpu.memory_space<vmem>> -> memref<1x800x16xf32, #tpu.memory_space<vmem>>
        %get3A_420 = tpu.memref_squeeze %get3A_419 : memref<1x800x16xf32, #tpu.memory_space<vmem>> -> memref<800x16xf32, #tpu.memory_space<vmem>>
        %get3A_421 = arith.index_cast %add3A_416 : i32 to index
        %get3A_422 = arith.constant 0 : index
        %get3A_423 = tpu.vector_load %get3A_420[%get3A_421, %get3A_422] {strides = array<i32>} : memref<800x16xf32, #tpu.memory_space<vmem>>, vector<1x16xf32>,
        %get3A_424 = vector.shape_cast %get3A_423 : vector<1x16xf32> to vector<16xf32>
        %eq3A_425 = arith.cmpi eq, %squeeze3A_364, %squeeze3A_362 : i32
        %max3A_426 = arith.maximumf %get3A_382, %get3A_396 : vector<16xf32>
        %select_n3A_427 = arith.select %eq3A_425, %max3A_426, %get3A_382 : vector<16xf32>
        %jit3A_428 = arith.constant 5000 : i32
        %select_n3A_429 = arith.select %eq3A_425, %jit3A_428, %squeeze3A_364 : i32
        %eq3A_430 = arith.cmpi eq, %squeeze3A_366, %squeeze3A_362 : i32
        %max3A_431 = arith.maximumf %select_n3A_427, %get3A_410 : vector<16xf32>
        %select_n3A_432 = arith.select %eq3A_430, %max3A_431, %select_n3A_427 : vector<16xf32>
        %jit3A_433 = arith.constant 5000 : i32
        %select_n3A_434 = arith.select %eq3A_430, %jit3A_433, %squeeze3A_366 : i32
        %eq3A_435 = arith.cmpi eq, %squeeze3A_368, %squeeze3A_362 : i32
        %max3A_436 = arith.maximumf %select_n3A_432, %get3A_424 : vector<16xf32>
        %select_n3A_437 = arith.select %eq3A_435, %max3A_436, %select_n3A_432 : vector<16xf32>
        %jit3A_438 = arith.constant 5000 : i32
        %select_n3A_439 = arith.select %eq3A_435, %jit3A_438, %squeeze3A_368 : i32
        %eq3A_440 = arith.cmpi eq, %select_n3A_434, %select_n3A_429 : i32
        %max3A_441 = arith.maximumf %get3A_396, %get3A_410 : vector<16xf32>
        %select_n3A_442 = arith.select %eq3A_440, %max3A_441, %get3A_396 : vector<16xf32>
        %jit3A_443 = arith.constant 5000 : i32
        %select_n3A_444 = arith.select %eq3A_440, %jit3A_443, %select_n3A_434 : i32
        %eq3A_445 = arith.cmpi eq, %select_n3A_439, %select_n3A_429 : i32
        %max3A_446 = arith.maximumf %select_n3A_442, %get3A_424 : vector<16xf32>
        %select_n3A_447 = arith.select %eq3A_445, %max3A_446, %select_n3A_442 : vector<16xf32>
        %jit3A_448 = arith.constant 5000 : i32
        %select_n3A_449 = arith.select %eq3A_445, %jit3A_448, %select_n3A_439 : i32
        %eq3A_450 = arith.cmpi eq, %select_n3A_449, %select_n3A_444 : i32
        %max3A_451 = arith.maximumf %get3A_410, %get3A_424 : vector<16xf32>
        %select_n3A_452 = arith.select %eq3A_450, %max3A_451, %get3A_410 : vector<16xf32>
        %jit3A_453 = arith.constant 5000 : i32
        %select_n3A_454 = arith.select %eq3A_450, %jit3A_453, %select_n3A_449 : i32
        %get3A_455 = arith.index_cast %squeeze3A_362 : i32 to index
        %get3A_456 = arith.constant 0 : index
        %get3A_457 = tpu.vector_load %arg5[%get3A_455, %get3A_456] {strides = array<i32>} : memref<5001x16xf32, #tpu.memory_space<vmem>>, vector<1x16xf32>,
        %get3A_458 = vector.shape_cast %get3A_457 : vector<1x16xf32> to vector<16xf32>
        %max3A_459 = arith.maximumf %get3A_458, %select_n3A_437 : vector<16xf32>
        %get3A_460 = arith.index_cast %select_n3A_429 : i32 to index
        %get3A_461 = arith.constant 0 : index
        %get3A_462 = tpu.vector_load %arg5[%get3A_460, %get3A_461] {strides = array<i32>} : memref<5001x16xf32, #tpu.memory_space<vmem>>, vector<1x16xf32>,
        %get3A_463 = vector.shape_cast %get3A_462 : vector<1x16xf32> to vector<16xf32>
        %max3A_464 = arith.maximumf %get3A_463, %select_n3A_447 : vector<16xf32>
        %get3A_465 = arith.index_cast %select_n3A_444 : i32 to index
        %get3A_466 = arith.constant 0 : index
        %get3A_467 = tpu.vector_load %arg5[%get3A_465, %get3A_466] {strides = array<i32>} : memref<5001x16xf32, #tpu.memory_space<vmem>>, vector<1x16xf32>,
        %get3A_468 = vector.shape_cast %get3A_467 : vector<1x16xf32> to vector<16xf32>
        %max3A_469 = arith.maximumf %get3A_468, %select_n3A_452 : vector<16xf32>
        %get3A_470 = arith.index_cast %select_n3A_454 : i32 to index
        %get3A_471 = arith.constant 0 : index
        %get3A_472 = tpu.vector_load %arg5[%get3A_470, %get3A_471] {strides = array<i32>} : memref<5001x16xf32, #tpu.memory_space<vmem>>, vector<1x16xf32>,
        %get3A_473 = vector.shape_cast %get3A_472 : vector<1x16xf32> to vector<16xf32>
        %max3A_474 = arith.maximumf %get3A_473, %get3A_424 : vector<16xf32>
        %swap3A_475 = arith.index_cast %squeeze3A_362 : i32 to index
        %swap3A_476 = arith.constant 0 : index
        %swap3A_477 = tpu.vector_load %arg5[%swap3A_475, %swap3A_476] {strides = array<i32>} : memref<5001x16xf32, #tpu.memory_space<vmem>>, vector<1x16xf32>,
        %swap3A_478 = vector.shape_cast %swap3A_477 : vector<1x16xf32> to vector<16xf32>
        %swap3A_479 = vector.shape_cast %max3A_459 : vector<16xf32> to vector<1x16xf32>
        tpu.vector_store %arg5[%swap3A_475, %swap3A_476], %swap3A_479 {strides = array<i32>} : memref<5001x16xf32, #tpu.memory_space<vmem>>, vector<1x16xf32>,
        %swap3A_480 = arith.index_cast %select_n3A_429 : i32 to index
        %swap3A_481 = arith.constant 0 : index
        %swap3A_482 = tpu.vector_load %arg5[%swap3A_480, %swap3A_481] {strides = array<i32>} : memref<5001x16xf32, #tpu.memory_space<vmem>>, vector<1x16xf32>,
        %swap3A_483 = vector.shape_cast %swap3A_482 : vector<1x16xf32> to vector<16xf32>
        %swap3A_484 = vector.shape_cast %max3A_464 : vector<16xf32> to vector<1x16xf32>
        tpu.vector_store %arg5[%swap3A_480, %swap3A_481], %swap3A_484 {strides = array<i32>} : memref<5001x16xf32, #tpu.memory_space<vmem>>, vector<1x16xf32>,
        %swap3A_485 = arith.index_cast %select_n3A_444 : i32 to index
        %swap3A_486 = arith.constant 0 : index
        %swap3A_487 = tpu.vector_load %arg5[%swap3A_485, %swap3A_486] {strides = array<i32>} : memref<5001x16xf32, #tpu.memory_space<vmem>>, vector<1x16xf32>,
        %swap3A_488 = vector.shape_cast %swap3A_487 : vector<1x16xf32> to vector<16xf32>
        %swap3A_489 = vector.shape_cast %max3A_469 : vector<16xf32> to vector<1x16xf32>
        tpu.vector_store %arg5[%swap3A_485, %swap3A_486], %swap3A_489 {strides = array<i32>} : memref<5001x16xf32, #tpu.memory_space<vmem>>, vector<1x16xf32>,
        %swap3A_490 = arith.index_cast %select_n3A_454 : i32 to index
        %swap3A_491 = arith.constant 0 : index
        %swap3A_492 = tpu.vector_load %arg5[%swap3A_490, %swap3A_491] {strides = array<i32>} : memref<5001x16xf32, #tpu.memory_space<vmem>>, vector<1x16xf32>,
        %swap3A_493 = vector.shape_cast %swap3A_492 : vector<1x16xf32> to vector<16xf32>
        %swap3A_494 = vector.shape_cast %max3A_474 : vector<16xf32> to vector<1x16xf32>
        tpu.vector_store %arg5[%swap3A_490, %swap3A_491], %swap3A_494 {strides = array<i32>} : memref<5001x16xf32, #tpu.memory_space<vmem>>, vector<1x16xf32>,
        %slice3A_495 = vector.extract_strided_slice %select_n3A_231 {offsets = [8], sizes = [1], strides = [1]} : vector<16xi32> to vector<1xi32>
        %squeeze3A_496 = vector.extract %slice3A_495[0] : i32 from vector<1xi32>
        %slice3A_497 = vector.extract_strided_slice %select_n3A_231 {offsets = [9], sizes = [1], strides = [1]} : vector<16xi32> to vector<1xi32>
        %squeeze3A_498 = vector.extract %slice3A_497[0] : i32 from vector<1xi32>
        %slice3A_499 = vector.extract_strided_slice %select_n3A_231 {offsets = [10], sizes = [1], strides = [1]} : vector<16xi32> to vector<1xi32>
        %squeeze3A_500 = vector.extract %slice3A_499[0] : i32 from vector<1xi32>
        %slice3A_501 = vector.extract_strided_slice %select_n3A_231 {offsets = [11], sizes = [1], strides = [1]} : vector<16xi32> to vector<1xi32>
        %squeeze3A_502 = vector.extract %slice3A_501[0] : i32 from vector<1xi32>
        %mul3A_503 = arith.constant 16 : i32
        %mul3A_504 = arith.muli %scan3A_213, %mul3A_503 : i32
        %add3A_505 = arith.constant 8 : i32
        %add3A_506 = arith.addi %mul3A_504, %add3A_505 : i32
        %add3A_507 = arith.constant 0 : i32
        %add3A_508 = arith.addi %add3A_506, %add3A_507 : i32
        %get3A_509 = arith.constant 0 : i32
        %get3A_510 = arith.constant 0 : i32
        %get3A_511 = tpu.memref_slice %arg7[%scan3A_132, %get3A_509, %get3A_510] : memref<2x800x16xf32, #tpu.memory_space<vmem>> -> memref<1x800x16xf32, #tpu.memory_space<vmem>>
        %get3A_512 = tpu.memref_squeeze %get3A_511 : memref<1x800x16xf32, #tpu.memory_space<vmem>> -> memref<800x16xf32, #tpu.memory_space<vmem>>
        %get3A_513 = arith.index_cast %add3A_508 : i32 to index
        %get3A_514 = arith.constant 0 : index
        %get3A_515 = tpu.vector_load %get3A_512[%get3A_513, %get3A_514] {strides = array<i32>} : memref<800x16xf32, #tpu.memory_space<vmem>>, vector<1x16xf32>,
        %get3A_516 = vector.shape_cast %get3A_515 : vector<1x16xf32> to vector<16xf32>
        %mul3A_517 = arith.constant 16 : i32
        %mul3A_518 = arith.muli %scan3A_213, %mul3A_517 : i32
        %add3A_519 = arith.constant 8 : i32
        %add3A_520 = arith.addi %mul3A_518, %add3A_519 : i32
        %add3A_521 = arith.constant 1 : i32
        %add3A_522 = arith.addi %add3A_520, %add3A_521 : i32
        %get3A_523 = arith.constant 0 : i32
        %get3A_524 = arith.constant 0 : i32
        %get3A_525 = tpu.memref_slice %arg7[%scan3A_132, %get3A_523, %get3A_524] : memref<2x800x16xf32, #tpu.memory_space<vmem>> -> memref<1x800x16xf32, #tpu.memory_space<vmem>>
        %get3A_526 = tpu.memref_squeeze %get3A_525 : memref<1x800x16xf32, #tpu.memory_space<vmem>> -> memref<800x16xf32, #tpu.memory_space<vmem>>
        %get3A_527 = arith.index_cast %add3A_522 : i32 to index
        %get3A_528 = arith.constant 0 : index
        %get3A_529 = tpu.vector_load %get3A_526[%get3A_527, %get3A_528] {strides = array<i32>} : memref<800x16xf32, #tpu.memory_space<vmem>>, vector<1x16xf32>,
        %get3A_530 = vector.shape_cast %get3A_529 : vector<1x16xf32> to vector<16xf32>
        %mul3A_531 = arith.constant 16 : i32
        %mul3A_532 = arith.muli %scan3A_213, %mul3A_531 : i32
        %add3A_533 = arith.constant 8 : i32
        %add3A_534 = arith.addi %mul3A_532, %add3A_533 : i32
        %add3A_535 = arith.constant 2 : i32
        %add3A_536 = arith.addi %add3A_534, %add3A_535 : i32
        %get3A_537 = arith.constant 0 : i32
        %get3A_538 = arith.constant 0 : i32
        %get3A_539 = tpu.memref_slice %arg7[%scan3A_132, %get3A_537, %get3A_538] : memref<2x800x16xf32, #tpu.memory_space<vmem>> -> memref<1x800x16xf32, #tpu.memory_space<vmem>>
        %get3A_540 = tpu.memref_squeeze %get3A_539 : memref<1x800x16xf32, #tpu.memory_space<vmem>> -> memref<800x16xf32, #tpu.memory_space<vmem>>
        %get3A_541 = arith.index_cast %add3A_536 : i32 to index
        %get3A_542 = arith.constant 0 : index
        %get3A_543 = tpu.vector_load %get3A_540[%get3A_541, %get3A_542] {strides = array<i32>} : memref<800x16xf32, #tpu.memory_space<vmem>>, vector<1x16xf32>,
        %get3A_544 = vector.shape_cast %get3A_543 : vector<1x16xf32> to vector<16xf32>
        %mul3A_545 = arith.constant 16 : i32
        %mul3A_546 = arith.muli %scan3A_213, %mul3A_545 : i32
        %add3A_547 = arith.constant 8 : i32
        %add3A_548 = arith.addi %mul3A_546, %add3A_547 : i32
        %add3A_549 = arith.constant 3 : i32
        %add3A_550 = arith.addi %add3A_548, %add3A_549 : i32
        %get3A_551 = arith.constant 0 : i32
        %get3A_552 = arith.constant 0 : i32
        %get3A_553 = tpu.memref_slice %arg7[%scan3A_132, %get3A_551, %get3A_552] : memref<2x800x16xf32, #tpu.memory_space<vmem>> -> memref<1x800x16xf32, #tpu.memory_space<vmem>>
        %get3A_554 = tpu.memref_squeeze %get3A_553 : memref<1x800x16xf32, #tpu.memory_space<vmem>> -> memref<800x16xf32, #tpu.memory_space<vmem>>
        %get3A_555 = arith.index_cast %add3A_550 : i32 to index
        %get3A_556 = arith.constant 0 : index
        %get3A_557 = tpu.vector_load %get3A_554[%get3A_555, %get3A_556] {strides = array<i32>} : memref<800x16xf32, #tpu.memory_space<vmem>>, vector<1x16xf32>,
        %get3A_558 = vector.shape_cast %get3A_557 : vector<1x16xf32> to vector<16xf32>
        %eq3A_559 = arith.cmpi eq, %squeeze3A_498, %squeeze3A_496 : i32
        %max3A_560 = arith.maximumf %get3A_516, %get3A_530 : vector<16xf32>
        %select_n3A_561 = arith.select %eq3A_559, %max3A_560, %get3A_516 : vector<16xf32>
        %jit3A_562 = arith.constant 5000 : i32
        %select_n3A_563 = arith.select %eq3A_559, %jit3A_562, %squeeze3A_498 : i32
        %eq3A_564 = arith.cmpi eq, %squeeze3A_500, %squeeze3A_496 : i32
        %max3A_565 = arith.maximumf %select_n3A_561, %get3A_544 : vector<16xf32>
        %select_n3A_566 = arith.select %eq3A_564, %max3A_565, %select_n3A_561 : vector<16xf32>
        %jit3A_567 = arith.constant 5000 : i32
        %select_n3A_568 = arith.select %eq3A_564, %jit3A_567, %squeeze3A_500 : i32
        %eq3A_569 = arith.cmpi eq, %squeeze3A_502, %squeeze3A_496 : i32
        %max3A_570 = arith.maximumf %select_n3A_566, %get3A_558 : vector<16xf32>
        %select_n3A_571 = arith.select %eq3A_569, %max3A_570, %select_n3A_566 : vector<16xf32>
        %jit3A_572 = arith.constant 5000 : i32
        %select_n3A_573 = arith.select %eq3A_569, %jit3A_572, %squeeze3A_502 : i32
        %eq3A_574 = arith.cmpi eq, %select_n3A_568, %select_n3A_563 : i32
        %max3A_575 = arith.maximumf %get3A_530, %get3A_544 : vector<16xf32>
        %select_n3A_576 = arith.select %eq3A_574, %max3A_575, %get3A_530 : vector<16xf32>
        %jit3A_577 = arith.constant 5000 : i32
        %select_n3A_578 = arith.select %eq3A_574, %jit3A_577, %select_n3A_568 : i32
        %eq3A_579 = arith.cmpi eq, %select_n3A_573, %select_n3A_563 : i32
        %max3A_580 = arith.maximumf %select_n3A_576, %get3A_558 : vector<16xf32>
        %select_n3A_581 = arith.select %eq3A_579, %max3A_580, %select_n3A_576 : vector<16xf32>
        %jit3A_582 = arith.constant 5000 : i32
        %select_n3A_583 = arith.select %eq3A_579, %jit3A_582, %select_n3A_573 : i32
        %eq3A_584 = arith.cmpi eq, %select_n3A_583, %select_n3A_578 : i32
        %max3A_585 = arith.maximumf %get3A_544, %get3A_558 : vector<16xf32>
        %select_n3A_586 = arith.select %eq3A_584, %max3A_585, %get3A_544 : vector<16xf32>
        %jit3A_587 = arith.constant 5000 : i32
        %select_n3A_588 = arith.select %eq3A_584, %jit3A_587, %select_n3A_583 : i32
        %get3A_589 = arith.index_cast %squeeze3A_496 : i32 to index
        %get3A_590 = arith.constant 0 : index
        %get3A_591 = tpu.vector_load %arg5[%get3A_589, %get3A_590] {strides = array<i32>} : memref<5001x16xf32, #tpu.memory_space<vmem>>, vector<1x16xf32>,
        %get3A_592 = vector.shape_cast %get3A_591 : vector<1x16xf32> to vector<16xf32>
        %max3A_593 = arith.maximumf %get3A_592, %select_n3A_571 : vector<16xf32>
        %get3A_594 = arith.index_cast %select_n3A_563 : i32 to index
        %get3A_595 = arith.constant 0 : index
        %get3A_596 = tpu.vector_load %arg5[%get3A_594, %get3A_595] {strides = array<i32>} : memref<5001x16xf32, #tpu.memory_space<vmem>>, vector<1x16xf32>,
        %get3A_597 = vector.shape_cast %get3A_596 : vector<1x16xf32> to vector<16xf32>
        %max3A_598 = arith.maximumf %get3A_597, %select_n3A_581 : vector<16xf32>
        %get3A_599 = arith.index_cast %select_n3A_578 : i32 to index
        %get3A_600 = arith.constant 0 : index
        %get3A_601 = tpu.vector_load %arg5[%get3A_599, %get3A_600] {strides = array<i32>} : memref<5001x16xf32, #tpu.memory_space<vmem>>, vector<1x16xf32>,
        %get3A_602 = vector.shape_cast %get3A_601 : vector<1x16xf32> to vector<16xf32>
        %max3A_603 = arith.maximumf %get3A_602, %select_n3A_586 : vector<16xf32>
        %get3A_604 = arith.index_cast %select_n3A_588 : i32 to index
        %get3A_605 = arith.constant 0 : index
        %get3A_606 = tpu.vector_load %arg5[%get3A_604, %get3A_605] {strides = array<i32>} : memref<5001x16xf32, #tpu.memory_space<vmem>>, vector<1x16xf32>,
        %get3A_607 = vector.shape_cast %get3A_606 : vector<1x16xf32> to vector<16xf32>
        %max3A_608 = arith.maximumf %get3A_607, %get3A_558 : vector<16xf32>
        %swap3A_609 = arith.index_cast %squeeze3A_496 : i32 to index
        %swap3A_610 = arith.constant 0 : index
        %swap3A_611 = tpu.vector_load %arg5[%swap3A_609, %swap3A_610] {strides = array<i32>} : memref<5001x16xf32, #tpu.memory_space<vmem>>, vector<1x16xf32>,
        %swap3A_612 = vector.shape_cast %swap3A_611 : vector<1x16xf32> to vector<16xf32>
        %swap3A_613 = vector.shape_cast %max3A_593 : vector<16xf32> to vector<1x16xf32>
        tpu.vector_store %arg5[%swap3A_609, %swap3A_610], %swap3A_613 {strides = array<i32>} : memref<5001x16xf32, #tpu.memory_space<vmem>>, vector<1x16xf32>,
        %swap3A_614 = arith.index_cast %select_n3A_563 : i32 to index
        %swap3A_615 = arith.constant 0 : index
        %swap3A_616 = tpu.vector_load %arg5[%swap3A_614, %swap3A_615] {strides = array<i32>} : memref<5001x16xf32, #tpu.memory_space<vmem>>, vector<1x16xf32>,
        %swap3A_617 = vector.shape_cast %swap3A_616 : vector<1x16xf32> to vector<16xf32>
        %swap3A_618 = vector.shape_cast %max3A_598 : vector<16xf32> to vector<1x16xf32>
        tpu.vector_store %arg5[%swap3A_614, %swap3A_615], %swap3A_618 {strides = array<i32>} : memref<5001x16xf32, #tpu.memory_space<vmem>>, vector<1x16xf32>,
        %swap3A_619 = arith.index_cast %select_n3A_578 : i32 to index
        %swap3A_620 = arith.constant 0 : index
        %swap3A_621 = tpu.vector_load %arg5[%swap3A_619, %swap3A_620] {strides = array<i32>} : memref<5001x16xf32, #tpu.memory_space<vmem>>, vector<1x16xf32>,
        %swap3A_622 = vector.shape_cast %swap3A_621 : vector<1x16xf32> to vector<16xf32>
        %swap3A_623 = vector.shape_cast %max3A_603 : vector<16xf32> to vector<1x16xf32>
        tpu.vector_store %arg5[%swap3A_619, %swap3A_620], %swap3A_623 {strides = array<i32>} : memref<5001x16xf32, #tpu.memory_space<vmem>>, vector<1x16xf32>,
        %swap3A_624 = arith.index_cast %select_n3A_588 : i32 to index
        %swap3A_625 = arith.constant 0 : index
        %swap3A_626 = tpu.vector_load %arg5[%swap3A_624, %swap3A_625] {strides = array<i32>} : memref<5001x16xf32, #tpu.memory_space<vmem>>, vector<1x16xf32>,
        %swap3A_627 = vector.shape_cast %swap3A_626 : vector<1x16xf32> to vector<16xf32>
        %swap3A_628 = vector.shape_cast %max3A_608 : vector<16xf32> to vector<1x16xf32>
        tpu.vector_store %arg5[%swap3A_624, %swap3A_625], %swap3A_628 {strides = array<i32>} : memref<5001x16xf32, #tpu.memory_space<vmem>>, vector<1x16xf32>,
        %slice3A_629 = vector.extract_strided_slice %select_n3A_231 {offsets = [12], sizes = [1], strides = [1]} : vector<16xi32> to vector<1xi32>
        %squeeze3A_630 = vector.extract %slice3A_629[0] : i32 from vector<1xi32>
        %slice3A_631 = vector.extract_strided_slice %select_n3A_231 {offsets = [13], sizes = [1], strides = [1]} : vector<16xi32> to vector<1xi32>
        %squeeze3A_632 = vector.extract %slice3A_631[0] : i32 from vector<1xi32>
        %slice3A_633 = vector.extract_strided_slice %select_n3A_231 {offsets = [14], sizes = [1], strides = [1]} : vector<16xi32> to vector<1xi32>
        %squeeze3A_634 = vector.extract %slice3A_633[0] : i32 from vector<1xi32>
        %slice3A_635 = vector.extract_strided_slice %select_n3A_231 {offsets = [15], sizes = [1], strides = [1]} : vector<16xi32> to vector<1xi32>
        %squeeze3A_636 = vector.extract %slice3A_635[0] : i32 from vector<1xi32>
        %mul3A_637 = arith.constant 16 : i32
        %mul3A_638 = arith.muli %scan3A_213, %mul3A_637 : i32
        %add3A_639 = arith.constant 12 : i32
        %add3A_640 = arith.addi %mul3A_638, %add3A_639 : i32
        %add3A_641 = arith.constant 0 : i32
        %add3A_642 = arith.addi %add3A_640, %add3A_641 : i32
        %get3A_643 = arith.constant 0 : i32
        %get3A_644 = arith.constant 0 : i32
        %get3A_645 = tpu.memref_slice %arg7[%scan3A_132, %get3A_643, %get3A_644] : memref<2x800x16xf32, #tpu.memory_space<vmem>> -> memref<1x800x16xf32, #tpu.memory_space<vmem>>
        %get3A_646 = tpu.memref_squeeze %get3A_645 : memref<1x800x16xf32, #tpu.memory_space<vmem>> -> memref<800x16xf32, #tpu.memory_space<vmem>>
        %get3A_647 = arith.index_cast %add3A_642 : i32 to index
        %get3A_648 = arith.constant 0 : index
        %get3A_649 = tpu.vector_load %get3A_646[%get3A_647, %get3A_648] {strides = array<i32>} : memref<800x16xf32, #tpu.memory_space<vmem>>, vector<1x16xf32>,
        %get3A_650 = vector.shape_cast %get3A_649 : vector<1x16xf32> to vector<16xf32>
        %mul3A_651 = arith.constant 16 : i32
        %mul3A_652 = arith.muli %scan3A_213, %mul3A_651 : i32
        %add3A_653 = arith.constant 12 : i32
        %add3A_654 = arith.addi %mul3A_652, %add3A_653 : i32
        %add3A_655 = arith.constant 1 : i32
        %add3A_656 = arith.addi %add3A_654, %add3A_655 : i32
        %get3A_657 = arith.constant 0 : i32
        %get3A_658 = arith.constant 0 : i32
        %get3A_659 = tpu.memref_slice %arg7[%scan3A_132, %get3A_657, %get3A_658] : memref<2x800x16xf32, #tpu.memory_space<vmem>> -> memref<1x800x16xf32, #tpu.memory_space<vmem>>
        %get3A_660 = tpu.memref_squeeze %get3A_659 : memref<1x800x16xf32, #tpu.memory_space<vmem>> -> memref<800x16xf32, #tpu.memory_space<vmem>>
        %get3A_661 = arith.index_cast %add3A_656 : i32 to index
        %get3A_662 = arith.constant 0 : index
        %get3A_663 = tpu.vector_load %get3A_660[%get3A_661, %get3A_662] {strides = array<i32>} : memref<800x16xf32, #tpu.memory_space<vmem>>, vector<1x16xf32>,
        %get3A_664 = vector.shape_cast %get3A_663 : vector<1x16xf32> to vector<16xf32>
        %mul3A_665 = arith.constant 16 : i32
        %mul3A_666 = arith.muli %scan3A_213, %mul3A_665 : i32
        %add3A_667 = arith.constant 12 : i32
        %add3A_668 = arith.addi %mul3A_666, %add3A_667 : i32
        %add3A_669 = arith.constant 2 : i32
        %add3A_670 = arith.addi %add3A_668, %add3A_669 : i32
        %get3A_671 = arith.constant 0 : i32
        %get3A_672 = arith.constant 0 : i32
        %get3A_673 = tpu.memref_slice %arg7[%scan3A_132, %get3A_671, %get3A_672] : memref<2x800x16xf32, #tpu.memory_space<vmem>> -> memref<1x800x16xf32, #tpu.memory_space<vmem>>
        %get3A_674 = tpu.memref_squeeze %get3A_673 : memref<1x800x16xf32, #tpu.memory_space<vmem>> -> memref<800x16xf32, #tpu.memory_space<vmem>>
        %get3A_675 = arith.index_cast %add3A_670 : i32 to index
        %get3A_676 = arith.constant 0 : index
        %get3A_677 = tpu.vector_load %get3A_674[%get3A_675, %get3A_676] {strides = array<i32>} : memref<800x16xf32, #tpu.memory_space<vmem>>, vector<1x16xf32>,
        %get3A_678 = vector.shape_cast %get3A_677 : vector<1x16xf32> to vector<16xf32>
        %mul3A_679 = arith.constant 16 : i32
        %mul3A_680 = arith.muli %scan3A_213, %mul3A_679 : i32
        %add3A_681 = arith.constant 12 : i32
        %add3A_682 = arith.addi %mul3A_680, %add3A_681 : i32
        %add3A_683 = arith.constant 3 : i32
        %add3A_684 = arith.addi %add3A_682, %add3A_683 : i32
        %get3A_685 = arith.constant 0 : i32
        %get3A_686 = arith.constant 0 : i32
        %get3A_687 = tpu.memref_slice %arg7[%scan3A_132, %get3A_685, %get3A_686] : memref<2x800x16xf32, #tpu.memory_space<vmem>> -> memref<1x800x16xf32, #tpu.memory_space<vmem>>
        %get3A_688 = tpu.memref_squeeze %get3A_687 : memref<1x800x16xf32, #tpu.memory_space<vmem>> -> memref<800x16xf32, #tpu.memory_space<vmem>>
        %get3A_689 = arith.index_cast %add3A_684 : i32 to index
        %get3A_690 = arith.constant 0 : index
        %get3A_691 = tpu.vector_load %get3A_688[%get3A_689, %get3A_690] {strides = array<i32>} : memref<800x16xf32, #tpu.memory_space<vmem>>, vector<1x16xf32>,
        %get3A_692 = vector.shape_cast %get3A_691 : vector<1x16xf32> to vector<16xf32>
        %eq3A_693 = arith.cmpi eq, %squeeze3A_632, %squeeze3A_630 : i32
        %max3A_694 = arith.maximumf %get3A_650, %get3A_664 : vector<16xf32>
        %select_n3A_695 = arith.select %eq3A_693, %max3A_694, %get3A_650 : vector<16xf32>
        %jit3A_696 = arith.constant 5000 : i32
        %select_n3A_697 = arith.select %eq3A_693, %jit3A_696, %squeeze3A_632 : i32
        %eq3A_698 = arith.cmpi eq, %squeeze3A_634, %squeeze3A_630 : i32
        %max3A_699 = arith.maximumf %select_n3A_695, %get3A_678 : vector<16xf32>
        %select_n3A_700 = arith.select %eq3A_698, %max3A_699, %select_n3A_695 : vector<16xf32>
        %jit3A_701 = arith.constant 5000 : i32
        %select_n3A_702 = arith.select %eq3A_698, %jit3A_701, %squeeze3A_634 : i32
        %eq3A_703 = arith.cmpi eq, %squeeze3A_636, %squeeze3A_630 : i32
        %max3A_704 = arith.maximumf %select_n3A_700, %get3A_692 : vector<16xf32>
        %select_n3A_705 = arith.select %eq3A_703, %max3A_704, %select_n3A_700 : vector<16xf32>
        %jit3A_706 = arith.constant 5000 : i32
        %select_n3A_707 = arith.select %eq3A_703, %jit3A_706, %squeeze3A_636 : i32
        %eq3A_708 = arith.cmpi eq, %select_n3A_702, %select_n3A_697 : i32
        %max3A_709 = arith.maximumf %get3A_664, %get3A_678 : vector<16xf32>
        %select_n3A_710 = arith.select %eq3A_708, %max3A_709, %get3A_664 : vector<16xf32>
        %jit3A_711 = arith.constant 5000 : i32
        %select_n3A_712 = arith.select %eq3A_708, %jit3A_711, %select_n3A_702 : i32
        %eq3A_713 = arith.cmpi eq, %select_n3A_707, %select_n3A_697 : i32
        %max3A_714 = arith.maximumf %select_n3A_710, %get3A_692 : vector<16xf32>
        %select_n3A_715 = arith.select %eq3A_713, %max3A_714, %select_n3A_710 : vector<16xf32>
        %jit3A_716 = arith.constant 5000 : i32
        %select_n3A_717 = arith.select %eq3A_713, %jit3A_716, %select_n3A_707 : i32
        %eq3A_718 = arith.cmpi eq, %select_n3A_717, %select_n3A_712 : i32
        %max3A_719 = arith.maximumf %get3A_678, %get3A_692 : vector<16xf32>
        %select_n3A_720 = arith.select %eq3A_718, %max3A_719, %get3A_678 : vector<16xf32>
        %jit3A_721 = arith.constant 5000 : i32
        %select_n3A_722 = arith.select %eq3A_718, %jit3A_721, %select_n3A_717 : i32
        %get3A_723 = arith.index_cast %squeeze3A_630 : i32 to index
        %get3A_724 = arith.constant 0 : index
        %get3A_725 = tpu.vector_load %arg5[%get3A_723, %get3A_724] {strides = array<i32>} : memref<5001x16xf32, #tpu.memory_space<vmem>>, vector<1x16xf32>,
        %get3A_726 = vector.shape_cast %get3A_725 : vector<1x16xf32> to vector<16xf32>
        %max3A_727 = arith.maximumf %get3A_726, %select_n3A_705 : vector<16xf32>
        %get3A_728 = arith.index_cast %select_n3A_697 : i32 to index
        %get3A_729 = arith.constant 0 : index
        %get3A_730 = tpu.vector_load %arg5[%get3A_728, %get3A_729] {strides = array<i32>} : memref<5001x16xf32, #tpu.memory_space<vmem>>, vector<1x16xf32>,
        %get3A_731 = vector.shape_cast %get3A_730 : vector<1x16xf32> to vector<16xf32>
        %max3A_732 = arith.maximumf %get3A_731, %select_n3A_715 : vector<16xf32>
        %get3A_733 = arith.index_cast %select_n3A_712 : i32 to index
        %get3A_734 = arith.constant 0 : index
        %get3A_735 = tpu.vector_load %arg5[%get3A_733, %get3A_734] {strides = array<i32>} : memref<5001x16xf32, #tpu.memory_space<vmem>>, vector<1x16xf32>,
        %get3A_736 = vector.shape_cast %get3A_735 : vector<1x16xf32> to vector<16xf32>
        %max3A_737 = arith.maximumf %get3A_736, %select_n3A_720 : vector<16xf32>
        %get3A_738 = arith.index_cast %select_n3A_722 : i32 to index
        %get3A_739 = arith.constant 0 : index
        %get3A_740 = tpu.vector_load %arg5[%get3A_738, %get3A_739] {strides = array<i32>} : memref<5001x16xf32, #tpu.memory_space<vmem>>, vector<1x16xf32>,
        %get3A_741 = vector.shape_cast %get3A_740 : vector<1x16xf32> to vector<16xf32>
        %max3A_742 = arith.maximumf %get3A_741, %get3A_692 : vector<16xf32>
        %swap3A_743 = arith.index_cast %squeeze3A_630 : i32 to index
        %swap3A_744 = arith.constant 0 : index
        %swap3A_745 = tpu.vector_load %arg5[%swap3A_743, %swap3A_744] {strides = array<i32>} : memref<5001x16xf32, #tpu.memory_space<vmem>>, vector<1x16xf32>,
        %swap3A_746 = vector.shape_cast %swap3A_745 : vector<1x16xf32> to vector<16xf32>
        %swap3A_747 = vector.shape_cast %max3A_727 : vector<16xf32> to vector<1x16xf32>
        tpu.vector_store %arg5[%swap3A_743, %swap3A_744], %swap3A_747 {strides = array<i32>} : memref<5001x16xf32, #tpu.memory_space<vmem>>, vector<1x16xf32>,
        %swap3A_748 = arith.index_cast %select_n3A_697 : i32 to index
        %swap3A_749 = arith.constant 0 : index
        %swap3A_750 = tpu.vector_load %arg5[%swap3A_748, %swap3A_749] {strides = array<i32>} : memref<5001x16xf32, #tpu.memory_space<vmem>>, vector<1x16xf32>,
        %swap3A_751 = vector.shape_cast %swap3A_750 : vector<1x16xf32> to vector<16xf32>
        %swap3A_752 = vector.shape_cast %max3A_732 : vector<16xf32> to vector<1x16xf32>
        tpu.vector_store %arg5[%swap3A_748, %swap3A_749], %swap3A_752 {strides = array<i32>} : memref<5001x16xf32, #tpu.memory_space<vmem>>, vector<1x16xf32>,
        %swap3A_753 = arith.index_cast %select_n3A_712 : i32 to index
        %swap3A_754 = arith.constant 0 : index
        %swap3A_755 = tpu.vector_load %arg5[%swap3A_753, %swap3A_754] {strides = array<i32>} : memref<5001x16xf32, #tpu.memory_space<vmem>>, vector<1x16xf32>,
        %swap3A_756 = vector.shape_cast %swap3A_755 : vector<1x16xf32> to vector<16xf32>
        %swap3A_757 = vector.shape_cast %max3A_737 : vector<16xf32> to vector<1x16xf32>
        tpu.vector_store %arg5[%swap3A_753, %swap3A_754], %swap3A_757 {strides = array<i32>} : memref<5001x16xf32, #tpu.memory_space<vmem>>, vector<1x16xf32>,
        %swap3A_758 = arith.index_cast %select_n3A_722 : i32 to index
        %swap3A_759 = arith.constant 0 : index
        %swap3A_760 = tpu.vector_load %arg5[%swap3A_758, %swap3A_759] {strides = array<i32>} : memref<5001x16xf32, #tpu.memory_space<vmem>>, vector<1x16xf32>,
        %swap3A_761 = vector.shape_cast %swap3A_760 : vector<1x16xf32> to vector<16xf32>
        %swap3A_762 = vector.shape_cast %max3A_742 : vector<16xf32> to vector<1x16xf32>
        tpu.vector_store %arg5[%swap3A_758, %swap3A_759], %swap3A_762 {strides = array<i32>} : memref<5001x16xf32, #tpu.memory_space<vmem>>, vector<1x16xf32>,
        %scan3A_763 = arith.constant 0 : i32
        scf.yield %scan3A_763 : i32
      }
      %scan3A_139 = arith.constant 50 : i32
      %mul3A_140 = arith.constant 2 : i32
      %mul3A_141 = arith.muli %mul3A_140, %scan3A_70 : i32
      %add3A_142 = arith.constant 1 : i32
      %add3A_143 = arith.addi %mul3A_141, %add3A_142 : i32
      %add3A_144 = arith.constant 0 : i32
      %add3A_145 = arith.addi %mul3A_8, %add3A_144 : i32
      %jit3A_146 = arith.constant 16 : i32
      %div3A_147 = arith.divsi %add3A_145, %jit3A_146 : i32
      %sign3A_148 = arith.constant 0 : i32
      %sign3A_149 = arith.cmpi sgt, %add3A_145, %sign3A_148 : i32
      %sign3A_150 = arith.extui %sign3A_149 : i1 to i32
      %sign3A_151 = arith.constant 0 : i32
      %sign3A_152 = arith.cmpi slt, %add3A_145, %sign3A_151 : i32
      %sign3A_153 = arith.extui %sign3A_152 : i1 to i32
      %sign3A_154 = arith.subi %sign3A_150, %sign3A_153 : i32
      %sign3A_155 = arith.constant 0 : i32
      %sign3A_156 = arith.cmpi sgt, %jit3A_146, %sign3A_155 : i32
      %sign3A_157 = arith.extui %sign3A_156 : i1 to i32
      %sign3A_158 = arith.constant 0 : i32
      %sign3A_159 = arith.cmpi slt, %jit3A_146, %sign3A_158 : i32
      %sign3A_160 = arith.extui %sign3A_159 : i1 to i32
      %sign3A_161 = arith.subi %sign3A_157, %sign3A_160 : i32
      %ne3A_162 = arith.cmpi ne, %sign3A_154, %sign3A_161 : i32
      %rem3A_163 = arith.remsi %add3A_145, %jit3A_146 : i32
      %ne3A_164 = arith.constant 0 : i32
      %ne3A_165 = arith.cmpi ne, %rem3A_163, %ne3A_164 : i32
      %and3A_166 = arith.andi %ne3A_162, %ne3A_165 : i1
      %sub3A_167 = arith.constant 1 : i32
      %sub3A_168 = arith.subi %div3A_147, %sub3A_167 : i32
      %select_n3A_169 = arith.select %and3A_166, %sub3A_168, %div3A_147 : i32
      %dma_wait3A_170 = arith.constant 1 : i32
      %dma_wait3A_171 = arith.constant 0 : i32
      %dma_wait3A_172 = arith.constant 0 : i32
      %dma_wait3A_173 = tpu.memref_slice %arg6[%dma_wait3A_170, %dma_wait3A_171, %dma_wait3A_172] : memref<2x50x16xi32, #tpu.memory_space<vmem>> -> memref<1x50x16xi32, #tpu.memory_space<vmem>>
      %dma_wait3A_174 = tpu.memref_squeeze %dma_wait3A_173 : memref<1x50x16xi32, #tpu.memory_space<vmem>> -> memref<50x16xi32, #tpu.memory_space<vmem>>
      %dma_wait3A_175 = arith.constant 0 : i32
      %dma_wait3A_176 = tpu.memref_slice %arg3[%select_n3A_169, %dma_wait3A_175] : memref<10000x16xi32, #tpu.memory_space<hbm>> -> memref<50x16xi32, #tpu.memory_space<hbm>>
      %dma_wait3A_177 = arith.constant 0 : i32
      %dma_wait3A_178 = arith.constant 0 : i32
      %dma_wait3A_179 = tpu.memref_slice %arg6[%dma_wait3A_170, %dma_wait3A_177, %dma_wait3A_178] : memref<2x50x16xi32, #tpu.memory_space<vmem>> -> memref<1x50x16xi32, #tpu.memory_space<vmem>>
      %dma_wait3A_180 = tpu.memref_squeeze %dma_wait3A_179 : memref<1x50x16xi32, #tpu.memory_space<vmem>> -> memref<50x16xi32, #tpu.memory_space<vmem>>
      %dma_wait3A_181 = arith.constant 0 : i32
      %dma_wait3A_182 = tpu.memref_slice %arg3[%select_n3A_169, %dma_wait3A_181] : memref<10000x16xi32, #tpu.memory_space<hbm>> -> memref<50x16xi32, #tpu.memory_space<hbm>>
      tpu.wait_dma2 semaphore(%arg9 : memref<!tpu.dma_semaphore, #tpu.memory_space<semaphore_mem>>) src(%dma_wait3A_182 : memref<50x16xi32, #tpu.memory_space<hbm>>) dst(%dma_wait3A_180 : memref<50x16xi32, #tpu.memory_space<vmem>>)
      %add3A_183 = arith.constant 0 : i32
      %add3A_184 = arith.addi %mul3A_8, %add3A_183 : i32
      %dma_wait3A_185 = arith.constant 1 : i32
      %dma_wait3A_186 = arith.constant 0 : i32
      %dma_wait3A_187 = arith.constant 0 : i32
      %dma_wait3A_188 = tpu.memref_slice %arg7[%dma_wait3A_185, %dma_wait3A_186, %dma_wait3A_187] : memref<2x800x16xf32, #tpu.memory_space<vmem>> -> memref<1x800x16xf32, #tpu.memory_space<vmem>>
      %dma_wait3A_189 = tpu.memref_squeeze %dma_wait3A_188 : memref<1x800x16xf32, #tpu.memory_space<vmem>> -> memref<800x16xf32, #tpu.memory_space<vmem>>
      %dma_wait3A_190 = tpu.memref_slice %arg2[%add3A_184, %mul3A_12] : memref<160000x64xf32, #tpu.memory_space<hbm>> -> memref<800x16xf32, #tpu.memory_space<hbm>>
      %dma_wait3A_191 = arith.constant 0 : i32
      %dma_wait3A_192 = arith.constant 0 : i32
      %dma_wait3A_193 = tpu.memref_slice %arg7[%dma_wait3A_185, %dma_wait3A_191, %dma_wait3A_192] : memref<2x800x16xf32, #tpu.memory_space<vmem>> -> memref<1x800x16xf32, #tpu.memory_space<vmem>>
      %dma_wait3A_194 = tpu.memref_squeeze %dma_wait3A_193 : memref<1x800x16xf32, #tpu.memory_space<vmem>> -> memref<800x16xf32, #tpu.memory_space<vmem>>
      %dma_wait3A_195 = tpu.memref_slice %arg2[%add3A_184, %mul3A_12] : memref<160000x64xf32, #tpu.memory_space<hbm>> -> memref<800x16xf32, #tpu.memory_space<hbm>>
      tpu.wait_dma2 semaphore(%arg11 : memref<!tpu.dma_semaphore, #tpu.memory_space<semaphore_mem>>) src(%dma_wait3A_195 : memref<800x16xf32, #tpu.memory_space<hbm>>) dst(%dma_wait3A_194 : memref<800x16xf32, #tpu.memory_space<vmem>>)
      %add3A_196 = arith.constant 1 : i32
      %add3A_197 = arith.addi %add3A_143, %add3A_196 : i32
      %lt3A_198 = arith.constant 50 : i32
      %lt3A_199 = arith.cmpi slt, %add3A_197, %lt3A_198 : i32
      %convert_element_type3A_200 = arith.extui %lt3A_199 : i1 to i32
      %cond3A_201 = arith.constant 0 : i32
      %cond3A_202 = arith.cmpi ne, %convert_element_type3A_200, %cond3A_201 : i32
      scf.if %cond3A_202 {
        %add3A_213 = arith.constant 1 : i32
        %add3A_214 = arith.addi %add3A_143, %add3A_213 : i32
        %mul3A_215 = arith.constant 800 : i32
        %mul3A_216 = arith.muli %add3A_214, %mul3A_215 : i32
        %add3A_217 = arith.addi %mul3A_8, %mul3A_216 : i32
        %jit3A_218 = arith.constant 16 : i32
        %div3A_219 = arith.divsi %add3A_217, %jit3A_218 : i32
        %sign3A_220 = arith.constant 0 : i32
        %sign3A_221 = arith.cmpi sgt, %add3A_217, %sign3A_220 : i32
        %sign3A_222 = arith.extui %sign3A_221 : i1 to i32
        %sign3A_223 = arith.constant 0 : i32
        %sign3A_224 = arith.cmpi slt, %add3A_217, %sign3A_223 : i32
        %sign3A_225 = arith.extui %sign3A_224 : i1 to i32
        %sign3A_226 = arith.subi %sign3A_222, %sign3A_225 : i32
        %sign3A_227 = arith.constant 0 : i32
        %sign3A_228 = arith.cmpi sgt, %jit3A_218, %sign3A_227 : i32
        %sign3A_229 = arith.extui %sign3A_228 : i1 to i32
        %sign3A_230 = arith.constant 0 : i32
        %sign3A_231 = arith.cmpi slt, %jit3A_218, %sign3A_230 : i32
        %sign3A_232 = arith.extui %sign3A_231 : i1 to i32
        %sign3A_233 = arith.subi %sign3A_229, %sign3A_232 : i32
        %ne3A_234 = arith.cmpi ne, %sign3A_226, %sign3A_233 : i32
        %rem3A_235 = arith.remsi %add3A_217, %jit3A_218 : i32
        %ne3A_236 = arith.constant 0 : i32
        %ne3A_237 = arith.cmpi ne, %rem3A_235, %ne3A_236 : i32
        %and3A_238 = arith.andi %ne3A_234, %ne3A_237 : i1
        %sub3A_239 = arith.constant 1 : i32
        %sub3A_240 = arith.subi %div3A_219, %sub3A_239 : i32
        %select_n3A_241 = arith.select %and3A_238, %sub3A_240, %div3A_219 : i32
        %dma_start3A_242 = arith.constant 0 : i32
        %dma_start3A_243 = arith.constant 0 : i32
        %dma_start3A_244 = arith.constant 0 : i32
        %dma_start3A_245 = tpu.memref_slice %arg6[%dma_start3A_242, %dma_start3A_243, %dma_start3A_244] : memref<2x50x16xi32, #tpu.memory_space<vmem>> -> memref<1x50x16xi32, #tpu.memory_space<vmem>>
        %dma_start3A_246 = tpu.memref_squeeze %dma_start3A_245 : memref<1x50x16xi32, #tpu.memory_space<vmem>> -> memref<50x16xi32, #tpu.memory_space<vmem>>
        %dma_start3A_247 = arith.constant 0 : i32
        %dma_start3A_248 = tpu.memref_slice %arg3[%select_n3A_241, %dma_start3A_247] : memref<10000x16xi32, #tpu.memory_space<hbm>> -> memref<50x16xi32, #tpu.memory_space<hbm>>
        %dma_start3A_249 = arith.constant 0 : i32
        %dma_start3A_250 = arith.constant 0 : i32
        %dma_start3A_251 = tpu.memref_slice %arg6[%dma_start3A_242, %dma_start3A_249, %dma_start3A_250] : memref<2x50x16xi32, #tpu.memory_space<vmem>> -> memref<1x50x16xi32, #tpu.memory_space<vmem>>
        %dma_start3A_252 = tpu.memref_squeeze %dma_start3A_251 : memref<1x50x16xi32, #tpu.memory_space<vmem>> -> memref<50x16xi32, #tpu.memory_space<vmem>>
        %dma_start3A_253 = arith.constant 0 : i32
        %dma_start3A_254 = tpu.memref_slice %arg3[%select_n3A_241, %dma_start3A_253] : memref<10000x16xi32, #tpu.memory_space<hbm>> -> memref<50x16xi32, #tpu.memory_space<hbm>>
        tpu.enqueue_dma source(%dma_start3A_254 : memref<50x16xi32, #tpu.memory_space<hbm>>) target(%dma_start3A_252 : memref<50x16xi32, #tpu.memory_space<vmem>>) target_semaphore(%arg8 : memref<!tpu.dma_semaphore, #tpu.memory_space<semaphore_mem>>)
        %mul3A_255 = arith.constant 800 : i32
        %mul3A_256 = arith.muli %add3A_214, %mul3A_255 : i32
        %add3A_257 = arith.addi %mul3A_8, %mul3A_256 : i32
        %dma_start3A_258 = arith.constant 0 : i32
        %dma_start3A_259 = arith.constant 0 : i32
        %dma_start3A_260 = arith.constant 0 : i32
        %dma_start3A_261 = tpu.memref_slice %arg7[%dma_start3A_258, %dma_start3A_259, %dma_start3A_260] : memref<2x800x16xf32, #tpu.memory_space<vmem>> -> memref<1x800x16xf32, #tpu.memory_space<vmem>>
        %dma_start3A_262 = tpu.memref_squeeze %dma_start3A_261 : memref<1x800x16xf32, #tpu.memory_space<vmem>> -> memref<800x16xf32, #tpu.memory_space<vmem>>
        %dma_start3A_263 = tpu.memref_slice %arg2[%add3A_257, %mul3A_12] : memref<160000x64xf32, #tpu.memory_space<hbm>> -> memref<800x16xf32, #tpu.memory_space<hbm>>
        %dma_start3A_264 = arith.constant 0 : i32
        %dma_start3A_265 = arith.constant 0 : i32
        %dma_start3A_266 = tpu.memref_slice %arg7[%dma_start3A_258, %dma_start3A_264, %dma_start3A_265] : memref<2x800x16xf32, #tpu.memory_space<vmem>> -> memref<1x800x16xf32, #tpu.memory_space<vmem>>
        %dma_start3A_267 = tpu.memref_squeeze %dma_start3A_266 : memref<1x800x16xf32, #tpu.memory_space<vmem>> -> memref<800x16xf32, #tpu.memory_space<vmem>>
        %dma_start3A_268 = tpu.memref_slice %arg2[%add3A_257, %mul3A_12] : memref<160000x64xf32, #tpu.memory_space<hbm>> -> memref<800x16xf32, #tpu.memory_space<hbm>>
        tpu.enqueue_dma source(%dma_start3A_268 : memref<800x16xf32, #tpu.memory_space<hbm>>) target(%dma_start3A_267 : memref<800x16xf32, #tpu.memory_space<vmem>>) target_semaphore(%arg10 : memref<!tpu.dma_semaphore, #tpu.memory_space<semaphore_mem>>)
      } else {
      }
      %scan3A_203 = arith.constant 1 : i32
      %scan3A_204 = arith.constant 1 : i32
      %scan3A_205 = arith.constant 0 : i32
      %scan3A_206 = arith.constant 0 : i32
      %scan3A_207 = arith.constant 50 : i32
      %scan3A_208 = arith.addi %scan3A_206, %scan3A_207 : i32
      %scan3A_209 = arith.constant 1 : i32
      %scan3A_210 = scf.for %scan3A_213 = %scan3A_206 to %scan3A_208 step %scan3A_209 iter_args(%scan3A_214 = %scan3A_205) -> (i32)  : i32 {
        %get3A = arith.constant 0 : i32
        %get3A_215 = arith.constant 0 : i32
        %get3A_216 = tpu.memref_slice %arg6[%scan3A_203, %get3A, %get3A_215] : memref<2x50x16xi32, #tpu.memory_space<vmem>> -> memref<1x50x16xi32, #tpu.memory_space<vmem>>
        %get3A_217 = tpu.memref_squeeze %get3A_216 : memref<1x50x16xi32, #tpu.memory_space<vmem>> -> memref<50x16xi32, #tpu.memory_space<vmem>>
        %get3A_218 = arith.index_cast %scan3A_213 : i32 to index
        %get3A_219 = arith.constant 0 : index
        %get3A_220 = tpu.vector_load %get3A_217[%get3A_218, %get3A_219] {strides = array<i32>} : memref<50x16xi32, #tpu.memory_space<vmem>>, vector<1x16xi32>,
        %get3A_221 = vector.shape_cast %get3A_220 : vector<1x16xi32> to vector<16xi32>
        %sub3A_222 = vector.broadcast %mul3A_10 : i32 to vector<16xi32>
        %sub3A_223 = arith.subi %get3A_221, %sub3A_222 : vector<16xi32>
        %ge3A = arith.constant 0 : i32
        %ge3A_224 = vector.broadcast %ge3A : i32 to vector<16xi32>
        %ge3A_225 = arith.cmpi sge, %sub3A_223, %ge3A_224 : vector<16xi32>
        %lt3A_226 = arith.constant 5000 : i32
        %lt3A_227 = vector.broadcast %lt3A_226 : i32 to vector<16xi32>
        %lt3A_228 = arith.cmpi slt, %sub3A_223, %lt3A_227 : vector<16xi32>
        %and3A_229 = arith.andi %ge3A_225, %lt3A_228 : vector<16xi1>
        %jit3A_230 = arith.constant 5000 : i32
        %broadcast_in_dim3A = vector.broadcast %jit3A_230 : i32 to vector<16xi32>
        %select_n3A_231 = arith.select %and3A_229, %sub3A_223, %broadcast_in_dim3A : vector<16xi1>, vector<16xi32>
        %slice3A = vector.extract_strided_slice %select_n3A_231 {offsets = [0], sizes = [1], strides = [1]} : vector<16xi32> to vector<1xi32>
        %squeeze3A = vector.extract %slice3A[0] : i32 from vector<1xi32>
        %slice3A_232 = vector.extract_strided_slice %select_n3A_231 {offsets = [1], sizes = [1], strides = [1]} : vector<16xi32> to vector<1xi32>
        %squeeze3A_233 = vector.extract %slice3A_232[0] : i32 from vector<1xi32>
        %slice3A_234 = vector.extract_strided_slice %select_n3A_231 {offsets = [2], sizes = [1], strides = [1]} : vector<16xi32> to vector<1xi32>
        %squeeze3A_235 = vector.extract %slice3A_234[0] : i32 from vector<1xi32>
        %slice3A_236 = vector.extract_strided_slice %select_n3A_231 {offsets = [3], sizes = [1], strides = [1]} : vector<16xi32> to vector<1xi32>
        %squeeze3A_237 = vector.extract %slice3A_236[0] : i32 from vector<1xi32>
        %mul3A_238 = arith.constant 16 : i32
        %mul3A_239 = arith.muli %scan3A_213, %mul3A_238 : i32
        %add3A_240 = arith.constant 0 : i32
        %add3A_241 = arith.addi %mul3A_239, %add3A_240 : i32
        %add3A_242 = arith.constant 0 : i32
        %add3A_243 = arith.addi %add3A_241, %add3A_242 : i32
        %get3A_244 = arith.constant 0 : i32
        %get3A_245 = arith.constant 0 : i32
        %get3A_246 = tpu.memref_slice %arg7[%scan3A_204, %get3A_244, %get3A_245] : memref<2x800x16xf32, #tpu.memory_space<vmem>> -> memref<1x800x16xf32, #tpu.memory_space<vmem>>
        %get3A_247 = tpu.memref_squeeze %get3A_246 : memref<1x800x16xf32, #tpu.memory_space<vmem>> -> memref<800x16xf32, #tpu.memory_space<vmem>>
        %get3A_248 = arith.index_cast %add3A_243 : i32 to index
        %get3A_249 = arith.constant 0 : index
        %get3A_250 = tpu.vector_load %get3A_247[%get3A_248, %get3A_249] {strides = array<i32>} : memref<800x16xf32, #tpu.memory_space<vmem>>, vector<1x16xf32>,
        %get3A_251 = vector.shape_cast %get3A_250 : vector<1x16xf32> to vector<16xf32>
        %mul3A_252 = arith.constant 16 : i32
        %mul3A_253 = arith.muli %scan3A_213, %mul3A_252 : i32
        %add3A_254 = arith.constant 0 : i32
        %add3A_255 = arith.addi %mul3A_253, %add3A_254 : i32
        %add3A_256 = arith.constant 1 : i32
        %add3A_257 = arith.addi %add3A_255, %add3A_256 : i32
        %get3A_258 = arith.constant 0 : i32
        %get3A_259 = arith.constant 0 : i32
        %get3A_260 = tpu.memref_slice %arg7[%scan3A_204, %get3A_258, %get3A_259] : memref<2x800x16xf32, #tpu.memory_space<vmem>> -> memref<1x800x16xf32, #tpu.memory_space<vmem>>
        %get3A_261 = tpu.memref_squeeze %get3A_260 : memref<1x800x16xf32, #tpu.memory_space<vmem>> -> memref<800x16xf32, #tpu.memory_space<vmem>>
        %get3A_262 = arith.index_cast %add3A_257 : i32 to index
        %get3A_263 = arith.constant 0 : index
        %get3A_264 = tpu.vector_load %get3A_261[%get3A_262, %get3A_263] {strides = array<i32>} : memref<800x16xf32, #tpu.memory_space<vmem>>, vector<1x16xf32>,
        %get3A_265 = vector.shape_cast %get3A_264 : vector<1x16xf32> to vector<16xf32>
        %mul3A_266 = arith.constant 16 : i32
        %mul3A_267 = arith.muli %scan3A_213, %mul3A_266 : i32
        %add3A_268 = arith.constant 0 : i32
        %add3A_269 = arith.addi %mul3A_267, %add3A_268 : i32
        %add3A_270 = arith.constant 2 : i32
        %add3A_271 = arith.addi %add3A_269, %add3A_270 : i32
        %get3A_272 = arith.constant 0 : i32
        %get3A_273 = arith.constant 0 : i32
        %get3A_274 = tpu.memref_slice %arg7[%scan3A_204, %get3A_272, %get3A_273] : memref<2x800x16xf32, #tpu.memory_space<vmem>> -> memref<1x800x16xf32, #tpu.memory_space<vmem>>
        %get3A_275 = tpu.memref_squeeze %get3A_274 : memref<1x800x16xf32, #tpu.memory_space<vmem>> -> memref<800x16xf32, #tpu.memory_space<vmem>>
        %get3A_276 = arith.index_cast %add3A_271 : i32 to index
        %get3A_277 = arith.constant 0 : index
        %get3A_278 = tpu.vector_load %get3A_275[%get3A_276, %get3A_277] {strides = array<i32>} : memref<800x16xf32, #tpu.memory_space<vmem>>, vector<1x16xf32>,
        %get3A_279 = vector.shape_cast %get3A_278 : vector<1x16xf32> to vector<16xf32>
        %mul3A_280 = arith.constant 16 : i32
        %mul3A_281 = arith.muli %scan3A_213, %mul3A_280 : i32
        %add3A_282 = arith.constant 0 : i32
        %add3A_283 = arith.addi %mul3A_281, %add3A_282 : i32
        %add3A_284 = arith.constant 3 : i32
        %add3A_285 = arith.addi %add3A_283, %add3A_284 : i32
        %get3A_286 = arith.constant 0 : i32
        %get3A_287 = arith.constant 0 : i32
        %get3A_288 = tpu.memref_slice %arg7[%scan3A_204, %get3A_286, %get3A_287] : memref<2x800x16xf32, #tpu.memory_space<vmem>> -> memref<1x800x16xf32, #tpu.memory_space<vmem>>
        %get3A_289 = tpu.memref_squeeze %get3A_288 : memref<1x800x16xf32, #tpu.memory_space<vmem>> -> memref<800x16xf32, #tpu.memory_space<vmem>>
        %get3A_290 = arith.index_cast %add3A_285 : i32 to index
        %get3A_291 = arith.constant 0 : index
        %get3A_292 = tpu.vector_load %get3A_289[%get3A_290, %get3A_291] {strides = array<i32>} : memref<800x16xf32, #tpu.memory_space<vmem>>, vector<1x16xf32>,
        %get3A_293 = vector.shape_cast %get3A_292 : vector<1x16xf32> to vector<16xf32>
        %eq3A = arith.cmpi eq, %squeeze3A_233, %squeeze3A : i32
        %max3A = arith.maximumf %get3A_251, %get3A_265 : vector<16xf32>
        %select_n3A_294 = arith.select %eq3A, %max3A, %get3A_251 : vector<16xf32>
        %jit3A_295 = arith.constant 5000 : i32
        %select_n3A_296 = arith.select %eq3A, %jit3A_295, %squeeze3A_233 : i32
        %eq3A_297 = arith.cmpi eq, %squeeze3A_235, %squeeze3A : i32
        %max3A_298 = arith.maximumf %select_n3A_294, %get3A_279 : vector<16xf32>
        %select_n3A_299 = arith.select %eq3A_297, %max3A_298, %select_n3A_294 : vector<16xf32>
        %jit3A_300 = arith.constant 5000 : i32
        %select_n3A_301 = arith.select %eq3A_297, %jit3A_300, %squeeze3A_235 : i32
        %eq3A_302 = arith.cmpi eq, %squeeze3A_237, %squeeze3A : i32
        %max3A_303 = arith.maximumf %select_n3A_299, %get3A_293 : vector<16xf32>
        %select_n3A_304 = arith.select %eq3A_302, %max3A_303, %select_n3A_299 : vector<16xf32>
        %jit3A_305 = arith.constant 5000 : i32
        %select_n3A_306 = arith.select %eq3A_302, %jit3A_305, %squeeze3A_237 : i32
        %eq3A_307 = arith.cmpi eq, %select_n3A_301, %select_n3A_296 : i32
        %max3A_308 = arith.maximumf %get3A_265, %get3A_279 : vector<16xf32>
        %select_n3A_309 = arith.select %eq3A_307, %max3A_308, %get3A_265 : vector<16xf32>
        %jit3A_310 = arith.constant 5000 : i32
        %select_n3A_311 = arith.select %eq3A_307, %jit3A_310, %select_n3A_301 : i32
        %eq3A_312 = arith.cmpi eq, %select_n3A_306, %select_n3A_296 : i32
        %max3A_313 = arith.maximumf %select_n3A_309, %get3A_293 : vector<16xf32>
        %select_n3A_314 = arith.select %eq3A_312, %max3A_313, %select_n3A_309 : vector<16xf32>
        %jit3A_315 = arith.constant 5000 : i32
        %select_n3A_316 = arith.select %eq3A_312, %jit3A_315, %select_n3A_306 : i32
        %eq3A_317 = arith.cmpi eq, %select_n3A_316, %select_n3A_311 : i32
        %max3A_318 = arith.maximumf %get3A_279, %get3A_293 : vector<16xf32>
        %select_n3A_319 = arith.select %eq3A_317, %max3A_318, %get3A_279 : vector<16xf32>
        %jit3A_320 = arith.constant 5000 : i32
        %select_n3A_321 = arith.select %eq3A_317, %jit3A_320, %select_n3A_316 : i32
        %get3A_322 = arith.index_cast %squeeze3A : i32 to index
        %get3A_323 = arith.constant 0 : index
        %get3A_324 = tpu.vector_load %arg5[%get3A_322, %get3A_323] {strides = array<i32>} : memref<5001x16xf32, #tpu.memory_space<vmem>>, vector<1x16xf32>,
        %get3A_325 = vector.shape_cast %get3A_324 : vector<1x16xf32> to vector<16xf32>
        %max3A_326 = arith.maximumf %get3A_325, %select_n3A_304 : vector<16xf32>
        %get3A_327 = arith.index_cast %select_n3A_296 : i32 to index
        %get3A_328 = arith.constant 0 : index
        %get3A_329 = tpu.vector_load %arg5[%get3A_327, %get3A_328] {strides = array<i32>} : memref<5001x16xf32, #tpu.memory_space<vmem>>, vector<1x16xf32>,
        %get3A_330 = vector.shape_cast %get3A_329 : vector<1x16xf32> to vector<16xf32>
        %max3A_331 = arith.maximumf %get3A_330, %select_n3A_314 : vector<16xf32>
        %get3A_332 = arith.index_cast %select_n3A_311 : i32 to index
        %get3A_333 = arith.constant 0 : index
        %get3A_334 = tpu.vector_load %arg5[%get3A_332, %get3A_333] {strides = array<i32>} : memref<5001x16xf32, #tpu.memory_space<vmem>>, vector<1x16xf32>,
        %get3A_335 = vector.shape_cast %get3A_334 : vector<1x16xf32> to vector<16xf32>
        %max3A_336 = arith.maximumf %get3A_335, %select_n3A_319 : vector<16xf32>
        %get3A_337 = arith.index_cast %select_n3A_321 : i32 to index
        %get3A_338 = arith.constant 0 : index
        %get3A_339 = tpu.vector_load %arg5[%get3A_337, %get3A_338] {strides = array<i32>} : memref<5001x16xf32, #tpu.memory_space<vmem>>, vector<1x16xf32>,
        %get3A_340 = vector.shape_cast %get3A_339 : vector<1x16xf32> to vector<16xf32>
        %max3A_341 = arith.maximumf %get3A_340, %get3A_293 : vector<16xf32>
        %swap3A = arith.index_cast %squeeze3A : i32 to index
        %swap3A_342 = arith.constant 0 : index
        %swap3A_343 = tpu.vector_load %arg5[%swap3A, %swap3A_342] {strides = array<i32>} : memref<5001x16xf32, #tpu.memory_space<vmem>>, vector<1x16xf32>,
        %swap3A_344 = vector.shape_cast %swap3A_343 : vector<1x16xf32> to vector<16xf32>
        %swap3A_345 = vector.shape_cast %max3A_326 : vector<16xf32> to vector<1x16xf32>
        tpu.vector_store %arg5[%swap3A, %swap3A_342], %swap3A_345 {strides = array<i32>} : memref<5001x16xf32, #tpu.memory_space<vmem>>, vector<1x16xf32>,
        %swap3A_346 = arith.index_cast %select_n3A_296 : i32 to index
        %swap3A_347 = arith.constant 0 : index
        %swap3A_348 = tpu.vector_load %arg5[%swap3A_346, %swap3A_347] {strides = array<i32>} : memref<5001x16xf32, #tpu.memory_space<vmem>>, vector<1x16xf32>,
        %swap3A_349 = vector.shape_cast %swap3A_348 : vector<1x16xf32> to vector<16xf32>
        %swap3A_350 = vector.shape_cast %max3A_331 : vector<16xf32> to vector<1x16xf32>
        tpu.vector_store %arg5[%swap3A_346, %swap3A_347], %swap3A_350 {strides = array<i32>} : memref<5001x16xf32, #tpu.memory_space<vmem>>, vector<1x16xf32>,
        %swap3A_351 = arith.index_cast %select_n3A_311 : i32 to index
        %swap3A_352 = arith.constant 0 : index
        %swap3A_353 = tpu.vector_load %arg5[%swap3A_351, %swap3A_352] {strides = array<i32>} : memref<5001x16xf32, #tpu.memory_space<vmem>>, vector<1x16xf32>,
        %swap3A_354 = vector.shape_cast %swap3A_353 : vector<1x16xf32> to vector<16xf32>
        %swap3A_355 = vector.shape_cast %max3A_336 : vector<16xf32> to vector<1x16xf32>
        tpu.vector_store %arg5[%swap3A_351, %swap3A_352], %swap3A_355 {strides = array<i32>} : memref<5001x16xf32, #tpu.memory_space<vmem>>, vector<1x16xf32>,
        %swap3A_356 = arith.index_cast %select_n3A_321 : i32 to index
        %swap3A_357 = arith.constant 0 : index
        %swap3A_358 = tpu.vector_load %arg5[%swap3A_356, %swap3A_357] {strides = array<i32>} : memref<5001x16xf32, #tpu.memory_space<vmem>>, vector<1x16xf32>,
        %swap3A_359 = vector.shape_cast %swap3A_358 : vector<1x16xf32> to vector<16xf32>
        %swap3A_360 = vector.shape_cast %max3A_341 : vector<16xf32> to vector<1x16xf32>
        tpu.vector_store %arg5[%swap3A_356, %swap3A_357], %swap3A_360 {strides = array<i32>} : memref<5001x16xf32, #tpu.memory_space<vmem>>, vector<1x16xf32>,
        %slice3A_361 = vector.extract_strided_slice %select_n3A_231 {offsets = [4], sizes = [1], strides = [1]} : vector<16xi32> to vector<1xi32>
        %squeeze3A_362 = vector.extract %slice3A_361[0] : i32 from vector<1xi32>
        %slice3A_363 = vector.extract_strided_slice %select_n3A_231 {offsets = [5], sizes = [1], strides = [1]} : vector<16xi32> to vector<1xi32>
        %squeeze3A_364 = vector.extract %slice3A_363[0] : i32 from vector<1xi32>
        %slice3A_365 = vector.extract_strided_slice %select_n3A_231 {offsets = [6], sizes = [1], strides = [1]} : vector<16xi32> to vector<1xi32>
        %squeeze3A_366 = vector.extract %slice3A_365[0] : i32 from vector<1xi32>
        %slice3A_367 = vector.extract_strided_slice %select_n3A_231 {offsets = [7], sizes = [1], strides = [1]} : vector<16xi32> to vector<1xi32>
        %squeeze3A_368 = vector.extract %slice3A_367[0] : i32 from vector<1xi32>
        %mul3A_369 = arith.constant 16 : i32
        %mul3A_370 = arith.muli %scan3A_213, %mul3A_369 : i32
        %add3A_371 = arith.constant 4 : i32
        %add3A_372 = arith.addi %mul3A_370, %add3A_371 : i32
        %add3A_373 = arith.constant 0 : i32
        %add3A_374 = arith.addi %add3A_372, %add3A_373 : i32
        %get3A_375 = arith.constant 0 : i32
        %get3A_376 = arith.constant 0 : i32
        %get3A_377 = tpu.memref_slice %arg7[%scan3A_204, %get3A_375, %get3A_376] : memref<2x800x16xf32, #tpu.memory_space<vmem>> -> memref<1x800x16xf32, #tpu.memory_space<vmem>>
        %get3A_378 = tpu.memref_squeeze %get3A_377 : memref<1x800x16xf32, #tpu.memory_space<vmem>> -> memref<800x16xf32, #tpu.memory_space<vmem>>
        %get3A_379 = arith.index_cast %add3A_374 : i32 to index
        %get3A_380 = arith.constant 0 : index
        %get3A_381 = tpu.vector_load %get3A_378[%get3A_379, %get3A_380] {strides = array<i32>} : memref<800x16xf32, #tpu.memory_space<vmem>>, vector<1x16xf32>,
        %get3A_382 = vector.shape_cast %get3A_381 : vector<1x16xf32> to vector<16xf32>
        %mul3A_383 = arith.constant 16 : i32
        %mul3A_384 = arith.muli %scan3A_213, %mul3A_383 : i32
        %add3A_385 = arith.constant 4 : i32
        %add3A_386 = arith.addi %mul3A_384, %add3A_385 : i32
        %add3A_387 = arith.constant 1 : i32
        %add3A_388 = arith.addi %add3A_386, %add3A_387 : i32
        %get3A_389 = arith.constant 0 : i32
        %get3A_390 = arith.constant 0 : i32
        %get3A_391 = tpu.memref_slice %arg7[%scan3A_204, %get3A_389, %get3A_390] : memref<2x800x16xf32, #tpu.memory_space<vmem>> -> memref<1x800x16xf32, #tpu.memory_space<vmem>>
        %get3A_392 = tpu.memref_squeeze %get3A_391 : memref<1x800x16xf32, #tpu.memory_space<vmem>> -> memref<800x16xf32, #tpu.memory_space<vmem>>
        %get3A_393 = arith.index_cast %add3A_388 : i32 to index
        %get3A_394 = arith.constant 0 : index
        %get3A_395 = tpu.vector_load %get3A_392[%get3A_393, %get3A_394] {strides = array<i32>} : memref<800x16xf32, #tpu.memory_space<vmem>>, vector<1x16xf32>,
        %get3A_396 = vector.shape_cast %get3A_395 : vector<1x16xf32> to vector<16xf32>
        %mul3A_397 = arith.constant 16 : i32
        %mul3A_398 = arith.muli %scan3A_213, %mul3A_397 : i32
        %add3A_399 = arith.constant 4 : i32
        %add3A_400 = arith.addi %mul3A_398, %add3A_399 : i32
        %add3A_401 = arith.constant 2 : i32
        %add3A_402 = arith.addi %add3A_400, %add3A_401 : i32
        %get3A_403 = arith.constant 0 : i32
        %get3A_404 = arith.constant 0 : i32
        %get3A_405 = tpu.memref_slice %arg7[%scan3A_204, %get3A_403, %get3A_404] : memref<2x800x16xf32, #tpu.memory_space<vmem>> -> memref<1x800x16xf32, #tpu.memory_space<vmem>>
        %get3A_406 = tpu.memref_squeeze %get3A_405 : memref<1x800x16xf32, #tpu.memory_space<vmem>> -> memref<800x16xf32, #tpu.memory_space<vmem>>
        %get3A_407 = arith.index_cast %add3A_402 : i32 to index
        %get3A_408 = arith.constant 0 : index
        %get3A_409 = tpu.vector_load %get3A_406[%get3A_407, %get3A_408] {strides = array<i32>} : memref<800x16xf32, #tpu.memory_space<vmem>>, vector<1x16xf32>,
        %get3A_410 = vector.shape_cast %get3A_409 : vector<1x16xf32> to vector<16xf32>
        %mul3A_411 = arith.constant 16 : i32
        %mul3A_412 = arith.muli %scan3A_213, %mul3A_411 : i32
        %add3A_413 = arith.constant 4 : i32
        %add3A_414 = arith.addi %mul3A_412, %add3A_413 : i32
        %add3A_415 = arith.constant 3 : i32
        %add3A_416 = arith.addi %add3A_414, %add3A_415 : i32
        %get3A_417 = arith.constant 0 : i32
        %get3A_418 = arith.constant 0 : i32
        %get3A_419 = tpu.memref_slice %arg7[%scan3A_204, %get3A_417, %get3A_418] : memref<2x800x16xf32, #tpu.memory_space<vmem>> -> memref<1x800x16xf32, #tpu.memory_space<vmem>>
        %get3A_420 = tpu.memref_squeeze %get3A_419 : memref<1x800x16xf32, #tpu.memory_space<vmem>> -> memref<800x16xf32, #tpu.memory_space<vmem>>
        %get3A_421 = arith.index_cast %add3A_416 : i32 to index
        %get3A_422 = arith.constant 0 : index
        %get3A_423 = tpu.vector_load %get3A_420[%get3A_421, %get3A_422] {strides = array<i32>} : memref<800x16xf32, #tpu.memory_space<vmem>>, vector<1x16xf32>,
        %get3A_424 = vector.shape_cast %get3A_423 : vector<1x16xf32> to vector<16xf32>
        %eq3A_425 = arith.cmpi eq, %squeeze3A_364, %squeeze3A_362 : i32
        %max3A_426 = arith.maximumf %get3A_382, %get3A_396 : vector<16xf32>
        %select_n3A_427 = arith.select %eq3A_425, %max3A_426, %get3A_382 : vector<16xf32>
        %jit3A_428 = arith.constant 5000 : i32
        %select_n3A_429 = arith.select %eq3A_425, %jit3A_428, %squeeze3A_364 : i32
        %eq3A_430 = arith.cmpi eq, %squeeze3A_366, %squeeze3A_362 : i32
        %max3A_431 = arith.maximumf %select_n3A_427, %get3A_410 : vector<16xf32>
        %select_n3A_432 = arith.select %eq3A_430, %max3A_431, %select_n3A_427 : vector<16xf32>
        %jit3A_433 = arith.constant 5000 : i32
        %select_n3A_434 = arith.select %eq3A_430, %jit3A_433, %squeeze3A_366 : i32
        %eq3A_435 = arith.cmpi eq, %squeeze3A_368, %squeeze3A_362 : i32
        %max3A_436 = arith.maximumf %select_n3A_432, %get3A_424 : vector<16xf32>
        %select_n3A_437 = arith.select %eq3A_435, %max3A_436, %select_n3A_432 : vector<16xf32>
        %jit3A_438 = arith.constant 5000 : i32
        %select_n3A_439 = arith.select %eq3A_435, %jit3A_438, %squeeze3A_368 : i32
        %eq3A_440 = arith.cmpi eq, %select_n3A_434, %select_n3A_429 : i32
        %max3A_441 = arith.maximumf %get3A_396, %get3A_410 : vector<16xf32>
        %select_n3A_442 = arith.select %eq3A_440, %max3A_441, %get3A_396 : vector<16xf32>
        %jit3A_443 = arith.constant 5000 : i32
        %select_n3A_444 = arith.select %eq3A_440, %jit3A_443, %select_n3A_434 : i32
        %eq3A_445 = arith.cmpi eq, %select_n3A_439, %select_n3A_429 : i32
        %max3A_446 = arith.maximumf %select_n3A_442, %get3A_424 : vector<16xf32>
        %select_n3A_447 = arith.select %eq3A_445, %max3A_446, %select_n3A_442 : vector<16xf32>
        %jit3A_448 = arith.constant 5000 : i32
        %select_n3A_449 = arith.select %eq3A_445, %jit3A_448, %select_n3A_439 : i32
        %eq3A_450 = arith.cmpi eq, %select_n3A_449, %select_n3A_444 : i32
        %max3A_451 = arith.maximumf %get3A_410, %get3A_424 : vector<16xf32>
        %select_n3A_452 = arith.select %eq3A_450, %max3A_451, %get3A_410 : vector<16xf32>
        %jit3A_453 = arith.constant 5000 : i32
        %select_n3A_454 = arith.select %eq3A_450, %jit3A_453, %select_n3A_449 : i32
        %get3A_455 = arith.index_cast %squeeze3A_362 : i32 to index
        %get3A_456 = arith.constant 0 : index
        %get3A_457 = tpu.vector_load %arg5[%get3A_455, %get3A_456] {strides = array<i32>} : memref<5001x16xf32, #tpu.memory_space<vmem>>, vector<1x16xf32>,
        %get3A_458 = vector.shape_cast %get3A_457 : vector<1x16xf32> to vector<16xf32>
        %max3A_459 = arith.maximumf %get3A_458, %select_n3A_437 : vector<16xf32>
        %get3A_460 = arith.index_cast %select_n3A_429 : i32 to index
        %get3A_461 = arith.constant 0 : index
        %get3A_462 = tpu.vector_load %arg5[%get3A_460, %get3A_461] {strides = array<i32>} : memref<5001x16xf32, #tpu.memory_space<vmem>>, vector<1x16xf32>,
        %get3A_463 = vector.shape_cast %get3A_462 : vector<1x16xf32> to vector<16xf32>
        %max3A_464 = arith.maximumf %get3A_463, %select_n3A_447 : vector<16xf32>
        %get3A_465 = arith.index_cast %select_n3A_444 : i32 to index
        %get3A_466 = arith.constant 0 : index
        %get3A_467 = tpu.vector_load %arg5[%get3A_465, %get3A_466] {strides = array<i32>} : memref<5001x16xf32, #tpu.memory_space<vmem>>, vector<1x16xf32>,
        %get3A_468 = vector.shape_cast %get3A_467 : vector<1x16xf32> to vector<16xf32>
        %max3A_469 = arith.maximumf %get3A_468, %select_n3A_452 : vector<16xf32>
        %get3A_470 = arith.index_cast %select_n3A_454 : i32 to index
        %get3A_471 = arith.constant 0 : index
        %get3A_472 = tpu.vector_load %arg5[%get3A_470, %get3A_471] {strides = array<i32>} : memref<5001x16xf32, #tpu.memory_space<vmem>>, vector<1x16xf32>,
        %get3A_473 = vector.shape_cast %get3A_472 : vector<1x16xf32> to vector<16xf32>
        %max3A_474 = arith.maximumf %get3A_473, %get3A_424 : vector<16xf32>
        %swap3A_475 = arith.index_cast %squeeze3A_362 : i32 to index
        %swap3A_476 = arith.constant 0 : index
        %swap3A_477 = tpu.vector_load %arg5[%swap3A_475, %swap3A_476] {strides = array<i32>} : memref<5001x16xf32, #tpu.memory_space<vmem>>, vector<1x16xf32>,
        %swap3A_478 = vector.shape_cast %swap3A_477 : vector<1x16xf32> to vector<16xf32>
        %swap3A_479 = vector.shape_cast %max3A_459 : vector<16xf32> to vector<1x16xf32>
        tpu.vector_store %arg5[%swap3A_475, %swap3A_476], %swap3A_479 {strides = array<i32>} : memref<5001x16xf32, #tpu.memory_space<vmem>>, vector<1x16xf32>,
        %swap3A_480 = arith.index_cast %select_n3A_429 : i32 to index
        %swap3A_481 = arith.constant 0 : index
        %swap3A_482 = tpu.vector_load %arg5[%swap3A_480, %swap3A_481] {strides = array<i32>} : memref<5001x16xf32, #tpu.memory_space<vmem>>, vector<1x16xf32>,
        %swap3A_483 = vector.shape_cast %swap3A_482 : vector<1x16xf32> to vector<16xf32>
        %swap3A_484 = vector.shape_cast %max3A_464 : vector<16xf32> to vector<1x16xf32>
        tpu.vector_store %arg5[%swap3A_480, %swap3A_481], %swap3A_484 {strides = array<i32>} : memref<5001x16xf32, #tpu.memory_space<vmem>>, vector<1x16xf32>,
        %swap3A_485 = arith.index_cast %select_n3A_444 : i32 to index
        %swap3A_486 = arith.constant 0 : index
        %swap3A_487 = tpu.vector_load %arg5[%swap3A_485, %swap3A_486] {strides = array<i32>} : memref<5001x16xf32, #tpu.memory_space<vmem>>, vector<1x16xf32>,
        %swap3A_488 = vector.shape_cast %swap3A_487 : vector<1x16xf32> to vector<16xf32>
        %swap3A_489 = vector.shape_cast %max3A_469 : vector<16xf32> to vector<1x16xf32>
        tpu.vector_store %arg5[%swap3A_485, %swap3A_486], %swap3A_489 {strides = array<i32>} : memref<5001x16xf32, #tpu.memory_space<vmem>>, vector<1x16xf32>,
        %swap3A_490 = arith.index_cast %select_n3A_454 : i32 to index
        %swap3A_491 = arith.constant 0 : index
        %swap3A_492 = tpu.vector_load %arg5[%swap3A_490, %swap3A_491] {strides = array<i32>} : memref<5001x16xf32, #tpu.memory_space<vmem>>, vector<1x16xf32>,
        %swap3A_493 = vector.shape_cast %swap3A_492 : vector<1x16xf32> to vector<16xf32>
        %swap3A_494 = vector.shape_cast %max3A_474 : vector<16xf32> to vector<1x16xf32>
        tpu.vector_store %arg5[%swap3A_490, %swap3A_491], %swap3A_494 {strides = array<i32>} : memref<5001x16xf32, #tpu.memory_space<vmem>>, vector<1x16xf32>,
        %slice3A_495 = vector.extract_strided_slice %select_n3A_231 {offsets = [8], sizes = [1], strides = [1]} : vector<16xi32> to vector<1xi32>
        %squeeze3A_496 = vector.extract %slice3A_495[0] : i32 from vector<1xi32>
        %slice3A_497 = vector.extract_strided_slice %select_n3A_231 {offsets = [9], sizes = [1], strides = [1]} : vector<16xi32> to vector<1xi32>
        %squeeze3A_498 = vector.extract %slice3A_497[0] : i32 from vector<1xi32>
        %slice3A_499 = vector.extract_strided_slice %select_n3A_231 {offsets = [10], sizes = [1], strides = [1]} : vector<16xi32> to vector<1xi32>
        %squeeze3A_500 = vector.extract %slice3A_499[0] : i32 from vector<1xi32>
        %slice3A_501 = vector.extract_strided_slice %select_n3A_231 {offsets = [11], sizes = [1], strides = [1]} : vector<16xi32> to vector<1xi32>
        %squeeze3A_502 = vector.extract %slice3A_501[0] : i32 from vector<1xi32>
        %mul3A_503 = arith.constant 16 : i32
        %mul3A_504 = arith.muli %scan3A_213, %mul3A_503 : i32
        %add3A_505 = arith.constant 8 : i32
        %add3A_506 = arith.addi %mul3A_504, %add3A_505 : i32
        %add3A_507 = arith.constant 0 : i32
        %add3A_508 = arith.addi %add3A_506, %add3A_507 : i32
        %get3A_509 = arith.constant 0 : i32
        %get3A_510 = arith.constant 0 : i32
        %get3A_511 = tpu.memref_slice %arg7[%scan3A_204, %get3A_509, %get3A_510] : memref<2x800x16xf32, #tpu.memory_space<vmem>> -> memref<1x800x16xf32, #tpu.memory_space<vmem>>
        %get3A_512 = tpu.memref_squeeze %get3A_511 : memref<1x800x16xf32, #tpu.memory_space<vmem>> -> memref<800x16xf32, #tpu.memory_space<vmem>>
        %get3A_513 = arith.index_cast %add3A_508 : i32 to index
        %get3A_514 = arith.constant 0 : index
        %get3A_515 = tpu.vector_load %get3A_512[%get3A_513, %get3A_514] {strides = array<i32>} : memref<800x16xf32, #tpu.memory_space<vmem>>, vector<1x16xf32>,
        %get3A_516 = vector.shape_cast %get3A_515 : vector<1x16xf32> to vector<16xf32>
        %mul3A_517 = arith.constant 16 : i32
        %mul3A_518 = arith.muli %scan3A_213, %mul3A_517 : i32
        %add3A_519 = arith.constant 8 : i32
        %add3A_520 = arith.addi %mul3A_518, %add3A_519 : i32
        %add3A_521 = arith.constant 1 : i32
        %add3A_522 = arith.addi %add3A_520, %add3A_521 : i32
        %get3A_523 = arith.constant 0 : i32
        %get3A_524 = arith.constant 0 : i32
        %get3A_525 = tpu.memref_slice %arg7[%scan3A_204, %get3A_523, %get3A_524] : memref<2x800x16xf32, #tpu.memory_space<vmem>> -> memref<1x800x16xf32, #tpu.memory_space<vmem>>
        %get3A_526 = tpu.memref_squeeze %get3A_525 : memref<1x800x16xf32, #tpu.memory_space<vmem>> -> memref<800x16xf32, #tpu.memory_space<vmem>>
        %get3A_527 = arith.index_cast %add3A_522 : i32 to index
        %get3A_528 = arith.constant 0 : index
        %get3A_529 = tpu.vector_load %get3A_526[%get3A_527, %get3A_528] {strides = array<i32>} : memref<800x16xf32, #tpu.memory_space<vmem>>, vector<1x16xf32>,
        %get3A_530 = vector.shape_cast %get3A_529 : vector<1x16xf32> to vector<16xf32>
        %mul3A_531 = arith.constant 16 : i32
        %mul3A_532 = arith.muli %scan3A_213, %mul3A_531 : i32
        %add3A_533 = arith.constant 8 : i32
        %add3A_534 = arith.addi %mul3A_532, %add3A_533 : i32
        %add3A_535 = arith.constant 2 : i32
        %add3A_536 = arith.addi %add3A_534, %add3A_535 : i32
        %get3A_537 = arith.constant 0 : i32
        %get3A_538 = arith.constant 0 : i32
        %get3A_539 = tpu.memref_slice %arg7[%scan3A_204, %get3A_537, %get3A_538] : memref<2x800x16xf32, #tpu.memory_space<vmem>> -> memref<1x800x16xf32, #tpu.memory_space<vmem>>
        %get3A_540 = tpu.memref_squeeze %get3A_539 : memref<1x800x16xf32, #tpu.memory_space<vmem>> -> memref<800x16xf32, #tpu.memory_space<vmem>>
        %get3A_541 = arith.index_cast %add3A_536 : i32 to index
        %get3A_542 = arith.constant 0 : index
        %get3A_543 = tpu.vector_load %get3A_540[%get3A_541, %get3A_542] {strides = array<i32>} : memref<800x16xf32, #tpu.memory_space<vmem>>, vector<1x16xf32>,
        %get3A_544 = vector.shape_cast %get3A_543 : vector<1x16xf32> to vector<16xf32>
        %mul3A_545 = arith.constant 16 : i32
        %mul3A_546 = arith.muli %scan3A_213, %mul3A_545 : i32
        %add3A_547 = arith.constant 8 : i32
        %add3A_548 = arith.addi %mul3A_546, %add3A_547 : i32
        %add3A_549 = arith.constant 3 : i32
        %add3A_550 = arith.addi %add3A_548, %add3A_549 : i32
        %get3A_551 = arith.constant 0 : i32
        %get3A_552 = arith.constant 0 : i32
        %get3A_553 = tpu.memref_slice %arg7[%scan3A_204, %get3A_551, %get3A_552] : memref<2x800x16xf32, #tpu.memory_space<vmem>> -> memref<1x800x16xf32, #tpu.memory_space<vmem>>
        %get3A_554 = tpu.memref_squeeze %get3A_553 : memref<1x800x16xf32, #tpu.memory_space<vmem>> -> memref<800x16xf32, #tpu.memory_space<vmem>>
        %get3A_555 = arith.index_cast %add3A_550 : i32 to index
        %get3A_556 = arith.constant 0 : index
        %get3A_557 = tpu.vector_load %get3A_554[%get3A_555, %get3A_556] {strides = array<i32>} : memref<800x16xf32, #tpu.memory_space<vmem>>, vector<1x16xf32>,
        %get3A_558 = vector.shape_cast %get3A_557 : vector<1x16xf32> to vector<16xf32>
        %eq3A_559 = arith.cmpi eq, %squeeze3A_498, %squeeze3A_496 : i32
        %max3A_560 = arith.maximumf %get3A_516, %get3A_530 : vector<16xf32>
        %select_n3A_561 = arith.select %eq3A_559, %max3A_560, %get3A_516 : vector<16xf32>
        %jit3A_562 = arith.constant 5000 : i32
        %select_n3A_563 = arith.select %eq3A_559, %jit3A_562, %squeeze3A_498 : i32
        %eq3A_564 = arith.cmpi eq, %squeeze3A_500, %squeeze3A_496 : i32
        %max3A_565 = arith.maximumf %select_n3A_561, %get3A_544 : vector<16xf32>
        %select_n3A_566 = arith.select %eq3A_564, %max3A_565, %select_n3A_561 : vector<16xf32>
        %jit3A_567 = arith.constant 5000 : i32
        %select_n3A_568 = arith.select %eq3A_564, %jit3A_567, %squeeze3A_500 : i32
        %eq3A_569 = arith.cmpi eq, %squeeze3A_502, %squeeze3A_496 : i32
        %max3A_570 = arith.maximumf %select_n3A_566, %get3A_558 : vector<16xf32>
        %select_n3A_571 = arith.select %eq3A_569, %max3A_570, %select_n3A_566 : vector<16xf32>
        %jit3A_572 = arith.constant 5000 : i32
        %select_n3A_573 = arith.select %eq3A_569, %jit3A_572, %squeeze3A_502 : i32
        %eq3A_574 = arith.cmpi eq, %select_n3A_568, %select_n3A_563 : i32
        %max3A_575 = arith.maximumf %get3A_530, %get3A_544 : vector<16xf32>
        %select_n3A_576 = arith.select %eq3A_574, %max3A_575, %get3A_530 : vector<16xf32>
        %jit3A_577 = arith.constant 5000 : i32
        %select_n3A_578 = arith.select %eq3A_574, %jit3A_577, %select_n3A_568 : i32
        %eq3A_579 = arith.cmpi eq, %select_n3A_573, %select_n3A_563 : i32
        %max3A_580 = arith.maximumf %select_n3A_576, %get3A_558 : vector<16xf32>
        %select_n3A_581 = arith.select %eq3A_579, %max3A_580, %select_n3A_576 : vector<16xf32>
        %jit3A_582 = arith.constant 5000 : i32
        %select_n3A_583 = arith.select %eq3A_579, %jit3A_582, %select_n3A_573 : i32
        %eq3A_584 = arith.cmpi eq, %select_n3A_583, %select_n3A_578 : i32
        %max3A_585 = arith.maximumf %get3A_544, %get3A_558 : vector<16xf32>
        %select_n3A_586 = arith.select %eq3A_584, %max3A_585, %get3A_544 : vector<16xf32>
        %jit3A_587 = arith.constant 5000 : i32
        %select_n3A_588 = arith.select %eq3A_584, %jit3A_587, %select_n3A_583 : i32
        %get3A_589 = arith.index_cast %squeeze3A_496 : i32 to index
        %get3A_590 = arith.constant 0 : index
        %get3A_591 = tpu.vector_load %arg5[%get3A_589, %get3A_590] {strides = array<i32>} : memref<5001x16xf32, #tpu.memory_space<vmem>>, vector<1x16xf32>,
        %get3A_592 = vector.shape_cast %get3A_591 : vector<1x16xf32> to vector<16xf32>
        %max3A_593 = arith.maximumf %get3A_592, %select_n3A_571 : vector<16xf32>
        %get3A_594 = arith.index_cast %select_n3A_563 : i32 to index
        %get3A_595 = arith.constant 0 : index
        %get3A_596 = tpu.vector_load %arg5[%get3A_594, %get3A_595] {strides = array<i32>} : memref<5001x16xf32, #tpu.memory_space<vmem>>, vector<1x16xf32>,
        %get3A_597 = vector.shape_cast %get3A_596 : vector<1x16xf32> to vector<16xf32>
        %max3A_598 = arith.maximumf %get3A_597, %select_n3A_581 : vector<16xf32>
        %get3A_599 = arith.index_cast %select_n3A_578 : i32 to index
        %get3A_600 = arith.constant 0 : index
        %get3A_601 = tpu.vector_load %arg5[%get3A_599, %get3A_600] {strides = array<i32>} : memref<5001x16xf32, #tpu.memory_space<vmem>>, vector<1x16xf32>,
        %get3A_602 = vector.shape_cast %get3A_601 : vector<1x16xf32> to vector<16xf32>
        %max3A_603 = arith.maximumf %get3A_602, %select_n3A_586 : vector<16xf32>
        %get3A_604 = arith.index_cast %select_n3A_588 : i32 to index
        %get3A_605 = arith.constant 0 : index
        %get3A_606 = tpu.vector_load %arg5[%get3A_604, %get3A_605] {strides = array<i32>} : memref<5001x16xf32, #tpu.memory_space<vmem>>, vector<1x16xf32>,
        %get3A_607 = vector.shape_cast %get3A_606 : vector<1x16xf32> to vector<16xf32>
        %max3A_608 = arith.maximumf %get3A_607, %get3A_558 : vector<16xf32>
        %swap3A_609 = arith.index_cast %squeeze3A_496 : i32 to index
        %swap3A_610 = arith.constant 0 : index
        %swap3A_611 = tpu.vector_load %arg5[%swap3A_609, %swap3A_610] {strides = array<i32>} : memref<5001x16xf32, #tpu.memory_space<vmem>>, vector<1x16xf32>,
        %swap3A_612 = vector.shape_cast %swap3A_611 : vector<1x16xf32> to vector<16xf32>
        %swap3A_613 = vector.shape_cast %max3A_593 : vector<16xf32> to vector<1x16xf32>
        tpu.vector_store %arg5[%swap3A_609, %swap3A_610], %swap3A_613 {strides = array<i32>} : memref<5001x16xf32, #tpu.memory_space<vmem>>, vector<1x16xf32>,
        %swap3A_614 = arith.index_cast %select_n3A_563 : i32 to index
        %swap3A_615 = arith.constant 0 : index
        %swap3A_616 = tpu.vector_load %arg5[%swap3A_614, %swap3A_615] {strides = array<i32>} : memref<5001x16xf32, #tpu.memory_space<vmem>>, vector<1x16xf32>,
        %swap3A_617 = vector.shape_cast %swap3A_616 : vector<1x16xf32> to vector<16xf32>
        %swap3A_618 = vector.shape_cast %max3A_598 : vector<16xf32> to vector<1x16xf32>
        tpu.vector_store %arg5[%swap3A_614, %swap3A_615], %swap3A_618 {strides = array<i32>} : memref<5001x16xf32, #tpu.memory_space<vmem>>, vector<1x16xf32>,
        %swap3A_619 = arith.index_cast %select_n3A_578 : i32 to index
        %swap3A_620 = arith.constant 0 : index
        %swap3A_621 = tpu.vector_load %arg5[%swap3A_619, %swap3A_620] {strides = array<i32>} : memref<5001x16xf32, #tpu.memory_space<vmem>>, vector<1x16xf32>,
        %swap3A_622 = vector.shape_cast %swap3A_621 : vector<1x16xf32> to vector<16xf32>
        %swap3A_623 = vector.shape_cast %max3A_603 : vector<16xf32> to vector<1x16xf32>
        tpu.vector_store %arg5[%swap3A_619, %swap3A_620], %swap3A_623 {strides = array<i32>} : memref<5001x16xf32, #tpu.memory_space<vmem>>, vector<1x16xf32>,
        %swap3A_624 = arith.index_cast %select_n3A_588 : i32 to index
        %swap3A_625 = arith.constant 0 : index
        %swap3A_626 = tpu.vector_load %arg5[%swap3A_624, %swap3A_625] {strides = array<i32>} : memref<5001x16xf32, #tpu.memory_space<vmem>>, vector<1x16xf32>,
        %swap3A_627 = vector.shape_cast %swap3A_626 : vector<1x16xf32> to vector<16xf32>
        %swap3A_628 = vector.shape_cast %max3A_608 : vector<16xf32> to vector<1x16xf32>
        tpu.vector_store %arg5[%swap3A_624, %swap3A_625], %swap3A_628 {strides = array<i32>} : memref<5001x16xf32, #tpu.memory_space<vmem>>, vector<1x16xf32>,
        %slice3A_629 = vector.extract_strided_slice %select_n3A_231 {offsets = [12], sizes = [1], strides = [1]} : vector<16xi32> to vector<1xi32>
        %squeeze3A_630 = vector.extract %slice3A_629[0] : i32 from vector<1xi32>
        %slice3A_631 = vector.extract_strided_slice %select_n3A_231 {offsets = [13], sizes = [1], strides = [1]} : vector<16xi32> to vector<1xi32>
        %squeeze3A_632 = vector.extract %slice3A_631[0] : i32 from vector<1xi32>
        %slice3A_633 = vector.extract_strided_slice %select_n3A_231 {offsets = [14], sizes = [1], strides = [1]} : vector<16xi32> to vector<1xi32>
        %squeeze3A_634 = vector.extract %slice3A_633[0] : i32 from vector<1xi32>
        %slice3A_635 = vector.extract_strided_slice %select_n3A_231 {offsets = [15], sizes = [1], strides = [1]} : vector<16xi32> to vector<1xi32>
        %squeeze3A_636 = vector.extract %slice3A_635[0] : i32 from vector<1xi32>
        %mul3A_637 = arith.constant 16 : i32
        %mul3A_638 = arith.muli %scan3A_213, %mul3A_637 : i32
        %add3A_639 = arith.constant 12 : i32
        %add3A_640 = arith.addi %mul3A_638, %add3A_639 : i32
        %add3A_641 = arith.constant 0 : i32
        %add3A_642 = arith.addi %add3A_640, %add3A_641 : i32
        %get3A_643 = arith.constant 0 : i32
        %get3A_644 = arith.constant 0 : i32
        %get3A_645 = tpu.memref_slice %arg7[%scan3A_204, %get3A_643, %get3A_644] : memref<2x800x16xf32, #tpu.memory_space<vmem>> -> memref<1x800x16xf32, #tpu.memory_space<vmem>>
        %get3A_646 = tpu.memref_squeeze %get3A_645 : memref<1x800x16xf32, #tpu.memory_space<vmem>> -> memref<800x16xf32, #tpu.memory_space<vmem>>
        %get3A_647 = arith.index_cast %add3A_642 : i32 to index
        %get3A_648 = arith.constant 0 : index
        %get3A_649 = tpu.vector_load %get3A_646[%get3A_647, %get3A_648] {strides = array<i32>} : memref<800x16xf32, #tpu.memory_space<vmem>>, vector<1x16xf32>,
        %get3A_650 = vector.shape_cast %get3A_649 : vector<1x16xf32> to vector<16xf32>
        %mul3A_651 = arith.constant 16 : i32
        %mul3A_652 = arith.muli %scan3A_213, %mul3A_651 : i32
        %add3A_653 = arith.constant 12 : i32
        %add3A_654 = arith.addi %mul3A_652, %add3A_653 : i32
        %add3A_655 = arith.constant 1 : i32
        %add3A_656 = arith.addi %add3A_654, %add3A_655 : i32
        %get3A_657 = arith.constant 0 : i32
        %get3A_658 = arith.constant 0 : i32
        %get3A_659 = tpu.memref_slice %arg7[%scan3A_204, %get3A_657, %get3A_658] : memref<2x800x16xf32, #tpu.memory_space<vmem>> -> memref<1x800x16xf32, #tpu.memory_space<vmem>>
        %get3A_660 = tpu.memref_squeeze %get3A_659 : memref<1x800x16xf32, #tpu.memory_space<vmem>> -> memref<800x16xf32, #tpu.memory_space<vmem>>
        %get3A_661 = arith.index_cast %add3A_656 : i32 to index
        %get3A_662 = arith.constant 0 : index
        %get3A_663 = tpu.vector_load %get3A_660[%get3A_661, %get3A_662] {strides = array<i32>} : memref<800x16xf32, #tpu.memory_space<vmem>>, vector<1x16xf32>,
        %get3A_664 = vector.shape_cast %get3A_663 : vector<1x16xf32> to vector<16xf32>
        %mul3A_665 = arith.constant 16 : i32
        %mul3A_666 = arith.muli %scan3A_213, %mul3A_665 : i32
        %add3A_667 = arith.constant 12 : i32
        %add3A_668 = arith.addi %mul3A_666, %add3A_667 : i32
        %add3A_669 = arith.constant 2 : i32
        %add3A_670 = arith.addi %add3A_668, %add3A_669 : i32
        %get3A_671 = arith.constant 0 : i32
        %get3A_672 = arith.constant 0 : i32
        %get3A_673 = tpu.memref_slice %arg7[%scan3A_204, %get3A_671, %get3A_672] : memref<2x800x16xf32, #tpu.memory_space<vmem>> -> memref<1x800x16xf32, #tpu.memory_space<vmem>>
        %get3A_674 = tpu.memref_squeeze %get3A_673 : memref<1x800x16xf32, #tpu.memory_space<vmem>> -> memref<800x16xf32, #tpu.memory_space<vmem>>
        %get3A_675 = arith.index_cast %add3A_670 : i32 to index
        %get3A_676 = arith.constant 0 : index
        %get3A_677 = tpu.vector_load %get3A_674[%get3A_675, %get3A_676] {strides = array<i32>} : memref<800x16xf32, #tpu.memory_space<vmem>>, vector<1x16xf32>,
        %get3A_678 = vector.shape_cast %get3A_677 : vector<1x16xf32> to vector<16xf32>
        %mul3A_679 = arith.constant 16 : i32
        %mul3A_680 = arith.muli %scan3A_213, %mul3A_679 : i32
        %add3A_681 = arith.constant 12 : i32
        %add3A_682 = arith.addi %mul3A_680, %add3A_681 : i32
        %add3A_683 = arith.constant 3 : i32
        %add3A_684 = arith.addi %add3A_682, %add3A_683 : i32
        %get3A_685 = arith.constant 0 : i32
        %get3A_686 = arith.constant 0 : i32
        %get3A_687 = tpu.memref_slice %arg7[%scan3A_204, %get3A_685, %get3A_686] : memref<2x800x16xf32, #tpu.memory_space<vmem>> -> memref<1x800x16xf32, #tpu.memory_space<vmem>>
        %get3A_688 = tpu.memref_squeeze %get3A_687 : memref<1x800x16xf32, #tpu.memory_space<vmem>> -> memref<800x16xf32, #tpu.memory_space<vmem>>
        %get3A_689 = arith.index_cast %add3A_684 : i32 to index
        %get3A_690 = arith.constant 0 : index
        %get3A_691 = tpu.vector_load %get3A_688[%get3A_689, %get3A_690] {strides = array<i32>} : memref<800x16xf32, #tpu.memory_space<vmem>>, vector<1x16xf32>,
        %get3A_692 = vector.shape_cast %get3A_691 : vector<1x16xf32> to vector<16xf32>
        %eq3A_693 = arith.cmpi eq, %squeeze3A_632, %squeeze3A_630 : i32
        %max3A_694 = arith.maximumf %get3A_650, %get3A_664 : vector<16xf32>
        %select_n3A_695 = arith.select %eq3A_693, %max3A_694, %get3A_650 : vector<16xf32>
        %jit3A_696 = arith.constant 5000 : i32
        %select_n3A_697 = arith.select %eq3A_693, %jit3A_696, %squeeze3A_632 : i32
        %eq3A_698 = arith.cmpi eq, %squeeze3A_634, %squeeze3A_630 : i32
        %max3A_699 = arith.maximumf %select_n3A_695, %get3A_678 : vector<16xf32>
        %select_n3A_700 = arith.select %eq3A_698, %max3A_699, %select_n3A_695 : vector<16xf32>
        %jit3A_701 = arith.constant 5000 : i32
        %select_n3A_702 = arith.select %eq3A_698, %jit3A_701, %squeeze3A_634 : i32
        %eq3A_703 = arith.cmpi eq, %squeeze3A_636, %squeeze3A_630 : i32
        %max3A_704 = arith.maximumf %select_n3A_700, %get3A_692 : vector<16xf32>
        %select_n3A_705 = arith.select %eq3A_703, %max3A_704, %select_n3A_700 : vector<16xf32>
        %jit3A_706 = arith.constant 5000 : i32
        %select_n3A_707 = arith.select %eq3A_703, %jit3A_706, %squeeze3A_636 : i32
        %eq3A_708 = arith.cmpi eq, %select_n3A_702, %select_n3A_697 : i32
        %max3A_709 = arith.maximumf %get3A_664, %get3A_678 : vector<16xf32>
        %select_n3A_710 = arith.select %eq3A_708, %max3A_709, %get3A_664 : vector<16xf32>
        %jit3A_711 = arith.constant 5000 : i32
        %select_n3A_712 = arith.select %eq3A_708, %jit3A_711, %select_n3A_702 : i32
        %eq3A_713 = arith.cmpi eq, %select_n3A_707, %select_n3A_697 : i32
        %max3A_714 = arith.maximumf %select_n3A_710, %get3A_692 : vector<16xf32>
        %select_n3A_715 = arith.select %eq3A_713, %max3A_714, %select_n3A_710 : vector<16xf32>
        %jit3A_716 = arith.constant 5000 : i32
        %select_n3A_717 = arith.select %eq3A_713, %jit3A_716, %select_n3A_707 : i32
        %eq3A_718 = arith.cmpi eq, %select_n3A_717, %select_n3A_712 : i32
        %max3A_719 = arith.maximumf %get3A_678, %get3A_692 : vector<16xf32>
        %select_n3A_720 = arith.select %eq3A_718, %max3A_719, %get3A_678 : vector<16xf32>
        %jit3A_721 = arith.constant 5000 : i32
        %select_n3A_722 = arith.select %eq3A_718, %jit3A_721, %select_n3A_717 : i32
        %get3A_723 = arith.index_cast %squeeze3A_630 : i32 to index
        %get3A_724 = arith.constant 0 : index
        %get3A_725 = tpu.vector_load %arg5[%get3A_723, %get3A_724] {strides = array<i32>} : memref<5001x16xf32, #tpu.memory_space<vmem>>, vector<1x16xf32>,
        %get3A_726 = vector.shape_cast %get3A_725 : vector<1x16xf32> to vector<16xf32>
        %max3A_727 = arith.maximumf %get3A_726, %select_n3A_705 : vector<16xf32>
        %get3A_728 = arith.index_cast %select_n3A_697 : i32 to index
        %get3A_729 = arith.constant 0 : index
        %get3A_730 = tpu.vector_load %arg5[%get3A_728, %get3A_729] {strides = array<i32>} : memref<5001x16xf32, #tpu.memory_space<vmem>>, vector<1x16xf32>,
        %get3A_731 = vector.shape_cast %get3A_730 : vector<1x16xf32> to vector<16xf32>
        %max3A_732 = arith.maximumf %get3A_731, %select_n3A_715 : vector<16xf32>
        %get3A_733 = arith.index_cast %select_n3A_712 : i32 to index
        %get3A_734 = arith.constant 0 : index
        %get3A_735 = tpu.vector_load %arg5[%get3A_733, %get3A_734] {strides = array<i32>} : memref<5001x16xf32, #tpu.memory_space<vmem>>, vector<1x16xf32>,
        %get3A_736 = vector.shape_cast %get3A_735 : vector<1x16xf32> to vector<16xf32>
        %max3A_737 = arith.maximumf %get3A_736, %select_n3A_720 : vector<16xf32>
        %get3A_738 = arith.index_cast %select_n3A_722 : i32 to index
        %get3A_739 = arith.constant 0 : index
        %get3A_740 = tpu.vector_load %arg5[%get3A_738, %get3A_739] {strides = array<i32>} : memref<5001x16xf32, #tpu.memory_space<vmem>>, vector<1x16xf32>,
        %get3A_741 = vector.shape_cast %get3A_740 : vector<1x16xf32> to vector<16xf32>
        %max3A_742 = arith.maximumf %get3A_741, %get3A_692 : vector<16xf32>
        %swap3A_743 = arith.index_cast %squeeze3A_630 : i32 to index
        %swap3A_744 = arith.constant 0 : index
        %swap3A_745 = tpu.vector_load %arg5[%swap3A_743, %swap3A_744] {strides = array<i32>} : memref<5001x16xf32, #tpu.memory_space<vmem>>, vector<1x16xf32>,
        %swap3A_746 = vector.shape_cast %swap3A_745 : vector<1x16xf32> to vector<16xf32>
        %swap3A_747 = vector.shape_cast %max3A_727 : vector<16xf32> to vector<1x16xf32>
        tpu.vector_store %arg5[%swap3A_743, %swap3A_744], %swap3A_747 {strides = array<i32>} : memref<5001x16xf32, #tpu.memory_space<vmem>>, vector<1x16xf32>,
        %swap3A_748 = arith.index_cast %select_n3A_697 : i32 to index
        %swap3A_749 = arith.constant 0 : index
        %swap3A_750 = tpu.vector_load %arg5[%swap3A_748, %swap3A_749] {strides = array<i32>} : memref<5001x16xf32, #tpu.memory_space<vmem>>, vector<1x16xf32>,
        %swap3A_751 = vector.shape_cast %swap3A_750 : vector<1x16xf32> to vector<16xf32>
        %swap3A_752 = vector.shape_cast %max3A_732 : vector<16xf32> to vector<1x16xf32>
        tpu.vector_store %arg5[%swap3A_748, %swap3A_749], %swap3A_752 {strides = array<i32>} : memref<5001x16xf32, #tpu.memory_space<vmem>>, vector<1x16xf32>,
        %swap3A_753 = arith.index_cast %select_n3A_712 : i32 to index
        %swap3A_754 = arith.constant 0 : index
        %swap3A_755 = tpu.vector_load %arg5[%swap3A_753, %swap3A_754] {strides = array<i32>} : memref<5001x16xf32, #tpu.memory_space<vmem>>, vector<1x16xf32>,
        %swap3A_756 = vector.shape_cast %swap3A_755 : vector<1x16xf32> to vector<16xf32>
        %swap3A_757 = vector.shape_cast %max3A_737 : vector<16xf32> to vector<1x16xf32>
        tpu.vector_store %arg5[%swap3A_753, %swap3A_754], %swap3A_757 {strides = array<i32>} : memref<5001x16xf32, #tpu.memory_space<vmem>>, vector<1x16xf32>,
        %swap3A_758 = arith.index_cast %select_n3A_722 : i32 to index
        %swap3A_759 = arith.constant 0 : index
        %swap3A_760 = tpu.vector_load %arg5[%swap3A_758, %swap3A_759] {strides = array<i32>} : memref<5001x16xf32, #tpu.memory_space<vmem>>, vector<1x16xf32>,
        %swap3A_761 = vector.shape_cast %swap3A_760 : vector<1x16xf32> to vector<16xf32>
        %swap3A_762 = vector.shape_cast %max3A_742 : vector<16xf32> to vector<1x16xf32>
        tpu.vector_store %arg5[%swap3A_758, %swap3A_759], %swap3A_762 {strides = array<i32>} : memref<5001x16xf32, #tpu.memory_space<vmem>>, vector<1x16xf32>,
        %scan3A_763 = arith.constant 0 : i32
        scf.yield %scan3A_763 : i32
      }
      %scan3A_211 = arith.constant 50 : i32
      %scan3A_212 = arith.constant 0 : i32
      scf.yield %scan3A_212 : i32
    }
    %scan3A_69 = arith.constant 25 : i32
    "tpu.region"() ({
      %run_scoped3A = tpu.sem_alloc : memref<!tpu.dma_semaphore, #tpu.memory_space<semaphore_mem>>
      %dma_start3A_70 = arith.constant 0 : i32
      %dma_start3A_71 = arith.constant 0 : i32
      %dma_start3A_72 = tpu.memref_slice %arg5[%dma_start3A_70, %dma_start3A_71] : memref<5001x16xf32, #tpu.memory_space<vmem>> -> memref<5000x16xf32, #tpu.memory_space<vmem>>
      %dma_start3A_73 = arith.constant 0 : i32
      %dma_start3A_74 = arith.constant 0 : i32
      %dma_start3A_75 = tpu.memref_slice %arg4[%add3A, %dma_start3A_73, %dma_start3A_74] : memref<32x5000x16xf32, #tpu.memory_space<hbm>> -> memref<1x5000x16xf32, #tpu.memory_space<hbm>>
      %dma_start3A_76 = tpu.memref_squeeze %dma_start3A_75 : memref<1x5000x16xf32, #tpu.memory_space<hbm>> -> memref<5000x16xf32, #tpu.memory_space<hbm>>
      %dma_start3A_77 = arith.constant 0 : i32
      %dma_start3A_78 = arith.constant 0 : i32
      %dma_start3A_79 = tpu.memref_slice %arg4[%add3A, %dma_start3A_77, %dma_start3A_78] : memref<32x5000x16xf32, #tpu.memory_space<hbm>> -> memref<1x5000x16xf32, #tpu.memory_space<hbm>>
      %dma_start3A_80 = tpu.memref_squeeze %dma_start3A_79 : memref<1x5000x16xf32, #tpu.memory_space<hbm>> -> memref<5000x16xf32, #tpu.memory_space<hbm>>
      %dma_start3A_81 = arith.constant 0 : i32
      %dma_start3A_82 = arith.constant 0 : i32
      %dma_start3A_83 = tpu.memref_slice %arg5[%dma_start3A_81, %dma_start3A_82] : memref<5001x16xf32, #tpu.memory_space<vmem>> -> memref<5000x16xf32, #tpu.memory_space<vmem>>
      tpu.enqueue_dma source(%dma_start3A_83 : memref<5000x16xf32, #tpu.memory_space<vmem>>) target(%dma_start3A_80 : memref<5000x16xf32, #tpu.memory_space<hbm>>) target_semaphore(%run_scoped3A : memref<!tpu.dma_semaphore, #tpu.memory_space<semaphore_mem>>)
      %dma_wait3A = arith.constant 0 : i32
      %dma_wait3A_84 = arith.constant 0 : i32
      %dma_wait3A_85 = tpu.memref_slice %arg5[%dma_wait3A, %dma_wait3A_84] : memref<5001x16xf32, #tpu.memory_space<vmem>> -> memref<5000x16xf32, #tpu.memory_space<vmem>>
      %dma_wait3A_86 = arith.constant 0 : i32
      %dma_wait3A_87 = arith.constant 0 : i32
      %dma_wait3A_88 = tpu.memref_slice %arg4[%add3A, %dma_wait3A_86, %dma_wait3A_87] : memref<32x5000x16xf32, #tpu.memory_space<hbm>> -> memref<1x5000x16xf32, #tpu.memory_space<hbm>>
      %dma_wait3A_89 = tpu.memref_squeeze %dma_wait3A_88 : memref<1x5000x16xf32, #tpu.memory_space<hbm>> -> memref<5000x16xf32, #tpu.memory_space<hbm>>
      %dma_wait3A_90 = arith.constant 0 : i32
      %dma_wait3A_91 = arith.constant 0 : i32
      %dma_wait3A_92 = tpu.memref_slice %arg4[%add3A, %dma_wait3A_90, %dma_wait3A_91] : memref<32x5000x16xf32, #tpu.memory_space<hbm>> -> memref<1x5000x16xf32, #tpu.memory_space<hbm>>
      %dma_wait3A_93 = tpu.memref_squeeze %dma_wait3A_92 : memref<1x5000x16xf32, #tpu.memory_space<hbm>> -> memref<5000x16xf32, #tpu.memory_space<hbm>>
      %dma_wait3A_94 = arith.constant 0 : i32
      %dma_wait3A_95 = arith.constant 0 : i32
      %dma_wait3A_96 = tpu.memref_slice %arg5[%dma_wait3A_94, %dma_wait3A_95] : memref<5001x16xf32, #tpu.memory_space<vmem>> -> memref<5000x16xf32, #tpu.memory_space<vmem>>
      tpu.wait_dma2 semaphore(%run_scoped3A : memref<!tpu.dma_semaphore, #tpu.memory_space<semaphore_mem>>) src(%dma_wait3A_96 : memref<5000x16xf32, #tpu.memory_space<vmem>>) dst(%dma_wait3A_93 : memref<5000x16xf32, #tpu.memory_space<hbm>>)
      tpu.yield
    }) : () -> ()
    return
  }
}

#map = affine_map<(d0, d1) -> (0, 0)>
#map1 = affine_map<(d0, d1) -> (0)>
module attributes {stable_mosaic.version = 14 : i64} {
  func.func @_gather_body(%arg0: i32, %arg1: i32, %arg2: memref<250000x64xf32, #tpu.memory_space<hbm>>, %arg3: memref<640000xi32, #tpu.memory_space<hbm>>, %arg4: memref<640000x64xf32, #tpu.memory_space<hbm>>, %arg5: memref<400xi32, #tpu.memory_space<vmem>>, %arg6: memref<400xi32, #tpu.memory_space<vmem>>, %arg7: memref<400x64xf32, #tpu.memory_space<vmem>>, %arg8: memref<400x64xf32, #tpu.memory_space<vmem>>, %arg9: memref<!tpu.dma_semaphore, #tpu.memory_space<semaphore_mem>>, %arg10: memref<!tpu.dma_semaphore, #tpu.memory_space<semaphore_mem>>) attributes {dimension_semantics = [#tpu.dimension_semantics<core_parallel>, #tpu.dimension_semantics<subcore_parallel>], iteration_bounds = array<i64: 2, 16>, scalar_prefetch = 0 : i64, scratch_operands = 6 : i64, tpu.core_type = #tpu.core_type<sc_vector_subcore>, window_params = [{transform_indices = #map}, {transform_indices = #map1}, {transform_indices = #map}]} {
    %mul3A = arith.constant 2 : i32
    %mul3A_0 = arith.muli %arg1, %mul3A : i32
    %add3A = arith.addi %mul3A_0, %arg0 : i32
    %mul3A_1 = arith.constant 20000 : i32
    %mul3A_2 = arith.muli %add3A, %mul3A_1 : i32
    %scan3A = arith.constant 0 : i32
    %scan3A_3 = arith.constant 0 : i32
    %scan3A_4 = arith.constant 25 : i32
    %scan3A_5 = arith.addi %scan3A_3, %scan3A_4 : i32
    %scan3A_6 = arith.constant 1 : i32
    %scan3A_7 = scf.for %scan3A_9 = %scan3A_3 to %scan3A_5 step %scan3A_6 iter_args(%scan3A_10 = %scan3A) -> (i32)  : i32 {
      %mul3A_11 = arith.constant 2 : i32
      %mul3A_12 = arith.muli %mul3A_11, %scan3A_9 : i32
      %mul3A_13 = arith.constant 400 : i32
      %mul3A_14 = arith.muli %mul3A_12, %mul3A_13 : i32
      %add3A_15 = arith.addi %mul3A_2, %mul3A_14 : i32
      %add3A_16 = arith.constant 400 : i32
      %add3A_17 = arith.addi %add3A_15, %add3A_16 : i32
      "tpu.region"() ({
        %run_scoped3A = tpu.sem_alloc : memref<!tpu.dma_semaphore, #tpu.memory_space<semaphore_mem>>
        %dma_start3A_29 = tpu.memref_slice %arg3[%add3A_15] : memref<640000xi32, #tpu.memory_space<hbm>> -> memref<400xi32, #tpu.memory_space<hbm>>
        %dma_start3A_30 = tpu.memref_slice %arg3[%add3A_15] : memref<640000xi32, #tpu.memory_space<hbm>> -> memref<400xi32, #tpu.memory_space<hbm>>
        tpu.enqueue_dma source(%dma_start3A_30 : memref<400xi32, #tpu.memory_space<hbm>>) target(%arg5 : memref<400xi32, #tpu.memory_space<vmem>>) target_semaphore(%run_scoped3A : memref<!tpu.dma_semaphore, #tpu.memory_space<semaphore_mem>>)
        %dma_wait3A_31 = tpu.memref_slice %arg3[%add3A_15] : memref<640000xi32, #tpu.memory_space<hbm>> -> memref<400xi32, #tpu.memory_space<hbm>>
        %dma_wait3A_32 = tpu.memref_slice %arg3[%add3A_15] : memref<640000xi32, #tpu.memory_space<hbm>> -> memref<400xi32, #tpu.memory_space<hbm>>
        tpu.wait_dma2 semaphore(%run_scoped3A : memref<!tpu.dma_semaphore, #tpu.memory_space<semaphore_mem>>) src(%dma_wait3A_32 : memref<400xi32, #tpu.memory_space<hbm>>) dst(%arg5 : memref<400xi32, #tpu.memory_space<vmem>>)
        tpu.yield
      }) : () -> ()
      %dma_start3A = arith.constant 0 : i32
      %dma_start3A_18 = arith.constant 0 : i32
      %dma_start3A_19 = tpu.memref_slice %arg2[%dma_start3A, %dma_start3A_18] : memref<250000x64xf32, #tpu.memory_space<hbm>> -> memref<250000x64xf32, #tpu.memory_space<hbm>>
      tpu.enqueue_indirect_dma source(%dma_start3A_19 : memref<250000x64xf32, #tpu.memory_space<hbm>>) target(%arg7 : memref<400x64xf32, #tpu.memory_space<vmem>>) offsets(%arg5 : memref<400xi32, #tpu.memory_space<vmem>>) semaphore(%arg9 : memref<!tpu.dma_semaphore, #tpu.memory_space<semaphore_mem>>)
      "tpu.region"() ({
        %run_scoped3A = tpu.sem_alloc : memref<!tpu.dma_semaphore, #tpu.memory_space<semaphore_mem>>
        %dma_start3A_29 = tpu.memref_slice %arg3[%add3A_17] : memref<640000xi32, #tpu.memory_space<hbm>> -> memref<400xi32, #tpu.memory_space<hbm>>
        %dma_start3A_30 = tpu.memref_slice %arg3[%add3A_17] : memref<640000xi32, #tpu.memory_space<hbm>> -> memref<400xi32, #tpu.memory_space<hbm>>
        tpu.enqueue_dma source(%dma_start3A_30 : memref<400xi32, #tpu.memory_space<hbm>>) target(%arg6 : memref<400xi32, #tpu.memory_space<vmem>>) target_semaphore(%run_scoped3A : memref<!tpu.dma_semaphore, #tpu.memory_space<semaphore_mem>>)
        %dma_wait3A_31 = tpu.memref_slice %arg3[%add3A_17] : memref<640000xi32, #tpu.memory_space<hbm>> -> memref<400xi32, #tpu.memory_space<hbm>>
        %dma_wait3A_32 = tpu.memref_slice %arg3[%add3A_17] : memref<640000xi32, #tpu.memory_space<hbm>> -> memref<400xi32, #tpu.memory_space<hbm>>
        tpu.wait_dma2 semaphore(%run_scoped3A : memref<!tpu.dma_semaphore, #tpu.memory_space<semaphore_mem>>) src(%dma_wait3A_32 : memref<400xi32, #tpu.memory_space<hbm>>) dst(%arg6 : memref<400xi32, #tpu.memory_space<vmem>>)
        tpu.yield
      }) : () -> ()
      %dma_start3A_20 = arith.constant 0 : i32
      %dma_start3A_21 = arith.constant 0 : i32
      %dma_start3A_22 = tpu.memref_slice %arg2[%dma_start3A_20, %dma_start3A_21] : memref<250000x64xf32, #tpu.memory_space<hbm>> -> memref<250000x64xf32, #tpu.memory_space<hbm>>
      tpu.enqueue_indirect_dma source(%dma_start3A_22 : memref<250000x64xf32, #tpu.memory_space<hbm>>) target(%arg8 : memref<400x64xf32, #tpu.memory_space<vmem>>) offsets(%arg6 : memref<400xi32, #tpu.memory_space<vmem>>) semaphore(%arg10 : memref<!tpu.dma_semaphore, #tpu.memory_space<semaphore_mem>>)
      %dma_wait3A = arith.constant 0 : i32
      %dma_wait3A_23 = arith.constant 0 : i32
      %dma_wait3A_24 = tpu.memref_slice %arg2[%dma_wait3A, %dma_wait3A_23] : memref<250000x64xf32, #tpu.memory_space<hbm>> -> memref<250000x64xf32, #tpu.memory_space<hbm>>
      tpu.wait_indirect_dma semaphore(%arg9 : memref<!tpu.dma_semaphore, #tpu.memory_space<semaphore_mem>>) src(%dma_wait3A_24 : memref<250000x64xf32, #tpu.memory_space<hbm>>) dst(%arg7 : memref<400x64xf32, #tpu.memory_space<vmem>>)
      "tpu.region"() ({
        %run_scoped3A = tpu.sem_alloc : memref<!tpu.dma_semaphore, #tpu.memory_space<semaphore_mem>>
        %dma_start3A_29 = arith.constant 0 : i32
        %dma_start3A_30 = tpu.memref_slice %arg4[%add3A_15, %dma_start3A_29] : memref<640000x64xf32, #tpu.memory_space<hbm>> -> memref<400x64xf32, #tpu.memory_space<hbm>>
        %dma_start3A_31 = arith.constant 0 : i32
        %dma_start3A_32 = tpu.memref_slice %arg4[%add3A_15, %dma_start3A_31] : memref<640000x64xf32, #tpu.memory_space<hbm>> -> memref<400x64xf32, #tpu.memory_space<hbm>>
        tpu.enqueue_dma source(%arg7 : memref<400x64xf32, #tpu.memory_space<vmem>>) target(%dma_start3A_32 : memref<400x64xf32, #tpu.memory_space<hbm>>) target_semaphore(%run_scoped3A : memref<!tpu.dma_semaphore, #tpu.memory_space<semaphore_mem>>)
        %dma_wait3A_33 = arith.constant 0 : i32
        %dma_wait3A_34 = tpu.memref_slice %arg4[%add3A_15, %dma_wait3A_33] : memref<640000x64xf32, #tpu.memory_space<hbm>> -> memref<400x64xf32, #tpu.memory_space<hbm>>
        %dma_wait3A_35 = arith.constant 0 : i32
        %dma_wait3A_36 = tpu.memref_slice %arg4[%add3A_15, %dma_wait3A_35] : memref<640000x64xf32, #tpu.memory_space<hbm>> -> memref<400x64xf32, #tpu.memory_space<hbm>>
        tpu.wait_dma2 semaphore(%run_scoped3A : memref<!tpu.dma_semaphore, #tpu.memory_space<semaphore_mem>>) src(%arg7 : memref<400x64xf32, #tpu.memory_space<vmem>>) dst(%dma_wait3A_36 : memref<400x64xf32, #tpu.memory_space<hbm>>)
        tpu.yield
      }) : () -> ()
      %dma_wait3A_25 = arith.constant 0 : i32
      %dma_wait3A_26 = arith.constant 0 : i32
      %dma_wait3A_27 = tpu.memref_slice %arg2[%dma_wait3A_25, %dma_wait3A_26] : memref<250000x64xf32, #tpu.memory_space<hbm>> -> memref<250000x64xf32, #tpu.memory_space<hbm>>
      tpu.wait_indirect_dma semaphore(%arg10 : memref<!tpu.dma_semaphore, #tpu.memory_space<semaphore_mem>>) src(%dma_wait3A_27 : memref<250000x64xf32, #tpu.memory_space<hbm>>) dst(%arg8 : memref<400x64xf32, #tpu.memory_space<vmem>>)
      "tpu.region"() ({
        %run_scoped3A = tpu.sem_alloc : memref<!tpu.dma_semaphore, #tpu.memory_space<semaphore_mem>>
        %dma_start3A_29 = arith.constant 0 : i32
        %dma_start3A_30 = tpu.memref_slice %arg4[%add3A_17, %dma_start3A_29] : memref<640000x64xf32, #tpu.memory_space<hbm>> -> memref<400x64xf32, #tpu.memory_space<hbm>>
        %dma_start3A_31 = arith.constant 0 : i32
        %dma_start3A_32 = tpu.memref_slice %arg4[%add3A_17, %dma_start3A_31] : memref<640000x64xf32, #tpu.memory_space<hbm>> -> memref<400x64xf32, #tpu.memory_space<hbm>>
        tpu.enqueue_dma source(%arg8 : memref<400x64xf32, #tpu.memory_space<vmem>>) target(%dma_start3A_32 : memref<400x64xf32, #tpu.memory_space<hbm>>) target_semaphore(%run_scoped3A : memref<!tpu.dma_semaphore, #tpu.memory_space<semaphore_mem>>)
        %dma_wait3A_33 = arith.constant 0 : i32
        %dma_wait3A_34 = tpu.memref_slice %arg4[%add3A_17, %dma_wait3A_33] : memref<640000x64xf32, #tpu.memory_space<hbm>> -> memref<400x64xf32, #tpu.memory_space<hbm>>
        %dma_wait3A_35 = arith.constant 0 : i32
        %dma_wait3A_36 = tpu.memref_slice %arg4[%add3A_17, %dma_wait3A_35] : memref<640000x64xf32, #tpu.memory_space<hbm>> -> memref<400x64xf32, #tpu.memory_space<hbm>>
        tpu.wait_dma2 semaphore(%run_scoped3A : memref<!tpu.dma_semaphore, #tpu.memory_space<semaphore_mem>>) src(%arg8 : memref<400x64xf32, #tpu.memory_space<vmem>>) dst(%dma_wait3A_36 : memref<400x64xf32, #tpu.memory_space<hbm>>)
        tpu.yield
      }) : () -> ()
      %scan3A_28 = arith.constant 0 : i32
      scf.yield %scan3A_28 : i32
    }
    %scan3A_8 = arith.constant 25 : i32
    return
  }
}

#map = affine_map<(d0, d1) -> (0, 0)>
#map1 = affine_map<(d0, d1) -> (0)>
module attributes {stable_mosaic.version = 14 : i64} {
  func.func @_gather_body(%arg0: i32, %arg1: i32, %arg2: memref<250000x64xf32, #tpu.memory_space<hbm>>, %arg3: memref<640000xi32, #tpu.memory_space<hbm>>, %arg4: memref<640000x64xf32, #tpu.memory_space<hbm>>, %arg5: memref<400xi32, #tpu.memory_space<vmem>>, %arg6: memref<400xi32, #tpu.memory_space<vmem>>, %arg7: memref<400x64xf32, #tpu.memory_space<vmem>>, %arg8: memref<400x64xf32, #tpu.memory_space<vmem>>, %arg9: memref<!tpu.dma_semaphore, #tpu.memory_space<semaphore_mem>>, %arg10: memref<!tpu.dma_semaphore, #tpu.memory_space<semaphore_mem>>) attributes {dimension_semantics = [#tpu.dimension_semantics<core_parallel>, #tpu.dimension_semantics<subcore_parallel>], iteration_bounds = array<i64: 2, 16>, scalar_prefetch = 0 : i64, scratch_operands = 6 : i64, tpu.core_type = #tpu.core_type<sc_vector_subcore>, window_params = [{transform_indices = #map}, {transform_indices = #map1}, {transform_indices = #map}]} {
    %mul3A = arith.constant 2 : i32
    %mul3A_0 = arith.muli %arg1, %mul3A : i32
    %add3A = arith.addi %mul3A_0, %arg0 : i32
    %mul3A_1 = arith.constant 20000 : i32
    %mul3A_2 = arith.muli %add3A, %mul3A_1 : i32
    %scan3A = arith.constant 0 : i32
    %scan3A_3 = arith.constant 0 : i32
    %scan3A_4 = arith.constant 25 : i32
    %scan3A_5 = arith.addi %scan3A_3, %scan3A_4 : i32
    %scan3A_6 = arith.constant 1 : i32
    %scan3A_7 = scf.for %scan3A_9 = %scan3A_3 to %scan3A_5 step %scan3A_6 iter_args(%scan3A_10 = %scan3A) -> (i32)  : i32 {
      %mul3A_11 = arith.constant 2 : i32
      %mul3A_12 = arith.muli %mul3A_11, %scan3A_9 : i32
      %mul3A_13 = arith.constant 400 : i32
      %mul3A_14 = arith.muli %mul3A_12, %mul3A_13 : i32
      %add3A_15 = arith.addi %mul3A_2, %mul3A_14 : i32
      %add3A_16 = arith.constant 400 : i32
      %add3A_17 = arith.addi %add3A_15, %add3A_16 : i32
      "tpu.region"() ({
        %run_scoped3A = tpu.sem_alloc : memref<!tpu.dma_semaphore, #tpu.memory_space<semaphore_mem>>
        %dma_start3A_29 = tpu.memref_slice %arg3[%add3A_15] : memref<640000xi32, #tpu.memory_space<hbm>> -> memref<400xi32, #tpu.memory_space<hbm>>
        %dma_start3A_30 = tpu.memref_slice %arg3[%add3A_15] : memref<640000xi32, #tpu.memory_space<hbm>> -> memref<400xi32, #tpu.memory_space<hbm>>
        tpu.enqueue_dma source(%dma_start3A_30 : memref<400xi32, #tpu.memory_space<hbm>>) target(%arg5 : memref<400xi32, #tpu.memory_space<vmem>>) target_semaphore(%run_scoped3A : memref<!tpu.dma_semaphore, #tpu.memory_space<semaphore_mem>>)
        %dma_wait3A_31 = tpu.memref_slice %arg3[%add3A_15] : memref<640000xi32, #tpu.memory_space<hbm>> -> memref<400xi32, #tpu.memory_space<hbm>>
        %dma_wait3A_32 = tpu.memref_slice %arg3[%add3A_15] : memref<640000xi32, #tpu.memory_space<hbm>> -> memref<400xi32, #tpu.memory_space<hbm>>
        tpu.wait_dma2 semaphore(%run_scoped3A : memref<!tpu.dma_semaphore, #tpu.memory_space<semaphore_mem>>) src(%dma_wait3A_32 : memref<400xi32, #tpu.memory_space<hbm>>) dst(%arg5 : memref<400xi32, #tpu.memory_space<vmem>>)
        tpu.yield
      }) : () -> ()
      %dma_start3A = arith.constant 0 : i32
      %dma_start3A_18 = arith.constant 0 : i32
      %dma_start3A_19 = tpu.memref_slice %arg2[%dma_start3A, %dma_start3A_18] : memref<250000x64xf32, #tpu.memory_space<hbm>> -> memref<250000x64xf32, #tpu.memory_space<hbm>>
      tpu.enqueue_indirect_dma source(%dma_start3A_19 : memref<250000x64xf32, #tpu.memory_space<hbm>>) target(%arg7 : memref<400x64xf32, #tpu.memory_space<vmem>>) offsets(%arg5 : memref<400xi32, #tpu.memory_space<vmem>>) semaphore(%arg9 : memref<!tpu.dma_semaphore, #tpu.memory_space<semaphore_mem>>)
      "tpu.region"() ({
        %run_scoped3A = tpu.sem_alloc : memref<!tpu.dma_semaphore, #tpu.memory_space<semaphore_mem>>
        %dma_start3A_29 = tpu.memref_slice %arg3[%add3A_17] : memref<640000xi32, #tpu.memory_space<hbm>> -> memref<400xi32, #tpu.memory_space<hbm>>
        %dma_start3A_30 = tpu.memref_slice %arg3[%add3A_17] : memref<640000xi32, #tpu.memory_space<hbm>> -> memref<400xi32, #tpu.memory_space<hbm>>
        tpu.enqueue_dma source(%dma_start3A_30 : memref<400xi32, #tpu.memory_space<hbm>>) target(%arg6 : memref<400xi32, #tpu.memory_space<vmem>>) target_semaphore(%run_scoped3A : memref<!tpu.dma_semaphore, #tpu.memory_space<semaphore_mem>>)
        %dma_wait3A_31 = tpu.memref_slice %arg3[%add3A_17] : memref<640000xi32, #tpu.memory_space<hbm>> -> memref<400xi32, #tpu.memory_space<hbm>>
        %dma_wait3A_32 = tpu.memref_slice %arg3[%add3A_17] : memref<640000xi32, #tpu.memory_space<hbm>> -> memref<400xi32, #tpu.memory_space<hbm>>
        tpu.wait_dma2 semaphore(%run_scoped3A : memref<!tpu.dma_semaphore, #tpu.memory_space<semaphore_mem>>) src(%dma_wait3A_32 : memref<400xi32, #tpu.memory_space<hbm>>) dst(%arg6 : memref<400xi32, #tpu.memory_space<vmem>>)
        tpu.yield
      }) : () -> ()
      %dma_start3A_20 = arith.constant 0 : i32
      %dma_start3A_21 = arith.constant 0 : i32
      %dma_start3A_22 = tpu.memref_slice %arg2[%dma_start3A_20, %dma_start3A_21] : memref<250000x64xf32, #tpu.memory_space<hbm>> -> memref<250000x64xf32, #tpu.memory_space<hbm>>
      tpu.enqueue_indirect_dma source(%dma_start3A_22 : memref<250000x64xf32, #tpu.memory_space<hbm>>) target(%arg8 : memref<400x64xf32, #tpu.memory_space<vmem>>) offsets(%arg6 : memref<400xi32, #tpu.memory_space<vmem>>) semaphore(%arg10 : memref<!tpu.dma_semaphore, #tpu.memory_space<semaphore_mem>>)
      %dma_wait3A = arith.constant 0 : i32
      %dma_wait3A_23 = arith.constant 0 : i32
      %dma_wait3A_24 = tpu.memref_slice %arg2[%dma_wait3A, %dma_wait3A_23] : memref<250000x64xf32, #tpu.memory_space<hbm>> -> memref<250000x64xf32, #tpu.memory_space<hbm>>
      tpu.wait_indirect_dma semaphore(%arg9 : memref<!tpu.dma_semaphore, #tpu.memory_space<semaphore_mem>>) src(%dma_wait3A_24 : memref<250000x64xf32, #tpu.memory_space<hbm>>) dst(%arg7 : memref<400x64xf32, #tpu.memory_space<vmem>>)
      "tpu.region"() ({
        %run_scoped3A = tpu.sem_alloc : memref<!tpu.dma_semaphore, #tpu.memory_space<semaphore_mem>>
        %dma_start3A_29 = arith.constant 0 : i32
        %dma_start3A_30 = tpu.memref_slice %arg4[%add3A_15, %dma_start3A_29] : memref<640000x64xf32, #tpu.memory_space<hbm>> -> memref<400x64xf32, #tpu.memory_space<hbm>>
        %dma_start3A_31 = arith.constant 0 : i32
        %dma_start3A_32 = tpu.memref_slice %arg4[%add3A_15, %dma_start3A_31] : memref<640000x64xf32, #tpu.memory_space<hbm>> -> memref<400x64xf32, #tpu.memory_space<hbm>>
        tpu.enqueue_dma source(%arg7 : memref<400x64xf32, #tpu.memory_space<vmem>>) target(%dma_start3A_32 : memref<400x64xf32, #tpu.memory_space<hbm>>) target_semaphore(%run_scoped3A : memref<!tpu.dma_semaphore, #tpu.memory_space<semaphore_mem>>)
        %dma_wait3A_33 = arith.constant 0 : i32
        %dma_wait3A_34 = tpu.memref_slice %arg4[%add3A_15, %dma_wait3A_33] : memref<640000x64xf32, #tpu.memory_space<hbm>> -> memref<400x64xf32, #tpu.memory_space<hbm>>
        %dma_wait3A_35 = arith.constant 0 : i32
        %dma_wait3A_36 = tpu.memref_slice %arg4[%add3A_15, %dma_wait3A_35] : memref<640000x64xf32, #tpu.memory_space<hbm>> -> memref<400x64xf32, #tpu.memory_space<hbm>>
        tpu.wait_dma2 semaphore(%run_scoped3A : memref<!tpu.dma_semaphore, #tpu.memory_space<semaphore_mem>>) src(%arg7 : memref<400x64xf32, #tpu.memory_space<vmem>>) dst(%dma_wait3A_36 : memref<400x64xf32, #tpu.memory_space<hbm>>)
        tpu.yield
      }) : () -> ()
      %dma_wait3A_25 = arith.constant 0 : i32
      %dma_wait3A_26 = arith.constant 0 : i32
      %dma_wait3A_27 = tpu.memref_slice %arg2[%dma_wait3A_25, %dma_wait3A_26] : memref<250000x64xf32, #tpu.memory_space<hbm>> -> memref<250000x64xf32, #tpu.memory_space<hbm>>
      tpu.wait_indirect_dma semaphore(%arg10 : memref<!tpu.dma_semaphore, #tpu.memory_space<semaphore_mem>>) src(%dma_wait3A_27 : memref<250000x64xf32, #tpu.memory_space<hbm>>) dst(%arg8 : memref<400x64xf32, #tpu.memory_space<vmem>>)
      "tpu.region"() ({
        %run_scoped3A = tpu.sem_alloc : memref<!tpu.dma_semaphore, #tpu.memory_space<semaphore_mem>>
        %dma_start3A_29 = arith.constant 0 : i32
        %dma_start3A_30 = tpu.memref_slice %arg4[%add3A_17, %dma_start3A_29] : memref<640000x64xf32, #tpu.memory_space<hbm>> -> memref<400x64xf32, #tpu.memory_space<hbm>>
        %dma_start3A_31 = arith.constant 0 : i32
        %dma_start3A_32 = tpu.memref_slice %arg4[%add3A_17, %dma_start3A_31] : memref<640000x64xf32, #tpu.memory_space<hbm>> -> memref<400x64xf32, #tpu.memory_space<hbm>>
        tpu.enqueue_dma source(%arg8 : memref<400x64xf32, #tpu.memory_space<vmem>>) target(%dma_start3A_32 : memref<400x64xf32, #tpu.memory_space<hbm>>) target_semaphore(%run_scoped3A : memref<!tpu.dma_semaphore, #tpu.memory_space<semaphore_mem>>)
        %dma_wait3A_33 = arith.constant 0 : i32
        %dma_wait3A_34 = tpu.memref_slice %arg4[%add3A_17, %dma_wait3A_33] : memref<640000x64xf32, #tpu.memory_space<hbm>> -> memref<400x64xf32, #tpu.memory_space<hbm>>
        %dma_wait3A_35 = arith.constant 0 : i32
        %dma_wait3A_36 = tpu.memref_slice %arg4[%add3A_17, %dma_wait3A_35] : memref<640000x64xf32, #tpu.memory_space<hbm>> -> memref<400x64xf32, #tpu.memory_space<hbm>>
        tpu.wait_dma2 semaphore(%run_scoped3A : memref<!tpu.dma_semaphore, #tpu.memory_space<semaphore_mem>>) src(%arg8 : memref<400x64xf32, #tpu.memory_space<vmem>>) dst(%dma_wait3A_36 : memref<400x64xf32, #tpu.memory_space<hbm>>)
        tpu.yield
      }) : () -> ()
      %scan3A_28 = arith.constant 0 : i32
      scf.yield %scan3A_28 : i32
    }
    %scan3A_8 = arith.constant 25 : i32
    return
  }
}

#map = affine_map<(d0, d1) -> (0, 0)>
#map1 = affine_map<(d0, d1) -> (0, 0, 0)>
module attributes {stable_mosaic.version = 14 : i64} {
  func.func @_scatter_body(%arg0: i32, %arg1: i32, %arg2: memref<160000x64xf32, #tpu.memory_space<hbm>>, %arg3: memref<10000x16xi32, #tpu.memory_space<hbm>>, %arg4: memref<32x5000x16xf32, #tpu.memory_space<hbm>>, %arg5: memref<5001x16xf32, #tpu.memory_space<vmem>>, %arg6: memref<2x50x16xi32, #tpu.memory_space<vmem>>, %arg7: memref<2x800x16xf32, #tpu.memory_space<vmem>>, %arg8: memref<!tpu.dma_semaphore, #tpu.memory_space<semaphore_mem>>, %arg9: memref<!tpu.dma_semaphore, #tpu.memory_space<semaphore_mem>>, %arg10: memref<!tpu.dma_semaphore, #tpu.memory_space<semaphore_mem>>, %arg11: memref<!tpu.dma_semaphore, #tpu.memory_space<semaphore_mem>>) attributes {dimension_semantics = [#tpu.dimension_semantics<core_parallel>, #tpu.dimension_semantics<subcore_parallel>], iteration_bounds = array<i64: 2, 16>, scalar_prefetch = 0 : i64, scratch_operands = 7 : i64, tpu.core_type = #tpu.core_type<sc_vector_subcore>, window_params = [{transform_indices = #map}, {transform_indices = #map}, {transform_indices = #map1}]} {
    %mul3A = arith.constant 2 : i32
    %mul3A_0 = arith.muli %arg1, %mul3A : i32
    %add3A = arith.addi %mul3A_0, %arg0 : i32
    %and3A = arith.constant 3 : i32
    %and3A_1 = arith.andi %add3A, %and3A : i32
    %shift_right_arithmetic3A = arith.constant 2 : i32
    %shift_right_arithmetic3A_2 = arith.shrsi %add3A, %shift_right_arithmetic3A : i32
    %and3A_3 = arith.constant 1 : i32
    %and3A_4 = arith.andi %shift_right_arithmetic3A_2, %and3A_3 : i32
    %shift_right_arithmetic3A_5 = arith.constant 3 : i32
    %shift_right_arithmetic3A_6 = arith.shrsi %add3A, %shift_right_arithmetic3A_5 : i32
    %mul3A_7 = arith.constant 40000 : i32
    %mul3A_8 = arith.muli %and3A_1, %mul3A_7 : i32
    %mul3A_9 = arith.constant 5000 : i32
    %mul3A_10 = arith.muli %and3A_4, %mul3A_9 : i32
    %mul3A_11 = arith.constant 16 : i32
    %mul3A_12 = arith.muli %shift_right_arithmetic3A_6, %mul3A_11 : i32
    %add3A_13 = arith.constant 0 : i32
    %add3A_14 = arith.addi %mul3A_8, %add3A_13 : i32
    %jit3A = arith.constant 16 : i32
    %div3A = arith.divsi %add3A_14, %jit3A : i32
    %sign3A = arith.constant 0 : i32
    %sign3A_15 = arith.cmpi sgt, %add3A_14, %sign3A : i32
    %sign3A_16 = arith.extui %sign3A_15 : i1 to i32
    %sign3A_17 = arith.constant 0 : i32
    %sign3A_18 = arith.cmpi slt, %add3A_14, %sign3A_17 : i32
    %sign3A_19 = arith.extui %sign3A_18 : i1 to i32
    %sign3A_20 = arith.subi %sign3A_16, %sign3A_19 : i32
    %sign3A_21 = arith.constant 0 : i32
    %sign3A_22 = arith.cmpi sgt, %jit3A, %sign3A_21 : i32
    %sign3A_23 = arith.extui %sign3A_22 : i1 to i32
    %sign3A_24 = arith.constant 0 : i32
    %sign3A_25 = arith.cmpi slt, %jit3A, %sign3A_24 : i32
    %sign3A_26 = arith.extui %sign3A_25 : i1 to i32
    %sign3A_27 = arith.subi %sign3A_23, %sign3A_26 : i32
    %ne3A = arith.cmpi ne, %sign3A_20, %sign3A_27 : i32
    %rem3A = arith.remsi %add3A_14, %jit3A : i32
    %ne3A_28 = arith.constant 0 : i32
    %ne3A_29 = arith.cmpi ne, %rem3A, %ne3A_28 : i32
    %and3A_30 = arith.andi %ne3A, %ne3A_29 : i1
    %sub3A = arith.constant 1 : i32
    %sub3A_31 = arith.subi %div3A, %sub3A : i32
    %select_n3A = arith.select %and3A_30, %sub3A_31, %div3A : i32
    %dma_start3A = arith.constant 0 : i32
    %dma_start3A_32 = arith.constant 0 : i32
    %dma_start3A_33 = arith.constant 0 : i32
    %dma_start3A_34 = tpu.memref_slice %arg6[%dma_start3A, %dma_start3A_32, %dma_start3A_33] : memref<2x50x16xi32, #tpu.memory_space<vmem>> -> memref<1x50x16xi32, #tpu.memory_space<vmem>>
    %dma_start3A_35 = tpu.memref_squeeze %dma_start3A_34 : memref<1x50x16xi32, #tpu.memory_space<vmem>> -> memref<50x16xi32, #tpu.memory_space<vmem>>
    %dma_start3A_36 = arith.constant 0 : i32
    %dma_start3A_37 = tpu.memref_slice %arg3[%select_n3A, %dma_start3A_36] : memref<10000x16xi32, #tpu.memory_space<hbm>> -> memref<50x16xi32, #tpu.memory_space<hbm>>
    %dma_start3A_38 = arith.constant 0 : i32
    %dma_start3A_39 = arith.constant 0 : i32
    %dma_start3A_40 = tpu.memref_slice %arg6[%dma_start3A, %dma_start3A_38, %dma_start3A_39] : memref<2x50x16xi32, #tpu.memory_space<vmem>> -> memref<1x50x16xi32, #tpu.memory_space<vmem>>
    %dma_start3A_41 = tpu.memref_squeeze %dma_start3A_40 : memref<1x50x16xi32, #tpu.memory_space<vmem>> -> memref<50x16xi32, #tpu.memory_space<vmem>>
    %dma_start3A_42 = arith.constant 0 : i32
    %dma_start3A_43 = tpu.memref_slice %arg3[%select_n3A, %dma_start3A_42] : memref<10000x16xi32, #tpu.memory_space<hbm>> -> memref<50x16xi32, #tpu.memory_space<hbm>>
    tpu.enqueue_dma source(%dma_start3A_43 : memref<50x16xi32, #tpu.memory_space<hbm>>) target(%dma_start3A_41 : memref<50x16xi32, #tpu.memory_space<vmem>>) target_semaphore(%arg8 : memref<!tpu.dma_semaphore, #tpu.memory_space<semaphore_mem>>)
    %add3A_44 = arith.constant 0 : i32
    %add3A_45 = arith.addi %mul3A_8, %add3A_44 : i32
    %dma_start3A_46 = arith.constant 0 : i32
    %dma_start3A_47 = arith.constant 0 : i32
    %dma_start3A_48 = arith.constant 0 : i32
    %dma_start3A_49 = tpu.memref_slice %arg7[%dma_start3A_46, %dma_start3A_47, %dma_start3A_48] : memref<2x800x16xf32, #tpu.memory_space<vmem>> -> memref<1x800x16xf32, #tpu.memory_space<vmem>>
    %dma_start3A_50 = tpu.memref_squeeze %dma_start3A_49 : memref<1x800x16xf32, #tpu.memory_space<vmem>> -> memref<800x16xf32, #tpu.memory_space<vmem>>
    %dma_start3A_51 = tpu.memref_slice %arg2[%add3A_45, %mul3A_12] : memref<160000x64xf32, #tpu.memory_space<hbm>> -> memref<800x16xf32, #tpu.memory_space<hbm>>
    %dma_start3A_52 = arith.constant 0 : i32
    %dma_start3A_53 = arith.constant 0 : i32
    %dma_start3A_54 = tpu.memref_slice %arg7[%dma_start3A_46, %dma_start3A_52, %dma_start3A_53] : memref<2x800x16xf32, #tpu.memory_space<vmem>> -> memref<1x800x16xf32, #tpu.memory_space<vmem>>
    %dma_start3A_55 = tpu.memref_squeeze %dma_start3A_54 : memref<1x800x16xf32, #tpu.memory_space<vmem>> -> memref<800x16xf32, #tpu.memory_space<vmem>>
    %dma_start3A_56 = tpu.memref_slice %arg2[%add3A_45, %mul3A_12] : memref<160000x64xf32, #tpu.memory_space<hbm>> -> memref<800x16xf32, #tpu.memory_space<hbm>>
    tpu.enqueue_dma source(%dma_start3A_56 : memref<800x16xf32, #tpu.memory_space<hbm>>) target(%dma_start3A_55 : memref<800x16xf32, #tpu.memory_space<vmem>>) target_semaphore(%arg10 : memref<!tpu.dma_semaphore, #tpu.memory_space<semaphore_mem>>)
    %scan3A = arith.constant 0 : i32
    %scan3A_57 = arith.constant 0 : i32
    %scan3A_58 = arith.constant 5000 : i32
    %scan3A_59 = arith.addi %scan3A_57, %scan3A_58 : i32
    %scan3A_60 = arith.constant 1 : i32
    %scan3A_61 = scf.for %scan3A_70 = %scan3A_57 to %scan3A_59 step %scan3A_60 iter_args(%scan3A_71 = %scan3A) -> (i32)  : i32 {
      %broadcast_in_dim3A = arith.constant 0xFF800000 : f32
      %broadcast_in_dim3A_72 = vector.broadcast %broadcast_in_dim3A : f32 to vector<16xf32>
      %swap3A = arith.index_cast %scan3A_70 : i32 to index
      %swap3A_73 = arith.constant 0 : index
      %swap3A_74 = tpu.vector_load %arg5[%swap3A, %swap3A_73] {strides = array<i32>} : memref<5001x16xf32, #tpu.memory_space<vmem>>, vector<1x16xf32>,
      %swap3A_75 = vector.shape_cast %swap3A_74 : vector<1x16xf32> to vector<16xf32>
      %swap3A_76 = vector.shape_cast %broadcast_in_dim3A_72 : vector<16xf32> to vector<1x16xf32>
      tpu.vector_store %arg5[%swap3A, %swap3A_73], %swap3A_76 {strides = array<i32>} : memref<5001x16xf32, #tpu.memory_space<vmem>>, vector<1x16xf32>,
      %scan3A_77 = arith.constant 0 : i32
      scf.yield %scan3A_77 : i32
    }
    %scan3A_62 = arith.constant 5000 : i32
    %scan3A_63 = arith.constant 0 : i32
    %scan3A_64 = arith.constant 0 : i32
    %scan3A_65 = arith.constant 25 : i32
    %scan3A_66 = arith.addi %scan3A_64, %scan3A_65 : i32
    %scan3A_67 = arith.constant 1 : i32
    %scan3A_68 = scf.for %scan3A_70 = %scan3A_64 to %scan3A_66 step %scan3A_67 iter_args(%scan3A_71 = %scan3A_63) -> (i32)  : i32 {
      %mul3A_72 = arith.constant 2 : i32
      %mul3A_73 = arith.muli %mul3A_72, %scan3A_70 : i32
      %add3A_74 = arith.constant 0 : i32
      %add3A_75 = arith.addi %mul3A_73, %add3A_74 : i32
      %add3A_76 = arith.constant 0 : i32
      %add3A_77 = arith.addi %mul3A_8, %add3A_76 : i32
      %jit3A_78 = arith.constant 16 : i32
      %div3A_79 = arith.divsi %add3A_77, %jit3A_78 : i32
      %sign3A_80 = arith.constant 0 : i32
      %sign3A_81 = arith.cmpi sgt, %add3A_77, %sign3A_80 : i32
      %sign3A_82 = arith.extui %sign3A_81 : i1 to i32
      %sign3A_83 = arith.constant 0 : i32
      %sign3A_84 = arith.cmpi slt, %add3A_77, %sign3A_83 : i32
      %sign3A_85 = arith.extui %sign3A_84 : i1 to i32
      %sign3A_86 = arith.subi %sign3A_82, %sign3A_85 : i32
      %sign3A_87 = arith.constant 0 : i32
      %sign3A_88 = arith.cmpi sgt, %jit3A_78, %sign3A_87 : i32
      %sign3A_89 = arith.extui %sign3A_88 : i1 to i32
      %sign3A_90 = arith.constant 0 : i32
      %sign3A_91 = arith.cmpi slt, %jit3A_78, %sign3A_90 : i32
      %sign3A_92 = arith.extui %sign3A_91 : i1 to i32
      %sign3A_93 = arith.subi %sign3A_89, %sign3A_92 : i32
      %ne3A_94 = arith.cmpi ne, %sign3A_86, %sign3A_93 : i32
      %rem3A_95 = arith.remsi %add3A_77, %jit3A_78 : i32
      %ne3A_96 = arith.constant 0 : i32
      %ne3A_97 = arith.cmpi ne, %rem3A_95, %ne3A_96 : i32
      %and3A_98 = arith.andi %ne3A_94, %ne3A_97 : i1
      %sub3A_99 = arith.constant 1 : i32
      %sub3A_100 = arith.subi %div3A_79, %sub3A_99 : i32
      %select_n3A_101 = arith.select %and3A_98, %sub3A_100, %div3A_79 : i32
      %dma_wait3A = arith.constant 0 : i32
      %dma_wait3A_102 = arith.constant 0 : i32
      %dma_wait3A_103 = arith.constant 0 : i32
      %dma_wait3A_104 = tpu.memref_slice %arg6[%dma_wait3A, %dma_wait3A_102, %dma_wait3A_103] : memref<2x50x16xi32, #tpu.memory_space<vmem>> -> memref<1x50x16xi32, #tpu.memory_space<vmem>>
      %dma_wait3A_105 = tpu.memref_squeeze %dma_wait3A_104 : memref<1x50x16xi32, #tpu.memory_space<vmem>> -> memref<50x16xi32, #tpu.memory_space<vmem>>
      %dma_wait3A_106 = arith.constant 0 : i32
      %dma_wait3A_107 = tpu.memref_slice %arg3[%select_n3A_101, %dma_wait3A_106] : memref<10000x16xi32, #tpu.memory_space<hbm>> -> memref<50x16xi32, #tpu.memory_space<hbm>>
      %dma_wait3A_108 = arith.constant 0 : i32
      %dma_wait3A_109 = arith.constant 0 : i32
      %dma_wait3A_110 = tpu.memref_slice %arg6[%dma_wait3A, %dma_wait3A_108, %dma_wait3A_109] : memref<2x50x16xi32, #tpu.memory_space<vmem>> -> memref<1x50x16xi32, #tpu.memory_space<vmem>>
      %dma_wait3A_111 = tpu.memref_squeeze %dma_wait3A_110 : memref<1x50x16xi32, #tpu.memory_space<vmem>> -> memref<50x16xi32, #tpu.memory_space<vmem>>
      %dma_wait3A_112 = arith.constant 0 : i32
      %dma_wait3A_113 = tpu.memref_slice %arg3[%select_n3A_101, %dma_wait3A_112] : memref<10000x16xi32, #tpu.memory_space<hbm>> -> memref<50x16xi32, #tpu.memory_space<hbm>>
      tpu.wait_dma2 semaphore(%arg8 : memref<!tpu.dma_semaphore, #tpu.memory_space<semaphore_mem>>) src(%dma_wait3A_113 : memref<50x16xi32, #tpu.memory_space<hbm>>) dst(%dma_wait3A_111 : memref<50x16xi32, #tpu.memory_space<vmem>>)
      %add3A_114 = arith.constant 0 : i32
      %add3A_115 = arith.addi %mul3A_8, %add3A_114 : i32
      %dma_wait3A_116 = arith.constant 0 : i32
      %dma_wait3A_117 = arith.constant 0 : i32
      %dma_wait3A_118 = arith.constant 0 : i32
      %dma_wait3A_119 = tpu.memref_slice %arg7[%dma_wait3A_116, %dma_wait3A_117, %dma_wait3A_118] : memref<2x800x16xf32, #tpu.memory_space<vmem>> -> memref<1x800x16xf32, #tpu.memory_space<vmem>>
      %dma_wait3A_120 = tpu.memref_squeeze %dma_wait3A_119 : memref<1x800x16xf32, #tpu.memory_space<vmem>> -> memref<800x16xf32, #tpu.memory_space<vmem>>
      %dma_wait3A_121 = tpu.memref_slice %arg2[%add3A_115, %mul3A_12] : memref<160000x64xf32, #tpu.memory_space<hbm>> -> memref<800x16xf32, #tpu.memory_space<hbm>>
      %dma_wait3A_122 = arith.constant 0 : i32
      %dma_wait3A_123 = arith.constant 0 : i32
      %dma_wait3A_124 = tpu.memref_slice %arg7[%dma_wait3A_116, %dma_wait3A_122, %dma_wait3A_123] : memref<2x800x16xf32, #tpu.memory_space<vmem>> -> memref<1x800x16xf32, #tpu.memory_space<vmem>>
      %dma_wait3A_125 = tpu.memref_squeeze %dma_wait3A_124 : memref<1x800x16xf32, #tpu.memory_space<vmem>> -> memref<800x16xf32, #tpu.memory_space<vmem>>
      %dma_wait3A_126 = tpu.memref_slice %arg2[%add3A_115, %mul3A_12] : memref<160000x64xf32, #tpu.memory_space<hbm>> -> memref<800x16xf32, #tpu.memory_space<hbm>>
      tpu.wait_dma2 semaphore(%arg10 : memref<!tpu.dma_semaphore, #tpu.memory_space<semaphore_mem>>) src(%dma_wait3A_126 : memref<800x16xf32, #tpu.memory_space<hbm>>) dst(%dma_wait3A_125 : memref<800x16xf32, #tpu.memory_space<vmem>>)
      %add3A_127 = arith.constant 1 : i32
      %add3A_128 = arith.addi %add3A_75, %add3A_127 : i32
      %lt3A = arith.constant 50 : i32
      %lt3A_129 = arith.cmpi slt, %add3A_128, %lt3A : i32
      %convert_element_type3A = arith.extui %lt3A_129 : i1 to i32
      %cond3A = arith.constant 0 : i32
      %cond3A_130 = arith.cmpi ne, %convert_element_type3A, %cond3A : i32
      scf.if %cond3A_130 {
        %add3A_213 = arith.constant 1 : i32
        %add3A_214 = arith.addi %add3A_75, %add3A_213 : i32
        %mul3A_215 = arith.constant 800 : i32
        %mul3A_216 = arith.muli %add3A_214, %mul3A_215 : i32
        %add3A_217 = arith.addi %mul3A_8, %mul3A_216 : i32
        %jit3A_218 = arith.constant 16 : i32
        %div3A_219 = arith.divsi %add3A_217, %jit3A_218 : i32
        %sign3A_220 = arith.constant 0 : i32
        %sign3A_221 = arith.cmpi sgt, %add3A_217, %sign3A_220 : i32
        %sign3A_222 = arith.extui %sign3A_221 : i1 to i32
        %sign3A_223 = arith.constant 0 : i32
        %sign3A_224 = arith.cmpi slt, %add3A_217, %sign3A_223 : i32
        %sign3A_225 = arith.extui %sign3A_224 : i1 to i32
        %sign3A_226 = arith.subi %sign3A_222, %sign3A_225 : i32
        %sign3A_227 = arith.constant 0 : i32
        %sign3A_228 = arith.cmpi sgt, %jit3A_218, %sign3A_227 : i32
        %sign3A_229 = arith.extui %sign3A_228 : i1 to i32
        %sign3A_230 = arith.constant 0 : i32
        %sign3A_231 = arith.cmpi slt, %jit3A_218, %sign3A_230 : i32
        %sign3A_232 = arith.extui %sign3A_231 : i1 to i32
        %sign3A_233 = arith.subi %sign3A_229, %sign3A_232 : i32
        %ne3A_234 = arith.cmpi ne, %sign3A_226, %sign3A_233 : i32
        %rem3A_235 = arith.remsi %add3A_217, %jit3A_218 : i32
        %ne3A_236 = arith.constant 0 : i32
        %ne3A_237 = arith.cmpi ne, %rem3A_235, %ne3A_236 : i32
        %and3A_238 = arith.andi %ne3A_234, %ne3A_237 : i1
        %sub3A_239 = arith.constant 1 : i32
        %sub3A_240 = arith.subi %div3A_219, %sub3A_239 : i32
        %select_n3A_241 = arith.select %and3A_238, %sub3A_240, %div3A_219 : i32
        %dma_start3A_242 = arith.constant 1 : i32
        %dma_start3A_243 = arith.constant 0 : i32
        %dma_start3A_244 = arith.constant 0 : i32
        %dma_start3A_245 = tpu.memref_slice %arg6[%dma_start3A_242, %dma_start3A_243, %dma_start3A_244] : memref<2x50x16xi32, #tpu.memory_space<vmem>> -> memref<1x50x16xi32, #tpu.memory_space<vmem>>
        %dma_start3A_246 = tpu.memref_squeeze %dma_start3A_245 : memref<1x50x16xi32, #tpu.memory_space<vmem>> -> memref<50x16xi32, #tpu.memory_space<vmem>>
        %dma_start3A_247 = arith.constant 0 : i32
        %dma_start3A_248 = tpu.memref_slice %arg3[%select_n3A_241, %dma_start3A_247] : memref<10000x16xi32, #tpu.memory_space<hbm>> -> memref<50x16xi32, #tpu.memory_space<hbm>>
        %dma_start3A_249 = arith.constant 0 : i32
        %dma_start3A_250 = arith.constant 0 : i32
        %dma_start3A_251 = tpu.memref_slice %arg6[%dma_start3A_242, %dma_start3A_249, %dma_start3A_250] : memref<2x50x16xi32, #tpu.memory_space<vmem>> -> memref<1x50x16xi32, #tpu.memory_space<vmem>>
        %dma_start3A_252 = tpu.memref_squeeze %dma_start3A_251 : memref<1x50x16xi32, #tpu.memory_space<vmem>> -> memref<50x16xi32, #tpu.memory_space<vmem>>
        %dma_start3A_253 = arith.constant 0 : i32
        %dma_start3A_254 = tpu.memref_slice %arg3[%select_n3A_241, %dma_start3A_253] : memref<10000x16xi32, #tpu.memory_space<hbm>> -> memref<50x16xi32, #tpu.memory_space<hbm>>
        tpu.enqueue_dma source(%dma_start3A_254 : memref<50x16xi32, #tpu.memory_space<hbm>>) target(%dma_start3A_252 : memref<50x16xi32, #tpu.memory_space<vmem>>) target_semaphore(%arg9 : memref<!tpu.dma_semaphore, #tpu.memory_space<semaphore_mem>>)
        %mul3A_255 = arith.constant 800 : i32
        %mul3A_256 = arith.muli %add3A_214, %mul3A_255 : i32
        %add3A_257 = arith.addi %mul3A_8, %mul3A_256 : i32
        %dma_start3A_258 = arith.constant 1 : i32
        %dma_start3A_259 = arith.constant 0 : i32
        %dma_start3A_260 = arith.constant 0 : i32
        %dma_start3A_261 = tpu.memref_slice %arg7[%dma_start3A_258, %dma_start3A_259, %dma_start3A_260] : memref<2x800x16xf32, #tpu.memory_space<vmem>> -> memref<1x800x16xf32, #tpu.memory_space<vmem>>
        %dma_start3A_262 = tpu.memref_squeeze %dma_start3A_261 : memref<1x800x16xf32, #tpu.memory_space<vmem>> -> memref<800x16xf32, #tpu.memory_space<vmem>>
        %dma_start3A_263 = tpu.memref_slice %arg2[%add3A_257, %mul3A_12] : memref<160000x64xf32, #tpu.memory_space<hbm>> -> memref<800x16xf32, #tpu.memory_space<hbm>>
        %dma_start3A_264 = arith.constant 0 : i32
        %dma_start3A_265 = arith.constant 0 : i32
        %dma_start3A_266 = tpu.memref_slice %arg7[%dma_start3A_258, %dma_start3A_264, %dma_start3A_265] : memref<2x800x16xf32, #tpu.memory_space<vmem>> -> memref<1x800x16xf32, #tpu.memory_space<vmem>>
        %dma_start3A_267 = tpu.memref_squeeze %dma_start3A_266 : memref<1x800x16xf32, #tpu.memory_space<vmem>> -> memref<800x16xf32, #tpu.memory_space<vmem>>
        %dma_start3A_268 = tpu.memref_slice %arg2[%add3A_257, %mul3A_12] : memref<160000x64xf32, #tpu.memory_space<hbm>> -> memref<800x16xf32, #tpu.memory_space<hbm>>
        tpu.enqueue_dma source(%dma_start3A_268 : memref<800x16xf32, #tpu.memory_space<hbm>>) target(%dma_start3A_267 : memref<800x16xf32, #tpu.memory_space<vmem>>) target_semaphore(%arg11 : memref<!tpu.dma_semaphore, #tpu.memory_space<semaphore_mem>>)
      } else {
      }
      %scan3A_131 = arith.constant 0 : i32
      %scan3A_132 = arith.constant 0 : i32
      %scan3A_133 = arith.constant 0 : i32
      %scan3A_134 = arith.constant 0 : i32
      %scan3A_135 = arith.constant 50 : i32
      %scan3A_136 = arith.addi %scan3A_134, %scan3A_135 : i32
      %scan3A_137 = arith.constant 1 : i32
      %scan3A_138 = scf.for %scan3A_213 = %scan3A_134 to %scan3A_136 step %scan3A_137 iter_args(%scan3A_214 = %scan3A_133) -> (i32)  : i32 {
        %get3A = arith.constant 0 : i32
        %get3A_215 = arith.constant 0 : i32
        %get3A_216 = tpu.memref_slice %arg6[%scan3A_131, %get3A, %get3A_215] : memref<2x50x16xi32, #tpu.memory_space<vmem>> -> memref<1x50x16xi32, #tpu.memory_space<vmem>>
        %get3A_217 = tpu.memref_squeeze %get3A_216 : memref<1x50x16xi32, #tpu.memory_space<vmem>> -> memref<50x16xi32, #tpu.memory_space<vmem>>
        %get3A_218 = arith.index_cast %scan3A_213 : i32 to index
        %get3A_219 = arith.constant 0 : index
        %get3A_220 = tpu.vector_load %get3A_217[%get3A_218, %get3A_219] {strides = array<i32>} : memref<50x16xi32, #tpu.memory_space<vmem>>, vector<1x16xi32>,
        %get3A_221 = vector.shape_cast %get3A_220 : vector<1x16xi32> to vector<16xi32>
        %sub3A_222 = vector.broadcast %mul3A_10 : i32 to vector<16xi32>
        %sub3A_223 = arith.subi %get3A_221, %sub3A_222 : vector<16xi32>
        %ge3A = arith.constant 0 : i32
        %ge3A_224 = vector.broadcast %ge3A : i32 to vector<16xi32>
        %ge3A_225 = arith.cmpi sge, %sub3A_223, %ge3A_224 : vector<16xi32>
        %lt3A_226 = arith.constant 5000 : i32
        %lt3A_227 = vector.broadcast %lt3A_226 : i32 to vector<16xi32>
        %lt3A_228 = arith.cmpi slt, %sub3A_223, %lt3A_227 : vector<16xi32>
        %and3A_229 = arith.andi %ge3A_225, %lt3A_228 : vector<16xi1>
        %jit3A_230 = arith.constant 5000 : i32
        %broadcast_in_dim3A = vector.broadcast %jit3A_230 : i32 to vector<16xi32>
        %select_n3A_231 = arith.select %and3A_229, %sub3A_223, %broadcast_in_dim3A : vector<16xi1>, vector<16xi32>
        %slice3A = vector.extract_strided_slice %select_n3A_231 {offsets = [0], sizes = [1], strides = [1]} : vector<16xi32> to vector<1xi32>
        %squeeze3A = vector.extract %slice3A[0] : i32 from vector<1xi32>
        %slice3A_232 = vector.extract_strided_slice %select_n3A_231 {offsets = [1], sizes = [1], strides = [1]} : vector<16xi32> to vector<1xi32>
        %squeeze3A_233 = vector.extract %slice3A_232[0] : i32 from vector<1xi32>
        %slice3A_234 = vector.extract_strided_slice %select_n3A_231 {offsets = [2], sizes = [1], strides = [1]} : vector<16xi32> to vector<1xi32>
        %squeeze3A_235 = vector.extract %slice3A_234[0] : i32 from vector<1xi32>
        %slice3A_236 = vector.extract_strided_slice %select_n3A_231 {offsets = [3], sizes = [1], strides = [1]} : vector<16xi32> to vector<1xi32>
        %squeeze3A_237 = vector.extract %slice3A_236[0] : i32 from vector<1xi32>
        %mul3A_238 = arith.constant 16 : i32
        %mul3A_239 = arith.muli %scan3A_213, %mul3A_238 : i32
        %add3A_240 = arith.constant 0 : i32
        %add3A_241 = arith.addi %mul3A_239, %add3A_240 : i32
        %add3A_242 = arith.constant 0 : i32
        %add3A_243 = arith.addi %add3A_241, %add3A_242 : i32
        %get3A_244 = arith.constant 0 : i32
        %get3A_245 = arith.constant 0 : i32
        %get3A_246 = tpu.memref_slice %arg7[%scan3A_132, %get3A_244, %get3A_245] : memref<2x800x16xf32, #tpu.memory_space<vmem>> -> memref<1x800x16xf32, #tpu.memory_space<vmem>>
        %get3A_247 = tpu.memref_squeeze %get3A_246 : memref<1x800x16xf32, #tpu.memory_space<vmem>> -> memref<800x16xf32, #tpu.memory_space<vmem>>
        %get3A_248 = arith.index_cast %add3A_243 : i32 to index
        %get3A_249 = arith.constant 0 : index
        %get3A_250 = tpu.vector_load %get3A_247[%get3A_248, %get3A_249] {strides = array<i32>} : memref<800x16xf32, #tpu.memory_space<vmem>>, vector<1x16xf32>,
        %get3A_251 = vector.shape_cast %get3A_250 : vector<1x16xf32> to vector<16xf32>
        %mul3A_252 = arith.constant 16 : i32
        %mul3A_253 = arith.muli %scan3A_213, %mul3A_252 : i32
        %add3A_254 = arith.constant 0 : i32
        %add3A_255 = arith.addi %mul3A_253, %add3A_254 : i32
        %add3A_256 = arith.constant 1 : i32
        %add3A_257 = arith.addi %add3A_255, %add3A_256 : i32
        %get3A_258 = arith.constant 0 : i32
        %get3A_259 = arith.constant 0 : i32
        %get3A_260 = tpu.memref_slice %arg7[%scan3A_132, %get3A_258, %get3A_259] : memref<2x800x16xf32, #tpu.memory_space<vmem>> -> memref<1x800x16xf32, #tpu.memory_space<vmem>>
        %get3A_261 = tpu.memref_squeeze %get3A_260 : memref<1x800x16xf32, #tpu.memory_space<vmem>> -> memref<800x16xf32, #tpu.memory_space<vmem>>
        %get3A_262 = arith.index_cast %add3A_257 : i32 to index
        %get3A_263 = arith.constant 0 : index
        %get3A_264 = tpu.vector_load %get3A_261[%get3A_262, %get3A_263] {strides = array<i32>} : memref<800x16xf32, #tpu.memory_space<vmem>>, vector<1x16xf32>,
        %get3A_265 = vector.shape_cast %get3A_264 : vector<1x16xf32> to vector<16xf32>
        %mul3A_266 = arith.constant 16 : i32
        %mul3A_267 = arith.muli %scan3A_213, %mul3A_266 : i32
        %add3A_268 = arith.constant 0 : i32
        %add3A_269 = arith.addi %mul3A_267, %add3A_268 : i32
        %add3A_270 = arith.constant 2 : i32
        %add3A_271 = arith.addi %add3A_269, %add3A_270 : i32
        %get3A_272 = arith.constant 0 : i32
        %get3A_273 = arith.constant 0 : i32
        %get3A_274 = tpu.memref_slice %arg7[%scan3A_132, %get3A_272, %get3A_273] : memref<2x800x16xf32, #tpu.memory_space<vmem>> -> memref<1x800x16xf32, #tpu.memory_space<vmem>>
        %get3A_275 = tpu.memref_squeeze %get3A_274 : memref<1x800x16xf32, #tpu.memory_space<vmem>> -> memref<800x16xf32, #tpu.memory_space<vmem>>
        %get3A_276 = arith.index_cast %add3A_271 : i32 to index
        %get3A_277 = arith.constant 0 : index
        %get3A_278 = tpu.vector_load %get3A_275[%get3A_276, %get3A_277] {strides = array<i32>} : memref<800x16xf32, #tpu.memory_space<vmem>>, vector<1x16xf32>,
        %get3A_279 = vector.shape_cast %get3A_278 : vector<1x16xf32> to vector<16xf32>
        %mul3A_280 = arith.constant 16 : i32
        %mul3A_281 = arith.muli %scan3A_213, %mul3A_280 : i32
        %add3A_282 = arith.constant 0 : i32
        %add3A_283 = arith.addi %mul3A_281, %add3A_282 : i32
        %add3A_284 = arith.constant 3 : i32
        %add3A_285 = arith.addi %add3A_283, %add3A_284 : i32
        %get3A_286 = arith.constant 0 : i32
        %get3A_287 = arith.constant 0 : i32
        %get3A_288 = tpu.memref_slice %arg7[%scan3A_132, %get3A_286, %get3A_287] : memref<2x800x16xf32, #tpu.memory_space<vmem>> -> memref<1x800x16xf32, #tpu.memory_space<vmem>>
        %get3A_289 = tpu.memref_squeeze %get3A_288 : memref<1x800x16xf32, #tpu.memory_space<vmem>> -> memref<800x16xf32, #tpu.memory_space<vmem>>
        %get3A_290 = arith.index_cast %add3A_285 : i32 to index
        %get3A_291 = arith.constant 0 : index
        %get3A_292 = tpu.vector_load %get3A_289[%get3A_290, %get3A_291] {strides = array<i32>} : memref<800x16xf32, #tpu.memory_space<vmem>>, vector<1x16xf32>,
        %get3A_293 = vector.shape_cast %get3A_292 : vector<1x16xf32> to vector<16xf32>
        %eq3A = arith.cmpi eq, %squeeze3A_233, %squeeze3A : i32
        %max3A = arith.maximumf %get3A_251, %get3A_265 : vector<16xf32>
        %select_n3A_294 = arith.select %eq3A, %max3A, %get3A_251 : vector<16xf32>
        %jit3A_295 = arith.constant 5000 : i32
        %select_n3A_296 = arith.select %eq3A, %jit3A_295, %squeeze3A_233 : i32
        %eq3A_297 = arith.cmpi eq, %squeeze3A_235, %squeeze3A : i32
        %max3A_298 = arith.maximumf %select_n3A_294, %get3A_279 : vector<16xf32>
        %select_n3A_299 = arith.select %eq3A_297, %max3A_298, %select_n3A_294 : vector<16xf32>
        %jit3A_300 = arith.constant 5000 : i32
        %select_n3A_301 = arith.select %eq3A_297, %jit3A_300, %squeeze3A_235 : i32
        %eq3A_302 = arith.cmpi eq, %squeeze3A_237, %squeeze3A : i32
        %max3A_303 = arith.maximumf %select_n3A_299, %get3A_293 : vector<16xf32>
        %select_n3A_304 = arith.select %eq3A_302, %max3A_303, %select_n3A_299 : vector<16xf32>
        %jit3A_305 = arith.constant 5000 : i32
        %select_n3A_306 = arith.select %eq3A_302, %jit3A_305, %squeeze3A_237 : i32
        %eq3A_307 = arith.cmpi eq, %select_n3A_301, %select_n3A_296 : i32
        %max3A_308 = arith.maximumf %get3A_265, %get3A_279 : vector<16xf32>
        %select_n3A_309 = arith.select %eq3A_307, %max3A_308, %get3A_265 : vector<16xf32>
        %jit3A_310 = arith.constant 5000 : i32
        %select_n3A_311 = arith.select %eq3A_307, %jit3A_310, %select_n3A_301 : i32
        %eq3A_312 = arith.cmpi eq, %select_n3A_306, %select_n3A_296 : i32
        %max3A_313 = arith.maximumf %select_n3A_309, %get3A_293 : vector<16xf32>
        %select_n3A_314 = arith.select %eq3A_312, %max3A_313, %select_n3A_309 : vector<16xf32>
        %jit3A_315 = arith.constant 5000 : i32
        %select_n3A_316 = arith.select %eq3A_312, %jit3A_315, %select_n3A_306 : i32
        %eq3A_317 = arith.cmpi eq, %select_n3A_316, %select_n3A_311 : i32
        %max3A_318 = arith.maximumf %get3A_279, %get3A_293 : vector<16xf32>
        %select_n3A_319 = arith.select %eq3A_317, %max3A_318, %get3A_279 : vector<16xf32>
        %jit3A_320 = arith.constant 5000 : i32
        %select_n3A_321 = arith.select %eq3A_317, %jit3A_320, %select_n3A_316 : i32
        %get3A_322 = arith.index_cast %squeeze3A : i32 to index
        %get3A_323 = arith.constant 0 : index
        %get3A_324 = tpu.vector_load %arg5[%get3A_322, %get3A_323] {strides = array<i32>} : memref<5001x16xf32, #tpu.memory_space<vmem>>, vector<1x16xf32>,
        %get3A_325 = vector.shape_cast %get3A_324 : vector<1x16xf32> to vector<16xf32>
        %max3A_326 = arith.maximumf %get3A_325, %select_n3A_304 : vector<16xf32>
        %get3A_327 = arith.index_cast %select_n3A_296 : i32 to index
        %get3A_328 = arith.constant 0 : index
        %get3A_329 = tpu.vector_load %arg5[%get3A_327, %get3A_328] {strides = array<i32>} : memref<5001x16xf32, #tpu.memory_space<vmem>>, vector<1x16xf32>,
        %get3A_330 = vector.shape_cast %get3A_329 : vector<1x16xf32> to vector<16xf32>
        %max3A_331 = arith.maximumf %get3A_330, %select_n3A_314 : vector<16xf32>
        %get3A_332 = arith.index_cast %select_n3A_311 : i32 to index
        %get3A_333 = arith.constant 0 : index
        %get3A_334 = tpu.vector_load %arg5[%get3A_332, %get3A_333] {strides = array<i32>} : memref<5001x16xf32, #tpu.memory_space<vmem>>, vector<1x16xf32>,
        %get3A_335 = vector.shape_cast %get3A_334 : vector<1x16xf32> to vector<16xf32>
        %max3A_336 = arith.maximumf %get3A_335, %select_n3A_319 : vector<16xf32>
        %get3A_337 = arith.index_cast %select_n3A_321 : i32 to index
        %get3A_338 = arith.constant 0 : index
        %get3A_339 = tpu.vector_load %arg5[%get3A_337, %get3A_338] {strides = array<i32>} : memref<5001x16xf32, #tpu.memory_space<vmem>>, vector<1x16xf32>,
        %get3A_340 = vector.shape_cast %get3A_339 : vector<1x16xf32> to vector<16xf32>
        %max3A_341 = arith.maximumf %get3A_340, %get3A_293 : vector<16xf32>
        %swap3A = arith.index_cast %squeeze3A : i32 to index
        %swap3A_342 = arith.constant 0 : index
        %swap3A_343 = tpu.vector_load %arg5[%swap3A, %swap3A_342] {strides = array<i32>} : memref<5001x16xf32, #tpu.memory_space<vmem>>, vector<1x16xf32>,
        %swap3A_344 = vector.shape_cast %swap3A_343 : vector<1x16xf32> to vector<16xf32>
        %swap3A_345 = vector.shape_cast %max3A_326 : vector<16xf32> to vector<1x16xf32>
        tpu.vector_store %arg5[%swap3A, %swap3A_342], %swap3A_345 {strides = array<i32>} : memref<5001x16xf32, #tpu.memory_space<vmem>>, vector<1x16xf32>,
        %swap3A_346 = arith.index_cast %select_n3A_296 : i32 to index
        %swap3A_347 = arith.constant 0 : index
        %swap3A_348 = tpu.vector_load %arg5[%swap3A_346, %swap3A_347] {strides = array<i32>} : memref<5001x16xf32, #tpu.memory_space<vmem>>, vector<1x16xf32>,
        %swap3A_349 = vector.shape_cast %swap3A_348 : vector<1x16xf32> to vector<16xf32>
        %swap3A_350 = vector.shape_cast %max3A_331 : vector<16xf32> to vector<1x16xf32>
        tpu.vector_store %arg5[%swap3A_346, %swap3A_347], %swap3A_350 {strides = array<i32>} : memref<5001x16xf32, #tpu.memory_space<vmem>>, vector<1x16xf32>,
        %swap3A_351 = arith.index_cast %select_n3A_311 : i32 to index
        %swap3A_352 = arith.constant 0 : index
        %swap3A_353 = tpu.vector_load %arg5[%swap3A_351, %swap3A_352] {strides = array<i32>} : memref<5001x16xf32, #tpu.memory_space<vmem>>, vector<1x16xf32>,
        %swap3A_354 = vector.shape_cast %swap3A_353 : vector<1x16xf32> to vector<16xf32>
        %swap3A_355 = vector.shape_cast %max3A_336 : vector<16xf32> to vector<1x16xf32>
        tpu.vector_store %arg5[%swap3A_351, %swap3A_352], %swap3A_355 {strides = array<i32>} : memref<5001x16xf32, #tpu.memory_space<vmem>>, vector<1x16xf32>,
        %swap3A_356 = arith.index_cast %select_n3A_321 : i32 to index
        %swap3A_357 = arith.constant 0 : index
        %swap3A_358 = tpu.vector_load %arg5[%swap3A_356, %swap3A_357] {strides = array<i32>} : memref<5001x16xf32, #tpu.memory_space<vmem>>, vector<1x16xf32>,
        %swap3A_359 = vector.shape_cast %swap3A_358 : vector<1x16xf32> to vector<16xf32>
        %swap3A_360 = vector.shape_cast %max3A_341 : vector<16xf32> to vector<1x16xf32>
        tpu.vector_store %arg5[%swap3A_356, %swap3A_357], %swap3A_360 {strides = array<i32>} : memref<5001x16xf32, #tpu.memory_space<vmem>>, vector<1x16xf32>,
        %slice3A_361 = vector.extract_strided_slice %select_n3A_231 {offsets = [4], sizes = [1], strides = [1]} : vector<16xi32> to vector<1xi32>
        %squeeze3A_362 = vector.extract %slice3A_361[0] : i32 from vector<1xi32>
        %slice3A_363 = vector.extract_strided_slice %select_n3A_231 {offsets = [5], sizes = [1], strides = [1]} : vector<16xi32> to vector<1xi32>
        %squeeze3A_364 = vector.extract %slice3A_363[0] : i32 from vector<1xi32>
        %slice3A_365 = vector.extract_strided_slice %select_n3A_231 {offsets = [6], sizes = [1], strides = [1]} : vector<16xi32> to vector<1xi32>
        %squeeze3A_366 = vector.extract %slice3A_365[0] : i32 from vector<1xi32>
        %slice3A_367 = vector.extract_strided_slice %select_n3A_231 {offsets = [7], sizes = [1], strides = [1]} : vector<16xi32> to vector<1xi32>
        %squeeze3A_368 = vector.extract %slice3A_367[0] : i32 from vector<1xi32>
        %mul3A_369 = arith.constant 16 : i32
        %mul3A_370 = arith.muli %scan3A_213, %mul3A_369 : i32
        %add3A_371 = arith.constant 4 : i32
        %add3A_372 = arith.addi %mul3A_370, %add3A_371 : i32
        %add3A_373 = arith.constant 0 : i32
        %add3A_374 = arith.addi %add3A_372, %add3A_373 : i32
        %get3A_375 = arith.constant 0 : i32
        %get3A_376 = arith.constant 0 : i32
        %get3A_377 = tpu.memref_slice %arg7[%scan3A_132, %get3A_375, %get3A_376] : memref<2x800x16xf32, #tpu.memory_space<vmem>> -> memref<1x800x16xf32, #tpu.memory_space<vmem>>
        %get3A_378 = tpu.memref_squeeze %get3A_377 : memref<1x800x16xf32, #tpu.memory_space<vmem>> -> memref<800x16xf32, #tpu.memory_space<vmem>>
        %get3A_379 = arith.index_cast %add3A_374 : i32 to index
        %get3A_380 = arith.constant 0 : index
        %get3A_381 = tpu.vector_load %get3A_378[%get3A_379, %get3A_380] {strides = array<i32>} : memref<800x16xf32, #tpu.memory_space<vmem>>, vector<1x16xf32>,
        %get3A_382 = vector.shape_cast %get3A_381 : vector<1x16xf32> to vector<16xf32>
        %mul3A_383 = arith.constant 16 : i32
        %mul3A_384 = arith.muli %scan3A_213, %mul3A_383 : i32
        %add3A_385 = arith.constant 4 : i32
        %add3A_386 = arith.addi %mul3A_384, %add3A_385 : i32
        %add3A_387 = arith.constant 1 : i32
        %add3A_388 = arith.addi %add3A_386, %add3A_387 : i32
        %get3A_389 = arith.constant 0 : i32
        %get3A_390 = arith.constant 0 : i32
        %get3A_391 = tpu.memref_slice %arg7[%scan3A_132, %get3A_389, %get3A_390] : memref<2x800x16xf32, #tpu.memory_space<vmem>> -> memref<1x800x16xf32, #tpu.memory_space<vmem>>
        %get3A_392 = tpu.memref_squeeze %get3A_391 : memref<1x800x16xf32, #tpu.memory_space<vmem>> -> memref<800x16xf32, #tpu.memory_space<vmem>>
        %get3A_393 = arith.index_cast %add3A_388 : i32 to index
        %get3A_394 = arith.constant 0 : index
        %get3A_395 = tpu.vector_load %get3A_392[%get3A_393, %get3A_394] {strides = array<i32>} : memref<800x16xf32, #tpu.memory_space<vmem>>, vector<1x16xf32>,
        %get3A_396 = vector.shape_cast %get3A_395 : vector<1x16xf32> to vector<16xf32>
        %mul3A_397 = arith.constant 16 : i32
        %mul3A_398 = arith.muli %scan3A_213, %mul3A_397 : i32
        %add3A_399 = arith.constant 4 : i32
        %add3A_400 = arith.addi %mul3A_398, %add3A_399 : i32
        %add3A_401 = arith.constant 2 : i32
        %add3A_402 = arith.addi %add3A_400, %add3A_401 : i32
        %get3A_403 = arith.constant 0 : i32
        %get3A_404 = arith.constant 0 : i32
        %get3A_405 = tpu.memref_slice %arg7[%scan3A_132, %get3A_403, %get3A_404] : memref<2x800x16xf32, #tpu.memory_space<vmem>> -> memref<1x800x16xf32, #tpu.memory_space<vmem>>
        %get3A_406 = tpu.memref_squeeze %get3A_405 : memref<1x800x16xf32, #tpu.memory_space<vmem>> -> memref<800x16xf32, #tpu.memory_space<vmem>>
        %get3A_407 = arith.index_cast %add3A_402 : i32 to index
        %get3A_408 = arith.constant 0 : index
        %get3A_409 = tpu.vector_load %get3A_406[%get3A_407, %get3A_408] {strides = array<i32>} : memref<800x16xf32, #tpu.memory_space<vmem>>, vector<1x16xf32>,
        %get3A_410 = vector.shape_cast %get3A_409 : vector<1x16xf32> to vector<16xf32>
        %mul3A_411 = arith.constant 16 : i32
        %mul3A_412 = arith.muli %scan3A_213, %mul3A_411 : i32
        %add3A_413 = arith.constant 4 : i32
        %add3A_414 = arith.addi %mul3A_412, %add3A_413 : i32
        %add3A_415 = arith.constant 3 : i32
        %add3A_416 = arith.addi %add3A_414, %add3A_415 : i32
        %get3A_417 = arith.constant 0 : i32
        %get3A_418 = arith.constant 0 : i32
        %get3A_419 = tpu.memref_slice %arg7[%scan3A_132, %get3A_417, %get3A_418] : memref<2x800x16xf32, #tpu.memory_space<vmem>> -> memref<1x800x16xf32, #tpu.memory_space<vmem>>
        %get3A_420 = tpu.memref_squeeze %get3A_419 : memref<1x800x16xf32, #tpu.memory_space<vmem>> -> memref<800x16xf32, #tpu.memory_space<vmem>>
        %get3A_421 = arith.index_cast %add3A_416 : i32 to index
        %get3A_422 = arith.constant 0 : index
        %get3A_423 = tpu.vector_load %get3A_420[%get3A_421, %get3A_422] {strides = array<i32>} : memref<800x16xf32, #tpu.memory_space<vmem>>, vector<1x16xf32>,
        %get3A_424 = vector.shape_cast %get3A_423 : vector<1x16xf32> to vector<16xf32>
        %eq3A_425 = arith.cmpi eq, %squeeze3A_364, %squeeze3A_362 : i32
        %max3A_426 = arith.maximumf %get3A_382, %get3A_396 : vector<16xf32>
        %select_n3A_427 = arith.select %eq3A_425, %max3A_426, %get3A_382 : vector<16xf32>
        %jit3A_428 = arith.constant 5000 : i32
        %select_n3A_429 = arith.select %eq3A_425, %jit3A_428, %squeeze3A_364 : i32
        %eq3A_430 = arith.cmpi eq, %squeeze3A_366, %squeeze3A_362 : i32
        %max3A_431 = arith.maximumf %select_n3A_427, %get3A_410 : vector<16xf32>
        %select_n3A_432 = arith.select %eq3A_430, %max3A_431, %select_n3A_427 : vector<16xf32>
        %jit3A_433 = arith.constant 5000 : i32
        %select_n3A_434 = arith.select %eq3A_430, %jit3A_433, %squeeze3A_366 : i32
        %eq3A_435 = arith.cmpi eq, %squeeze3A_368, %squeeze3A_362 : i32
        %max3A_436 = arith.maximumf %select_n3A_432, %get3A_424 : vector<16xf32>
        %select_n3A_437 = arith.select %eq3A_435, %max3A_436, %select_n3A_432 : vector<16xf32>
        %jit3A_438 = arith.constant 5000 : i32
        %select_n3A_439 = arith.select %eq3A_435, %jit3A_438, %squeeze3A_368 : i32
        %eq3A_440 = arith.cmpi eq, %select_n3A_434, %select_n3A_429 : i32
        %max3A_441 = arith.maximumf %get3A_396, %get3A_410 : vector<16xf32>
        %select_n3A_442 = arith.select %eq3A_440, %max3A_441, %get3A_396 : vector<16xf32>
        %jit3A_443 = arith.constant 5000 : i32
        %select_n3A_444 = arith.select %eq3A_440, %jit3A_443, %select_n3A_434 : i32
        %eq3A_445 = arith.cmpi eq, %select_n3A_439, %select_n3A_429 : i32
        %max3A_446 = arith.maximumf %select_n3A_442, %get3A_424 : vector<16xf32>
        %select_n3A_447 = arith.select %eq3A_445, %max3A_446, %select_n3A_442 : vector<16xf32>
        %jit3A_448 = arith.constant 5000 : i32
        %select_n3A_449 = arith.select %eq3A_445, %jit3A_448, %select_n3A_439 : i32
        %eq3A_450 = arith.cmpi eq, %select_n3A_449, %select_n3A_444 : i32
        %max3A_451 = arith.maximumf %get3A_410, %get3A_424 : vector<16xf32>
        %select_n3A_452 = arith.select %eq3A_450, %max3A_451, %get3A_410 : vector<16xf32>
        %jit3A_453 = arith.constant 5000 : i32
        %select_n3A_454 = arith.select %eq3A_450, %jit3A_453, %select_n3A_449 : i32
        %get3A_455 = arith.index_cast %squeeze3A_362 : i32 to index
        %get3A_456 = arith.constant 0 : index
        %get3A_457 = tpu.vector_load %arg5[%get3A_455, %get3A_456] {strides = array<i32>} : memref<5001x16xf32, #tpu.memory_space<vmem>>, vector<1x16xf32>,
        %get3A_458 = vector.shape_cast %get3A_457 : vector<1x16xf32> to vector<16xf32>
        %max3A_459 = arith.maximumf %get3A_458, %select_n3A_437 : vector<16xf32>
        %get3A_460 = arith.index_cast %select_n3A_429 : i32 to index
        %get3A_461 = arith.constant 0 : index
        %get3A_462 = tpu.vector_load %arg5[%get3A_460, %get3A_461] {strides = array<i32>} : memref<5001x16xf32, #tpu.memory_space<vmem>>, vector<1x16xf32>,
        %get3A_463 = vector.shape_cast %get3A_462 : vector<1x16xf32> to vector<16xf32>
        %max3A_464 = arith.maximumf %get3A_463, %select_n3A_447 : vector<16xf32>
        %get3A_465 = arith.index_cast %select_n3A_444 : i32 to index
        %get3A_466 = arith.constant 0 : index
        %get3A_467 = tpu.vector_load %arg5[%get3A_465, %get3A_466] {strides = array<i32>} : memref<5001x16xf32, #tpu.memory_space<vmem>>, vector<1x16xf32>,
        %get3A_468 = vector.shape_cast %get3A_467 : vector<1x16xf32> to vector<16xf32>
        %max3A_469 = arith.maximumf %get3A_468, %select_n3A_452 : vector<16xf32>
        %get3A_470 = arith.index_cast %select_n3A_454 : i32 to index
        %get3A_471 = arith.constant 0 : index
        %get3A_472 = tpu.vector_load %arg5[%get3A_470, %get3A_471] {strides = array<i32>} : memref<5001x16xf32, #tpu.memory_space<vmem>>, vector<1x16xf32>,
        %get3A_473 = vector.shape_cast %get3A_472 : vector<1x16xf32> to vector<16xf32>
        %max3A_474 = arith.maximumf %get3A_473, %get3A_424 : vector<16xf32>
        %swap3A_475 = arith.index_cast %squeeze3A_362 : i32 to index
        %swap3A_476 = arith.constant 0 : index
        %swap3A_477 = tpu.vector_load %arg5[%swap3A_475, %swap3A_476] {strides = array<i32>} : memref<5001x16xf32, #tpu.memory_space<vmem>>, vector<1x16xf32>,
        %swap3A_478 = vector.shape_cast %swap3A_477 : vector<1x16xf32> to vector<16xf32>
        %swap3A_479 = vector.shape_cast %max3A_459 : vector<16xf32> to vector<1x16xf32>
        tpu.vector_store %arg5[%swap3A_475, %swap3A_476], %swap3A_479 {strides = array<i32>} : memref<5001x16xf32, #tpu.memory_space<vmem>>, vector<1x16xf32>,
        %swap3A_480 = arith.index_cast %select_n3A_429 : i32 to index
        %swap3A_481 = arith.constant 0 : index
        %swap3A_482 = tpu.vector_load %arg5[%swap3A_480, %swap3A_481] {strides = array<i32>} : memref<5001x16xf32, #tpu.memory_space<vmem>>, vector<1x16xf32>,
        %swap3A_483 = vector.shape_cast %swap3A_482 : vector<1x16xf32> to vector<16xf32>
        %swap3A_484 = vector.shape_cast %max3A_464 : vector<16xf32> to vector<1x16xf32>
        tpu.vector_store %arg5[%swap3A_480, %swap3A_481], %swap3A_484 {strides = array<i32>} : memref<5001x16xf32, #tpu.memory_space<vmem>>, vector<1x16xf32>,
        %swap3A_485 = arith.index_cast %select_n3A_444 : i32 to index
        %swap3A_486 = arith.constant 0 : index
        %swap3A_487 = tpu.vector_load %arg5[%swap3A_485, %swap3A_486] {strides = array<i32>} : memref<5001x16xf32, #tpu.memory_space<vmem>>, vector<1x16xf32>,
        %swap3A_488 = vector.shape_cast %swap3A_487 : vector<1x16xf32> to vector<16xf32>
        %swap3A_489 = vector.shape_cast %max3A_469 : vector<16xf32> to vector<1x16xf32>
        tpu.vector_store %arg5[%swap3A_485, %swap3A_486], %swap3A_489 {strides = array<i32>} : memref<5001x16xf32, #tpu.memory_space<vmem>>, vector<1x16xf32>,
        %swap3A_490 = arith.index_cast %select_n3A_454 : i32 to index
        %swap3A_491 = arith.constant 0 : index
        %swap3A_492 = tpu.vector_load %arg5[%swap3A_490, %swap3A_491] {strides = array<i32>} : memref<5001x16xf32, #tpu.memory_space<vmem>>, vector<1x16xf32>,
        %swap3A_493 = vector.shape_cast %swap3A_492 : vector<1x16xf32> to vector<16xf32>
        %swap3A_494 = vector.shape_cast %max3A_474 : vector<16xf32> to vector<1x16xf32>
        tpu.vector_store %arg5[%swap3A_490, %swap3A_491], %swap3A_494 {strides = array<i32>} : memref<5001x16xf32, #tpu.memory_space<vmem>>, vector<1x16xf32>,
        %slice3A_495 = vector.extract_strided_slice %select_n3A_231 {offsets = [8], sizes = [1], strides = [1]} : vector<16xi32> to vector<1xi32>
        %squeeze3A_496 = vector.extract %slice3A_495[0] : i32 from vector<1xi32>
        %slice3A_497 = vector.extract_strided_slice %select_n3A_231 {offsets = [9], sizes = [1], strides = [1]} : vector<16xi32> to vector<1xi32>
        %squeeze3A_498 = vector.extract %slice3A_497[0] : i32 from vector<1xi32>
        %slice3A_499 = vector.extract_strided_slice %select_n3A_231 {offsets = [10], sizes = [1], strides = [1]} : vector<16xi32> to vector<1xi32>
        %squeeze3A_500 = vector.extract %slice3A_499[0] : i32 from vector<1xi32>
        %slice3A_501 = vector.extract_strided_slice %select_n3A_231 {offsets = [11], sizes = [1], strides = [1]} : vector<16xi32> to vector<1xi32>
        %squeeze3A_502 = vector.extract %slice3A_501[0] : i32 from vector<1xi32>
        %mul3A_503 = arith.constant 16 : i32
        %mul3A_504 = arith.muli %scan3A_213, %mul3A_503 : i32
        %add3A_505 = arith.constant 8 : i32
        %add3A_506 = arith.addi %mul3A_504, %add3A_505 : i32
        %add3A_507 = arith.constant 0 : i32
        %add3A_508 = arith.addi %add3A_506, %add3A_507 : i32
        %get3A_509 = arith.constant 0 : i32
        %get3A_510 = arith.constant 0 : i32
        %get3A_511 = tpu.memref_slice %arg7[%scan3A_132, %get3A_509, %get3A_510] : memref<2x800x16xf32, #tpu.memory_space<vmem>> -> memref<1x800x16xf32, #tpu.memory_space<vmem>>
        %get3A_512 = tpu.memref_squeeze %get3A_511 : memref<1x800x16xf32, #tpu.memory_space<vmem>> -> memref<800x16xf32, #tpu.memory_space<vmem>>
        %get3A_513 = arith.index_cast %add3A_508 : i32 to index
        %get3A_514 = arith.constant 0 : index
        %get3A_515 = tpu.vector_load %get3A_512[%get3A_513, %get3A_514] {strides = array<i32>} : memref<800x16xf32, #tpu.memory_space<vmem>>, vector<1x16xf32>,
        %get3A_516 = vector.shape_cast %get3A_515 : vector<1x16xf32> to vector<16xf32>
        %mul3A_517 = arith.constant 16 : i32
        %mul3A_518 = arith.muli %scan3A_213, %mul3A_517 : i32
        %add3A_519 = arith.constant 8 : i32
        %add3A_520 = arith.addi %mul3A_518, %add3A_519 : i32
        %add3A_521 = arith.constant 1 : i32
        %add3A_522 = arith.addi %add3A_520, %add3A_521 : i32
        %get3A_523 = arith.constant 0 : i32
        %get3A_524 = arith.constant 0 : i32
        %get3A_525 = tpu.memref_slice %arg7[%scan3A_132, %get3A_523, %get3A_524] : memref<2x800x16xf32, #tpu.memory_space<vmem>> -> memref<1x800x16xf32, #tpu.memory_space<vmem>>
        %get3A_526 = tpu.memref_squeeze %get3A_525 : memref<1x800x16xf32, #tpu.memory_space<vmem>> -> memref<800x16xf32, #tpu.memory_space<vmem>>
        %get3A_527 = arith.index_cast %add3A_522 : i32 to index
        %get3A_528 = arith.constant 0 : index
        %get3A_529 = tpu.vector_load %get3A_526[%get3A_527, %get3A_528] {strides = array<i32>} : memref<800x16xf32, #tpu.memory_space<vmem>>, vector<1x16xf32>,
        %get3A_530 = vector.shape_cast %get3A_529 : vector<1x16xf32> to vector<16xf32>
        %mul3A_531 = arith.constant 16 : i32
        %mul3A_532 = arith.muli %scan3A_213, %mul3A_531 : i32
        %add3A_533 = arith.constant 8 : i32
        %add3A_534 = arith.addi %mul3A_532, %add3A_533 : i32
        %add3A_535 = arith.constant 2 : i32
        %add3A_536 = arith.addi %add3A_534, %add3A_535 : i32
        %get3A_537 = arith.constant 0 : i32
        %get3A_538 = arith.constant 0 : i32
        %get3A_539 = tpu.memref_slice %arg7[%scan3A_132, %get3A_537, %get3A_538] : memref<2x800x16xf32, #tpu.memory_space<vmem>> -> memref<1x800x16xf32, #tpu.memory_space<vmem>>
        %get3A_540 = tpu.memref_squeeze %get3A_539 : memref<1x800x16xf32, #tpu.memory_space<vmem>> -> memref<800x16xf32, #tpu.memory_space<vmem>>
        %get3A_541 = arith.index_cast %add3A_536 : i32 to index
        %get3A_542 = arith.constant 0 : index
        %get3A_543 = tpu.vector_load %get3A_540[%get3A_541, %get3A_542] {strides = array<i32>} : memref<800x16xf32, #tpu.memory_space<vmem>>, vector<1x16xf32>,
        %get3A_544 = vector.shape_cast %get3A_543 : vector<1x16xf32> to vector<16xf32>
        %mul3A_545 = arith.constant 16 : i32
        %mul3A_546 = arith.muli %scan3A_213, %mul3A_545 : i32
        %add3A_547 = arith.constant 8 : i32
        %add3A_548 = arith.addi %mul3A_546, %add3A_547 : i32
        %add3A_549 = arith.constant 3 : i32
        %add3A_550 = arith.addi %add3A_548, %add3A_549 : i32
        %get3A_551 = arith.constant 0 : i32
        %get3A_552 = arith.constant 0 : i32
        %get3A_553 = tpu.memref_slice %arg7[%scan3A_132, %get3A_551, %get3A_552] : memref<2x800x16xf32, #tpu.memory_space<vmem>> -> memref<1x800x16xf32, #tpu.memory_space<vmem>>
        %get3A_554 = tpu.memref_squeeze %get3A_553 : memref<1x800x16xf32, #tpu.memory_space<vmem>> -> memref<800x16xf32, #tpu.memory_space<vmem>>
        %get3A_555 = arith.index_cast %add3A_550 : i32 to index
        %get3A_556 = arith.constant 0 : index
        %get3A_557 = tpu.vector_load %get3A_554[%get3A_555, %get3A_556] {strides = array<i32>} : memref<800x16xf32, #tpu.memory_space<vmem>>, vector<1x16xf32>,
        %get3A_558 = vector.shape_cast %get3A_557 : vector<1x16xf32> to vector<16xf32>
        %eq3A_559 = arith.cmpi eq, %squeeze3A_498, %squeeze3A_496 : i32
        %max3A_560 = arith.maximumf %get3A_516, %get3A_530 : vector<16xf32>
        %select_n3A_561 = arith.select %eq3A_559, %max3A_560, %get3A_516 : vector<16xf32>
        %jit3A_562 = arith.constant 5000 : i32
        %select_n3A_563 = arith.select %eq3A_559, %jit3A_562, %squeeze3A_498 : i32
        %eq3A_564 = arith.cmpi eq, %squeeze3A_500, %squeeze3A_496 : i32
        %max3A_565 = arith.maximumf %select_n3A_561, %get3A_544 : vector<16xf32>
        %select_n3A_566 = arith.select %eq3A_564, %max3A_565, %select_n3A_561 : vector<16xf32>
        %jit3A_567 = arith.constant 5000 : i32
        %select_n3A_568 = arith.select %eq3A_564, %jit3A_567, %squeeze3A_500 : i32
        %eq3A_569 = arith.cmpi eq, %squeeze3A_502, %squeeze3A_496 : i32
        %max3A_570 = arith.maximumf %select_n3A_566, %get3A_558 : vector<16xf32>
        %select_n3A_571 = arith.select %eq3A_569, %max3A_570, %select_n3A_566 : vector<16xf32>
        %jit3A_572 = arith.constant 5000 : i32
        %select_n3A_573 = arith.select %eq3A_569, %jit3A_572, %squeeze3A_502 : i32
        %eq3A_574 = arith.cmpi eq, %select_n3A_568, %select_n3A_563 : i32
        %max3A_575 = arith.maximumf %get3A_530, %get3A_544 : vector<16xf32>
        %select_n3A_576 = arith.select %eq3A_574, %max3A_575, %get3A_530 : vector<16xf32>
        %jit3A_577 = arith.constant 5000 : i32
        %select_n3A_578 = arith.select %eq3A_574, %jit3A_577, %select_n3A_568 : i32
        %eq3A_579 = arith.cmpi eq, %select_n3A_573, %select_n3A_563 : i32
        %max3A_580 = arith.maximumf %select_n3A_576, %get3A_558 : vector<16xf32>
        %select_n3A_581 = arith.select %eq3A_579, %max3A_580, %select_n3A_576 : vector<16xf32>
        %jit3A_582 = arith.constant 5000 : i32
        %select_n3A_583 = arith.select %eq3A_579, %jit3A_582, %select_n3A_573 : i32
        %eq3A_584 = arith.cmpi eq, %select_n3A_583, %select_n3A_578 : i32
        %max3A_585 = arith.maximumf %get3A_544, %get3A_558 : vector<16xf32>
        %select_n3A_586 = arith.select %eq3A_584, %max3A_585, %get3A_544 : vector<16xf32>
        %jit3A_587 = arith.constant 5000 : i32
        %select_n3A_588 = arith.select %eq3A_584, %jit3A_587, %select_n3A_583 : i32
        %get3A_589 = arith.index_cast %squeeze3A_496 : i32 to index
        %get3A_590 = arith.constant 0 : index
        %get3A_591 = tpu.vector_load %arg5[%get3A_589, %get3A_590] {strides = array<i32>} : memref<5001x16xf32, #tpu.memory_space<vmem>>, vector<1x16xf32>,
        %get3A_592 = vector.shape_cast %get3A_591 : vector<1x16xf32> to vector<16xf32>
        %max3A_593 = arith.maximumf %get3A_592, %select_n3A_571 : vector<16xf32>
        %get3A_594 = arith.index_cast %select_n3A_563 : i32 to index
        %get3A_595 = arith.constant 0 : index
        %get3A_596 = tpu.vector_load %arg5[%get3A_594, %get3A_595] {strides = array<i32>} : memref<5001x16xf32, #tpu.memory_space<vmem>>, vector<1x16xf32>,
        %get3A_597 = vector.shape_cast %get3A_596 : vector<1x16xf32> to vector<16xf32>
        %max3A_598 = arith.maximumf %get3A_597, %select_n3A_581 : vector<16xf32>
        %get3A_599 = arith.index_cast %select_n3A_578 : i32 to index
        %get3A_600 = arith.constant 0 : index
        %get3A_601 = tpu.vector_load %arg5[%get3A_599, %get3A_600] {strides = array<i32>} : memref<5001x16xf32, #tpu.memory_space<vmem>>, vector<1x16xf32>,
        %get3A_602 = vector.shape_cast %get3A_601 : vector<1x16xf32> to vector<16xf32>
        %max3A_603 = arith.maximumf %get3A_602, %select_n3A_586 : vector<16xf32>
        %get3A_604 = arith.index_cast %select_n3A_588 : i32 to index
        %get3A_605 = arith.constant 0 : index
        %get3A_606 = tpu.vector_load %arg5[%get3A_604, %get3A_605] {strides = array<i32>} : memref<5001x16xf32, #tpu.memory_space<vmem>>, vector<1x16xf32>,
        %get3A_607 = vector.shape_cast %get3A_606 : vector<1x16xf32> to vector<16xf32>
        %max3A_608 = arith.maximumf %get3A_607, %get3A_558 : vector<16xf32>
        %swap3A_609 = arith.index_cast %squeeze3A_496 : i32 to index
        %swap3A_610 = arith.constant 0 : index
        %swap3A_611 = tpu.vector_load %arg5[%swap3A_609, %swap3A_610] {strides = array<i32>} : memref<5001x16xf32, #tpu.memory_space<vmem>>, vector<1x16xf32>,
        %swap3A_612 = vector.shape_cast %swap3A_611 : vector<1x16xf32> to vector<16xf32>
        %swap3A_613 = vector.shape_cast %max3A_593 : vector<16xf32> to vector<1x16xf32>
        tpu.vector_store %arg5[%swap3A_609, %swap3A_610], %swap3A_613 {strides = array<i32>} : memref<5001x16xf32, #tpu.memory_space<vmem>>, vector<1x16xf32>,
        %swap3A_614 = arith.index_cast %select_n3A_563 : i32 to index
        %swap3A_615 = arith.constant 0 : index
        %swap3A_616 = tpu.vector_load %arg5[%swap3A_614, %swap3A_615] {strides = array<i32>} : memref<5001x16xf32, #tpu.memory_space<vmem>>, vector<1x16xf32>,
        %swap3A_617 = vector.shape_cast %swap3A_616 : vector<1x16xf32> to vector<16xf32>
        %swap3A_618 = vector.shape_cast %max3A_598 : vector<16xf32> to vector<1x16xf32>
        tpu.vector_store %arg5[%swap3A_614, %swap3A_615], %swap3A_618 {strides = array<i32>} : memref<5001x16xf32, #tpu.memory_space<vmem>>, vector<1x16xf32>,
        %swap3A_619 = arith.index_cast %select_n3A_578 : i32 to index
        %swap3A_620 = arith.constant 0 : index
        %swap3A_621 = tpu.vector_load %arg5[%swap3A_619, %swap3A_620] {strides = array<i32>} : memref<5001x16xf32, #tpu.memory_space<vmem>>, vector<1x16xf32>,
        %swap3A_622 = vector.shape_cast %swap3A_621 : vector<1x16xf32> to vector<16xf32>
        %swap3A_623 = vector.shape_cast %max3A_603 : vector<16xf32> to vector<1x16xf32>
        tpu.vector_store %arg5[%swap3A_619, %swap3A_620], %swap3A_623 {strides = array<i32>} : memref<5001x16xf32, #tpu.memory_space<vmem>>, vector<1x16xf32>,
        %swap3A_624 = arith.index_cast %select_n3A_588 : i32 to index
        %swap3A_625 = arith.constant 0 : index
        %swap3A_626 = tpu.vector_load %arg5[%swap3A_624, %swap3A_625] {strides = array<i32>} : memref<5001x16xf32, #tpu.memory_space<vmem>>, vector<1x16xf32>,
        %swap3A_627 = vector.shape_cast %swap3A_626 : vector<1x16xf32> to vector<16xf32>
        %swap3A_628 = vector.shape_cast %max3A_608 : vector<16xf32> to vector<1x16xf32>
        tpu.vector_store %arg5[%swap3A_624, %swap3A_625], %swap3A_628 {strides = array<i32>} : memref<5001x16xf32, #tpu.memory_space<vmem>>, vector<1x16xf32>,
        %slice3A_629 = vector.extract_strided_slice %select_n3A_231 {offsets = [12], sizes = [1], strides = [1]} : vector<16xi32> to vector<1xi32>
        %squeeze3A_630 = vector.extract %slice3A_629[0] : i32 from vector<1xi32>
        %slice3A_631 = vector.extract_strided_slice %select_n3A_231 {offsets = [13], sizes = [1], strides = [1]} : vector<16xi32> to vector<1xi32>
        %squeeze3A_632 = vector.extract %slice3A_631[0] : i32 from vector<1xi32>
        %slice3A_633 = vector.extract_strided_slice %select_n3A_231 {offsets = [14], sizes = [1], strides = [1]} : vector<16xi32> to vector<1xi32>
        %squeeze3A_634 = vector.extract %slice3A_633[0] : i32 from vector<1xi32>
        %slice3A_635 = vector.extract_strided_slice %select_n3A_231 {offsets = [15], sizes = [1], strides = [1]} : vector<16xi32> to vector<1xi32>
        %squeeze3A_636 = vector.extract %slice3A_635[0] : i32 from vector<1xi32>
        %mul3A_637 = arith.constant 16 : i32
        %mul3A_638 = arith.muli %scan3A_213, %mul3A_637 : i32
        %add3A_639 = arith.constant 12 : i32
        %add3A_640 = arith.addi %mul3A_638, %add3A_639 : i32
        %add3A_641 = arith.constant 0 : i32
        %add3A_642 = arith.addi %add3A_640, %add3A_641 : i32
        %get3A_643 = arith.constant 0 : i32
        %get3A_644 = arith.constant 0 : i32
        %get3A_645 = tpu.memref_slice %arg7[%scan3A_132, %get3A_643, %get3A_644] : memref<2x800x16xf32, #tpu.memory_space<vmem>> -> memref<1x800x16xf32, #tpu.memory_space<vmem>>
        %get3A_646 = tpu.memref_squeeze %get3A_645 : memref<1x800x16xf32, #tpu.memory_space<vmem>> -> memref<800x16xf32, #tpu.memory_space<vmem>>
        %get3A_647 = arith.index_cast %add3A_642 : i32 to index
        %get3A_648 = arith.constant 0 : index
        %get3A_649 = tpu.vector_load %get3A_646[%get3A_647, %get3A_648] {strides = array<i32>} : memref<800x16xf32, #tpu.memory_space<vmem>>, vector<1x16xf32>,
        %get3A_650 = vector.shape_cast %get3A_649 : vector<1x16xf32> to vector<16xf32>
        %mul3A_651 = arith.constant 16 : i32
        %mul3A_652 = arith.muli %scan3A_213, %mul3A_651 : i32
        %add3A_653 = arith.constant 12 : i32
        %add3A_654 = arith.addi %mul3A_652, %add3A_653 : i32
        %add3A_655 = arith.constant 1 : i32
        %add3A_656 = arith.addi %add3A_654, %add3A_655 : i32
        %get3A_657 = arith.constant 0 : i32
        %get3A_658 = arith.constant 0 : i32
        %get3A_659 = tpu.memref_slice %arg7[%scan3A_132, %get3A_657, %get3A_658] : memref<2x800x16xf32, #tpu.memory_space<vmem>> -> memref<1x800x16xf32, #tpu.memory_space<vmem>>
        %get3A_660 = tpu.memref_squeeze %get3A_659 : memref<1x800x16xf32, #tpu.memory_space<vmem>> -> memref<800x16xf32, #tpu.memory_space<vmem>>
        %get3A_661 = arith.index_cast %add3A_656 : i32 to index
        %get3A_662 = arith.constant 0 : index
        %get3A_663 = tpu.vector_load %get3A_660[%get3A_661, %get3A_662] {strides = array<i32>} : memref<800x16xf32, #tpu.memory_space<vmem>>, vector<1x16xf32>,
        %get3A_664 = vector.shape_cast %get3A_663 : vector<1x16xf32> to vector<16xf32>
        %mul3A_665 = arith.constant 16 : i32
        %mul3A_666 = arith.muli %scan3A_213, %mul3A_665 : i32
        %add3A_667 = arith.constant 12 : i32
        %add3A_668 = arith.addi %mul3A_666, %add3A_667 : i32
        %add3A_669 = arith.constant 2 : i32
        %add3A_670 = arith.addi %add3A_668, %add3A_669 : i32
        %get3A_671 = arith.constant 0 : i32
        %get3A_672 = arith.constant 0 : i32
        %get3A_673 = tpu.memref_slice %arg7[%scan3A_132, %get3A_671, %get3A_672] : memref<2x800x16xf32, #tpu.memory_space<vmem>> -> memref<1x800x16xf32, #tpu.memory_space<vmem>>
        %get3A_674 = tpu.memref_squeeze %get3A_673 : memref<1x800x16xf32, #tpu.memory_space<vmem>> -> memref<800x16xf32, #tpu.memory_space<vmem>>
        %get3A_675 = arith.index_cast %add3A_670 : i32 to index
        %get3A_676 = arith.constant 0 : index
        %get3A_677 = tpu.vector_load %get3A_674[%get3A_675, %get3A_676] {strides = array<i32>} : memref<800x16xf32, #tpu.memory_space<vmem>>, vector<1x16xf32>,
        %get3A_678 = vector.shape_cast %get3A_677 : vector<1x16xf32> to vector<16xf32>
        %mul3A_679 = arith.constant 16 : i32
        %mul3A_680 = arith.muli %scan3A_213, %mul3A_679 : i32
        %add3A_681 = arith.constant 12 : i32
        %add3A_682 = arith.addi %mul3A_680, %add3A_681 : i32
        %add3A_683 = arith.constant 3 : i32
        %add3A_684 = arith.addi %add3A_682, %add3A_683 : i32
        %get3A_685 = arith.constant 0 : i32
        %get3A_686 = arith.constant 0 : i32
        %get3A_687 = tpu.memref_slice %arg7[%scan3A_132, %get3A_685, %get3A_686] : memref<2x800x16xf32, #tpu.memory_space<vmem>> -> memref<1x800x16xf32, #tpu.memory_space<vmem>>
        %get3A_688 = tpu.memref_squeeze %get3A_687 : memref<1x800x16xf32, #tpu.memory_space<vmem>> -> memref<800x16xf32, #tpu.memory_space<vmem>>
        %get3A_689 = arith.index_cast %add3A_684 : i32 to index
        %get3A_690 = arith.constant 0 : index
        %get3A_691 = tpu.vector_load %get3A_688[%get3A_689, %get3A_690] {strides = array<i32>} : memref<800x16xf32, #tpu.memory_space<vmem>>, vector<1x16xf32>,
        %get3A_692 = vector.shape_cast %get3A_691 : vector<1x16xf32> to vector<16xf32>
        %eq3A_693 = arith.cmpi eq, %squeeze3A_632, %squeeze3A_630 : i32
        %max3A_694 = arith.maximumf %get3A_650, %get3A_664 : vector<16xf32>
        %select_n3A_695 = arith.select %eq3A_693, %max3A_694, %get3A_650 : vector<16xf32>
        %jit3A_696 = arith.constant 5000 : i32
        %select_n3A_697 = arith.select %eq3A_693, %jit3A_696, %squeeze3A_632 : i32
        %eq3A_698 = arith.cmpi eq, %squeeze3A_634, %squeeze3A_630 : i32
        %max3A_699 = arith.maximumf %select_n3A_695, %get3A_678 : vector<16xf32>
        %select_n3A_700 = arith.select %eq3A_698, %max3A_699, %select_n3A_695 : vector<16xf32>
        %jit3A_701 = arith.constant 5000 : i32
        %select_n3A_702 = arith.select %eq3A_698, %jit3A_701, %squeeze3A_634 : i32
        %eq3A_703 = arith.cmpi eq, %squeeze3A_636, %squeeze3A_630 : i32
        %max3A_704 = arith.maximumf %select_n3A_700, %get3A_692 : vector<16xf32>
        %select_n3A_705 = arith.select %eq3A_703, %max3A_704, %select_n3A_700 : vector<16xf32>
        %jit3A_706 = arith.constant 5000 : i32
        %select_n3A_707 = arith.select %eq3A_703, %jit3A_706, %squeeze3A_636 : i32
        %eq3A_708 = arith.cmpi eq, %select_n3A_702, %select_n3A_697 : i32
        %max3A_709 = arith.maximumf %get3A_664, %get3A_678 : vector<16xf32>
        %select_n3A_710 = arith.select %eq3A_708, %max3A_709, %get3A_664 : vector<16xf32>
        %jit3A_711 = arith.constant 5000 : i32
        %select_n3A_712 = arith.select %eq3A_708, %jit3A_711, %select_n3A_702 : i32
        %eq3A_713 = arith.cmpi eq, %select_n3A_707, %select_n3A_697 : i32
        %max3A_714 = arith.maximumf %select_n3A_710, %get3A_692 : vector<16xf32>
        %select_n3A_715 = arith.select %eq3A_713, %max3A_714, %select_n3A_710 : vector<16xf32>
        %jit3A_716 = arith.constant 5000 : i32
        %select_n3A_717 = arith.select %eq3A_713, %jit3A_716, %select_n3A_707 : i32
        %eq3A_718 = arith.cmpi eq, %select_n3A_717, %select_n3A_712 : i32
        %max3A_719 = arith.maximumf %get3A_678, %get3A_692 : vector<16xf32>
        %select_n3A_720 = arith.select %eq3A_718, %max3A_719, %get3A_678 : vector<16xf32>
        %jit3A_721 = arith.constant 5000 : i32
        %select_n3A_722 = arith.select %eq3A_718, %jit3A_721, %select_n3A_717 : i32
        %get3A_723 = arith.index_cast %squeeze3A_630 : i32 to index
        %get3A_724 = arith.constant 0 : index
        %get3A_725 = tpu.vector_load %arg5[%get3A_723, %get3A_724] {strides = array<i32>} : memref<5001x16xf32, #tpu.memory_space<vmem>>, vector<1x16xf32>,
        %get3A_726 = vector.shape_cast %get3A_725 : vector<1x16xf32> to vector<16xf32>
        %max3A_727 = arith.maximumf %get3A_726, %select_n3A_705 : vector<16xf32>
        %get3A_728 = arith.index_cast %select_n3A_697 : i32 to index
        %get3A_729 = arith.constant 0 : index
        %get3A_730 = tpu.vector_load %arg5[%get3A_728, %get3A_729] {strides = array<i32>} : memref<5001x16xf32, #tpu.memory_space<vmem>>, vector<1x16xf32>,
        %get3A_731 = vector.shape_cast %get3A_730 : vector<1x16xf32> to vector<16xf32>
        %max3A_732 = arith.maximumf %get3A_731, %select_n3A_715 : vector<16xf32>
        %get3A_733 = arith.index_cast %select_n3A_712 : i32 to index
        %get3A_734 = arith.constant 0 : index
        %get3A_735 = tpu.vector_load %arg5[%get3A_733, %get3A_734] {strides = array<i32>} : memref<5001x16xf32, #tpu.memory_space<vmem>>, vector<1x16xf32>,
        %get3A_736 = vector.shape_cast %get3A_735 : vector<1x16xf32> to vector<16xf32>
        %max3A_737 = arith.maximumf %get3A_736, %select_n3A_720 : vector<16xf32>
        %get3A_738 = arith.index_cast %select_n3A_722 : i32 to index
        %get3A_739 = arith.constant 0 : index
        %get3A_740 = tpu.vector_load %arg5[%get3A_738, %get3A_739] {strides = array<i32>} : memref<5001x16xf32, #tpu.memory_space<vmem>>, vector<1x16xf32>,
        %get3A_741 = vector.shape_cast %get3A_740 : vector<1x16xf32> to vector<16xf32>
        %max3A_742 = arith.maximumf %get3A_741, %get3A_692 : vector<16xf32>
        %swap3A_743 = arith.index_cast %squeeze3A_630 : i32 to index
        %swap3A_744 = arith.constant 0 : index
        %swap3A_745 = tpu.vector_load %arg5[%swap3A_743, %swap3A_744] {strides = array<i32>} : memref<5001x16xf32, #tpu.memory_space<vmem>>, vector<1x16xf32>,
        %swap3A_746 = vector.shape_cast %swap3A_745 : vector<1x16xf32> to vector<16xf32>
        %swap3A_747 = vector.shape_cast %max3A_727 : vector<16xf32> to vector<1x16xf32>
        tpu.vector_store %arg5[%swap3A_743, %swap3A_744], %swap3A_747 {strides = array<i32>} : memref<5001x16xf32, #tpu.memory_space<vmem>>, vector<1x16xf32>,
        %swap3A_748 = arith.index_cast %select_n3A_697 : i32 to index
        %swap3A_749 = arith.constant 0 : index
        %swap3A_750 = tpu.vector_load %arg5[%swap3A_748, %swap3A_749] {strides = array<i32>} : memref<5001x16xf32, #tpu.memory_space<vmem>>, vector<1x16xf32>,
        %swap3A_751 = vector.shape_cast %swap3A_750 : vector<1x16xf32> to vector<16xf32>
        %swap3A_752 = vector.shape_cast %max3A_732 : vector<16xf32> to vector<1x16xf32>
        tpu.vector_store %arg5[%swap3A_748, %swap3A_749], %swap3A_752 {strides = array<i32>} : memref<5001x16xf32, #tpu.memory_space<vmem>>, vector<1x16xf32>,
        %swap3A_753 = arith.index_cast %select_n3A_712 : i32 to index
        %swap3A_754 = arith.constant 0 : index
        %swap3A_755 = tpu.vector_load %arg5[%swap3A_753, %swap3A_754] {strides = array<i32>} : memref<5001x16xf32, #tpu.memory_space<vmem>>, vector<1x16xf32>,
        %swap3A_756 = vector.shape_cast %swap3A_755 : vector<1x16xf32> to vector<16xf32>
        %swap3A_757 = vector.shape_cast %max3A_737 : vector<16xf32> to vector<1x16xf32>
        tpu.vector_store %arg5[%swap3A_753, %swap3A_754], %swap3A_757 {strides = array<i32>} : memref<5001x16xf32, #tpu.memory_space<vmem>>, vector<1x16xf32>,
        %swap3A_758 = arith.index_cast %select_n3A_722 : i32 to index
        %swap3A_759 = arith.constant 0 : index
        %swap3A_760 = tpu.vector_load %arg5[%swap3A_758, %swap3A_759] {strides = array<i32>} : memref<5001x16xf32, #tpu.memory_space<vmem>>, vector<1x16xf32>,
        %swap3A_761 = vector.shape_cast %swap3A_760 : vector<1x16xf32> to vector<16xf32>
        %swap3A_762 = vector.shape_cast %max3A_742 : vector<16xf32> to vector<1x16xf32>
        tpu.vector_store %arg5[%swap3A_758, %swap3A_759], %swap3A_762 {strides = array<i32>} : memref<5001x16xf32, #tpu.memory_space<vmem>>, vector<1x16xf32>,
        %scan3A_763 = arith.constant 0 : i32
        scf.yield %scan3A_763 : i32
      }
      %scan3A_139 = arith.constant 50 : i32
      %mul3A_140 = arith.constant 2 : i32
      %mul3A_141 = arith.muli %mul3A_140, %scan3A_70 : i32
      %add3A_142 = arith.constant 1 : i32
      %add3A_143 = arith.addi %mul3A_141, %add3A_142 : i32
      %add3A_144 = arith.constant 0 : i32
      %add3A_145 = arith.addi %mul3A_8, %add3A_144 : i32
      %jit3A_146 = arith.constant 16 : i32
      %div3A_147 = arith.divsi %add3A_145, %jit3A_146 : i32
      %sign3A_148 = arith.constant 0 : i32
      %sign3A_149 = arith.cmpi sgt, %add3A_145, %sign3A_148 : i32
      %sign3A_150 = arith.extui %sign3A_149 : i1 to i32
      %sign3A_151 = arith.constant 0 : i32
      %sign3A_152 = arith.cmpi slt, %add3A_145, %sign3A_151 : i32
      %sign3A_153 = arith.extui %sign3A_152 : i1 to i32
      %sign3A_154 = arith.subi %sign3A_150, %sign3A_153 : i32
      %sign3A_155 = arith.constant 0 : i32
      %sign3A_156 = arith.cmpi sgt, %jit3A_146, %sign3A_155 : i32
      %sign3A_157 = arith.extui %sign3A_156 : i1 to i32
      %sign3A_158 = arith.constant 0 : i32
      %sign3A_159 = arith.cmpi slt, %jit3A_146, %sign3A_158 : i32
      %sign3A_160 = arith.extui %sign3A_159 : i1 to i32
      %sign3A_161 = arith.subi %sign3A_157, %sign3A_160 : i32
      %ne3A_162 = arith.cmpi ne, %sign3A_154, %sign3A_161 : i32
      %rem3A_163 = arith.remsi %add3A_145, %jit3A_146 : i32
      %ne3A_164 = arith.constant 0 : i32
      %ne3A_165 = arith.cmpi ne, %rem3A_163, %ne3A_164 : i32
      %and3A_166 = arith.andi %ne3A_162, %ne3A_165 : i1
      %sub3A_167 = arith.constant 1 : i32
      %sub3A_168 = arith.subi %div3A_147, %sub3A_167 : i32
      %select_n3A_169 = arith.select %and3A_166, %sub3A_168, %div3A_147 : i32
      %dma_wait3A_170 = arith.constant 1 : i32
      %dma_wait3A_171 = arith.constant 0 : i32
      %dma_wait3A_172 = arith.constant 0 : i32
      %dma_wait3A_173 = tpu.memref_slice %arg6[%dma_wait3A_170, %dma_wait3A_171, %dma_wait3A_172] : memref<2x50x16xi32, #tpu.memory_space<vmem>> -> memref<1x50x16xi32, #tpu.memory_space<vmem>>
      %dma_wait3A_174 = tpu.memref_squeeze %dma_wait3A_173 : memref<1x50x16xi32, #tpu.memory_space<vmem>> -> memref<50x16xi32, #tpu.memory_space<vmem>>
      %dma_wait3A_175 = arith.constant 0 : i32
      %dma_wait3A_176 = tpu.memref_slice %arg3[%select_n3A_169, %dma_wait3A_175] : memref<10000x16xi32, #tpu.memory_space<hbm>> -> memref<50x16xi32, #tpu.memory_space<hbm>>
      %dma_wait3A_177 = arith.constant 0 : i32
      %dma_wait3A_178 = arith.constant 0 : i32
      %dma_wait3A_179 = tpu.memref_slice %arg6[%dma_wait3A_170, %dma_wait3A_177, %dma_wait3A_178] : memref<2x50x16xi32, #tpu.memory_space<vmem>> -> memref<1x50x16xi32, #tpu.memory_space<vmem>>
      %dma_wait3A_180 = tpu.memref_squeeze %dma_wait3A_179 : memref<1x50x16xi32, #tpu.memory_space<vmem>> -> memref<50x16xi32, #tpu.memory_space<vmem>>
      %dma_wait3A_181 = arith.constant 0 : i32
      %dma_wait3A_182 = tpu.memref_slice %arg3[%select_n3A_169, %dma_wait3A_181] : memref<10000x16xi32, #tpu.memory_space<hbm>> -> memref<50x16xi32, #tpu.memory_space<hbm>>
      tpu.wait_dma2 semaphore(%arg9 : memref<!tpu.dma_semaphore, #tpu.memory_space<semaphore_mem>>) src(%dma_wait3A_182 : memref<50x16xi32, #tpu.memory_space<hbm>>) dst(%dma_wait3A_180 : memref<50x16xi32, #tpu.memory_space<vmem>>)
      %add3A_183 = arith.constant 0 : i32
      %add3A_184 = arith.addi %mul3A_8, %add3A_183 : i32
      %dma_wait3A_185 = arith.constant 1 : i32
      %dma_wait3A_186 = arith.constant 0 : i32
      %dma_wait3A_187 = arith.constant 0 : i32
      %dma_wait3A_188 = tpu.memref_slice %arg7[%dma_wait3A_185, %dma_wait3A_186, %dma_wait3A_187] : memref<2x800x16xf32, #tpu.memory_space<vmem>> -> memref<1x800x16xf32, #tpu.memory_space<vmem>>
      %dma_wait3A_189 = tpu.memref_squeeze %dma_wait3A_188 : memref<1x800x16xf32, #tpu.memory_space<vmem>> -> memref<800x16xf32, #tpu.memory_space<vmem>>
      %dma_wait3A_190 = tpu.memref_slice %arg2[%add3A_184, %mul3A_12] : memref<160000x64xf32, #tpu.memory_space<hbm>> -> memref<800x16xf32, #tpu.memory_space<hbm>>
      %dma_wait3A_191 = arith.constant 0 : i32
      %dma_wait3A_192 = arith.constant 0 : i32
      %dma_wait3A_193 = tpu.memref_slice %arg7[%dma_wait3A_185, %dma_wait3A_191, %dma_wait3A_192] : memref<2x800x16xf32, #tpu.memory_space<vmem>> -> memref<1x800x16xf32, #tpu.memory_space<vmem>>
      %dma_wait3A_194 = tpu.memref_squeeze %dma_wait3A_193 : memref<1x800x16xf32, #tpu.memory_space<vmem>> -> memref<800x16xf32, #tpu.memory_space<vmem>>
      %dma_wait3A_195 = tpu.memref_slice %arg2[%add3A_184, %mul3A_12] : memref<160000x64xf32, #tpu.memory_space<hbm>> -> memref<800x16xf32, #tpu.memory_space<hbm>>
      tpu.wait_dma2 semaphore(%arg11 : memref<!tpu.dma_semaphore, #tpu.memory_space<semaphore_mem>>) src(%dma_wait3A_195 : memref<800x16xf32, #tpu.memory_space<hbm>>) dst(%dma_wait3A_194 : memref<800x16xf32, #tpu.memory_space<vmem>>)
      %add3A_196 = arith.constant 1 : i32
      %add3A_197 = arith.addi %add3A_143, %add3A_196 : i32
      %lt3A_198 = arith.constant 50 : i32
      %lt3A_199 = arith.cmpi slt, %add3A_197, %lt3A_198 : i32
      %convert_element_type3A_200 = arith.extui %lt3A_199 : i1 to i32
      %cond3A_201 = arith.constant 0 : i32
      %cond3A_202 = arith.cmpi ne, %convert_element_type3A_200, %cond3A_201 : i32
      scf.if %cond3A_202 {
        %add3A_213 = arith.constant 1 : i32
        %add3A_214 = arith.addi %add3A_143, %add3A_213 : i32
        %mul3A_215 = arith.constant 800 : i32
        %mul3A_216 = arith.muli %add3A_214, %mul3A_215 : i32
        %add3A_217 = arith.addi %mul3A_8, %mul3A_216 : i32
        %jit3A_218 = arith.constant 16 : i32
        %div3A_219 = arith.divsi %add3A_217, %jit3A_218 : i32
        %sign3A_220 = arith.constant 0 : i32
        %sign3A_221 = arith.cmpi sgt, %add3A_217, %sign3A_220 : i32
        %sign3A_222 = arith.extui %sign3A_221 : i1 to i32
        %sign3A_223 = arith.constant 0 : i32
        %sign3A_224 = arith.cmpi slt, %add3A_217, %sign3A_223 : i32
        %sign3A_225 = arith.extui %sign3A_224 : i1 to i32
        %sign3A_226 = arith.subi %sign3A_222, %sign3A_225 : i32
        %sign3A_227 = arith.constant 0 : i32
        %sign3A_228 = arith.cmpi sgt, %jit3A_218, %sign3A_227 : i32
        %sign3A_229 = arith.extui %sign3A_228 : i1 to i32
        %sign3A_230 = arith.constant 0 : i32
        %sign3A_231 = arith.cmpi slt, %jit3A_218, %sign3A_230 : i32
        %sign3A_232 = arith.extui %sign3A_231 : i1 to i32
        %sign3A_233 = arith.subi %sign3A_229, %sign3A_232 : i32
        %ne3A_234 = arith.cmpi ne, %sign3A_226, %sign3A_233 : i32
        %rem3A_235 = arith.remsi %add3A_217, %jit3A_218 : i32
        %ne3A_236 = arith.constant 0 : i32
        %ne3A_237 = arith.cmpi ne, %rem3A_235, %ne3A_236 : i32
        %and3A_238 = arith.andi %ne3A_234, %ne3A_237 : i1
        %sub3A_239 = arith.constant 1 : i32
        %sub3A_240 = arith.subi %div3A_219, %sub3A_239 : i32
        %select_n3A_241 = arith.select %and3A_238, %sub3A_240, %div3A_219 : i32
        %dma_start3A_242 = arith.constant 0 : i32
        %dma_start3A_243 = arith.constant 0 : i32
        %dma_start3A_244 = arith.constant 0 : i32
        %dma_start3A_245 = tpu.memref_slice %arg6[%dma_start3A_242, %dma_start3A_243, %dma_start3A_244] : memref<2x50x16xi32, #tpu.memory_space<vmem>> -> memref<1x50x16xi32, #tpu.memory_space<vmem>>
        %dma_start3A_246 = tpu.memref_squeeze %dma_start3A_245 : memref<1x50x16xi32, #tpu.memory_space<vmem>> -> memref<50x16xi32, #tpu.memory_space<vmem>>
        %dma_start3A_247 = arith.constant 0 : i32
        %dma_start3A_248 = tpu.memref_slice %arg3[%select_n3A_241, %dma_start3A_247] : memref<10000x16xi32, #tpu.memory_space<hbm>> -> memref<50x16xi32, #tpu.memory_space<hbm>>
        %dma_start3A_249 = arith.constant 0 : i32
        %dma_start3A_250 = arith.constant 0 : i32
        %dma_start3A_251 = tpu.memref_slice %arg6[%dma_start3A_242, %dma_start3A_249, %dma_start3A_250] : memref<2x50x16xi32, #tpu.memory_space<vmem>> -> memref<1x50x16xi32, #tpu.memory_space<vmem>>
        %dma_start3A_252 = tpu.memref_squeeze %dma_start3A_251 : memref<1x50x16xi32, #tpu.memory_space<vmem>> -> memref<50x16xi32, #tpu.memory_space<vmem>>
        %dma_start3A_253 = arith.constant 0 : i32
        %dma_start3A_254 = tpu.memref_slice %arg3[%select_n3A_241, %dma_start3A_253] : memref<10000x16xi32, #tpu.memory_space<hbm>> -> memref<50x16xi32, #tpu.memory_space<hbm>>
        tpu.enqueue_dma source(%dma_start3A_254 : memref<50x16xi32, #tpu.memory_space<hbm>>) target(%dma_start3A_252 : memref<50x16xi32, #tpu.memory_space<vmem>>) target_semaphore(%arg8 : memref<!tpu.dma_semaphore, #tpu.memory_space<semaphore_mem>>)
        %mul3A_255 = arith.constant 800 : i32
        %mul3A_256 = arith.muli %add3A_214, %mul3A_255 : i32
        %add3A_257 = arith.addi %mul3A_8, %mul3A_256 : i32
        %dma_start3A_258 = arith.constant 0 : i32
        %dma_start3A_259 = arith.constant 0 : i32
        %dma_start3A_260 = arith.constant 0 : i32
        %dma_start3A_261 = tpu.memref_slice %arg7[%dma_start3A_258, %dma_start3A_259, %dma_start3A_260] : memref<2x800x16xf32, #tpu.memory_space<vmem>> -> memref<1x800x16xf32, #tpu.memory_space<vmem>>
        %dma_start3A_262 = tpu.memref_squeeze %dma_start3A_261 : memref<1x800x16xf32, #tpu.memory_space<vmem>> -> memref<800x16xf32, #tpu.memory_space<vmem>>
        %dma_start3A_263 = tpu.memref_slice %arg2[%add3A_257, %mul3A_12] : memref<160000x64xf32, #tpu.memory_space<hbm>> -> memref<800x16xf32, #tpu.memory_space<hbm>>
        %dma_start3A_264 = arith.constant 0 : i32
        %dma_start3A_265 = arith.constant 0 : i32
        %dma_start3A_266 = tpu.memref_slice %arg7[%dma_start3A_258, %dma_start3A_264, %dma_start3A_265] : memref<2x800x16xf32, #tpu.memory_space<vmem>> -> memref<1x800x16xf32, #tpu.memory_space<vmem>>
        %dma_start3A_267 = tpu.memref_squeeze %dma_start3A_266 : memref<1x800x16xf32, #tpu.memory_space<vmem>> -> memref<800x16xf32, #tpu.memory_space<vmem>>
        %dma_start3A_268 = tpu.memref_slice %arg2[%add3A_257, %mul3A_12] : memref<160000x64xf32, #tpu.memory_space<hbm>> -> memref<800x16xf32, #tpu.memory_space<hbm>>
        tpu.enqueue_dma source(%dma_start3A_268 : memref<800x16xf32, #tpu.memory_space<hbm>>) target(%dma_start3A_267 : memref<800x16xf32, #tpu.memory_space<vmem>>) target_semaphore(%arg10 : memref<!tpu.dma_semaphore, #tpu.memory_space<semaphore_mem>>)
      } else {
      }
      %scan3A_203 = arith.constant 1 : i32
      %scan3A_204 = arith.constant 1 : i32
      %scan3A_205 = arith.constant 0 : i32
      %scan3A_206 = arith.constant 0 : i32
      %scan3A_207 = arith.constant 50 : i32
      %scan3A_208 = arith.addi %scan3A_206, %scan3A_207 : i32
      %scan3A_209 = arith.constant 1 : i32
      %scan3A_210 = scf.for %scan3A_213 = %scan3A_206 to %scan3A_208 step %scan3A_209 iter_args(%scan3A_214 = %scan3A_205) -> (i32)  : i32 {
        %get3A = arith.constant 0 : i32
        %get3A_215 = arith.constant 0 : i32
        %get3A_216 = tpu.memref_slice %arg6[%scan3A_203, %get3A, %get3A_215] : memref<2x50x16xi32, #tpu.memory_space<vmem>> -> memref<1x50x16xi32, #tpu.memory_space<vmem>>
        %get3A_217 = tpu.memref_squeeze %get3A_216 : memref<1x50x16xi32, #tpu.memory_space<vmem>> -> memref<50x16xi32, #tpu.memory_space<vmem>>
        %get3A_218 = arith.index_cast %scan3A_213 : i32 to index
        %get3A_219 = arith.constant 0 : index
        %get3A_220 = tpu.vector_load %get3A_217[%get3A_218, %get3A_219] {strides = array<i32>} : memref<50x16xi32, #tpu.memory_space<vmem>>, vector<1x16xi32>,
        %get3A_221 = vector.shape_cast %get3A_220 : vector<1x16xi32> to vector<16xi32>
        %sub3A_222 = vector.broadcast %mul3A_10 : i32 to vector<16xi32>
        %sub3A_223 = arith.subi %get3A_221, %sub3A_222 : vector<16xi32>
        %ge3A = arith.constant 0 : i32
        %ge3A_224 = vector.broadcast %ge3A : i32 to vector<16xi32>
        %ge3A_225 = arith.cmpi sge, %sub3A_223, %ge3A_224 : vector<16xi32>
        %lt3A_226 = arith.constant 5000 : i32
        %lt3A_227 = vector.broadcast %lt3A_226 : i32 to vector<16xi32>
        %lt3A_228 = arith.cmpi slt, %sub3A_223, %lt3A_227 : vector<16xi32>
        %and3A_229 = arith.andi %ge3A_225, %lt3A_228 : vector<16xi1>
        %jit3A_230 = arith.constant 5000 : i32
        %broadcast_in_dim3A = vector.broadcast %jit3A_230 : i32 to vector<16xi32>
        %select_n3A_231 = arith.select %and3A_229, %sub3A_223, %broadcast_in_dim3A : vector<16xi1>, vector<16xi32>
        %slice3A = vector.extract_strided_slice %select_n3A_231 {offsets = [0], sizes = [1], strides = [1]} : vector<16xi32> to vector<1xi32>
        %squeeze3A = vector.extract %slice3A[0] : i32 from vector<1xi32>
        %slice3A_232 = vector.extract_strided_slice %select_n3A_231 {offsets = [1], sizes = [1], strides = [1]} : vector<16xi32> to vector<1xi32>
        %squeeze3A_233 = vector.extract %slice3A_232[0] : i32 from vector<1xi32>
        %slice3A_234 = vector.extract_strided_slice %select_n3A_231 {offsets = [2], sizes = [1], strides = [1]} : vector<16xi32> to vector<1xi32>
        %squeeze3A_235 = vector.extract %slice3A_234[0] : i32 from vector<1xi32>
        %slice3A_236 = vector.extract_strided_slice %select_n3A_231 {offsets = [3], sizes = [1], strides = [1]} : vector<16xi32> to vector<1xi32>
        %squeeze3A_237 = vector.extract %slice3A_236[0] : i32 from vector<1xi32>
        %mul3A_238 = arith.constant 16 : i32
        %mul3A_239 = arith.muli %scan3A_213, %mul3A_238 : i32
        %add3A_240 = arith.constant 0 : i32
        %add3A_241 = arith.addi %mul3A_239, %add3A_240 : i32
        %add3A_242 = arith.constant 0 : i32
        %add3A_243 = arith.addi %add3A_241, %add3A_242 : i32
        %get3A_244 = arith.constant 0 : i32
        %get3A_245 = arith.constant 0 : i32
        %get3A_246 = tpu.memref_slice %arg7[%scan3A_204, %get3A_244, %get3A_245] : memref<2x800x16xf32, #tpu.memory_space<vmem>> -> memref<1x800x16xf32, #tpu.memory_space<vmem>>
        %get3A_247 = tpu.memref_squeeze %get3A_246 : memref<1x800x16xf32, #tpu.memory_space<vmem>> -> memref<800x16xf32, #tpu.memory_space<vmem>>
        %get3A_248 = arith.index_cast %add3A_243 : i32 to index
        %get3A_249 = arith.constant 0 : index
        %get3A_250 = tpu.vector_load %get3A_247[%get3A_248, %get3A_249] {strides = array<i32>} : memref<800x16xf32, #tpu.memory_space<vmem>>, vector<1x16xf32>,
        %get3A_251 = vector.shape_cast %get3A_250 : vector<1x16xf32> to vector<16xf32>
        %mul3A_252 = arith.constant 16 : i32
        %mul3A_253 = arith.muli %scan3A_213, %mul3A_252 : i32
        %add3A_254 = arith.constant 0 : i32
        %add3A_255 = arith.addi %mul3A_253, %add3A_254 : i32
        %add3A_256 = arith.constant 1 : i32
        %add3A_257 = arith.addi %add3A_255, %add3A_256 : i32
        %get3A_258 = arith.constant 0 : i32
        %get3A_259 = arith.constant 0 : i32
        %get3A_260 = tpu.memref_slice %arg7[%scan3A_204, %get3A_258, %get3A_259] : memref<2x800x16xf32, #tpu.memory_space<vmem>> -> memref<1x800x16xf32, #tpu.memory_space<vmem>>
        %get3A_261 = tpu.memref_squeeze %get3A_260 : memref<1x800x16xf32, #tpu.memory_space<vmem>> -> memref<800x16xf32, #tpu.memory_space<vmem>>
        %get3A_262 = arith.index_cast %add3A_257 : i32 to index
        %get3A_263 = arith.constant 0 : index
        %get3A_264 = tpu.vector_load %get3A_261[%get3A_262, %get3A_263] {strides = array<i32>} : memref<800x16xf32, #tpu.memory_space<vmem>>, vector<1x16xf32>,
        %get3A_265 = vector.shape_cast %get3A_264 : vector<1x16xf32> to vector<16xf32>
        %mul3A_266 = arith.constant 16 : i32
        %mul3A_267 = arith.muli %scan3A_213, %mul3A_266 : i32
        %add3A_268 = arith.constant 0 : i32
        %add3A_269 = arith.addi %mul3A_267, %add3A_268 : i32
        %add3A_270 = arith.constant 2 : i32
        %add3A_271 = arith.addi %add3A_269, %add3A_270 : i32
        %get3A_272 = arith.constant 0 : i32
        %get3A_273 = arith.constant 0 : i32
        %get3A_274 = tpu.memref_slice %arg7[%scan3A_204, %get3A_272, %get3A_273] : memref<2x800x16xf32, #tpu.memory_space<vmem>> -> memref<1x800x16xf32, #tpu.memory_space<vmem>>
        %get3A_275 = tpu.memref_squeeze %get3A_274 : memref<1x800x16xf32, #tpu.memory_space<vmem>> -> memref<800x16xf32, #tpu.memory_space<vmem>>
        %get3A_276 = arith.index_cast %add3A_271 : i32 to index
        %get3A_277 = arith.constant 0 : index
        %get3A_278 = tpu.vector_load %get3A_275[%get3A_276, %get3A_277] {strides = array<i32>} : memref<800x16xf32, #tpu.memory_space<vmem>>, vector<1x16xf32>,
        %get3A_279 = vector.shape_cast %get3A_278 : vector<1x16xf32> to vector<16xf32>
        %mul3A_280 = arith.constant 16 : i32
        %mul3A_281 = arith.muli %scan3A_213, %mul3A_280 : i32
        %add3A_282 = arith.constant 0 : i32
        %add3A_283 = arith.addi %mul3A_281, %add3A_282 : i32
        %add3A_284 = arith.constant 3 : i32
        %add3A_285 = arith.addi %add3A_283, %add3A_284 : i32
        %get3A_286 = arith.constant 0 : i32
        %get3A_287 = arith.constant 0 : i32
        %get3A_288 = tpu.memref_slice %arg7[%scan3A_204, %get3A_286, %get3A_287] : memref<2x800x16xf32, #tpu.memory_space<vmem>> -> memref<1x800x16xf32, #tpu.memory_space<vmem>>
        %get3A_289 = tpu.memref_squeeze %get3A_288 : memref<1x800x16xf32, #tpu.memory_space<vmem>> -> memref<800x16xf32, #tpu.memory_space<vmem>>
        %get3A_290 = arith.index_cast %add3A_285 : i32 to index
        %get3A_291 = arith.constant 0 : index
        %get3A_292 = tpu.vector_load %get3A_289[%get3A_290, %get3A_291] {strides = array<i32>} : memref<800x16xf32, #tpu.memory_space<vmem>>, vector<1x16xf32>,
        %get3A_293 = vector.shape_cast %get3A_292 : vector<1x16xf32> to vector<16xf32>
        %eq3A = arith.cmpi eq, %squeeze3A_233, %squeeze3A : i32
        %max3A = arith.maximumf %get3A_251, %get3A_265 : vector<16xf32>
        %select_n3A_294 = arith.select %eq3A, %max3A, %get3A_251 : vector<16xf32>
        %jit3A_295 = arith.constant 5000 : i32
        %select_n3A_296 = arith.select %eq3A, %jit3A_295, %squeeze3A_233 : i32
        %eq3A_297 = arith.cmpi eq, %squeeze3A_235, %squeeze3A : i32
        %max3A_298 = arith.maximumf %select_n3A_294, %get3A_279 : vector<16xf32>
        %select_n3A_299 = arith.select %eq3A_297, %max3A_298, %select_n3A_294 : vector<16xf32>
        %jit3A_300 = arith.constant 5000 : i32
        %select_n3A_301 = arith.select %eq3A_297, %jit3A_300, %squeeze3A_235 : i32
        %eq3A_302 = arith.cmpi eq, %squeeze3A_237, %squeeze3A : i32
        %max3A_303 = arith.maximumf %select_n3A_299, %get3A_293 : vector<16xf32>
        %select_n3A_304 = arith.select %eq3A_302, %max3A_303, %select_n3A_299 : vector<16xf32>
        %jit3A_305 = arith.constant 5000 : i32
        %select_n3A_306 = arith.select %eq3A_302, %jit3A_305, %squeeze3A_237 : i32
        %eq3A_307 = arith.cmpi eq, %select_n3A_301, %select_n3A_296 : i32
        %max3A_308 = arith.maximumf %get3A_265, %get3A_279 : vector<16xf32>
        %select_n3A_309 = arith.select %eq3A_307, %max3A_308, %get3A_265 : vector<16xf32>
        %jit3A_310 = arith.constant 5000 : i32
        %select_n3A_311 = arith.select %eq3A_307, %jit3A_310, %select_n3A_301 : i32
        %eq3A_312 = arith.cmpi eq, %select_n3A_306, %select_n3A_296 : i32
        %max3A_313 = arith.maximumf %select_n3A_309, %get3A_293 : vector<16xf32>
        %select_n3A_314 = arith.select %eq3A_312, %max3A_313, %select_n3A_309 : vector<16xf32>
        %jit3A_315 = arith.constant 5000 : i32
        %select_n3A_316 = arith.select %eq3A_312, %jit3A_315, %select_n3A_306 : i32
        %eq3A_317 = arith.cmpi eq, %select_n3A_316, %select_n3A_311 : i32
        %max3A_318 = arith.maximumf %get3A_279, %get3A_293 : vector<16xf32>
        %select_n3A_319 = arith.select %eq3A_317, %max3A_318, %get3A_279 : vector<16xf32>
        %jit3A_320 = arith.constant 5000 : i32
        %select_n3A_321 = arith.select %eq3A_317, %jit3A_320, %select_n3A_316 : i32
        %get3A_322 = arith.index_cast %squeeze3A : i32 to index
        %get3A_323 = arith.constant 0 : index
        %get3A_324 = tpu.vector_load %arg5[%get3A_322, %get3A_323] {strides = array<i32>} : memref<5001x16xf32, #tpu.memory_space<vmem>>, vector<1x16xf32>,
        %get3A_325 = vector.shape_cast %get3A_324 : vector<1x16xf32> to vector<16xf32>
        %max3A_326 = arith.maximumf %get3A_325, %select_n3A_304 : vector<16xf32>
        %get3A_327 = arith.index_cast %select_n3A_296 : i32 to index
        %get3A_328 = arith.constant 0 : index
        %get3A_329 = tpu.vector_load %arg5[%get3A_327, %get3A_328] {strides = array<i32>} : memref<5001x16xf32, #tpu.memory_space<vmem>>, vector<1x16xf32>,
        %get3A_330 = vector.shape_cast %get3A_329 : vector<1x16xf32> to vector<16xf32>
        %max3A_331 = arith.maximumf %get3A_330, %select_n3A_314 : vector<16xf32>
        %get3A_332 = arith.index_cast %select_n3A_311 : i32 to index
        %get3A_333 = arith.constant 0 : index
        %get3A_334 = tpu.vector_load %arg5[%get3A_332, %get3A_333] {strides = array<i32>} : memref<5001x16xf32, #tpu.memory_space<vmem>>, vector<1x16xf32>,
        %get3A_335 = vector.shape_cast %get3A_334 : vector<1x16xf32> to vector<16xf32>
        %max3A_336 = arith.maximumf %get3A_335, %select_n3A_319 : vector<16xf32>
        %get3A_337 = arith.index_cast %select_n3A_321 : i32 to index
        %get3A_338 = arith.constant 0 : index
        %get3A_339 = tpu.vector_load %arg5[%get3A_337, %get3A_338] {strides = array<i32>} : memref<5001x16xf32, #tpu.memory_space<vmem>>, vector<1x16xf32>,
        %get3A_340 = vector.shape_cast %get3A_339 : vector<1x16xf32> to vector<16xf32>
        %max3A_341 = arith.maximumf %get3A_340, %get3A_293 : vector<16xf32>
        %swap3A = arith.index_cast %squeeze3A : i32 to index
        %swap3A_342 = arith.constant 0 : index
        %swap3A_343 = tpu.vector_load %arg5[%swap3A, %swap3A_342] {strides = array<i32>} : memref<5001x16xf32, #tpu.memory_space<vmem>>, vector<1x16xf32>,
        %swap3A_344 = vector.shape_cast %swap3A_343 : vector<1x16xf32> to vector<16xf32>
        %swap3A_345 = vector.shape_cast %max3A_326 : vector<16xf32> to vector<1x16xf32>
        tpu.vector_store %arg5[%swap3A, %swap3A_342], %swap3A_345 {strides = array<i32>} : memref<5001x16xf32, #tpu.memory_space<vmem>>, vector<1x16xf32>,
        %swap3A_346 = arith.index_cast %select_n3A_296 : i32 to index
        %swap3A_347 = arith.constant 0 : index
        %swap3A_348 = tpu.vector_load %arg5[%swap3A_346, %swap3A_347] {strides = array<i32>} : memref<5001x16xf32, #tpu.memory_space<vmem>>, vector<1x16xf32>,
        %swap3A_349 = vector.shape_cast %swap3A_348 : vector<1x16xf32> to vector<16xf32>
        %swap3A_350 = vector.shape_cast %max3A_331 : vector<16xf32> to vector<1x16xf32>
        tpu.vector_store %arg5[%swap3A_346, %swap3A_347], %swap3A_350 {strides = array<i32>} : memref<5001x16xf32, #tpu.memory_space<vmem>>, vector<1x16xf32>,
        %swap3A_351 = arith.index_cast %select_n3A_311 : i32 to index
        %swap3A_352 = arith.constant 0 : index
        %swap3A_353 = tpu.vector_load %arg5[%swap3A_351, %swap3A_352] {strides = array<i32>} : memref<5001x16xf32, #tpu.memory_space<vmem>>, vector<1x16xf32>,
        %swap3A_354 = vector.shape_cast %swap3A_353 : vector<1x16xf32> to vector<16xf32>
        %swap3A_355 = vector.shape_cast %max3A_336 : vector<16xf32> to vector<1x16xf32>
        tpu.vector_store %arg5[%swap3A_351, %swap3A_352], %swap3A_355 {strides = array<i32>} : memref<5001x16xf32, #tpu.memory_space<vmem>>, vector<1x16xf32>,
        %swap3A_356 = arith.index_cast %select_n3A_321 : i32 to index
        %swap3A_357 = arith.constant 0 : index
        %swap3A_358 = tpu.vector_load %arg5[%swap3A_356, %swap3A_357] {strides = array<i32>} : memref<5001x16xf32, #tpu.memory_space<vmem>>, vector<1x16xf32>,
        %swap3A_359 = vector.shape_cast %swap3A_358 : vector<1x16xf32> to vector<16xf32>
        %swap3A_360 = vector.shape_cast %max3A_341 : vector<16xf32> to vector<1x16xf32>
        tpu.vector_store %arg5[%swap3A_356, %swap3A_357], %swap3A_360 {strides = array<i32>} : memref<5001x16xf32, #tpu.memory_space<vmem>>, vector<1x16xf32>,
        %slice3A_361 = vector.extract_strided_slice %select_n3A_231 {offsets = [4], sizes = [1], strides = [1]} : vector<16xi32> to vector<1xi32>
        %squeeze3A_362 = vector.extract %slice3A_361[0] : i32 from vector<1xi32>
        %slice3A_363 = vector.extract_strided_slice %select_n3A_231 {offsets = [5], sizes = [1], strides = [1]} : vector<16xi32> to vector<1xi32>
        %squeeze3A_364 = vector.extract %slice3A_363[0] : i32 from vector<1xi32>
        %slice3A_365 = vector.extract_strided_slice %select_n3A_231 {offsets = [6], sizes = [1], strides = [1]} : vector<16xi32> to vector<1xi32>
        %squeeze3A_366 = vector.extract %slice3A_365[0] : i32 from vector<1xi32>
        %slice3A_367 = vector.extract_strided_slice %select_n3A_231 {offsets = [7], sizes = [1], strides = [1]} : vector<16xi32> to vector<1xi32>
        %squeeze3A_368 = vector.extract %slice3A_367[0] : i32 from vector<1xi32>
        %mul3A_369 = arith.constant 16 : i32
        %mul3A_370 = arith.muli %scan3A_213, %mul3A_369 : i32
        %add3A_371 = arith.constant 4 : i32
        %add3A_372 = arith.addi %mul3A_370, %add3A_371 : i32
        %add3A_373 = arith.constant 0 : i32
        %add3A_374 = arith.addi %add3A_372, %add3A_373 : i32
        %get3A_375 = arith.constant 0 : i32
        %get3A_376 = arith.constant 0 : i32
        %get3A_377 = tpu.memref_slice %arg7[%scan3A_204, %get3A_375, %get3A_376] : memref<2x800x16xf32, #tpu.memory_space<vmem>> -> memref<1x800x16xf32, #tpu.memory_space<vmem>>
        %get3A_378 = tpu.memref_squeeze %get3A_377 : memref<1x800x16xf32, #tpu.memory_space<vmem>> -> memref<800x16xf32, #tpu.memory_space<vmem>>
        %get3A_379 = arith.index_cast %add3A_374 : i32 to index
        %get3A_380 = arith.constant 0 : index
        %get3A_381 = tpu.vector_load %get3A_378[%get3A_379, %get3A_380] {strides = array<i32>} : memref<800x16xf32, #tpu.memory_space<vmem>>, vector<1x16xf32>,
        %get3A_382 = vector.shape_cast %get3A_381 : vector<1x16xf32> to vector<16xf32>
        %mul3A_383 = arith.constant 16 : i32
        %mul3A_384 = arith.muli %scan3A_213, %mul3A_383 : i32
        %add3A_385 = arith.constant 4 : i32
        %add3A_386 = arith.addi %mul3A_384, %add3A_385 : i32
        %add3A_387 = arith.constant 1 : i32
        %add3A_388 = arith.addi %add3A_386, %add3A_387 : i32
        %get3A_389 = arith.constant 0 : i32
        %get3A_390 = arith.constant 0 : i32
        %get3A_391 = tpu.memref_slice %arg7[%scan3A_204, %get3A_389, %get3A_390] : memref<2x800x16xf32, #tpu.memory_space<vmem>> -> memref<1x800x16xf32, #tpu.memory_space<vmem>>
        %get3A_392 = tpu.memref_squeeze %get3A_391 : memref<1x800x16xf32, #tpu.memory_space<vmem>> -> memref<800x16xf32, #tpu.memory_space<vmem>>
        %get3A_393 = arith.index_cast %add3A_388 : i32 to index
        %get3A_394 = arith.constant 0 : index
        %get3A_395 = tpu.vector_load %get3A_392[%get3A_393, %get3A_394] {strides = array<i32>} : memref<800x16xf32, #tpu.memory_space<vmem>>, vector<1x16xf32>,
        %get3A_396 = vector.shape_cast %get3A_395 : vector<1x16xf32> to vector<16xf32>
        %mul3A_397 = arith.constant 16 : i32
        %mul3A_398 = arith.muli %scan3A_213, %mul3A_397 : i32
        %add3A_399 = arith.constant 4 : i32
        %add3A_400 = arith.addi %mul3A_398, %add3A_399 : i32
        %add3A_401 = arith.constant 2 : i32
        %add3A_402 = arith.addi %add3A_400, %add3A_401 : i32
        %get3A_403 = arith.constant 0 : i32
        %get3A_404 = arith.constant 0 : i32
        %get3A_405 = tpu.memref_slice %arg7[%scan3A_204, %get3A_403, %get3A_404] : memref<2x800x16xf32, #tpu.memory_space<vmem>> -> memref<1x800x16xf32, #tpu.memory_space<vmem>>
        %get3A_406 = tpu.memref_squeeze %get3A_405 : memref<1x800x16xf32, #tpu.memory_space<vmem>> -> memref<800x16xf32, #tpu.memory_space<vmem>>
        %get3A_407 = arith.index_cast %add3A_402 : i32 to index
        %get3A_408 = arith.constant 0 : index
        %get3A_409 = tpu.vector_load %get3A_406[%get3A_407, %get3A_408] {strides = array<i32>} : memref<800x16xf32, #tpu.memory_space<vmem>>, vector<1x16xf32>,
        %get3A_410 = vector.shape_cast %get3A_409 : vector<1x16xf32> to vector<16xf32>
        %mul3A_411 = arith.constant 16 : i32
        %mul3A_412 = arith.muli %scan3A_213, %mul3A_411 : i32
        %add3A_413 = arith.constant 4 : i32
        %add3A_414 = arith.addi %mul3A_412, %add3A_413 : i32
        %add3A_415 = arith.constant 3 : i32
        %add3A_416 = arith.addi %add3A_414, %add3A_415 : i32
        %get3A_417 = arith.constant 0 : i32
        %get3A_418 = arith.constant 0 : i32
        %get3A_419 = tpu.memref_slice %arg7[%scan3A_204, %get3A_417, %get3A_418] : memref<2x800x16xf32, #tpu.memory_space<vmem>> -> memref<1x800x16xf32, #tpu.memory_space<vmem>>
        %get3A_420 = tpu.memref_squeeze %get3A_419 : memref<1x800x16xf32, #tpu.memory_space<vmem>> -> memref<800x16xf32, #tpu.memory_space<vmem>>
        %get3A_421 = arith.index_cast %add3A_416 : i32 to index
        %get3A_422 = arith.constant 0 : index
        %get3A_423 = tpu.vector_load %get3A_420[%get3A_421, %get3A_422] {strides = array<i32>} : memref<800x16xf32, #tpu.memory_space<vmem>>, vector<1x16xf32>,
        %get3A_424 = vector.shape_cast %get3A_423 : vector<1x16xf32> to vector<16xf32>
        %eq3A_425 = arith.cmpi eq, %squeeze3A_364, %squeeze3A_362 : i32
        %max3A_426 = arith.maximumf %get3A_382, %get3A_396 : vector<16xf32>
        %select_n3A_427 = arith.select %eq3A_425, %max3A_426, %get3A_382 : vector<16xf32>
        %jit3A_428 = arith.constant 5000 : i32
        %select_n3A_429 = arith.select %eq3A_425, %jit3A_428, %squeeze3A_364 : i32
        %eq3A_430 = arith.cmpi eq, %squeeze3A_366, %squeeze3A_362 : i32
        %max3A_431 = arith.maximumf %select_n3A_427, %get3A_410 : vector<16xf32>
        %select_n3A_432 = arith.select %eq3A_430, %max3A_431, %select_n3A_427 : vector<16xf32>
        %jit3A_433 = arith.constant 5000 : i32
        %select_n3A_434 = arith.select %eq3A_430, %jit3A_433, %squeeze3A_366 : i32
        %eq3A_435 = arith.cmpi eq, %squeeze3A_368, %squeeze3A_362 : i32
        %max3A_436 = arith.maximumf %select_n3A_432, %get3A_424 : vector<16xf32>
        %select_n3A_437 = arith.select %eq3A_435, %max3A_436, %select_n3A_432 : vector<16xf32>
        %jit3A_438 = arith.constant 5000 : i32
        %select_n3A_439 = arith.select %eq3A_435, %jit3A_438, %squeeze3A_368 : i32
        %eq3A_440 = arith.cmpi eq, %select_n3A_434, %select_n3A_429 : i32
        %max3A_441 = arith.maximumf %get3A_396, %get3A_410 : vector<16xf32>
        %select_n3A_442 = arith.select %eq3A_440, %max3A_441, %get3A_396 : vector<16xf32>
        %jit3A_443 = arith.constant 5000 : i32
        %select_n3A_444 = arith.select %eq3A_440, %jit3A_443, %select_n3A_434 : i32
        %eq3A_445 = arith.cmpi eq, %select_n3A_439, %select_n3A_429 : i32
        %max3A_446 = arith.maximumf %select_n3A_442, %get3A_424 : vector<16xf32>
        %select_n3A_447 = arith.select %eq3A_445, %max3A_446, %select_n3A_442 : vector<16xf32>
        %jit3A_448 = arith.constant 5000 : i32
        %select_n3A_449 = arith.select %eq3A_445, %jit3A_448, %select_n3A_439 : i32
        %eq3A_450 = arith.cmpi eq, %select_n3A_449, %select_n3A_444 : i32
        %max3A_451 = arith.maximumf %get3A_410, %get3A_424 : vector<16xf32>
        %select_n3A_452 = arith.select %eq3A_450, %max3A_451, %get3A_410 : vector<16xf32>
        %jit3A_453 = arith.constant 5000 : i32
        %select_n3A_454 = arith.select %eq3A_450, %jit3A_453, %select_n3A_449 : i32
        %get3A_455 = arith.index_cast %squeeze3A_362 : i32 to index
        %get3A_456 = arith.constant 0 : index
        %get3A_457 = tpu.vector_load %arg5[%get3A_455, %get3A_456] {strides = array<i32>} : memref<5001x16xf32, #tpu.memory_space<vmem>>, vector<1x16xf32>,
        %get3A_458 = vector.shape_cast %get3A_457 : vector<1x16xf32> to vector<16xf32>
        %max3A_459 = arith.maximumf %get3A_458, %select_n3A_437 : vector<16xf32>
        %get3A_460 = arith.index_cast %select_n3A_429 : i32 to index
        %get3A_461 = arith.constant 0 : index
        %get3A_462 = tpu.vector_load %arg5[%get3A_460, %get3A_461] {strides = array<i32>} : memref<5001x16xf32, #tpu.memory_space<vmem>>, vector<1x16xf32>,
        %get3A_463 = vector.shape_cast %get3A_462 : vector<1x16xf32> to vector<16xf32>
        %max3A_464 = arith.maximumf %get3A_463, %select_n3A_447 : vector<16xf32>
        %get3A_465 = arith.index_cast %select_n3A_444 : i32 to index
        %get3A_466 = arith.constant 0 : index
        %get3A_467 = tpu.vector_load %arg5[%get3A_465, %get3A_466] {strides = array<i32>} : memref<5001x16xf32, #tpu.memory_space<vmem>>, vector<1x16xf32>,
        %get3A_468 = vector.shape_cast %get3A_467 : vector<1x16xf32> to vector<16xf32>
        %max3A_469 = arith.maximumf %get3A_468, %select_n3A_452 : vector<16xf32>
        %get3A_470 = arith.index_cast %select_n3A_454 : i32 to index
        %get3A_471 = arith.constant 0 : index
        %get3A_472 = tpu.vector_load %arg5[%get3A_470, %get3A_471] {strides = array<i32>} : memref<5001x16xf32, #tpu.memory_space<vmem>>, vector<1x16xf32>,
        %get3A_473 = vector.shape_cast %get3A_472 : vector<1x16xf32> to vector<16xf32>
        %max3A_474 = arith.maximumf %get3A_473, %get3A_424 : vector<16xf32>
        %swap3A_475 = arith.index_cast %squeeze3A_362 : i32 to index
        %swap3A_476 = arith.constant 0 : index
        %swap3A_477 = tpu.vector_load %arg5[%swap3A_475, %swap3A_476] {strides = array<i32>} : memref<5001x16xf32, #tpu.memory_space<vmem>>, vector<1x16xf32>,
        %swap3A_478 = vector.shape_cast %swap3A_477 : vector<1x16xf32> to vector<16xf32>
        %swap3A_479 = vector.shape_cast %max3A_459 : vector<16xf32> to vector<1x16xf32>
        tpu.vector_store %arg5[%swap3A_475, %swap3A_476], %swap3A_479 {strides = array<i32>} : memref<5001x16xf32, #tpu.memory_space<vmem>>, vector<1x16xf32>,
        %swap3A_480 = arith.index_cast %select_n3A_429 : i32 to index
        %swap3A_481 = arith.constant 0 : index
        %swap3A_482 = tpu.vector_load %arg5[%swap3A_480, %swap3A_481] {strides = array<i32>} : memref<5001x16xf32, #tpu.memory_space<vmem>>, vector<1x16xf32>,
        %swap3A_483 = vector.shape_cast %swap3A_482 : vector<1x16xf32> to vector<16xf32>
        %swap3A_484 = vector.shape_cast %max3A_464 : vector<16xf32> to vector<1x16xf32>
        tpu.vector_store %arg5[%swap3A_480, %swap3A_481], %swap3A_484 {strides = array<i32>} : memref<5001x16xf32, #tpu.memory_space<vmem>>, vector<1x16xf32>,
        %swap3A_485 = arith.index_cast %select_n3A_444 : i32 to index
        %swap3A_486 = arith.constant 0 : index
        %swap3A_487 = tpu.vector_load %arg5[%swap3A_485, %swap3A_486] {strides = array<i32>} : memref<5001x16xf32, #tpu.memory_space<vmem>>, vector<1x16xf32>,
        %swap3A_488 = vector.shape_cast %swap3A_487 : vector<1x16xf32> to vector<16xf32>
        %swap3A_489 = vector.shape_cast %max3A_469 : vector<16xf32> to vector<1x16xf32>
        tpu.vector_store %arg5[%swap3A_485, %swap3A_486], %swap3A_489 {strides = array<i32>} : memref<5001x16xf32, #tpu.memory_space<vmem>>, vector<1x16xf32>,
        %swap3A_490 = arith.index_cast %select_n3A_454 : i32 to index
        %swap3A_491 = arith.constant 0 : index
        %swap3A_492 = tpu.vector_load %arg5[%swap3A_490, %swap3A_491] {strides = array<i32>} : memref<5001x16xf32, #tpu.memory_space<vmem>>, vector<1x16xf32>,
        %swap3A_493 = vector.shape_cast %swap3A_492 : vector<1x16xf32> to vector<16xf32>
        %swap3A_494 = vector.shape_cast %max3A_474 : vector<16xf32> to vector<1x16xf32>
        tpu.vector_store %arg5[%swap3A_490, %swap3A_491], %swap3A_494 {strides = array<i32>} : memref<5001x16xf32, #tpu.memory_space<vmem>>, vector<1x16xf32>,
        %slice3A_495 = vector.extract_strided_slice %select_n3A_231 {offsets = [8], sizes = [1], strides = [1]} : vector<16xi32> to vector<1xi32>
        %squeeze3A_496 = vector.extract %slice3A_495[0] : i32 from vector<1xi32>
        %slice3A_497 = vector.extract_strided_slice %select_n3A_231 {offsets = [9], sizes = [1], strides = [1]} : vector<16xi32> to vector<1xi32>
        %squeeze3A_498 = vector.extract %slice3A_497[0] : i32 from vector<1xi32>
        %slice3A_499 = vector.extract_strided_slice %select_n3A_231 {offsets = [10], sizes = [1], strides = [1]} : vector<16xi32> to vector<1xi32>
        %squeeze3A_500 = vector.extract %slice3A_499[0] : i32 from vector<1xi32>
        %slice3A_501 = vector.extract_strided_slice %select_n3A_231 {offsets = [11], sizes = [1], strides = [1]} : vector<16xi32> to vector<1xi32>
        %squeeze3A_502 = vector.extract %slice3A_501[0] : i32 from vector<1xi32>
        %mul3A_503 = arith.constant 16 : i32
        %mul3A_504 = arith.muli %scan3A_213, %mul3A_503 : i32
        %add3A_505 = arith.constant 8 : i32
        %add3A_506 = arith.addi %mul3A_504, %add3A_505 : i32
        %add3A_507 = arith.constant 0 : i32
        %add3A_508 = arith.addi %add3A_506, %add3A_507 : i32
        %get3A_509 = arith.constant 0 : i32
        %get3A_510 = arith.constant 0 : i32
        %get3A_511 = tpu.memref_slice %arg7[%scan3A_204, %get3A_509, %get3A_510] : memref<2x800x16xf32, #tpu.memory_space<vmem>> -> memref<1x800x16xf32, #tpu.memory_space<vmem>>
        %get3A_512 = tpu.memref_squeeze %get3A_511 : memref<1x800x16xf32, #tpu.memory_space<vmem>> -> memref<800x16xf32, #tpu.memory_space<vmem>>
        %get3A_513 = arith.index_cast %add3A_508 : i32 to index
        %get3A_514 = arith.constant 0 : index
        %get3A_515 = tpu.vector_load %get3A_512[%get3A_513, %get3A_514] {strides = array<i32>} : memref<800x16xf32, #tpu.memory_space<vmem>>, vector<1x16xf32>,
        %get3A_516 = vector.shape_cast %get3A_515 : vector<1x16xf32> to vector<16xf32>
        %mul3A_517 = arith.constant 16 : i32
        %mul3A_518 = arith.muli %scan3A_213, %mul3A_517 : i32
        %add3A_519 = arith.constant 8 : i32
        %add3A_520 = arith.addi %mul3A_518, %add3A_519 : i32
        %add3A_521 = arith.constant 1 : i32
        %add3A_522 = arith.addi %add3A_520, %add3A_521 : i32
        %get3A_523 = arith.constant 0 : i32
        %get3A_524 = arith.constant 0 : i32
        %get3A_525 = tpu.memref_slice %arg7[%scan3A_204, %get3A_523, %get3A_524] : memref<2x800x16xf32, #tpu.memory_space<vmem>> -> memref<1x800x16xf32, #tpu.memory_space<vmem>>
        %get3A_526 = tpu.memref_squeeze %get3A_525 : memref<1x800x16xf32, #tpu.memory_space<vmem>> -> memref<800x16xf32, #tpu.memory_space<vmem>>
        %get3A_527 = arith.index_cast %add3A_522 : i32 to index
        %get3A_528 = arith.constant 0 : index
        %get3A_529 = tpu.vector_load %get3A_526[%get3A_527, %get3A_528] {strides = array<i32>} : memref<800x16xf32, #tpu.memory_space<vmem>>, vector<1x16xf32>,
        %get3A_530 = vector.shape_cast %get3A_529 : vector<1x16xf32> to vector<16xf32>
        %mul3A_531 = arith.constant 16 : i32
        %mul3A_532 = arith.muli %scan3A_213, %mul3A_531 : i32
        %add3A_533 = arith.constant 8 : i32
        %add3A_534 = arith.addi %mul3A_532, %add3A_533 : i32
        %add3A_535 = arith.constant 2 : i32
        %add3A_536 = arith.addi %add3A_534, %add3A_535 : i32
        %get3A_537 = arith.constant 0 : i32
        %get3A_538 = arith.constant 0 : i32
        %get3A_539 = tpu.memref_slice %arg7[%scan3A_204, %get3A_537, %get3A_538] : memref<2x800x16xf32, #tpu.memory_space<vmem>> -> memref<1x800x16xf32, #tpu.memory_space<vmem>>
        %get3A_540 = tpu.memref_squeeze %get3A_539 : memref<1x800x16xf32, #tpu.memory_space<vmem>> -> memref<800x16xf32, #tpu.memory_space<vmem>>
        %get3A_541 = arith.index_cast %add3A_536 : i32 to index
        %get3A_542 = arith.constant 0 : index
        %get3A_543 = tpu.vector_load %get3A_540[%get3A_541, %get3A_542] {strides = array<i32>} : memref<800x16xf32, #tpu.memory_space<vmem>>, vector<1x16xf32>,
        %get3A_544 = vector.shape_cast %get3A_543 : vector<1x16xf32> to vector<16xf32>
        %mul3A_545 = arith.constant 16 : i32
        %mul3A_546 = arith.muli %scan3A_213, %mul3A_545 : i32
        %add3A_547 = arith.constant 8 : i32
        %add3A_548 = arith.addi %mul3A_546, %add3A_547 : i32
        %add3A_549 = arith.constant 3 : i32
        %add3A_550 = arith.addi %add3A_548, %add3A_549 : i32
        %get3A_551 = arith.constant 0 : i32
        %get3A_552 = arith.constant 0 : i32
        %get3A_553 = tpu.memref_slice %arg7[%scan3A_204, %get3A_551, %get3A_552] : memref<2x800x16xf32, #tpu.memory_space<vmem>> -> memref<1x800x16xf32, #tpu.memory_space<vmem>>
        %get3A_554 = tpu.memref_squeeze %get3A_553 : memref<1x800x16xf32, #tpu.memory_space<vmem>> -> memref<800x16xf32, #tpu.memory_space<vmem>>
        %get3A_555 = arith.index_cast %add3A_550 : i32 to index
        %get3A_556 = arith.constant 0 : index
        %get3A_557 = tpu.vector_load %get3A_554[%get3A_555, %get3A_556] {strides = array<i32>} : memref<800x16xf32, #tpu.memory_space<vmem>>, vector<1x16xf32>,
        %get3A_558 = vector.shape_cast %get3A_557 : vector<1x16xf32> to vector<16xf32>
        %eq3A_559 = arith.cmpi eq, %squeeze3A_498, %squeeze3A_496 : i32
        %max3A_560 = arith.maximumf %get3A_516, %get3A_530 : vector<16xf32>
        %select_n3A_561 = arith.select %eq3A_559, %max3A_560, %get3A_516 : vector<16xf32>
        %jit3A_562 = arith.constant 5000 : i32
        %select_n3A_563 = arith.select %eq3A_559, %jit3A_562, %squeeze3A_498 : i32
        %eq3A_564 = arith.cmpi eq, %squeeze3A_500, %squeeze3A_496 : i32
        %max3A_565 = arith.maximumf %select_n3A_561, %get3A_544 : vector<16xf32>
        %select_n3A_566 = arith.select %eq3A_564, %max3A_565, %select_n3A_561 : vector<16xf32>
        %jit3A_567 = arith.constant 5000 : i32
        %select_n3A_568 = arith.select %eq3A_564, %jit3A_567, %squeeze3A_500 : i32
        %eq3A_569 = arith.cmpi eq, %squeeze3A_502, %squeeze3A_496 : i32
        %max3A_570 = arith.maximumf %select_n3A_566, %get3A_558 : vector<16xf32>
        %select_n3A_571 = arith.select %eq3A_569, %max3A_570, %select_n3A_566 : vector<16xf32>
        %jit3A_572 = arith.constant 5000 : i32
        %select_n3A_573 = arith.select %eq3A_569, %jit3A_572, %squeeze3A_502 : i32
        %eq3A_574 = arith.cmpi eq, %select_n3A_568, %select_n3A_563 : i32
        %max3A_575 = arith.maximumf %get3A_530, %get3A_544 : vector<16xf32>
        %select_n3A_576 = arith.select %eq3A_574, %max3A_575, %get3A_530 : vector<16xf32>
        %jit3A_577 = arith.constant 5000 : i32
        %select_n3A_578 = arith.select %eq3A_574, %jit3A_577, %select_n3A_568 : i32
        %eq3A_579 = arith.cmpi eq, %select_n3A_573, %select_n3A_563 : i32
        %max3A_580 = arith.maximumf %select_n3A_576, %get3A_558 : vector<16xf32>
        %select_n3A_581 = arith.select %eq3A_579, %max3A_580, %select_n3A_576 : vector<16xf32>
        %jit3A_582 = arith.constant 5000 : i32
        %select_n3A_583 = arith.select %eq3A_579, %jit3A_582, %select_n3A_573 : i32
        %eq3A_584 = arith.cmpi eq, %select_n3A_583, %select_n3A_578 : i32
        %max3A_585 = arith.maximumf %get3A_544, %get3A_558 : vector<16xf32>
        %select_n3A_586 = arith.select %eq3A_584, %max3A_585, %get3A_544 : vector<16xf32>
        %jit3A_587 = arith.constant 5000 : i32
        %select_n3A_588 = arith.select %eq3A_584, %jit3A_587, %select_n3A_583 : i32
        %get3A_589 = arith.index_cast %squeeze3A_496 : i32 to index
        %get3A_590 = arith.constant 0 : index
        %get3A_591 = tpu.vector_load %arg5[%get3A_589, %get3A_590] {strides = array<i32>} : memref<5001x16xf32, #tpu.memory_space<vmem>>, vector<1x16xf32>,
        %get3A_592 = vector.shape_cast %get3A_591 : vector<1x16xf32> to vector<16xf32>
        %max3A_593 = arith.maximumf %get3A_592, %select_n3A_571 : vector<16xf32>
        %get3A_594 = arith.index_cast %select_n3A_563 : i32 to index
        %get3A_595 = arith.constant 0 : index
        %get3A_596 = tpu.vector_load %arg5[%get3A_594, %get3A_595] {strides = array<i32>} : memref<5001x16xf32, #tpu.memory_space<vmem>>, vector<1x16xf32>,
        %get3A_597 = vector.shape_cast %get3A_596 : vector<1x16xf32> to vector<16xf32>
        %max3A_598 = arith.maximumf %get3A_597, %select_n3A_581 : vector<16xf32>
        %get3A_599 = arith.index_cast %select_n3A_578 : i32 to index
        %get3A_600 = arith.constant 0 : index
        %get3A_601 = tpu.vector_load %arg5[%get3A_599, %get3A_600] {strides = array<i32>} : memref<5001x16xf32, #tpu.memory_space<vmem>>, vector<1x16xf32>,
        %get3A_602 = vector.shape_cast %get3A_601 : vector<1x16xf32> to vector<16xf32>
        %max3A_603 = arith.maximumf %get3A_602, %select_n3A_586 : vector<16xf32>
        %get3A_604 = arith.index_cast %select_n3A_588 : i32 to index
        %get3A_605 = arith.constant 0 : index
        %get3A_606 = tpu.vector_load %arg5[%get3A_604, %get3A_605] {strides = array<i32>} : memref<5001x16xf32, #tpu.memory_space<vmem>>, vector<1x16xf32>,
        %get3A_607 = vector.shape_cast %get3A_606 : vector<1x16xf32> to vector<16xf32>
        %max3A_608 = arith.maximumf %get3A_607, %get3A_558 : vector<16xf32>
        %swap3A_609 = arith.index_cast %squeeze3A_496 : i32 to index
        %swap3A_610 = arith.constant 0 : index
        %swap3A_611 = tpu.vector_load %arg5[%swap3A_609, %swap3A_610] {strides = array<i32>} : memref<5001x16xf32, #tpu.memory_space<vmem>>, vector<1x16xf32>,
        %swap3A_612 = vector.shape_cast %swap3A_611 : vector<1x16xf32> to vector<16xf32>
        %swap3A_613 = vector.shape_cast %max3A_593 : vector<16xf32> to vector<1x16xf32>
        tpu.vector_store %arg5[%swap3A_609, %swap3A_610], %swap3A_613 {strides = array<i32>} : memref<5001x16xf32, #tpu.memory_space<vmem>>, vector<1x16xf32>,
        %swap3A_614 = arith.index_cast %select_n3A_563 : i32 to index
        %swap3A_615 = arith.constant 0 : index
        %swap3A_616 = tpu.vector_load %arg5[%swap3A_614, %swap3A_615] {strides = array<i32>} : memref<5001x16xf32, #tpu.memory_space<vmem>>, vector<1x16xf32>,
        %swap3A_617 = vector.shape_cast %swap3A_616 : vector<1x16xf32> to vector<16xf32>
        %swap3A_618 = vector.shape_cast %max3A_598 : vector<16xf32> to vector<1x16xf32>
        tpu.vector_store %arg5[%swap3A_614, %swap3A_615], %swap3A_618 {strides = array<i32>} : memref<5001x16xf32, #tpu.memory_space<vmem>>, vector<1x16xf32>,
        %swap3A_619 = arith.index_cast %select_n3A_578 : i32 to index
        %swap3A_620 = arith.constant 0 : index
        %swap3A_621 = tpu.vector_load %arg5[%swap3A_619, %swap3A_620] {strides = array<i32>} : memref<5001x16xf32, #tpu.memory_space<vmem>>, vector<1x16xf32>,
        %swap3A_622 = vector.shape_cast %swap3A_621 : vector<1x16xf32> to vector<16xf32>
        %swap3A_623 = vector.shape_cast %max3A_603 : vector<16xf32> to vector<1x16xf32>
        tpu.vector_store %arg5[%swap3A_619, %swap3A_620], %swap3A_623 {strides = array<i32>} : memref<5001x16xf32, #tpu.memory_space<vmem>>, vector<1x16xf32>,
        %swap3A_624 = arith.index_cast %select_n3A_588 : i32 to index
        %swap3A_625 = arith.constant 0 : index
        %swap3A_626 = tpu.vector_load %arg5[%swap3A_624, %swap3A_625] {strides = array<i32>} : memref<5001x16xf32, #tpu.memory_space<vmem>>, vector<1x16xf32>,
        %swap3A_627 = vector.shape_cast %swap3A_626 : vector<1x16xf32> to vector<16xf32>
        %swap3A_628 = vector.shape_cast %max3A_608 : vector<16xf32> to vector<1x16xf32>
        tpu.vector_store %arg5[%swap3A_624, %swap3A_625], %swap3A_628 {strides = array<i32>} : memref<5001x16xf32, #tpu.memory_space<vmem>>, vector<1x16xf32>,
        %slice3A_629 = vector.extract_strided_slice %select_n3A_231 {offsets = [12], sizes = [1], strides = [1]} : vector<16xi32> to vector<1xi32>
        %squeeze3A_630 = vector.extract %slice3A_629[0] : i32 from vector<1xi32>
        %slice3A_631 = vector.extract_strided_slice %select_n3A_231 {offsets = [13], sizes = [1], strides = [1]} : vector<16xi32> to vector<1xi32>
        %squeeze3A_632 = vector.extract %slice3A_631[0] : i32 from vector<1xi32>
        %slice3A_633 = vector.extract_strided_slice %select_n3A_231 {offsets = [14], sizes = [1], strides = [1]} : vector<16xi32> to vector<1xi32>
        %squeeze3A_634 = vector.extract %slice3A_633[0] : i32 from vector<1xi32>
        %slice3A_635 = vector.extract_strided_slice %select_n3A_231 {offsets = [15], sizes = [1], strides = [1]} : vector<16xi32> to vector<1xi32>
        %squeeze3A_636 = vector.extract %slice3A_635[0] : i32 from vector<1xi32>
        %mul3A_637 = arith.constant 16 : i32
        %mul3A_638 = arith.muli %scan3A_213, %mul3A_637 : i32
        %add3A_639 = arith.constant 12 : i32
        %add3A_640 = arith.addi %mul3A_638, %add3A_639 : i32
        %add3A_641 = arith.constant 0 : i32
        %add3A_642 = arith.addi %add3A_640, %add3A_641 : i32
        %get3A_643 = arith.constant 0 : i32
        %get3A_644 = arith.constant 0 : i32
        %get3A_645 = tpu.memref_slice %arg7[%scan3A_204, %get3A_643, %get3A_644] : memref<2x800x16xf32, #tpu.memory_space<vmem>> -> memref<1x800x16xf32, #tpu.memory_space<vmem>>
        %get3A_646 = tpu.memref_squeeze %get3A_645 : memref<1x800x16xf32, #tpu.memory_space<vmem>> -> memref<800x16xf32, #tpu.memory_space<vmem>>
        %get3A_647 = arith.index_cast %add3A_642 : i32 to index
        %get3A_648 = arith.constant 0 : index
        %get3A_649 = tpu.vector_load %get3A_646[%get3A_647, %get3A_648] {strides = array<i32>} : memref<800x16xf32, #tpu.memory_space<vmem>>, vector<1x16xf32>,
        %get3A_650 = vector.shape_cast %get3A_649 : vector<1x16xf32> to vector<16xf32>
        %mul3A_651 = arith.constant 16 : i32
        %mul3A_652 = arith.muli %scan3A_213, %mul3A_651 : i32
        %add3A_653 = arith.constant 12 : i32
        %add3A_654 = arith.addi %mul3A_652, %add3A_653 : i32
        %add3A_655 = arith.constant 1 : i32
        %add3A_656 = arith.addi %add3A_654, %add3A_655 : i32
        %get3A_657 = arith.constant 0 : i32
        %get3A_658 = arith.constant 0 : i32
        %get3A_659 = tpu.memref_slice %arg7[%scan3A_204, %get3A_657, %get3A_658] : memref<2x800x16xf32, #tpu.memory_space<vmem>> -> memref<1x800x16xf32, #tpu.memory_space<vmem>>
        %get3A_660 = tpu.memref_squeeze %get3A_659 : memref<1x800x16xf32, #tpu.memory_space<vmem>> -> memref<800x16xf32, #tpu.memory_space<vmem>>
        %get3A_661 = arith.index_cast %add3A_656 : i32 to index
        %get3A_662 = arith.constant 0 : index
        %get3A_663 = tpu.vector_load %get3A_660[%get3A_661, %get3A_662] {strides = array<i32>} : memref<800x16xf32, #tpu.memory_space<vmem>>, vector<1x16xf32>,
        %get3A_664 = vector.shape_cast %get3A_663 : vector<1x16xf32> to vector<16xf32>
        %mul3A_665 = arith.constant 16 : i32
        %mul3A_666 = arith.muli %scan3A_213, %mul3A_665 : i32
        %add3A_667 = arith.constant 12 : i32
        %add3A_668 = arith.addi %mul3A_666, %add3A_667 : i32
        %add3A_669 = arith.constant 2 : i32
        %add3A_670 = arith.addi %add3A_668, %add3A_669 : i32
        %get3A_671 = arith.constant 0 : i32
        %get3A_672 = arith.constant 0 : i32
        %get3A_673 = tpu.memref_slice %arg7[%scan3A_204, %get3A_671, %get3A_672] : memref<2x800x16xf32, #tpu.memory_space<vmem>> -> memref<1x800x16xf32, #tpu.memory_space<vmem>>
        %get3A_674 = tpu.memref_squeeze %get3A_673 : memref<1x800x16xf32, #tpu.memory_space<vmem>> -> memref<800x16xf32, #tpu.memory_space<vmem>>
        %get3A_675 = arith.index_cast %add3A_670 : i32 to index
        %get3A_676 = arith.constant 0 : index
        %get3A_677 = tpu.vector_load %get3A_674[%get3A_675, %get3A_676] {strides = array<i32>} : memref<800x16xf32, #tpu.memory_space<vmem>>, vector<1x16xf32>,
        %get3A_678 = vector.shape_cast %get3A_677 : vector<1x16xf32> to vector<16xf32>
        %mul3A_679 = arith.constant 16 : i32
        %mul3A_680 = arith.muli %scan3A_213, %mul3A_679 : i32
        %add3A_681 = arith.constant 12 : i32
        %add3A_682 = arith.addi %mul3A_680, %add3A_681 : i32
        %add3A_683 = arith.constant 3 : i32
        %add3A_684 = arith.addi %add3A_682, %add3A_683 : i32
        %get3A_685 = arith.constant 0 : i32
        %get3A_686 = arith.constant 0 : i32
        %get3A_687 = tpu.memref_slice %arg7[%scan3A_204, %get3A_685, %get3A_686] : memref<2x800x16xf32, #tpu.memory_space<vmem>> -> memref<1x800x16xf32, #tpu.memory_space<vmem>>
        %get3A_688 = tpu.memref_squeeze %get3A_687 : memref<1x800x16xf32, #tpu.memory_space<vmem>> -> memref<800x16xf32, #tpu.memory_space<vmem>>
        %get3A_689 = arith.index_cast %add3A_684 : i32 to index
        %get3A_690 = arith.constant 0 : index
        %get3A_691 = tpu.vector_load %get3A_688[%get3A_689, %get3A_690] {strides = array<i32>} : memref<800x16xf32, #tpu.memory_space<vmem>>, vector<1x16xf32>,
        %get3A_692 = vector.shape_cast %get3A_691 : vector<1x16xf32> to vector<16xf32>
        %eq3A_693 = arith.cmpi eq, %squeeze3A_632, %squeeze3A_630 : i32
        %max3A_694 = arith.maximumf %get3A_650, %get3A_664 : vector<16xf32>
        %select_n3A_695 = arith.select %eq3A_693, %max3A_694, %get3A_650 : vector<16xf32>
        %jit3A_696 = arith.constant 5000 : i32
        %select_n3A_697 = arith.select %eq3A_693, %jit3A_696, %squeeze3A_632 : i32
        %eq3A_698 = arith.cmpi eq, %squeeze3A_634, %squeeze3A_630 : i32
        %max3A_699 = arith.maximumf %select_n3A_695, %get3A_678 : vector<16xf32>
        %select_n3A_700 = arith.select %eq3A_698, %max3A_699, %select_n3A_695 : vector<16xf32>
        %jit3A_701 = arith.constant 5000 : i32
        %select_n3A_702 = arith.select %eq3A_698, %jit3A_701, %squeeze3A_634 : i32
        %eq3A_703 = arith.cmpi eq, %squeeze3A_636, %squeeze3A_630 : i32
        %max3A_704 = arith.maximumf %select_n3A_700, %get3A_692 : vector<16xf32>
        %select_n3A_705 = arith.select %eq3A_703, %max3A_704, %select_n3A_700 : vector<16xf32>
        %jit3A_706 = arith.constant 5000 : i32
        %select_n3A_707 = arith.select %eq3A_703, %jit3A_706, %squeeze3A_636 : i32
        %eq3A_708 = arith.cmpi eq, %select_n3A_702, %select_n3A_697 : i32
        %max3A_709 = arith.maximumf %get3A_664, %get3A_678 : vector<16xf32>
        %select_n3A_710 = arith.select %eq3A_708, %max3A_709, %get3A_664 : vector<16xf32>
        %jit3A_711 = arith.constant 5000 : i32
        %select_n3A_712 = arith.select %eq3A_708, %jit3A_711, %select_n3A_702 : i32
        %eq3A_713 = arith.cmpi eq, %select_n3A_707, %select_n3A_697 : i32
        %max3A_714 = arith.maximumf %select_n3A_710, %get3A_692 : vector<16xf32>
        %select_n3A_715 = arith.select %eq3A_713, %max3A_714, %select_n3A_710 : vector<16xf32>
        %jit3A_716 = arith.constant 5000 : i32
        %select_n3A_717 = arith.select %eq3A_713, %jit3A_716, %select_n3A_707 : i32
        %eq3A_718 = arith.cmpi eq, %select_n3A_717, %select_n3A_712 : i32
        %max3A_719 = arith.maximumf %get3A_678, %get3A_692 : vector<16xf32>
        %select_n3A_720 = arith.select %eq3A_718, %max3A_719, %get3A_678 : vector<16xf32>
        %jit3A_721 = arith.constant 5000 : i32
        %select_n3A_722 = arith.select %eq3A_718, %jit3A_721, %select_n3A_717 : i32
        %get3A_723 = arith.index_cast %squeeze3A_630 : i32 to index
        %get3A_724 = arith.constant 0 : index
        %get3A_725 = tpu.vector_load %arg5[%get3A_723, %get3A_724] {strides = array<i32>} : memref<5001x16xf32, #tpu.memory_space<vmem>>, vector<1x16xf32>,
        %get3A_726 = vector.shape_cast %get3A_725 : vector<1x16xf32> to vector<16xf32>
        %max3A_727 = arith.maximumf %get3A_726, %select_n3A_705 : vector<16xf32>
        %get3A_728 = arith.index_cast %select_n3A_697 : i32 to index
        %get3A_729 = arith.constant 0 : index
        %get3A_730 = tpu.vector_load %arg5[%get3A_728, %get3A_729] {strides = array<i32>} : memref<5001x16xf32, #tpu.memory_space<vmem>>, vector<1x16xf32>,
        %get3A_731 = vector.shape_cast %get3A_730 : vector<1x16xf32> to vector<16xf32>
        %max3A_732 = arith.maximumf %get3A_731, %select_n3A_715 : vector<16xf32>
        %get3A_733 = arith.index_cast %select_n3A_712 : i32 to index
        %get3A_734 = arith.constant 0 : index
        %get3A_735 = tpu.vector_load %arg5[%get3A_733, %get3A_734] {strides = array<i32>} : memref<5001x16xf32, #tpu.memory_space<vmem>>, vector<1x16xf32>,
        %get3A_736 = vector.shape_cast %get3A_735 : vector<1x16xf32> to vector<16xf32>
        %max3A_737 = arith.maximumf %get3A_736, %select_n3A_720 : vector<16xf32>
        %get3A_738 = arith.index_cast %select_n3A_722 : i32 to index
        %get3A_739 = arith.constant 0 : index
        %get3A_740 = tpu.vector_load %arg5[%get3A_738, %get3A_739] {strides = array<i32>} : memref<5001x16xf32, #tpu.memory_space<vmem>>, vector<1x16xf32>,
        %get3A_741 = vector.shape_cast %get3A_740 : vector<1x16xf32> to vector<16xf32>
        %max3A_742 = arith.maximumf %get3A_741, %get3A_692 : vector<16xf32>
        %swap3A_743 = arith.index_cast %squeeze3A_630 : i32 to index
        %swap3A_744 = arith.constant 0 : index
        %swap3A_745 = tpu.vector_load %arg5[%swap3A_743, %swap3A_744] {strides = array<i32>} : memref<5001x16xf32, #tpu.memory_space<vmem>>, vector<1x16xf32>,
        %swap3A_746 = vector.shape_cast %swap3A_745 : vector<1x16xf32> to vector<16xf32>
        %swap3A_747 = vector.shape_cast %max3A_727 : vector<16xf32> to vector<1x16xf32>
        tpu.vector_store %arg5[%swap3A_743, %swap3A_744], %swap3A_747 {strides = array<i32>} : memref<5001x16xf32, #tpu.memory_space<vmem>>, vector<1x16xf32>,
        %swap3A_748 = arith.index_cast %select_n3A_697 : i32 to index
        %swap3A_749 = arith.constant 0 : index
        %swap3A_750 = tpu.vector_load %arg5[%swap3A_748, %swap3A_749] {strides = array<i32>} : memref<5001x16xf32, #tpu.memory_space<vmem>>, vector<1x16xf32>,
        %swap3A_751 = vector.shape_cast %swap3A_750 : vector<1x16xf32> to vector<16xf32>
        %swap3A_752 = vector.shape_cast %max3A_732 : vector<16xf32> to vector<1x16xf32>
        tpu.vector_store %arg5[%swap3A_748, %swap3A_749], %swap3A_752 {strides = array<i32>} : memref<5001x16xf32, #tpu.memory_space<vmem>>, vector<1x16xf32>,
        %swap3A_753 = arith.index_cast %select_n3A_712 : i32 to index
        %swap3A_754 = arith.constant 0 : index
        %swap3A_755 = tpu.vector_load %arg5[%swap3A_753, %swap3A_754] {strides = array<i32>} : memref<5001x16xf32, #tpu.memory_space<vmem>>, vector<1x16xf32>,
        %swap3A_756 = vector.shape_cast %swap3A_755 : vector<1x16xf32> to vector<16xf32>
        %swap3A_757 = vector.shape_cast %max3A_737 : vector<16xf32> to vector<1x16xf32>
        tpu.vector_store %arg5[%swap3A_753, %swap3A_754], %swap3A_757 {strides = array<i32>} : memref<5001x16xf32, #tpu.memory_space<vmem>>, vector<1x16xf32>,
        %swap3A_758 = arith.index_cast %select_n3A_722 : i32 to index
        %swap3A_759 = arith.constant 0 : index
        %swap3A_760 = tpu.vector_load %arg5[%swap3A_758, %swap3A_759] {strides = array<i32>} : memref<5001x16xf32, #tpu.memory_space<vmem>>, vector<1x16xf32>,
        %swap3A_761 = vector.shape_cast %swap3A_760 : vector<1x16xf32> to vector<16xf32>
        %swap3A_762 = vector.shape_cast %max3A_742 : vector<16xf32> to vector<1x16xf32>
        tpu.vector_store %arg5[%swap3A_758, %swap3A_759], %swap3A_762 {strides = array<i32>} : memref<5001x16xf32, #tpu.memory_space<vmem>>, vector<1x16xf32>,
        %scan3A_763 = arith.constant 0 : i32
        scf.yield %scan3A_763 : i32
      }
      %scan3A_211 = arith.constant 50 : i32
      %scan3A_212 = arith.constant 0 : i32
      scf.yield %scan3A_212 : i32
    }
    %scan3A_69 = arith.constant 25 : i32
    "tpu.region"() ({
      %run_scoped3A = tpu.sem_alloc : memref<!tpu.dma_semaphore, #tpu.memory_space<semaphore_mem>>
      %dma_start3A_70 = arith.constant 0 : i32
      %dma_start3A_71 = arith.constant 0 : i32
      %dma_start3A_72 = tpu.memref_slice %arg5[%dma_start3A_70, %dma_start3A_71] : memref<5001x16xf32, #tpu.memory_space<vmem>> -> memref<5000x16xf32, #tpu.memory_space<vmem>>
      %dma_start3A_73 = arith.constant 0 : i32
      %dma_start3A_74 = arith.constant 0 : i32
      %dma_start3A_75 = tpu.memref_slice %arg4[%add3A, %dma_start3A_73, %dma_start3A_74] : memref<32x5000x16xf32, #tpu.memory_space<hbm>> -> memref<1x5000x16xf32, #tpu.memory_space<hbm>>
      %dma_start3A_76 = tpu.memref_squeeze %dma_start3A_75 : memref<1x5000x16xf32, #tpu.memory_space<hbm>> -> memref<5000x16xf32, #tpu.memory_space<hbm>>
      %dma_start3A_77 = arith.constant 0 : i32
      %dma_start3A_78 = arith.constant 0 : i32
      %dma_start3A_79 = tpu.memref_slice %arg4[%add3A, %dma_start3A_77, %dma_start3A_78] : memref<32x5000x16xf32, #tpu.memory_space<hbm>> -> memref<1x5000x16xf32, #tpu.memory_space<hbm>>
      %dma_start3A_80 = tpu.memref_squeeze %dma_start3A_79 : memref<1x5000x16xf32, #tpu.memory_space<hbm>> -> memref<5000x16xf32, #tpu.memory_space<hbm>>
      %dma_start3A_81 = arith.constant 0 : i32
      %dma_start3A_82 = arith.constant 0 : i32
      %dma_start3A_83 = tpu.memref_slice %arg5[%dma_start3A_81, %dma_start3A_82] : memref<5001x16xf32, #tpu.memory_space<vmem>> -> memref<5000x16xf32, #tpu.memory_space<vmem>>
      tpu.enqueue_dma source(%dma_start3A_83 : memref<5000x16xf32, #tpu.memory_space<vmem>>) target(%dma_start3A_80 : memref<5000x16xf32, #tpu.memory_space<hbm>>) target_semaphore(%run_scoped3A : memref<!tpu.dma_semaphore, #tpu.memory_space<semaphore_mem>>)
      %dma_wait3A = arith.constant 0 : i32
      %dma_wait3A_84 = arith.constant 0 : i32
      %dma_wait3A_85 = tpu.memref_slice %arg5[%dma_wait3A, %dma_wait3A_84] : memref<5001x16xf32, #tpu.memory_space<vmem>> -> memref<5000x16xf32, #tpu.memory_space<vmem>>
      %dma_wait3A_86 = arith.constant 0 : i32
      %dma_wait3A_87 = arith.constant 0 : i32
      %dma_wait3A_88 = tpu.memref_slice %arg4[%add3A, %dma_wait3A_86, %dma_wait3A_87] : memref<32x5000x16xf32, #tpu.memory_space<hbm>> -> memref<1x5000x16xf32, #tpu.memory_space<hbm>>
      %dma_wait3A_89 = tpu.memref_squeeze %dma_wait3A_88 : memref<1x5000x16xf32, #tpu.memory_space<hbm>> -> memref<5000x16xf32, #tpu.memory_space<hbm>>
      %dma_wait3A_90 = arith.constant 0 : i32
      %dma_wait3A_91 = arith.constant 0 : i32
      %dma_wait3A_92 = tpu.memref_slice %arg4[%add3A, %dma_wait3A_90, %dma_wait3A_91] : memref<32x5000x16xf32, #tpu.memory_space<hbm>> -> memref<1x5000x16xf32, #tpu.memory_space<hbm>>
      %dma_wait3A_93 = tpu.memref_squeeze %dma_wait3A_92 : memref<1x5000x16xf32, #tpu.memory_space<hbm>> -> memref<5000x16xf32, #tpu.memory_space<hbm>>
      %dma_wait3A_94 = arith.constant 0 : i32
      %dma_wait3A_95 = arith.constant 0 : i32
      %dma_wait3A_96 = tpu.memref_slice %arg5[%dma_wait3A_94, %dma_wait3A_95] : memref<5001x16xf32, #tpu.memory_space<vmem>> -> memref<5000x16xf32, #tpu.memory_space<vmem>>
      tpu.wait_dma2 semaphore(%run_scoped3A : memref<!tpu.dma_semaphore, #tpu.memory_space<semaphore_mem>>) src(%dma_wait3A_96 : memref<5000x16xf32, #tpu.memory_space<vmem>>) dst(%dma_wait3A_93 : memref<5000x16xf32, #tpu.memory_space<hbm>>)
      tpu.yield
    }) : () -> ()
    return
  }
}

module attributes {stable_mosaic.version = 14 : i64} {
  func.func @_matmul_body(%arg0: i32, %arg1: memref<1000x128xf32, #tpu.memory_space<vmem>>, %arg2: memref<128x1600xf32, #tpu.memory_space<vmem>>, %arg3: memref<1000x1600xf32, #tpu.memory_space<vmem>>) attributes {dimension_semantics = [#tpu.dimension_semantics<arbitrary>], iteration_bounds = array<i64: 10>, scalar_prefetch = 0 : i64, scratch_operands = 0 : i64, tpu.core_type = #tpu.core_type<tc>, window_params = [{transform_indices = @transform_0, window_bounds = array<i64: 1000, 128>}, {pipeline_mode = #tpu.pipeline_mode<synchronous>, transform_indices = @transform_1, window_bounds = array<i64: 128, 1600>}, {transform_indices = @transform_2, window_bounds = array<i64: 1000, 1600>}]} {
    %get3A = arith.constant 0 : index
    %get3A_0 = arith.constant 0 : index
    %get3A_1 = vector.load %arg1[%get3A, %get3A_0] : memref<1000x128xf32, #tpu.memory_space<vmem>>, vector<1000x128xf32>
    %get3A_2 = arith.constant 0 : index
    %get3A_3 = arith.constant 0 : index
    %get3A_4 = vector.load %arg2[%get3A_2, %get3A_3] : memref<128x1600xf32, #tpu.memory_space<vmem>>, vector<128x1600xf32>
    %dot_general3A = arith.constant dense<0.000000e+00> : vector<1000x1600xf32>
    %dot_general3A_5 = tpu.matmul %get3A_1, %get3A_4, %dot_general3A {dimension_numbers = #tpu.dot_dimension_numbers<[1], [0], [0], [1], [0, 0, 1, 1], [], []>, transpose_lhs_hint = false} : vector<1000x128xf32>, vector<128x1600xf32>, vector<1000x1600xf32> -> vector<1000x1600xf32>
    %swap3A = arith.constant 0 : index
    %swap3A_6 = arith.constant 0 : index
    %swap3A_7 = vector.load %arg3[%swap3A, %swap3A_6] : memref<1000x1600xf32, #tpu.memory_space<vmem>>, vector<1000x1600xf32>
    tpu.vector_store %arg3[%swap3A, %swap3A_6], %dot_general3A_5 {strides = array<i32>} : memref<1000x1600xf32, #tpu.memory_space<vmem>>, vector<1000x1600xf32>,
    return
  }
  func.func @transform_0(%arg0: i32) -> (i32, i32) {
    %c0_i32 = arith.constant 0 : i32
    %c0_i32_0 = arith.constant 0 : i32
    return %arg0, %c0_i32 : i32, i32
  }
  func.func @transform_1(%arg0: i32) -> (i32, i32) {
    %c0_i32 = arith.constant 0 : i32
    %c0_i32_0 = arith.constant 0 : i32
    %c0_i32_1 = arith.constant 0 : i32
    return %c0_i32, %c0_i32_0 : i32, i32
  }
  func.func @transform_2(%arg0: i32) -> (i32, i32) {
    %c0_i32 = arith.constant 0 : i32
    %c0_i32_0 = arith.constant 0 : i32
    return %arg0, %c0_i32 : i32, i32
  }
}

module attributes {stable_mosaic.version = 14 : i64} {
  func.func @_basis_body(%arg0: memref<1250x128xf32, #tpu.memory_space<vmem>>, %arg1: memref<1250x128xf32, #tpu.memory_space<vmem>>, %arg2: memref<1250x128xi32, #tpu.memory_space<vmem>>, %arg3: memref<4x1250x128xf32, #tpu.memory_space<vmem>>, %arg4: memref<4x1250x128xi32, #tpu.memory_space<vmem>>) attributes {dimension_semantics = [], scalar_prefetch = 0 : i64, scratch_operands = 0 : i64, tpu.core_type = #tpu.core_type<tc>} {
    %get3A = arith.constant 0 : index
    %get3A_0 = arith.constant 0 : index
    %get3A_1 = vector.load %arg0[%get3A, %get3A_0] : memref<1250x128xf32, #tpu.memory_space<vmem>>, vector<1250x128xf32>
    %get3A_2 = arith.constant 0 : index
    %get3A_3 = arith.constant 0 : index
    %get3A_4 = vector.load %arg1[%get3A_2, %get3A_3] : memref<1250x128xf32, #tpu.memory_space<vmem>>, vector<1250x128xf32>
    %get3A_5 = arith.constant 0 : index
    %get3A_6 = arith.constant 0 : index
    %get3A_7 = vector.load %arg2[%get3A_5, %get3A_6] : memref<1250x128xi32, #tpu.memory_space<vmem>>, vector<1250x128xi32>
    %mul3A = arith.constant 4.000000e+00 : f32
    %mul3A_8 = vector.broadcast %mul3A : f32 to vector<1250x128xf32>
    %mul3A_9 = arith.mulf %get3A_1, %mul3A_8 : vector<1250x128xf32>
    %mul3A_10 = arith.constant 4.000000e+00 : f32
    %mul3A_11 = vector.broadcast %mul3A_10 : f32 to vector<1250x128xf32>
    %mul3A_12 = arith.mulf %get3A_4, %mul3A_11 : vector<1250x128xf32>
    %floor3A = math.floor %mul3A_9 : vector<1250x128xf32>
    %floor3A_13 = math.floor %mul3A_12 : vector<1250x128xf32>
    %sub3A = arith.subf %mul3A_9, %floor3A : vector<1250x128xf32>
    %sub3A_14 = arith.subf %mul3A_12, %floor3A_13 : vector<1250x128xf32>
    %convert_element_type3A = arith.fptosi %floor3A : vector<1250x128xf32> to vector<1250x128xi32>
    %jit3A = arith.constant 0 : i32
    %jit3A_15 = arith.constant 4 : i32
    %max3A = vector.broadcast %jit3A : i32 to vector<1250x128xi32>
    %max3A_16 = arith.maxsi %max3A, %convert_element_type3A : vector<1250x128xi32>
    %min3A = vector.broadcast %jit3A_15 : i32 to vector<1250x128xi32>
    %min3A_17 = arith.minsi %min3A, %max3A_16 : vector<1250x128xi32>
    %convert_element_type3A_18 = arith.fptosi %floor3A_13 : vector<1250x128xf32> to vector<1250x128xi32>
    %jit3A_19 = arith.constant 0 : i32
    %jit3A_20 = arith.constant 4 : i32
    %max3A_21 = vector.broadcast %jit3A_19 : i32 to vector<1250x128xi32>
    %max3A_22 = arith.maxsi %max3A_21, %convert_element_type3A_18 : vector<1250x128xi32>
    %min3A_23 = vector.broadcast %jit3A_20 : i32 to vector<1250x128xi32>
    %min3A_24 = arith.minsi %min3A_23, %max3A_22 : vector<1250x128xi32>
    %sub3A_25 = arith.constant 1.000000e+00 : f32
    %sub3A_26 = vector.broadcast %sub3A_25 : f32 to vector<1250x128xf32>
    %sub3A_27 = arith.subf %sub3A_26, %sub3A : vector<1250x128xf32>
    %sub3A_28 = arith.constant 1.000000e+00 : f32
    %sub3A_29 = vector.broadcast %sub3A_28 : f32 to vector<1250x128xf32>
    %sub3A_30 = arith.subf %sub3A_29, %sub3A_14 : vector<1250x128xf32>
    %mul3A_31 = arith.mulf %sub3A_27, %sub3A_30 : vector<1250x128xf32>
    %add3A = arith.constant 0 : i32
    %add3A_32 = vector.broadcast %add3A : i32 to vector<1250x128xi32>
    %add3A_33 = arith.addi %min3A_17, %add3A_32 : vector<1250x128xi32>
    %jit3A_34 = arith.constant 0 : i32
    %jit3A_35 = arith.constant 4 : i32
    %max3A_36 = vector.broadcast %jit3A_34 : i32 to vector<1250x128xi32>
    %max3A_37 = arith.maxsi %max3A_36, %add3A_33 : vector<1250x128xi32>
    %min3A_38 = vector.broadcast %jit3A_35 : i32 to vector<1250x128xi32>
    %min3A_39 = arith.minsi %min3A_38, %max3A_37 : vector<1250x128xi32>
    %add3A_40 = arith.constant 0 : i32
    %add3A_41 = vector.broadcast %add3A_40 : i32 to vector<1250x128xi32>
    %add3A_42 = arith.addi %min3A_24, %add3A_41 : vector<1250x128xi32>
    %jit3A_43 = arith.constant 0 : i32
    %jit3A_44 = arith.constant 4 : i32
    %max3A_45 = vector.broadcast %jit3A_43 : i32 to vector<1250x128xi32>
    %max3A_46 = arith.maxsi %max3A_45, %add3A_42 : vector<1250x128xi32>
    %min3A_47 = vector.broadcast %jit3A_44 : i32 to vector<1250x128xi32>
    %min3A_48 = arith.minsi %min3A_47, %max3A_46 : vector<1250x128xi32>
    %swap3A = arith.constant 0 : index
    %swap3A_49 = arith.constant 0 : index
    %swap3A_50 = arith.constant 0 : index
    %swap3A_51 = vector.load %arg3[%swap3A, %swap3A_49, %swap3A_50] : memref<4x1250x128xf32, #tpu.memory_space<vmem>>, vector<1x1250x128xf32>
    %swap3A_52 = vector.shape_cast %swap3A_51 : vector<1x1250x128xf32> to vector<1250x128xf32>
    %swap3A_53 = vector.shape_cast %mul3A_31 : vector<1250x128xf32> to vector<1x1250x128xf32>
    tpu.vector_store %arg3[%swap3A, %swap3A_49, %swap3A_50], %swap3A_53 {strides = array<i32>} : memref<4x1250x128xf32, #tpu.memory_space<vmem>>, vector<1x1250x128xf32>,
    %mul3A_54 = arith.constant 25 : i32
    %mul3A_55 = vector.broadcast %mul3A_54 : i32 to vector<1250x128xi32>
    %mul3A_56 = arith.muli %get3A_7, %mul3A_55 : vector<1250x128xi32>
    %mul3A_57 = arith.constant 5 : i32
    %mul3A_58 = vector.broadcast %mul3A_57 : i32 to vector<1250x128xi32>
    %mul3A_59 = arith.muli %min3A_48, %mul3A_58 : vector<1250x128xi32>
    %add3A_60 = arith.addi %mul3A_59, %min3A_39 : vector<1250x128xi32>
    %add3A_61 = arith.addi %mul3A_56, %add3A_60 : vector<1250x128xi32>
    %swap3A_62 = arith.constant 0 : index
    %swap3A_63 = arith.constant 0 : index
    %swap3A_64 = arith.constant 0 : index
    %swap3A_65 = vector.load %arg4[%swap3A_62, %swap3A_63, %swap3A_64] : memref<4x1250x128xi32, #tpu.memory_space<vmem>>, vector<1x1250x128xi32>
    %swap3A_66 = vector.shape_cast %swap3A_65 : vector<1x1250x128xi32> to vector<1250x128xi32>
    %swap3A_67 = vector.shape_cast %add3A_61 : vector<1250x128xi32> to vector<1x1250x128xi32>
    tpu.vector_store %arg4[%swap3A_62, %swap3A_63, %swap3A_64], %swap3A_67 {strides = array<i32>} : memref<4x1250x128xi32, #tpu.memory_space<vmem>>, vector<1x1250x128xi32>,
    %sub3A_68 = arith.constant 1.000000e+00 : f32
    %sub3A_69 = vector.broadcast %sub3A_68 : f32 to vector<1250x128xf32>
    %sub3A_70 = arith.subf %sub3A_69, %sub3A : vector<1250x128xf32>
    %mul3A_71 = arith.mulf %sub3A_70, %sub3A_14 : vector<1250x128xf32>
    %add3A_72 = arith.constant 0 : i32
    %add3A_73 = vector.broadcast %add3A_72 : i32 to vector<1250x128xi32>
    %add3A_74 = arith.addi %min3A_17, %add3A_73 : vector<1250x128xi32>
    %jit3A_75 = arith.constant 0 : i32
    %jit3A_76 = arith.constant 4 : i32
    %max3A_77 = vector.broadcast %jit3A_75 : i32 to vector<1250x128xi32>
    %max3A_78 = arith.maxsi %max3A_77, %add3A_74 : vector<1250x128xi32>
    %min3A_79 = vector.broadcast %jit3A_76 : i32 to vector<1250x128xi32>
    %min3A_80 = arith.minsi %min3A_79, %max3A_78 : vector<1250x128xi32>
    %add3A_81 = arith.constant 1 : i32
    %add3A_82 = vector.broadcast %add3A_81 : i32 to vector<1250x128xi32>
    %add3A_83 = arith.addi %min3A_24, %add3A_82 : vector<1250x128xi32>
    %jit3A_84 = arith.constant 0 : i32
    %jit3A_85 = arith.constant 4 : i32
    %max3A_86 = vector.broadcast %jit3A_84 : i32 to vector<1250x128xi32>
    %max3A_87 = arith.maxsi %max3A_86, %add3A_83 : vector<1250x128xi32>
    %min3A_88 = vector.broadcast %jit3A_85 : i32 to vector<1250x128xi32>
    %min3A_89 = arith.minsi %min3A_88, %max3A_87 : vector<1250x128xi32>
    %swap3A_90 = arith.constant 1 : index
    %swap3A_91 = arith.constant 0 : index
    %swap3A_92 = arith.constant 0 : index
    %swap3A_93 = vector.load %arg3[%swap3A_90, %swap3A_91, %swap3A_92] : memref<4x1250x128xf32, #tpu.memory_space<vmem>>, vector<1x1250x128xf32>
    %swap3A_94 = vector.shape_cast %swap3A_93 : vector<1x1250x128xf32> to vector<1250x128xf32>
    %swap3A_95 = vector.shape_cast %mul3A_71 : vector<1250x128xf32> to vector<1x1250x128xf32>
    tpu.vector_store %arg3[%swap3A_90, %swap3A_91, %swap3A_92], %swap3A_95 {strides = array<i32>} : memref<4x1250x128xf32, #tpu.memory_space<vmem>>, vector<1x1250x128xf32>,
    %mul3A_96 = arith.constant 25 : i32
    %mul3A_97 = vector.broadcast %mul3A_96 : i32 to vector<1250x128xi32>
    %mul3A_98 = arith.muli %get3A_7, %mul3A_97 : vector<1250x128xi32>
    %mul3A_99 = arith.constant 5 : i32
    %mul3A_100 = vector.broadcast %mul3A_99 : i32 to vector<1250x128xi32>
    %mul3A_101 = arith.muli %min3A_89, %mul3A_100 : vector<1250x128xi32>
    %add3A_102 = arith.addi %mul3A_101, %min3A_80 : vector<1250x128xi32>
    %add3A_103 = arith.addi %mul3A_98, %add3A_102 : vector<1250x128xi32>
    %swap3A_104 = arith.constant 1 : index
    %swap3A_105 = arith.constant 0 : index
    %swap3A_106 = arith.constant 0 : index
    %swap3A_107 = vector.load %arg4[%swap3A_104, %swap3A_105, %swap3A_106] : memref<4x1250x128xi32, #tpu.memory_space<vmem>>, vector<1x1250x128xi32>
    %swap3A_108 = vector.shape_cast %swap3A_107 : vector<1x1250x128xi32> to vector<1250x128xi32>
    %swap3A_109 = vector.shape_cast %add3A_103 : vector<1250x128xi32> to vector<1x1250x128xi32>
    tpu.vector_store %arg4[%swap3A_104, %swap3A_105, %swap3A_106], %swap3A_109 {strides = array<i32>} : memref<4x1250x128xi32, #tpu.memory_space<vmem>>, vector<1x1250x128xi32>,
    %sub3A_110 = arith.constant 1.000000e+00 : f32
    %sub3A_111 = vector.broadcast %sub3A_110 : f32 to vector<1250x128xf32>
    %sub3A_112 = arith.subf %sub3A_111, %sub3A_14 : vector<1250x128xf32>
    %mul3A_113 = arith.mulf %sub3A, %sub3A_112 : vector<1250x128xf32>
    %add3A_114 = arith.constant 1 : i32
    %add3A_115 = vector.broadcast %add3A_114 : i32 to vector<1250x128xi32>
    %add3A_116 = arith.addi %min3A_17, %add3A_115 : vector<1250x128xi32>
    %jit3A_117 = arith.constant 0 : i32
    %jit3A_118 = arith.constant 4 : i32
    %max3A_119 = vector.broadcast %jit3A_117 : i32 to vector<1250x128xi32>
    %max3A_120 = arith.maxsi %max3A_119, %add3A_116 : vector<1250x128xi32>
    %min3A_121 = vector.broadcast %jit3A_118 : i32 to vector<1250x128xi32>
    %min3A_122 = arith.minsi %min3A_121, %max3A_120 : vector<1250x128xi32>
    %add3A_123 = arith.constant 0 : i32
    %add3A_124 = vector.broadcast %add3A_123 : i32 to vector<1250x128xi32>
    %add3A_125 = arith.addi %min3A_24, %add3A_124 : vector<1250x128xi32>
    %jit3A_126 = arith.constant 0 : i32
    %jit3A_127 = arith.constant 4 : i32
    %max3A_128 = vector.broadcast %jit3A_126 : i32 to vector<1250x128xi32>
    %max3A_129 = arith.maxsi %max3A_128, %add3A_125 : vector<1250x128xi32>
    %min3A_130 = vector.broadcast %jit3A_127 : i32 to vector<1250x128xi32>
    %min3A_131 = arith.minsi %min3A_130, %max3A_129 : vector<1250x128xi32>
    %swap3A_132 = arith.constant 2 : index
    %swap3A_133 = arith.constant 0 : index
    %swap3A_134 = arith.constant 0 : index
    %swap3A_135 = vector.load %arg3[%swap3A_132, %swap3A_133, %swap3A_134] : memref<4x1250x128xf32, #tpu.memory_space<vmem>>, vector<1x1250x128xf32>
    %swap3A_136 = vector.shape_cast %swap3A_135 : vector<1x1250x128xf32> to vector<1250x128xf32>
    %swap3A_137 = vector.shape_cast %mul3A_113 : vector<1250x128xf32> to vector<1x1250x128xf32>
    tpu.vector_store %arg3[%swap3A_132, %swap3A_133, %swap3A_134], %swap3A_137 {strides = array<i32>} : memref<4x1250x128xf32, #tpu.memory_space<vmem>>, vector<1x1250x128xf32>,
    %mul3A_138 = arith.constant 25 : i32
    %mul3A_139 = vector.broadcast %mul3A_138 : i32 to vector<1250x128xi32>
    %mul3A_140 = arith.muli %get3A_7, %mul3A_139 : vector<1250x128xi32>
    %mul3A_141 = arith.constant 5 : i32
    %mul3A_142 = vector.broadcast %mul3A_141 : i32 to vector<1250x128xi32>
    %mul3A_143 = arith.muli %min3A_131, %mul3A_142 : vector<1250x128xi32>
    %add3A_144 = arith.addi %mul3A_143, %min3A_122 : vector<1250x128xi32>
    %add3A_145 = arith.addi %mul3A_140, %add3A_144 : vector<1250x128xi32>
    %swap3A_146 = arith.constant 2 : index
    %swap3A_147 = arith.constant 0 : index
    %swap3A_148 = arith.constant 0 : index
    %swap3A_149 = vector.load %arg4[%swap3A_146, %swap3A_147, %swap3A_148] : memref<4x1250x128xi32, #tpu.memory_space<vmem>>, vector<1x1250x128xi32>
    %swap3A_150 = vector.shape_cast %swap3A_149 : vector<1x1250x128xi32> to vector<1250x128xi32>
    %swap3A_151 = vector.shape_cast %add3A_145 : vector<1250x128xi32> to vector<1x1250x128xi32>
    tpu.vector_store %arg4[%swap3A_146, %swap3A_147, %swap3A_148], %swap3A_151 {strides = array<i32>} : memref<4x1250x128xi32, #tpu.memory_space<vmem>>, vector<1x1250x128xi32>,
    %mul3A_152 = arith.mulf %sub3A, %sub3A_14 : vector<1250x128xf32>
    %add3A_153 = arith.constant 1 : i32
    %add3A_154 = vector.broadcast %add3A_153 : i32 to vector<1250x128xi32>
    %add3A_155 = arith.addi %min3A_17, %add3A_154 : vector<1250x128xi32>
    %jit3A_156 = arith.constant 0 : i32
    %jit3A_157 = arith.constant 4 : i32
    %max3A_158 = vector.broadcast %jit3A_156 : i32 to vector<1250x128xi32>
    %max3A_159 = arith.maxsi %max3A_158, %add3A_155 : vector<1250x128xi32>
    %min3A_160 = vector.broadcast %jit3A_157 : i32 to vector<1250x128xi32>
    %min3A_161 = arith.minsi %min3A_160, %max3A_159 : vector<1250x128xi32>
    %add3A_162 = arith.constant 1 : i32
    %add3A_163 = vector.broadcast %add3A_162 : i32 to vector<1250x128xi32>
    %add3A_164 = arith.addi %min3A_24, %add3A_163 : vector<1250x128xi32>
    %jit3A_165 = arith.constant 0 : i32
    %jit3A_166 = arith.constant 4 : i32
    %max3A_167 = vector.broadcast %jit3A_165 : i32 to vector<1250x128xi32>
    %max3A_168 = arith.maxsi %max3A_167, %add3A_164 : vector<1250x128xi32>
    %min3A_169 = vector.broadcast %jit3A_166 : i32 to vector<1250x128xi32>
    %min3A_170 = arith.minsi %min3A_169, %max3A_168 : vector<1250x128xi32>
    %swap3A_171 = arith.constant 3 : index
    %swap3A_172 = arith.constant 0 : index
    %swap3A_173 = arith.constant 0 : index
    %swap3A_174 = vector.load %arg3[%swap3A_171, %swap3A_172, %swap3A_173] : memref<4x1250x128xf32, #tpu.memory_space<vmem>>, vector<1x1250x128xf32>
    %swap3A_175 = vector.shape_cast %swap3A_174 : vector<1x1250x128xf32> to vector<1250x128xf32>
    %swap3A_176 = vector.shape_cast %mul3A_152 : vector<1250x128xf32> to vector<1x1250x128xf32>
    tpu.vector_store %arg3[%swap3A_171, %swap3A_172, %swap3A_173], %swap3A_176 {strides = array<i32>} : memref<4x1250x128xf32, #tpu.memory_space<vmem>>, vector<1x1250x128xf32>,
    %mul3A_177 = arith.constant 25 : i32
    %mul3A_178 = vector.broadcast %mul3A_177 : i32 to vector<1250x128xi32>
    %mul3A_179 = arith.muli %get3A_7, %mul3A_178 : vector<1250x128xi32>
    %mul3A_180 = arith.constant 5 : i32
    %mul3A_181 = vector.broadcast %mul3A_180 : i32 to vector<1250x128xi32>
    %mul3A_182 = arith.muli %min3A_170, %mul3A_181 : vector<1250x128xi32>
    %add3A_183 = arith.addi %mul3A_182, %min3A_161 : vector<1250x128xi32>
    %add3A_184 = arith.addi %mul3A_179, %add3A_183 : vector<1250x128xi32>
    %swap3A_185 = arith.constant 3 : index
    %swap3A_186 = arith.constant 0 : index
    %swap3A_187 = arith.constant 0 : index
    %swap3A_188 = vector.load %arg4[%swap3A_185, %swap3A_186, %swap3A_187] : memref<4x1250x128xi32, #tpu.memory_space<vmem>>, vector<1x1250x128xi32>
    %swap3A_189 = vector.shape_cast %swap3A_188 : vector<1x1250x128xi32> to vector<1250x128xi32>
    %swap3A_190 = vector.shape_cast %add3A_184 : vector<1250x128xi32> to vector<1x1250x128xi32>
    tpu.vector_store %arg4[%swap3A_185, %swap3A_186, %swap3A_187], %swap3A_190 {strides = array<i32>} : memref<4x1250x128xi32, #tpu.memory_space<vmem>>, vector<1x1250x128xi32>,
    return
  }
}

module attributes {stable_mosaic.version = 14 : i64} {
  func.func @_combine_body(%arg0: i32, %arg1: memref<4x1600x64xf32, #tpu.memory_space<vmem>>, %arg2: memref<4x1600x1xf32, #tpu.memory_space<vmem>>, %arg3: memref<1600x64xf32, #tpu.memory_space<vmem>>) attributes {dimension_semantics = [#tpu.dimension_semantics<arbitrary>], iteration_bounds = array<i64: 100>, scalar_prefetch = 0 : i64, scratch_operands = 0 : i64, tpu.core_type = #tpu.core_type<tc>, window_params = [{transform_indices = @transform_0, window_bounds = array<i64: 4, 1600, 64>}, {transform_indices = @transform_1, window_bounds = array<i64: 4, 1600, 1>}, {transform_indices = @transform_2, window_bounds = array<i64: 1600, 64>}]} {
    %get3A = arith.constant 0 : index
    %get3A_0 = arith.constant 0 : index
    %get3A_1 = arith.constant 0 : index
    %get3A_2 = vector.load %arg2[%get3A, %get3A_0, %get3A_1] : memref<4x1600x1xf32, #tpu.memory_space<vmem>>, vector<1x1600x1xf32>
    %get3A_3 = vector.shape_cast %get3A_2 : vector<1x1600x1xf32> to vector<1600x1xf32>
    %get3A_4 = arith.constant 0 : index
    %get3A_5 = arith.constant 0 : index
    %get3A_6 = arith.constant 0 : index
    %get3A_7 = vector.load %arg1[%get3A_4, %get3A_5, %get3A_6] : memref<4x1600x64xf32, #tpu.memory_space<vmem>>, vector<1x1600x64xf32>
    %get3A_8 = vector.shape_cast %get3A_7 : vector<1x1600x64xf32> to vector<1600x64xf32>
    %mul3A = vector.broadcast %get3A_3 : vector<1600x1xf32> to vector<1600x64xf32>
    %mul3A_9 = arith.mulf %mul3A, %get3A_8 : vector<1600x64xf32>
    %get3A_10 = arith.constant 1 : index
    %get3A_11 = arith.constant 0 : index
    %get3A_12 = arith.constant 0 : index
    %get3A_13 = vector.load %arg2[%get3A_10, %get3A_11, %get3A_12] : memref<4x1600x1xf32, #tpu.memory_space<vmem>>, vector<1x1600x1xf32>
    %get3A_14 = vector.shape_cast %get3A_13 : vector<1x1600x1xf32> to vector<1600x1xf32>
    %get3A_15 = arith.constant 1 : index
    %get3A_16 = arith.constant 0 : index
    %get3A_17 = arith.constant 0 : index
    %get3A_18 = vector.load %arg1[%get3A_15, %get3A_16, %get3A_17] : memref<4x1600x64xf32, #tpu.memory_space<vmem>>, vector<1x1600x64xf32>
    %get3A_19 = vector.shape_cast %get3A_18 : vector<1x1600x64xf32> to vector<1600x64xf32>
    %mul3A_20 = vector.broadcast %get3A_14 : vector<1600x1xf32> to vector<1600x64xf32>
    %mul3A_21 = arith.mulf %mul3A_20, %get3A_19 : vector<1600x64xf32>
    %add3A = arith.addf %mul3A_9, %mul3A_21 : vector<1600x64xf32>
    %get3A_22 = arith.constant 2 : index
    %get3A_23 = arith.constant 0 : index
    %get3A_24 = arith.constant 0 : index
    %get3A_25 = vector.load %arg2[%get3A_22, %get3A_23, %get3A_24] : memref<4x1600x1xf32, #tpu.memory_space<vmem>>, vector<1x1600x1xf32>
    %get3A_26 = vector.shape_cast %get3A_25 : vector<1x1600x1xf32> to vector<1600x1xf32>
    %get3A_27 = arith.constant 2 : index
    %get3A_28 = arith.constant 0 : index
    %get3A_29 = arith.constant 0 : index
    %get3A_30 = vector.load %arg1[%get3A_27, %get3A_28, %get3A_29] : memref<4x1600x64xf32, #tpu.memory_space<vmem>>, vector<1x1600x64xf32>
    %get3A_31 = vector.shape_cast %get3A_30 : vector<1x1600x64xf32> to vector<1600x64xf32>
    %mul3A_32 = vector.broadcast %get3A_26 : vector<1600x1xf32> to vector<1600x64xf32>
    %mul3A_33 = arith.mulf %mul3A_32, %get3A_31 : vector<1600x64xf32>
    %add3A_34 = arith.addf %add3A, %mul3A_33 : vector<1600x64xf32>
    %get3A_35 = arith.constant 3 : index
    %get3A_36 = arith.constant 0 : index
    %get3A_37 = arith.constant 0 : index
    %get3A_38 = vector.load %arg2[%get3A_35, %get3A_36, %get3A_37] : memref<4x1600x1xf32, #tpu.memory_space<vmem>>, vector<1x1600x1xf32>
    %get3A_39 = vector.shape_cast %get3A_38 : vector<1x1600x1xf32> to vector<1600x1xf32>
    %get3A_40 = arith.constant 3 : index
    %get3A_41 = arith.constant 0 : index
    %get3A_42 = arith.constant 0 : index
    %get3A_43 = vector.load %arg1[%get3A_40, %get3A_41, %get3A_42] : memref<4x1600x64xf32, #tpu.memory_space<vmem>>, vector<1x1600x64xf32>
    %get3A_44 = vector.shape_cast %get3A_43 : vector<1x1600x64xf32> to vector<1600x64xf32>
    %mul3A_45 = vector.broadcast %get3A_39 : vector<1600x1xf32> to vector<1600x64xf32>
    %mul3A_46 = arith.mulf %mul3A_45, %get3A_44 : vector<1600x64xf32>
    %add3A_47 = arith.addf %add3A_34, %mul3A_46 : vector<1600x64xf32>
    %swap3A = arith.constant 0 : index
    %swap3A_48 = arith.constant 0 : index
    %swap3A_49 = vector.load %arg3[%swap3A, %swap3A_48] : memref<1600x64xf32, #tpu.memory_space<vmem>>, vector<1600x64xf32>
    tpu.vector_store %arg3[%swap3A, %swap3A_48], %add3A_47 {strides = array<i32>} : memref<1600x64xf32, #tpu.memory_space<vmem>>, vector<1600x64xf32>,
    return
  }
  func.func @transform_0(%arg0: i32) -> (i32, i32, i32) {
    %c0_i32 = arith.constant 0 : i32
    %c0_i32_0 = arith.constant 0 : i32
    %c0_i32_1 = arith.constant 0 : i32
    return %c0_i32, %arg0, %c0_i32_0 : i32, i32, i32
  }
  func.func @transform_1(%arg0: i32) -> (i32, i32, i32) {
    %c0_i32 = arith.constant 0 : i32
    %c0_i32_0 = arith.constant 0 : i32
    %c0_i32_1 = arith.constant 0 : i32
    return %c0_i32, %arg0, %c0_i32_0 : i32, i32, i32
  }
  func.func @transform_2(%arg0: i32) -> (i32, i32) {
    %c0_i32 = arith.constant 0 : i32
    %c0_i32_0 = arith.constant 0 : i32
    return %arg0, %c0_i32 : i32, i32
  }
}

module attributes {stable_mosaic.version = 14 : i64} {
  func.func @_merge_feat_body(%arg0: i32, %arg1: i32, %arg2: memref<4x1x4x1000x16xf32, #tpu.memory_space<vmem>>, %arg3: memref<1000x128xf32, #tpu.memory_space<vmem>>, %arg4: memref<128x64xf32, #tpu.memory_space<vmem>>, %arg5: memref<1x64xf32, #tpu.memory_space<vmem>>, %arg6: memref<64x1600xf32, #tpu.memory_space<vmem>>, %arg7: memref<1000x64xf32, #tpu.memory_space<vmem>>, %arg8: memref<1000x1600xf32, #tpu.memory_space<vmem>>) attributes {dimension_semantics = [#tpu.dimension_semantics<arbitrary>, #tpu.dimension_semantics<arbitrary>], iteration_bounds = array<i64: 2, 5>, scalar_prefetch = 0 : i64, scratch_operands = 0 : i64, tpu.core_type = #tpu.core_type<tc>, window_params = [{transform_indices = @transform_0, window_bounds = array<i64: 4, 1, 4, 1000, 16>}, {transform_indices = @transform_1, window_bounds = array<i64: 1000, 128>}, {pipeline_mode = #tpu.pipeline_mode<synchronous>, transform_indices = @transform_2, window_bounds = array<i64: 128, 64>}, {pipeline_mode = #tpu.pipeline_mode<synchronous>, transform_indices = @transform_3, window_bounds = array<i64: 1, 64>}, {pipeline_mode = #tpu.pipeline_mode<synchronous>, transform_indices = @transform_4, window_bounds = array<i64: 64, 1600>}, {transform_indices = @transform_5, window_bounds = array<i64: 1000, 64>}, {transform_indices = @transform_6, window_bounds = array<i64: 1000, 1600>}]} {
    %get3A = arith.constant 0 : index
    %get3A_0 = arith.constant 0 : index
    %get3A_1 = arith.constant 0 : index
    %get3A_2 = arith.constant 0 : index
    %get3A_3 = arith.constant 0 : index
    %get3A_4 = vector.load %arg2[%get3A, %get3A_0, %get3A_1, %get3A_2, %get3A_3] : memref<4x1x4x1000x16xf32, #tpu.memory_space<vmem>>, vector<4x1x4x1000x16xf32>
    %reduce_max3A = arith.constant dense<0xFF800000> : vector<4x1x1000x16xf32>
    %reduce_max3A_5 = vector.multi_reduction <maximumf>, %get3A_4, %reduce_max3A [2] : vector<4x1x4x1000x16xf32> to vector<4x1x1000x16xf32>
    %slice3A = vector.extract_strided_slice %reduce_max3A_5 {offsets = [0, 0, 0, 0], sizes = [1, 1, 1000, 16], strides = [1, 1, 1, 1]} : vector<4x1x1000x16xf32> to vector<1x1x1000x16xf32>
    %squeeze3A = vector.shape_cast %slice3A : vector<1x1x1000x16xf32> to vector<1000x16xf32>
    %slice3A_6 = vector.extract_strided_slice %reduce_max3A_5 {offsets = [1, 0, 0, 0], sizes = [1, 1, 1000, 16], strides = [1, 1, 1, 1]} : vector<4x1x1000x16xf32> to vector<1x1x1000x16xf32>
    %squeeze3A_7 = vector.shape_cast %slice3A_6 : vector<1x1x1000x16xf32> to vector<1000x16xf32>
    %slice3A_8 = vector.extract_strided_slice %reduce_max3A_5 {offsets = [2, 0, 0, 0], sizes = [1, 1, 1000, 16], strides = [1, 1, 1, 1]} : vector<4x1x1000x16xf32> to vector<1x1x1000x16xf32>
    %squeeze3A_9 = vector.shape_cast %slice3A_8 : vector<1x1x1000x16xf32> to vector<1000x16xf32>
    %slice3A_10 = vector.extract_strided_slice %reduce_max3A_5 {offsets = [3, 0, 0, 0], sizes = [1, 1, 1000, 16], strides = [1, 1, 1, 1]} : vector<4x1x1000x16xf32> to vector<1x1x1000x16xf32>
    %squeeze3A_11 = vector.shape_cast %slice3A_10 : vector<1x1x1000x16xf32> to vector<1000x16xf32>
    %concatenate3A = tpu.concatenate %squeeze3A, %squeeze3A_7, %squeeze3A_9, %squeeze3A_11 in 1 : vector<1000x16xf32>, vector<1000x16xf32>, vector<1000x16xf32>, vector<1000x16xf32> -> vector<1000x64xf32>
    %is_finite3A = tpu.weird %concatenate3A : vector<1000x64xf32> -> vector<1000x64xi1>
    %is_finite3A_12 = arith.constant dense<true> : vector<1000x64xi1>
    %is_finite3A_13 = arith.xori %is_finite3A, %is_finite3A_12 : vector<1000x64xi1>
    %jit3A = arith.constant 0.000000e+00 : f32
    %broadcast_in_dim3A = vector.broadcast %jit3A : f32 to vector<1000x64xf32>
    %select_n3A = arith.select %is_finite3A_13, %concatenate3A, %broadcast_in_dim3A : vector<1000x64xi1>, vector<1000x64xf32>
    %get3A_14 = arith.constant 0 : index
    %get3A_15 = arith.constant 0 : index
    %get3A_16 = vector.load %arg3[%get3A_14, %get3A_15] : memref<1000x128xf32, #tpu.memory_space<vmem>>, vector<1000x128xf32>
    %get3A_17 = arith.constant 0 : index
    %get3A_18 = arith.constant 0 : index
    %get3A_19 = vector.load %arg4[%get3A_17, %get3A_18] : memref<128x64xf32, #tpu.memory_space<vmem>>, vector<128x64xf32>
    %dot_general3A = arith.constant dense<0.000000e+00> : vector<1000x64xf32>
    %dot_general3A_20 = tpu.matmul %get3A_16, %get3A_19, %dot_general3A {dimension_numbers = #tpu.dot_dimension_numbers<[1], [0], [0], [1], [0, 0, 1, 1], [], []>, transpose_lhs_hint = false} : vector<1000x128xf32>, vector<128x64xf32>, vector<1000x64xf32> -> vector<1000x64xf32>
    %add3A = arith.addf %select_n3A, %dot_general3A_20 : vector<1000x64xf32>
    %get3A_21 = arith.constant 0 : index
    %get3A_22 = arith.constant 0 : index
    %get3A_23 = vector.load %arg5[%get3A_21, %get3A_22] : memref<1x64xf32, #tpu.memory_space<vmem>>, vector<1x64xf32>
    %add3A_24 = vector.broadcast %get3A_23 : vector<1x64xf32> to vector<1000x64xf32>
    %add3A_25 = arith.addf %add3A, %add3A_24 : vector<1000x64xf32>
    %max3A = arith.constant 0.000000e+00 : f32
    %max3A_26 = vector.broadcast %max3A : f32 to vector<1000x64xf32>
    %max3A_27 = arith.maximumf %add3A_25, %max3A_26 : vector<1000x64xf32>
    %swap3A = arith.constant 0 : index
    %swap3A_28 = arith.constant 0 : index
    %swap3A_29 = vector.load %arg7[%swap3A, %swap3A_28] : memref<1000x64xf32, #tpu.memory_space<vmem>>, vector<1000x64xf32>
    tpu.vector_store %arg7[%swap3A, %swap3A_28], %max3A_27 {strides = array<i32>} : memref<1000x64xf32, #tpu.memory_space<vmem>>, vector<1000x64xf32>,
    %get3A_30 = arith.constant 0 : index
    %get3A_31 = arith.constant 0 : index
    %get3A_32 = vector.load %arg6[%get3A_30, %get3A_31] : memref<64x1600xf32, #tpu.memory_space<vmem>>, vector<64x1600xf32>
    %dot_general3A_33 = arith.constant dense<0.000000e+00> : vector<1000x1600xf32>
    %dot_general3A_34 = tpu.matmul %max3A_27, %get3A_32, %dot_general3A_33 {dimension_numbers = #tpu.dot_dimension_numbers<[1], [0], [0], [1], [0, 0, 1, 1], [], []>, transpose_lhs_hint = false} : vector<1000x64xf32>, vector<64x1600xf32>, vector<1000x1600xf32> -> vector<1000x1600xf32>
    %swap3A_35 = arith.constant 0 : index
    %swap3A_36 = arith.constant 0 : index
    %swap3A_37 = vector.load %arg8[%swap3A_35, %swap3A_36] : memref<1000x1600xf32, #tpu.memory_space<vmem>>, vector<1000x1600xf32>
    tpu.vector_store %arg8[%swap3A_35, %swap3A_36], %dot_general3A_34 {strides = array<i32>} : memref<1000x1600xf32, #tpu.memory_space<vmem>>, vector<1000x1600xf32>,
    return
  }
  func.func @transform_0(%arg0: i32, %arg1: i32) -> (i32, i32, i32, i32, i32) {
    %c0_i32 = arith.constant 0 : i32
    %c0_i32_0 = arith.constant 0 : i32
    %c0_i32_1 = arith.constant 0 : i32
    %c0_i32_2 = arith.constant 0 : i32
    return %c0_i32, %arg0, %c0_i32_0, %arg1, %c0_i32_1 : i32, i32, i32, i32, i32
  }
  func.func @transform_1(%arg0: i32, %arg1: i32) -> (i32, i32) {
    %mul3A = arith.constant 5 : i32
    %mul3A_0 = arith.muli %arg0, %mul3A : i32
    %add3A = arith.addi %mul3A_0, %arg1 : i32
    %c0_i32 = arith.constant 0 : i32
    %c0_i32_1 = arith.constant 0 : i32
    return %add3A, %c0_i32 : i32, i32
  }
  func.func @transform_2(%arg0: i32, %arg1: i32) -> (i32, i32) {
    %c0_i32 = arith.constant 0 : i32
    %c0_i32_0 = arith.constant 0 : i32
    %c0_i32_1 = arith.constant 0 : i32
    return %c0_i32, %c0_i32_0 : i32, i32
  }
  func.func @transform_3(%arg0: i32, %arg1: i32) -> (i32, i32) {
    %c0_i32 = arith.constant 0 : i32
    %c0_i32_0 = arith.constant 0 : i32
    %c0_i32_1 = arith.constant 0 : i32
    return %c0_i32, %c0_i32_0 : i32, i32
  }
  func.func @transform_4(%arg0: i32, %arg1: i32) -> (i32, i32) {
    %c0_i32 = arith.constant 0 : i32
    %c0_i32_0 = arith.constant 0 : i32
    %c0_i32_1 = arith.constant 0 : i32
    return %c0_i32, %c0_i32_0 : i32, i32
  }
  func.func @transform_5(%arg0: i32, %arg1: i32) -> (i32, i32) {
    %mul3A = arith.constant 5 : i32
    %mul3A_0 = arith.muli %arg0, %mul3A : i32
    %add3A = arith.addi %mul3A_0, %arg1 : i32
    %c0_i32 = arith.constant 0 : i32
    %c0_i32_1 = arith.constant 0 : i32
    return %add3A, %c0_i32 : i32, i32
  }
  func.func @transform_6(%arg0: i32, %arg1: i32) -> (i32, i32) {
    %mul3A = arith.constant 5 : i32
    %mul3A_0 = arith.muli %arg0, %mul3A : i32
    %add3A = arith.addi %mul3A_0, %arg1 : i32
    %c0_i32 = arith.constant 0 : i32
    %c0_i32_1 = arith.constant 0 : i32
    return %add3A, %c0_i32 : i32, i32
  }
}

module attributes {stable_mosaic.version = 14 : i64} {
  func.func @_merge_body(%arg0: i32, %arg1: i32, %arg2: memref<4x1x4x1000x16xf32, #tpu.memory_space<vmem>>, %arg3: memref<1000x64xf32, #tpu.memory_space<vmem>>, %arg4: memref<64x64xf32, #tpu.memory_space<vmem>>, %arg5: memref<1x64xf32, #tpu.memory_space<vmem>>, %arg6: memref<1000x64xf32, #tpu.memory_space<vmem>>) attributes {dimension_semantics = [#tpu.dimension_semantics<arbitrary>, #tpu.dimension_semantics<arbitrary>], iteration_bounds = array<i64: 2, 5>, scalar_prefetch = 0 : i64, scratch_operands = 0 : i64, tpu.core_type = #tpu.core_type<tc>, window_params = [{transform_indices = @transform_0, window_bounds = array<i64: 4, 1, 4, 1000, 16>}, {transform_indices = @transform_1, window_bounds = array<i64: 1000, 64>}, {pipeline_mode = #tpu.pipeline_mode<synchronous>, transform_indices = @transform_2, window_bounds = array<i64: 64, 64>}, {pipeline_mode = #tpu.pipeline_mode<synchronous>, transform_indices = @transform_3, window_bounds = array<i64: 1, 64>}, {transform_indices = @transform_4, window_bounds = array<i64: 1000, 64>}]} {
    %get3A = arith.constant 0 : index
    %get3A_0 = arith.constant 0 : index
    %get3A_1 = arith.constant 0 : index
    %get3A_2 = arith.constant 0 : index
    %get3A_3 = arith.constant 0 : index
    %get3A_4 = vector.load %arg2[%get3A, %get3A_0, %get3A_1, %get3A_2, %get3A_3] : memref<4x1x4x1000x16xf32, #tpu.memory_space<vmem>>, vector<4x1x4x1000x16xf32>
    %reduce_max3A = arith.constant dense<0xFF800000> : vector<4x1x1000x16xf32>
    %reduce_max3A_5 = vector.multi_reduction <maximumf>, %get3A_4, %reduce_max3A [2] : vector<4x1x4x1000x16xf32> to vector<4x1x1000x16xf32>
    %slice3A = vector.extract_strided_slice %reduce_max3A_5 {offsets = [0, 0, 0, 0], sizes = [1, 1, 1000, 16], strides = [1, 1, 1, 1]} : vector<4x1x1000x16xf32> to vector<1x1x1000x16xf32>
    %squeeze3A = vector.shape_cast %slice3A : vector<1x1x1000x16xf32> to vector<1000x16xf32>
    %slice3A_6 = vector.extract_strided_slice %reduce_max3A_5 {offsets = [1, 0, 0, 0], sizes = [1, 1, 1000, 16], strides = [1, 1, 1, 1]} : vector<4x1x1000x16xf32> to vector<1x1x1000x16xf32>
    %squeeze3A_7 = vector.shape_cast %slice3A_6 : vector<1x1x1000x16xf32> to vector<1000x16xf32>
    %slice3A_8 = vector.extract_strided_slice %reduce_max3A_5 {offsets = [2, 0, 0, 0], sizes = [1, 1, 1000, 16], strides = [1, 1, 1, 1]} : vector<4x1x1000x16xf32> to vector<1x1x1000x16xf32>
    %squeeze3A_9 = vector.shape_cast %slice3A_8 : vector<1x1x1000x16xf32> to vector<1000x16xf32>
    %slice3A_10 = vector.extract_strided_slice %reduce_max3A_5 {offsets = [3, 0, 0, 0], sizes = [1, 1, 1000, 16], strides = [1, 1, 1, 1]} : vector<4x1x1000x16xf32> to vector<1x1x1000x16xf32>
    %squeeze3A_11 = vector.shape_cast %slice3A_10 : vector<1x1x1000x16xf32> to vector<1000x16xf32>
    %concatenate3A = tpu.concatenate %squeeze3A, %squeeze3A_7, %squeeze3A_9, %squeeze3A_11 in 1 : vector<1000x16xf32>, vector<1000x16xf32>, vector<1000x16xf32>, vector<1000x16xf32> -> vector<1000x64xf32>
    %is_finite3A = tpu.weird %concatenate3A : vector<1000x64xf32> -> vector<1000x64xi1>
    %is_finite3A_12 = arith.constant dense<true> : vector<1000x64xi1>
    %is_finite3A_13 = arith.xori %is_finite3A, %is_finite3A_12 : vector<1000x64xi1>
    %jit3A = arith.constant 0.000000e+00 : f32
    %broadcast_in_dim3A = vector.broadcast %jit3A : f32 to vector<1000x64xf32>
    %select_n3A = arith.select %is_finite3A_13, %concatenate3A, %broadcast_in_dim3A : vector<1000x64xi1>, vector<1000x64xf32>
    %get3A_14 = arith.constant 0 : index
    %get3A_15 = arith.constant 0 : index
    %get3A_16 = vector.load %arg3[%get3A_14, %get3A_15] : memref<1000x64xf32, #tpu.memory_space<vmem>>, vector<1000x64xf32>
    %get3A_17 = arith.constant 0 : index
    %get3A_18 = arith.constant 0 : index
    %get3A_19 = vector.load %arg4[%get3A_17, %get3A_18] : memref<64x64xf32, #tpu.memory_space<vmem>>, vector<64x64xf32>
    %dot_general3A = arith.constant dense<0.000000e+00> : vector<1000x64xf32>
    %dot_general3A_20 = tpu.matmul %get3A_16, %get3A_19, %dot_general3A {dimension_numbers = #tpu.dot_dimension_numbers<[1], [0], [0], [1], [0, 0, 1, 1], [], []>, transpose_lhs_hint = false} : vector<1000x64xf32>, vector<64x64xf32>, vector<1000x64xf32> -> vector<1000x64xf32>
    %add3A = arith.addf %select_n3A, %dot_general3A_20 : vector<1000x64xf32>
    %get3A_21 = arith.constant 0 : index
    %get3A_22 = arith.constant 0 : index
    %get3A_23 = vector.load %arg5[%get3A_21, %get3A_22] : memref<1x64xf32, #tpu.memory_space<vmem>>, vector<1x64xf32>
    %add3A_24 = vector.broadcast %get3A_23 : vector<1x64xf32> to vector<1000x64xf32>
    %add3A_25 = arith.addf %add3A, %add3A_24 : vector<1000x64xf32>
    %max3A = arith.constant 0.000000e+00 : f32
    %max3A_26 = vector.broadcast %max3A : f32 to vector<1000x64xf32>
    %max3A_27 = arith.maximumf %add3A_25, %max3A_26 : vector<1000x64xf32>
    %swap3A = arith.constant 0 : index
    %swap3A_28 = arith.constant 0 : index
    %swap3A_29 = vector.load %arg6[%swap3A, %swap3A_28] : memref<1000x64xf32, #tpu.memory_space<vmem>>, vector<1000x64xf32>
    tpu.vector_store %arg6[%swap3A, %swap3A_28], %max3A_27 {strides = array<i32>} : memref<1000x64xf32, #tpu.memory_space<vmem>>, vector<1000x64xf32>,
    return
  }
  func.func @transform_0(%arg0: i32, %arg1: i32) -> (i32, i32, i32, i32, i32) {
    %c0_i32 = arith.constant 0 : i32
    %c0_i32_0 = arith.constant 0 : i32
    %c0_i32_1 = arith.constant 0 : i32
    %c0_i32_2 = arith.constant 0 : i32
    return %c0_i32, %arg0, %c0_i32_0, %arg1, %c0_i32_1 : i32, i32, i32, i32, i32
  }
  func.func @transform_1(%arg0: i32, %arg1: i32) -> (i32, i32) {
    %mul3A = arith.constant 5 : i32
    %mul3A_0 = arith.muli %arg0, %mul3A : i32
    %add3A = arith.addi %mul3A_0, %arg1 : i32
    %c0_i32 = arith.constant 0 : i32
    %c0_i32_1 = arith.constant 0 : i32
    return %add3A, %c0_i32 : i32, i32
  }
  func.func @transform_2(%arg0: i32, %arg1: i32) -> (i32, i32) {
    %c0_i32 = arith.constant 0 : i32
    %c0_i32_0 = arith.constant 0 : i32
    %c0_i32_1 = arith.constant 0 : i32
    return %c0_i32, %c0_i32_0 : i32, i32
  }
  func.func @transform_3(%arg0: i32, %arg1: i32) -> (i32, i32) {
    %c0_i32 = arith.constant 0 : i32
    %c0_i32_0 = arith.constant 0 : i32
    %c0_i32_1 = arith.constant 0 : i32
    return %c0_i32, %c0_i32_0 : i32, i32
  }
  func.func @transform_4(%arg0: i32, %arg1: i32) -> (i32, i32) {
    %mul3A = arith.constant 5 : i32
    %mul3A_0 = arith.muli %arg0, %mul3A : i32
    %add3A = arith.addi %mul3A_0, %arg1 : i32
    %c0_i32 = arith.constant 0 : i32
    %c0_i32_1 = arith.constant 0 : i32
    return %add3A, %c0_i32 : i32, i32
  }
}

module attributes {stable_mosaic.version = 14 : i64} {
  func.func @_final_body(%arg0: i32, %arg1: memref<1000x128xf32, #tpu.memory_space<vmem>>, %arg2: memref<1000x64xf32, #tpu.memory_space<vmem>>, %arg3: memref<1000x64xf32, #tpu.memory_space<vmem>>, %arg4: memref<256x64xf32, #tpu.memory_space<vmem>>, %arg5: memref<1x64xf32, #tpu.memory_space<vmem>>, %arg6: memref<1000x64xf32, #tpu.memory_space<vmem>>) attributes {dimension_semantics = [#tpu.dimension_semantics<arbitrary>], iteration_bounds = array<i64: 10>, scalar_prefetch = 0 : i64, scratch_operands = 0 : i64, tpu.core_type = #tpu.core_type<tc>, window_params = [{transform_indices = @transform_0, window_bounds = array<i64: 1000, 128>}, {transform_indices = @transform_1, window_bounds = array<i64: 1000, 64>}, {transform_indices = @transform_2, window_bounds = array<i64: 1000, 64>}, {pipeline_mode = #tpu.pipeline_mode<synchronous>, transform_indices = @transform_3, window_bounds = array<i64: 256, 64>}, {pipeline_mode = #tpu.pipeline_mode<synchronous>, transform_indices = @transform_4, window_bounds = array<i64: 1, 64>}, {transform_indices = @transform_5, window_bounds = array<i64: 1000, 64>}]} {
    %get3A = arith.constant 0 : index
    %get3A_0 = arith.constant 0 : index
    %get3A_1 = vector.load %arg4[%get3A, %get3A_0] : memref<256x64xf32, #tpu.memory_space<vmem>>, vector<256x64xf32>
    %get3A_2 = arith.constant 0 : index
    %get3A_3 = arith.constant 0 : index
    %get3A_4 = vector.load %arg1[%get3A_2, %get3A_3] : memref<1000x128xf32, #tpu.memory_space<vmem>>, vector<1000x128xf32>
    %slice3A = vector.extract_strided_slice %get3A_1 {offsets = [0, 0], sizes = [128, 64], strides = [1, 1]} : vector<256x64xf32> to vector<128x64xf32>
    %dot_general3A = arith.constant dense<0.000000e+00> : vector<1000x64xf32>
    %dot_general3A_5 = tpu.matmul %get3A_4, %slice3A, %dot_general3A {dimension_numbers = #tpu.dot_dimension_numbers<[1], [0], [0], [1], [0, 0, 1, 1], [], []>, transpose_lhs_hint = false} : vector<1000x128xf32>, vector<128x64xf32>, vector<1000x64xf32> -> vector<1000x64xf32>
    %get3A_6 = arith.constant 0 : index
    %get3A_7 = arith.constant 0 : index
    %get3A_8 = vector.load %arg2[%get3A_6, %get3A_7] : memref<1000x64xf32, #tpu.memory_space<vmem>>, vector<1000x64xf32>
    %slice3A_9 = vector.extract_strided_slice %get3A_1 {offsets = [128, 0], sizes = [64, 64], strides = [1, 1]} : vector<256x64xf32> to vector<64x64xf32>
    %dot_general3A_10 = arith.constant dense<0.000000e+00> : vector<1000x64xf32>
    %dot_general3A_11 = tpu.matmul %get3A_8, %slice3A_9, %dot_general3A_10 {dimension_numbers = #tpu.dot_dimension_numbers<[1], [0], [0], [1], [0, 0, 1, 1], [], []>, transpose_lhs_hint = false} : vector<1000x64xf32>, vector<64x64xf32>, vector<1000x64xf32> -> vector<1000x64xf32>
    %add3A = arith.addf %dot_general3A_5, %dot_general3A_11 : vector<1000x64xf32>
    %get3A_12 = arith.constant 0 : index
    %get3A_13 = arith.constant 0 : index
    %get3A_14 = vector.load %arg3[%get3A_12, %get3A_13] : memref<1000x64xf32, #tpu.memory_space<vmem>>, vector<1000x64xf32>
    %slice3A_15 = vector.extract_strided_slice %get3A_1 {offsets = [192, 0], sizes = [64, 64], strides = [1, 1]} : vector<256x64xf32> to vector<64x64xf32>
    %dot_general3A_16 = arith.constant dense<0.000000e+00> : vector<1000x64xf32>
    %dot_general3A_17 = tpu.matmul %get3A_14, %slice3A_15, %dot_general3A_16 {dimension_numbers = #tpu.dot_dimension_numbers<[1], [0], [0], [1], [0, 0, 1, 1], [], []>, transpose_lhs_hint = false} : vector<1000x64xf32>, vector<64x64xf32>, vector<1000x64xf32> -> vector<1000x64xf32>
    %add3A_18 = arith.addf %add3A, %dot_general3A_17 : vector<1000x64xf32>
    %get3A_19 = arith.constant 0 : index
    %get3A_20 = arith.constant 0 : index
    %get3A_21 = vector.load %arg5[%get3A_19, %get3A_20] : memref<1x64xf32, #tpu.memory_space<vmem>>, vector<1x64xf32>
    %add3A_22 = vector.broadcast %get3A_21 : vector<1x64xf32> to vector<1000x64xf32>
    %add3A_23 = arith.addf %add3A_18, %add3A_22 : vector<1000x64xf32>
    %swap3A = arith.constant 0 : index
    %swap3A_24 = arith.constant 0 : index
    %swap3A_25 = vector.load %arg6[%swap3A, %swap3A_24] : memref<1000x64xf32, #tpu.memory_space<vmem>>, vector<1000x64xf32>
    tpu.vector_store %arg6[%swap3A, %swap3A_24], %add3A_23 {strides = array<i32>} : memref<1000x64xf32, #tpu.memory_space<vmem>>, vector<1000x64xf32>,
    return
  }
  func.func @transform_0(%arg0: i32) -> (i32, i32) {
    %c0_i32 = arith.constant 0 : i32
    %c0_i32_0 = arith.constant 0 : i32
    return %arg0, %c0_i32 : i32, i32
  }
  func.func @transform_1(%arg0: i32) -> (i32, i32) {
    %c0_i32 = arith.constant 0 : i32
    %c0_i32_0 = arith.constant 0 : i32
    return %arg0, %c0_i32 : i32, i32
  }
  func.func @transform_2(%arg0: i32) -> (i32, i32) {
    %c0_i32 = arith.constant 0 : i32
    %c0_i32_0 = arith.constant 0 : i32
    return %arg0, %c0_i32 : i32, i32
  }
  func.func @transform_3(%arg0: i32) -> (i32, i32) {
    %c0_i32 = arith.constant 0 : i32
    %c0_i32_0 = arith.constant 0 : i32
    %c0_i32_1 = arith.constant 0 : i32
    return %c0_i32, %c0_i32_0 : i32, i32
  }
  func.func @transform_4(%arg0: i32) -> (i32, i32) {
    %c0_i32 = arith.constant 0 : i32
    %c0_i32_0 = arith.constant 0 : i32
    %c0_i32_1 = arith.constant 0 : i32
    return %c0_i32, %c0_i32_0 : i32, i32
  }
  func.func @transform_5(%arg0: i32) -> (i32, i32) {
    %c0_i32 = arith.constant 0 : i32
    %c0_i32_0 = arith.constant 0 : i32
    return %arg0, %c0_i32 : i32, i32
  }
}

</mosaic_0001>

<sc_bundles>
// kernel: kernel.13.cloned.1.call-start
scs
__scs_entry_jumppad:
0x0: {  	(pc) =	sbr.rel $0x88, $3  }
0x1: {  	(tag) =	ssettag $0x0;
	lr =	simm.s32 $0x1  }
0x2: {  	[smem:$0x3F96] =	sst lr;
	_ =	strace $0xD0000000  }
0x3: {  	_ = 	snop  }
0x4: {  	_ = 	snop  }
0x5: {  	_ = 	snop  }
0x6: {  	_ = 	snop  }
0x7: {  	_ = 	snop  }
__scs_overlays_trampoline_lowered:
0x8: {  	[smem:$0x3FA5] =	sst s0  }
0x9: {  	[smem:$0x3FA6] =	sst s1  }
0xa: {  	[smem:$0x3FA7] =	sst s2  }
0xb: {  	[smem:$0x3FA8] =	sst s3  }
0xc: {  	[smem:$0x3FA9] =	sst s4  }
0xd: {  	[smem:$0x3FAA] =	sst s5  }
0xe: {  	[smem:$0x3FAB] =	sst s6  }
0xf: {  	[smem:$0x3FAC] =	sst s7  }
0x10: {  	[smem:$0x3FAD] =	sst s8  }
0x11: {  	[smem:$0x3FAE] =	sst s9;
	s0 =	simm.s32 @!p0 $0x0  }
0x12: {  	s1 =	sld [smem:$0x3F94];
	s0 =	simm.s32 @p0 $0x1  }
0x13: {  	[smem:$0x3FAF] =	sst s0;
	s0 =	simm.s32 @!p1 $0x0  }
0x14: {  	s2 =	sld [smem:$0x3F93];
	s0 =	simm.s32 @p1 $0x1  }
0x15: {  	[smem:$0x3FB0] =	sst s0;
	s0 =	simm.s32 @!p2 $0x0  }
0x16: {  	s3 =	sld [smem:$0x3FDB];
	s0 =	simm.s32 @p2 $0x1  }
0x17: {  	s4 =	simm.s32 $0x1BF5;
	[smem:$0x3FB2] =	sst s0  }
0x18: {  	s0 =	sld [smem:$0x3F95];
	_ =	swait.ge [sflag:s4], $0x0  }
0x19: {  	s7 =	sld [smem:$0x3F96]  }
0x1a: {  	s8 =	sadd.s32 $0xFFFFE003, lr  }
0x1b: {  	s9 =	sadd.s32 $0xFFFFFEF7, lr;
	s5 =	simm.s32 $0xFFFFFFFF;
	p2 =	slt.u32 s8, $0xFFFFF086  }
0x1c: {  	p1 =	slt.u32 s9, $0xF7A;
	s5 =	simm.s32 @!p2 $0x0  }
0x1d: {  	s5 =	simm.s32 @p1 $0x1;
	p0 =	seq.s32 s7, s2  }
0x1e: {  	s7 =	smul.u32 @!p0 $0xF7A, s2;
	p2 =	seq.s32 @!p0 s5, $0x0  }
0x1f: {  	s9 =	smul.u32 $0xF7A, s1;
	s8 =	simm.s32 @!p0 $0x1BF5;
	p2 =	por !p2, p0  }
0x20: {  	[sflag:s8] =	ssyncset.s32 @!p0 $0xFFFFF086;
	s6 =	sadd.s32 @!p0 s3, s7;
	s7 =	simm.s32 @!p0 $0x108  }
0x21: {  	s3 =	sadd.s32 s3, s9;
	s6 =	sadd.s32 @!p0 $0x88, s6;
	s7 =	simm.s32 @p2 $0x1082  }
0x22: {  	[simem:s7], [sflag:s8] =	dma.local @!p0 [hbm:s6], $0xF7A  }
0x23: {  	s9 =	sor.u32 $0xD0000000, s2;
	s6 =	simm.s32 $0x108;
	_ =	swait.ge @!p0 [sflag:s8], $0x0  }
0x24: {  	s3 =	sadd.s32 $0x88, s3;
	s6 =	simm.s32 @!p1 $0x1082;
	[sflag:s4] =	ssyncset.s32 $0xFFFFF086  }
0x25: {  	[simem:s6], [sflag:s4] =	dma.local [hbm:s3], $0xF7A  }
0x26: {  	[smem:$0x3F96] =	sst s1;
	(tag) =	ssettag s2;
	_ =	strace s9  }
0x27: {  	s1 =	sld [smem:$0x3FA6]  }
0x28: {  	s2 =	sld [smem:$0x3FA7]  }
0x29: {  	s4 =	sld [smem:$0x3FA9]  }
0x2a: {  	p0 =	seq.s32 s5, $0x0;
	s5 =	sld [smem:$0x3FAA]  }
0x2b: {  	s6 =	sld [smem:$0x3FAB]  }
0x2c: {  	s7 =	sld [smem:$0x3FAC]  }
0x2d: {  	s3 =	simm.s32 $0x108;
	s8 =	sld [smem:$0x3FAD]  }
0x2e: {  	s3 =	simm.s32 @!p0 $0x1082;
	s9 =	sld [smem:$0x3FAE]  }
0x2f: {  	lr =	sadd.s32 s0, s3;
	s0 =	sld [smem:$0x3FA5]  }
0x30: {  	s3 =	sld [smem:$0x3FA8]  }
0x31: {  	[smem:$0x3FB1] =	sst s10  }
0x32: {  	s10 =	sld [smem:$0x3FAF];
	_ =	sdelay $0x3  }
0x33: {  	p0 =	seq.s32 s10, $0x1;
	s10 =	sld [smem:$0x3FB1];
	_ =	sdelay $0x3  }
0x34: {  	[smem:$0x3FB1] =	sst s10  }
0x35: {  	s10 =	sld [smem:$0x3FB0];
	_ =	sdelay $0x3  }
0x36: {  	p1 =	seq.s32 s10, $0x1;
	s10 =	sld [smem:$0x3FB1];
	_ =	sdelay $0x3  }
0x37: {  	[smem:$0x3FB1] =	sst s10  }
0x38: {  	s10 =	sld [smem:$0x3FB2]  }
0x39: {  	_ = 	snop;
	(pc) =	sbr.ind lr, $3  }
0x3a: {  	_ = 	snop  }
0x3b: {  	_ = 	snop  }
0x3c: {  	p2 =	seq.s32 s10, $0x1;
	s10 =	sld [smem:$0x3FB1]  }
0x3d: {  	_ =	shalt  }
0x3e: {  	_ =	shalt  }
0x3f: {  	_ =	shalt  }
0x40: {  	_ =	shalt  }
0x41: {  	_ =	shalt  }
0x42: {  	_ =	shalt  }
0x43: {  	_ =	shalt  }
0x44: {  	_ =	shalt  }
0x45: {  	_ =	shalt  }
0x46: {  	_ =	shalt  }
0x47: {  	_ =	shalt  }
0x48: {  	_ =	shalt  }
0x49: {  	_ =	shalt  }
0x4a: {  	_ =	shalt  }
0x4b: {  	_ =	shalt  }
0x4c: {  	_ =	shalt  }
0x4d: {  	_ =	shalt  }
0x4e: {  	_ =	shalt  }
0x4f: {  	_ =	shalt  }
0x50: {  	_ =	shalt  }
0x51: {  	_ =	shalt  }
0x52: {  	_ =	shalt  }
0x53: {  	_ =	shalt  }
0x54: {  	_ =	shalt  }
0x55: {  	_ =	shalt  }
0x56: {  	_ =	shalt  }
0x57: {  	_ =	shalt  }
0x58: {  	_ =	shalt  }
0x59: {  	_ =	shalt  }
0x5a: {  	_ =	shalt  }
0x5b: {  	_ =	shalt  }
0x5c: {  	_ =	shalt  }
0x5d: {  	_ =	shalt  }
0x5e: {  	_ =	shalt  }
0x5f: {  	_ =	shalt  }
0x60: {  	_ =	shalt  }
0x61: {  	_ =	shalt  }
0x62: {  	_ =	shalt  }
0x63: {  	_ =	shalt  }
0x64: {  	_ =	shalt  }
0x65: {  	_ =	shalt  }
0x66: {  	_ =	shalt  }
0x67: {  	_ =	shalt  }
0x68: {  	_ =	shalt  }
0x69: {  	_ =	shalt  }
0x6a: {  	_ =	shalt  }
0x6b: {  	_ =	shalt  }
0x6c: {  	_ =	shalt  }
0x6d: {  	_ =	shalt  }
0x6e: {  	_ =	shalt  }
0x6f: {  	_ =	shalt  }
0x70: {  	_ =	shalt  }
0x71: {  	_ =	shalt  }
0x72: {  	_ =	shalt  }
0x73: {  	_ =	shalt  }
0x74: {  	_ =	shalt  }
0x75: {  	_ =	shalt  }
0x76: {  	_ =	shalt  }
0x77: {  	_ =	shalt  }
0x78: {  	_ =	shalt  }
0x79: {  	_ =	shalt  }
0x7a: {  	_ =	shalt  }
0x7b: {  	_ =	shalt  }
0x7c: {  	_ =	shalt  }
0x7d: {  	_ =	shalt  }
0x7e: {  	_ =	shalt  }
0x7f: {  	_ =	shalt  }
0x80: {  	_ =	shalt  }
0x81: {  	_ =	shalt  }
0x82: {  	_ =	shalt  }
0x83: {  	_ =	shalt  }
0x84: {  	_ =	shalt  }
0x85: {  	_ =	shalt  }
0x86: {  	_ =	shalt  }
0x87: {  	_ =	shalt  }
.Lfunc_end0:
.L_simem_size_0:
called_computation_lowered:
.L_overlay_start_0:
0x88: {  	s2 =	sld [smem:$0x3FD9]  }
0x89: {  	s3 =	sld [smem:$0x3FFE];
	_ =	sdelay $0x1  }
0x8a: {  	s1 =	srdreg.scid  }
0x8b: {  	s0 =	sand.u32 $0x1, s1  }
0x8c: {  	s16 =	sshll.u32 s0, $0xA;
	s2 =	sadd.s32 s3, s2  }
0x8d: {  	s2 =	sadd.s32 s2, s16  }
0x8e: {  	[smem:$0x3FBD] =	sst s2  }
0x8f: {  	_ = 	snop  }
0x90: {  	(tm) =	ssettm $0x1  }
0x91: {  	s17 =	sld [smem:$0x3FFB];
	_ =	sdelay $0x3  }
0x92: {  	_ =	strace s17  }
0x93: {  	s2 =	sld [smem:$0x3FFC];
	_ =	sdelay $0x3  }
0x94: {  	_ =	strace s2  }
0x95: {  	s2 =	sld [smem:$0x3FFD];
	_ =	sdelay $0x3  }
0x96: {  	_ =	strace s2  }
0x97: {  	_ =	strace $0x8FFFFFFF  }
0x98: {  	s18 =	sld [smem:$0x3FDB];
	_ =	sdelay $0x1  }
0x99: {  	s19 =	simm.s32 $_scs_section_size  }
0x9a: {  	s4 =	simm.s32 $_size__tile_overlayer_lowered;
	s5 =	simm.s32 $_tile_overlayer_lowered  }
0x9b: {  	s22 =	simm.s32 $0x1BFF;
	s21 =	sshll.u32 s5, $0x1;
	s2 =	sadd.s32 s19, s18  }
0x9c: {  	s6 =	simm.s32 $0x0;
	s20 =	sshll.u32 s4, $0x1;
	s4 =	sadd.s32 s21, s2  }
0x9d: {  	[timem:s6], [sflag:s22] =	dma.local [hbm:s4], s20  }
0x9e: {  	_ =	swait.ge [sflag:s22], s20  }
0x9f: {  	s3 =	ssub.s32 $0x0, s20;
	[sflag:s22] =	ssyncset.done $0x0  }
0xa0: {  	[sflag:s22] =	ssyncadd.s32 s3;
	_ =	sdelay $0x1  }
0xa1: {  	s23 =	simm.s32 $0x1B8B  }
0xa2: {  	_ =	swait.ge [sflag:s23], $0x1  }
0xa3: {  	[sflag:s23] =	ssyncset.done $0x0  }
0xa4: {  	s25 =	simm.s32 $0x1B8E;
	s24 =	sld [smem:$0x3FFE];
	[sflag:s23] =	ssyncadd.s32 $0xFFFFFFFF  }
0xa5: {  	s26 =	simm.s32 $execute0_lowered;
	[smem:$0x3FD2] =	sst s25  }
0xa6: {  	s4 =	sshll.u32 s26, $0x1;
	_ =	strace $0x80000046;
	[dreg:$0x1] =	wrdreg $0xFFFFFFFF  }
0xa7: {  	s28 =	simm.s32 $_size_execute0_lowered;
	s2 =	sadd.s32 s2, s4;
	[dreg:$0x0] =	wrdreg $0x0  }
0xa8: {  	s4 =	sshll.u32 s28, $0x1;
	[dreg:$0x2] =	wrdreg s2  }
0xa9: {  	[dreg:$0x3] =	wrdreg s4  }
0xaa: {  	[dreg:$0x4] =	wrdreg $0xC0  }
0xab: {  	_ =	task [dreg:s6], $0x5FFFF  }
0xac: {  	[dreg:$0x1] =	wrdreg $0xFFFFFFFF  }
0xad: {  	[dreg:$0x0] =	wrdreg $0x60  }
0xae: {  	[dreg:$0x2] =	wrdreg s24  }
0xaf: {  	[dreg:$0x3] =	wrdreg $0x9  }
0xb0: {  	_ =	task.clear_ibuf [dreg:s6], $0x4FFFF;
	_ =	strace $0x90000046  }
0xb1: {  	s29 =	simm.s32 $0x9;
	_ =	strace $0x80000048  }
0xb2: {  	_ =	swait.ge [sflag:s29], $0x1  }
0xb3: {  	[sflag:s29] =	ssyncadd.s32 $0xFFFFFFFF  }
0xb4: {  	_ =	strace $0x90000048  }
0xb5: {  	_ =	sfence  }
0xb6: {  	s30 =	sld [smem:$0x0];
	_ =	sdelay $0x2  }
0xb7: {  	s31 =	sshll.u32 s1, $0xD;
	s1 =	sshrl.u32 s1, $0x2  }
0xb8: {  	s3 =	sand.u32 $0x4000, s31;
	s1 =	sadd.s32 s1, s30  }
0xb9: {  	s0 =	sor.u32 s3, s0;
	s1 =	sshll.u32 s1, $0x11  }
0xba: {  	s0 =	sor.u32 s1, s0  }
0xbb: {  	s0 =	sadd.s32 $0x8F2B, s0  }
0xbc: {  	[sflag:s0] =	ssyncadd.remote.s32 $0x1  }
0xbd: {  	_ =	sfence.sel $0xFFFF  }
0xbe: {  	[dreg:$0x0] =	wrdreg $0xFFFFFFFF;
	(pc) =	sbr.abs _section_cstart, $3  }
0xbf: {  	[dreg:$0x1] =	wrdreg $0xFFFFFFFF  }
0xc0: {  	_ =	task.clear_ibuf [dreg:s6], $0x2FFFF;
	_ =	strace $0x9FFFFFFF  }
0xc1: {  	(tm) =	ssettm $0x7FFFFFFF  }
tec
execute0_lowered:
.L_overlay_start_1:
0x0: {  	(tag) =	ssettag $0x1  }
0x1: {  	s4 =	rddreg [dreg:$0x0]  }
0x2: {  	s0 =	rddreg [dreg:$0x1];
	s2 =	simm.s32 $0x0  }
0x3: {  	s3 =	srdreg.scid;
	s1 =	stileid.u32;
	s13 =	simm.s32 $0x1  }
0x4: {  	s14 =	simm.s32 $0x2;
	s15 =	simm.s32 $0x0;
	s6 =	smul.u32 $0x4E200, s1  }
0x5: {  	[smem:$0x7FF] =	sst s2;
	s5 =	sand.u32 $0x1, s3;
	s8 =	smul.u32 $0x9C40, s1  }
0x6: {  	s3 =	sadd.s32 $0x1FF000, s4;
	s9 =	sadd.s32 $0x8200, s4;
	s11 =	smul.u32 $0x4E20, s5  }
0x7: {  	s12 =	sadd.s32 $0x3E7600, s4;
	s7 =	ssub.s32 $0x2, s5;
	s5 =	smul.u32 $0x27100, s5  }
0x8: {  	_ =	strace $0x80000047;
	s10 =	sshrl.u32 s7, $0x1;
	s6 =	sadd.s32 s6, s12  }
0x9: {  	s26 =	ssub.s32 s7, s10;
	s28 =	sadd.s32 s11, s8;
	s5 =	sadd.s32 s5, s6  }
0xa: {  	s10 =	simm.s32 $0x190;
	s11 =	simm.s32 $0x320;
	s7 =	sadd.s32 $0x190, s28  }
0xb: {  	s4 =	smax.u32 s26, $0x1;
	s29 =	sshrl.u32 s28, $0x3;
	s30 =	sshll.u32 s7, $0x3  }
0xc: {  	s6 =	sadd.s32 s29, s9;
	s31 =	sshrl.u32 s7, $0x3;
	s7 =	sadd.s32 s30, s12  }
0xd: {  	s8 =	sadd.s32 s31, s9;
	s9 =	simm.s32 $0x3;
	s12 =	simm.s32 $0x6720  }
.LBB2_1:
0xe: {  	s16 =	sadd.s32 $0x0, s6  }
0xf: {  	[tilespmem:s2], [sflag:$0x3] =	stream.linear.gather [hbm4b:s16+s2], $0x190, $0x38;
	[tilespmem:$0xCB20] =	vst v63  }
0x10: {  	_ =	swait.ge [sflag:s9], $0x190  }
0x11: {  	[sflag:s9] =	ssyncset.done $0x0  }
0x12: {  	[sflag:s9] =	ssyncadd.s32 $0xFFFFFE70  }
0x13: {  	[tilespmem:s11], [sflag:$0x1] =	stream.indirect.gather [hbm4b:s3+s10], $0x40, s2, s10, $0xb8;
	[tilespmem:$0xCB20] =	vst v63  }
0x14: {  	s31 =	sadd.s32 $0x0, s8  }
0x15: {  	[tilespmem:s10], [sflag:$0x3] =	stream.linear.gather [hbm4b:s31+s2], $0x190, $0x38;
	[tilespmem:$0xCB20] =	vst v63  }
0x16: {  	_ =	swait.ge [sflag:s9], $0x190  }
0x17: {  	[sflag:s9] =	ssyncset.done $0x0  }
0x18: {  	[sflag:s9] =	ssyncadd.s32 $0xFFFFFE70  }
0x19: {  	[tilespmem:s12], [sflag:$0x2] =	stream.indirect.gather [hbm4b:s3+s10], $0x40, s10, s10, $0xb8;
	[tilespmem:$0xCB20] =	vst v63  }
0x1a: {  	_ =	swait.ge [sflag:s13], $0x6400  }
0x1b: {  	[sflag:s13] =	ssyncset.done $0x0  }
0x1c: {  	[sflag:s13] =	ssyncadd.s32 $0xFFFF9C00  }
0x1d: {  	[hbm4b:s5+s2] =	stream.linear.scatter [tilespmem:s11], [sflag:$0x3], $0x6400, $0x38;
	[tilespmem:$0xCB20] =	vst v63  }
0x1e: {  	_ =	swait.ge [sflag:s9], $0x6400  }
0x1f: {  	[sflag:s9] =	ssyncset.done $0x0  }
0x20: {  	[sflag:s9] =	ssyncadd.s32 $0xFFFF9C00  }
0x21: {  	_ =	swait.ge [sflag:s14], $0x6400  }
0x22: {  	[sflag:s14] =	ssyncset.done $0x0  }
0x23: {  	[sflag:s14] =	ssyncadd.s32 $0xFFFF9C00  }
0x24: {  	[hbm4b:s7+s2] =	stream.linear.scatter [tilespmem:s12], [sflag:$0x3], $0x6400, $0x38;
	[tilespmem:$0xCB20] =	vst v63  }
0x25: {  	s18 =	simm.s32 $0x64;
	s19 =	simm.s32 $0xC8;
	_ =	swait.ge [sflag:s9], $0x6400  }
0x26: {  	s17 =	sadd.s32 $0x1900, s5;
	s16 =	sadd.s32 $0x1900, s7;
	[sflag:s9] =	ssyncset.done $0x0  }
.LBB2_2:
0x27: {  	s20 =	sadd.s32 s18, s6  }
0x28: {  	[sflag:s9] =	ssyncadd.s32 $0xFFFF9C00;
	s21 =	smov.u32 s19;
	s22 =	sadd.s32 $0x64, s19  }
0x29: {  	[tilespmem:s2], [sflag:$0x3] =	stream.linear.gather [hbm4b:s20+s2], $0x190, $0x38;
	[tilespmem:$0xCB20] =	vst v63  }
0x2a: {  	p0 =	sne.s32 s19, $0x960;
	_ =	swait.ge [sflag:s9], $0x190  }
0x2b: {  	[sflag:s9] =	ssyncset.done $0x0  }
0x2c: {  	[sflag:s9] =	ssyncadd.s32 $0xFFFFFE70  }
0x2d: {  	[tilespmem:s11], [sflag:$0x1] =	stream.indirect.gather [hbm4b:s3+s10], $0x40, s2, s10, $0xb8;
	[tilespmem:$0xCB20] =	vst v63  }
0x2e: {  	s19 =	sadd.s32 s18, s8;
	s18 =	smov.u32 s21  }
0x2f: {  	[tilespmem:s10], [sflag:$0x3] =	stream.linear.gather [hbm4b:s19+s2], $0x190, $0x38;
	[tilespmem:$0xCB20] =	vst v63  }
0x30: {  	_ =	swait.ge [sflag:s9], $0x190  }
0x31: {  	[sflag:s9] =	ssyncset.done $0x0  }
0x32: {  	[sflag:s9] =	ssyncadd.s32 $0xFFFFFE70  }
0x33: {  	[tilespmem:s12], [sflag:$0x2] =	stream.indirect.gather [hbm4b:s3+s10], $0x40, s10, s10, $0xb8;
	[tilespmem:$0xCB20] =	vst v63  }
0x34: {  	_ =	swait.ge [sflag:s13], $0x6400  }
0x35: {  	[sflag:s13] =	ssyncset.done $0x0  }
0x36: {  	[sflag:s13] =	ssyncadd.s32 $0xFFFF9C00  }
0x37: {  	[hbm4b:s17+s2] =	stream.linear.scatter [tilespmem:s11], [sflag:$0x3], $0x6400, $0x38;
	[tilespmem:$0xCB20] =	vst v63  }
0x38: {  	_ =	swait.ge [sflag:s9], $0x6400  }
0x39: {  	[sflag:s9] =	ssyncset.done $0x0  }
0x3a: {  	[sflag:s9] =	ssyncadd.s32 $0xFFFF9C00  }
0x3b: {  	_ =	swait.ge [sflag:s14], $0x6400  }
.Ltmp0:
0x3c: {  	[sflag:s14] =	ssyncset.done $0x0;
	(pc) =	sbr.rel @p0 .LBB2_2-.Ltmp0, $4  }
0x3d: {  	[sflag:s14] =	ssyncadd.s32 $0xFFFF9C00  }
0x3e: {  	[hbm4b:s16+s2] =	stream.linear.scatter [tilespmem:s12], [sflag:$0x3], $0x6400, $0x38;
	[tilespmem:$0xCB20] =	vst v63  }
0x3f: {  	s19 =	smov.u32 s22;
	_ =	swait.ge [sflag:s9], $0x6400  }
0x40: {  	s17 =	sadd.s32 $0x1900, s17;
	s16 =	sadd.s32 $0x1900, s16;
	[sflag:s9] =	ssyncset.done $0x0  }
0x41: {  	s19 =	sadd.s32 s18, s6;
	[sflag:s9] =	ssyncadd.s32 $0xFFFF9C00  }
0x42: {  	[tilespmem:s2], [sflag:$0x3] =	stream.linear.gather [hbm4b:s19+s2], $0x190, $0x38;
	[tilespmem:$0xCB20] =	vst v63  }
0x43: {  	_ =	swait.ge [sflag:s9], $0x190  }
0x44: {  	[sflag:s9] =	ssyncset.done $0x0  }
0x45: {  	[sflag:s9] =	ssyncadd.s32 $0xFFFFFE70  }
0x46: {  	[tilespmem:s11], [sflag:$0x1] =	stream.indirect.gather [hbm4b:s3+s10], $0x40, s2, s10, $0xb8;
	[tilespmem:$0xCB20] =	vst v63  }
0x47: {  	s31 =	sadd.s32 s18, s8  }
0x48: {  	[tilespmem:s10], [sflag:$0x3] =	stream.linear.gather [hbm4b:s31+s2], $0x190, $0x38;
	[tilespmem:$0xCB20] =	vst v63  }
0x49: {  	_ =	swait.ge [sflag:s9], $0x190  }
0x4a: {  	[sflag:s9] =	ssyncset.done $0x0  }
0x4b: {  	[sflag:s9] =	ssyncadd.s32 $0xFFFFFE70  }
0x4c: {  	[tilespmem:s12], [sflag:$0x2] =	stream.indirect.gather [hbm4b:s3+s10], $0x40, s10, s10, $0xb8;
	[tilespmem:$0xCB20] =	vst v63  }
0x4d: {  	_ =	swait.ge [sflag:s13], $0x6400  }
0x4e: {  	[sflag:s13] =	ssyncset.done $0x0  }
0x4f: {  	[sflag:s13] =	ssyncadd.s32 $0xFFFF9C00  }
0x50: {  	[hbm4b:s17+s2] =	stream.linear.scatter [tilespmem:s11], [sflag:$0x3], $0x6400, $0x38;
	[tilespmem:$0xCB20] =	vst v63  }
0x51: {  	_ =	swait.ge [sflag:s9], $0x6400  }
0x52: {  	[sflag:s9] =	ssyncset.done $0x0  }
0x53: {  	[sflag:s9] =	ssyncadd.s32 $0xFFFF9C00  }
0x54: {  	s15 =	sadd.s32 $0x1, s15;
	_ =	swait.ge [sflag:s14], $0x6400  }
0x55: {  	p0 =	sne.s32 s15, s4;
	[sflag:s14] =	ssyncset.done $0x0  }
.Ltmp1:
0x56: {  	[sflag:s14] =	ssyncadd.s32 $0xFFFF9C00;
	(pc) =	sbr.rel @p0 .LBB2_1-.Ltmp1, $4  }
0x57: {  	[hbm4b:s16+s2] =	stream.linear.scatter [tilespmem:s12], [sflag:$0x3], $0x6400, $0x38;
	[tilespmem:$0xCB20] =	vst v63  }
0x58: {  	_ =	swait.ge [sflag:s9], $0x6400  }
0x59: {  	[sflag:s9] =	ssyncset.done $0x0  }
0x5a: {  	[sflag:s9] =	ssyncadd.s32 $0xFFFF9C00  }
0x5b: {  	_ =	sfence.sel $0x180000  }
0x5c: {  	[bflag:$0x0] =	sbarrier.arrive $0xFFFF  }
0x5d: {  	p0 =	sne.s32 s1, $0x0;
	_ =	strace $0x90000047  }
0x5e: {  	s0 =	sadd.s32 @!p0 $0x100000, s0;
	[bflag:$0x2] =	sbarrier.arrive $0xFFFF  }
0x5f: {  	[sflag:s0] =	ssyncadd.tile.s32 @!p0 $0x1;
	_ =	shalt  }
.Lfunc_end2:
_tile_overlayer_lowered:
.L_overlay_start_2:
0x60: {  	(tag) =	ssettag $0x2  }
0x61: {  	s0 =	rddreg [dreg:$0x0];
	s2 =	stileid.u32  }
0x62: {  	s1 =	rddreg [dreg:$0x1];
	p0 =	sne.s32 s2, $0x0  }
0x63: {  	s3 =	rddreg [dreg:$0x2];
	[bflag:$0x3] =	sbarrier.arrive $0xFFFF;
	s2 =	simm.s32 @!p0 $0x1C03  }
0x64: {  	[timem:s3], [sflag:s2] =	dma.local @!p0 [hbm:s0], s1  }
0x65: {  	s0 =	simm.s32 @!p0 $0x3  }
0x66: {  	_ =	swait.ge @!p0 [sflag:s0], s1  }
0x67: {  	s1 =	ssub.s32 @!p0 $0x0, s1;
	[sflag:s0] =	ssyncset.done @!p0 $0x0  }
0x68: {  	[sflag:s0] =	ssyncadd.s32 @!p0 s1  }
0x69: {  	[bflag:$0x3] =	sbarrier.arrive $0xFFFF  }
0x6a: {  	_ =	shalt  }

// kernel: kernel.16.cloned.1.call-start
scs
__scs_entry_jumppad:
0x0: {  	(pc) =	sbr.rel $0x88, $3  }
0x1: {  	(tag) =	ssettag $0x0;
	lr =	simm.s32 $0x1  }
0x2: {  	[smem:$0x3F96] =	sst lr;
	_ =	strace $0xD0000000  }
0x3: {  	_ = 	snop  }
0x4: {  	_ = 	snop  }
0x5: {  	_ = 	snop  }
0x6: {  	_ = 	snop  }
0x7: {  	_ = 	snop  }
__scs_overlays_trampoline_lowered:
0x8: {  	[smem:$0x3FA5] =	sst s0  }
0x9: {  	[smem:$0x3FA6] =	sst s1  }
0xa: {  	[smem:$0x3FA7] =	sst s2  }
0xb: {  	[smem:$0x3FA8] =	sst s3  }
0xc: {  	[smem:$0x3FA9] =	sst s4  }
0xd: {  	[smem:$0x3FAA] =	sst s5  }
0xe: {  	[smem:$0x3FAB] =	sst s6  }
0xf: {  	[smem:$0x3FAC] =	sst s7  }
0x10: {  	[smem:$0x3FAD] =	sst s8  }
0x11: {  	[smem:$0x3FAE] =	sst s9;
	s0 =	simm.s32 @!p0 $0x0  }
0x12: {  	s1 =	sld [smem:$0x3F94];
	s0 =	simm.s32 @p0 $0x1  }
0x13: {  	[smem:$0x3FAF] =	sst s0;
	s0 =	simm.s32 @!p1 $0x0  }
0x14: {  	s2 =	sld [smem:$0x3F93];
	s0 =	simm.s32 @p1 $0x1  }
0x15: {  	[smem:$0x3FB0] =	sst s0;
	s0 =	simm.s32 @!p2 $0x0  }
0x16: {  	s3 =	sld [smem:$0x3FDB];
	s0 =	simm.s32 @p2 $0x1  }
0x17: {  	s4 =	simm.s32 $0x1BF5;
	[smem:$0x3FB2] =	sst s0  }
0x18: {  	s0 =	sld [smem:$0x3F95];
	_ =	swait.ge [sflag:s4], $0x0  }
0x19: {  	s7 =	sld [smem:$0x3F96]  }
0x1a: {  	s8 =	sadd.s32 $0xFFFFE003, lr  }
0x1b: {  	s9 =	sadd.s32 $0xFFFFFEF7, lr;
	s5 =	simm.s32 $0xFFFFFFFF;
	p2 =	slt.u32 s8, $0xFFFFF086  }
0x1c: {  	p1 =	slt.u32 s9, $0xF7A;
	s5 =	simm.s32 @!p2 $0x0  }
0x1d: {  	s5 =	simm.s32 @p1 $0x1;
	p0 =	seq.s32 s7, s2  }
0x1e: {  	s7 =	smul.u32 @!p0 $0xF7A, s2;
	p2 =	seq.s32 @!p0 s5, $0x0  }
0x1f: {  	s9 =	smul.u32 $0xF7A, s1;
	s8 =	simm.s32 @!p0 $0x1BF5;
	p2 =	por !p2, p0  }
0x20: {  	[sflag:s8] =	ssyncset.s32 @!p0 $0xFFFFF086;
	s6 =	sadd.s32 @!p0 s3, s7;
	s7 =	simm.s32 @!p0 $0x108  }
0x21: {  	s3 =	sadd.s32 s3, s9;
	s6 =	sadd.s32 @!p0 $0x88, s6;
	s7 =	simm.s32 @p2 $0x1082  }
0x22: {  	[simem:s7], [sflag:s8] =	dma.local @!p0 [hbm:s6], $0xF7A  }
0x23: {  	s9 =	sor.u32 $0xD0000000, s2;
	s6 =	simm.s32 $0x108;
	_ =	swait.ge @!p0 [sflag:s8], $0x0  }
0x24: {  	s3 =	sadd.s32 $0x88, s3;
	s6 =	simm.s32 @!p1 $0x1082;
	[sflag:s4] =	ssyncset.s32 $0xFFFFF086  }
0x25: {  	[simem:s6], [sflag:s4] =	dma.local [hbm:s3], $0xF7A  }
0x26: {  	[smem:$0x3F96] =	sst s1;
	(tag) =	ssettag s2;
	_ =	strace s9  }
0x27: {  	s1 =	sld [smem:$0x3FA6]  }
0x28: {  	s2 =	sld [smem:$0x3FA7]  }
0x29: {  	s4 =	sld [smem:$0x3FA9]  }
0x2a: {  	p0 =	seq.s32 s5, $0x0;
	s5 =	sld [smem:$0x3FAA]  }
0x2b: {  	s6 =	sld [smem:$0x3FAB]  }
0x2c: {  	s7 =	sld [smem:$0x3FAC]  }
0x2d: {  	s3 =	simm.s32 $0x108;
	s8 =	sld [smem:$0x3FAD]  }
0x2e: {  	s3 =	simm.s32 @!p0 $0x1082;
	s9 =	sld [smem:$0x3FAE]  }
0x2f: {  	lr =	sadd.s32 s0, s3;
	s0 =	sld [smem:$0x3FA5]  }
0x30: {  	s3 =	sld [smem:$0x3FA8]  }
0x31: {  	[smem:$0x3FB1] =	sst s10  }
0x32: {  	s10 =	sld [smem:$0x3FAF];
	_ =	sdelay $0x3  }
0x33: {  	p0 =	seq.s32 s10, $0x1;
	s10 =	sld [smem:$0x3FB1];
	_ =	sdelay $0x3  }
0x34: {  	[smem:$0x3FB1] =	sst s10  }
0x35: {  	s10 =	sld [smem:$0x3FB0];
	_ =	sdelay $0x3  }
0x36: {  	p1 =	seq.s32 s10, $0x1;
	s10 =	sld [smem:$0x3FB1];
	_ =	sdelay $0x3  }
0x37: {  	[smem:$0x3FB1] =	sst s10  }
0x38: {  	s10 =	sld [smem:$0x3FB2]  }
0x39: {  	_ = 	snop;
	(pc) =	sbr.ind lr, $3  }
0x3a: {  	_ = 	snop  }
0x3b: {  	_ = 	snop  }
0x3c: {  	p2 =	seq.s32 s10, $0x1;
	s10 =	sld [smem:$0x3FB1]  }
0x3d: {  	_ =	shalt  }
0x3e: {  	_ =	shalt  }
0x3f: {  	_ =	shalt  }
0x40: {  	_ =	shalt  }
0x41: {  	_ =	shalt  }
0x42: {  	_ =	shalt  }
0x43: {  	_ =	shalt  }
0x44: {  	_ =	shalt  }
0x45: {  	_ =	shalt  }
0x46: {  	_ =	shalt  }
0x47: {  	_ =	shalt  }
0x48: {  	_ =	shalt  }
0x49: {  	_ =	shalt  }
0x4a: {  	_ =	shalt  }
0x4b: {  	_ =	shalt  }
0x4c: {  	_ =	shalt  }
0x4d: {  	_ =	shalt  }
0x4e: {  	_ =	shalt  }
0x4f: {  	_ =	shalt  }
0x50: {  	_ =	shalt  }
0x51: {  	_ =	shalt  }
0x52: {  	_ =	shalt  }
0x53: {  	_ =	shalt  }
0x54: {  	_ =	shalt  }
0x55: {  	_ =	shalt  }
0x56: {  	_ =	shalt  }
0x57: {  	_ =	shalt  }
0x58: {  	_ =	shalt  }
0x59: {  	_ =	shalt  }
0x5a: {  	_ =	shalt  }
0x5b: {  	_ =	shalt  }
0x5c: {  	_ =	shalt  }
0x5d: {  	_ =	shalt  }
0x5e: {  	_ =	shalt  }
0x5f: {  	_ =	shalt  }
0x60: {  	_ =	shalt  }
0x61: {  	_ =	shalt  }
0x62: {  	_ =	shalt  }
0x63: {  	_ =	shalt  }
0x64: {  	_ =	shalt  }
0x65: {  	_ =	shalt  }
0x66: {  	_ =	shalt  }
0x67: {  	_ =	shalt  }
0x68: {  	_ =	shalt  }
0x69: {  	_ =	shalt  }
0x6a: {  	_ =	shalt  }
0x6b: {  	_ =	shalt  }
0x6c: {  	_ =	shalt  }
0x6d: {  	_ =	shalt  }
0x6e: {  	_ =	shalt  }
0x6f: {  	_ =	shalt  }
0x70: {  	_ =	shalt  }
0x71: {  	_ =	shalt  }
0x72: {  	_ =	shalt  }
0x73: {  	_ =	shalt  }
0x74: {  	_ =	shalt  }
0x75: {  	_ =	shalt  }
0x76: {  	_ =	shalt  }
0x77: {  	_ =	shalt  }
0x78: {  	_ =	shalt  }
0x79: {  	_ =	shalt  }
0x7a: {  	_ =	shalt  }
0x7b: {  	_ =	shalt  }
0x7c: {  	_ =	shalt  }
0x7d: {  	_ =	shalt  }
0x7e: {  	_ =	shalt  }
0x7f: {  	_ =	shalt  }
0x80: {  	_ =	shalt  }
0x81: {  	_ =	shalt  }
0x82: {  	_ =	shalt  }
0x83: {  	_ =	shalt  }
0x84: {  	_ =	shalt  }
0x85: {  	_ =	shalt  }
0x86: {  	_ =	shalt  }
0x87: {  	_ =	shalt  }
.Lfunc_end0:
.L_simem_size_0:
called_computation.1_lowered:
.L_overlay_start_0:
0x88: {  	s2 =	sld [smem:$0x3FD9]  }
0x89: {  	s3 =	sld [smem:$0x3FFE];
	_ =	sdelay $0x1  }
0x8a: {  	s1 =	srdreg.scid  }
0x8b: {  	s0 =	sand.u32 $0x1, s1  }
0x8c: {  	s16 =	sshll.u32 s0, $0xA;
	s2 =	sadd.s32 s3, s2  }
0x8d: {  	s2 =	sadd.s32 s2, s16  }
0x8e: {  	[smem:$0x3FBD] =	sst s2  }
0x8f: {  	_ = 	snop  }
0x90: {  	(tm) =	ssettm $0x1  }
0x91: {  	s17 =	sld [smem:$0x3FFB];
	_ =	sdelay $0x3  }
0x92: {  	_ =	strace s17  }
0x93: {  	s2 =	sld [smem:$0x3FFC];
	_ =	sdelay $0x3  }
0x94: {  	_ =	strace s2  }
0x95: {  	s2 =	sld [smem:$0x3FFD];
	_ =	sdelay $0x3  }
0x96: {  	_ =	strace s2  }
0x97: {  	_ =	strace $0x8FFFFFFF  }
0x98: {  	s18 =	sld [smem:$0x3FDB];
	_ =	sdelay $0x1  }
0x99: {  	s19 =	simm.s32 $_scs_section_size  }
0x9a: {  	s4 =	simm.s32 $_size__tile_overlayer_lowered;
	s5 =	simm.s32 $_tile_overlayer_lowered  }
0x9b: {  	s22 =	simm.s32 $0x1BFF;
	s21 =	sshll.u32 s5, $0x1;
	s2 =	sadd.s32 s19, s18  }
0x9c: {  	s6 =	simm.s32 $0x0;
	s20 =	sshll.u32 s4, $0x1;
	s4 =	sadd.s32 s21, s2  }
0x9d: {  	[timem:s6], [sflag:s22] =	dma.local [hbm:s4], s20  }
0x9e: {  	_ =	swait.ge [sflag:s22], s20  }
0x9f: {  	s3 =	ssub.s32 $0x0, s20;
	[sflag:s22] =	ssyncset.done $0x0  }
0xa0: {  	[sflag:s22] =	ssyncadd.s32 s3;
	_ =	sdelay $0x1  }
0xa1: {  	s23 =	simm.s32 $0x1B8B  }
0xa2: {  	_ =	swait.ge [sflag:s23], $0x1  }
0xa3: {  	[sflag:s23] =	ssyncset.done $0x0  }
0xa4: {  	s25 =	simm.s32 $0x1B8E;
	s24 =	sld [smem:$0x3FFE];
	[sflag:s23] =	ssyncadd.s32 $0xFFFFFFFF  }
0xa5: {  	s26 =	simm.s32 $execute0_lowered;
	[smem:$0x3FD2] =	sst s25  }
0xa6: {  	s4 =	sshll.u32 s26, $0x1;
	_ =	strace $0x80000049;
	[dreg:$0x1] =	wrdreg $0xFFFFFFFF  }
0xa7: {  	s28 =	simm.s32 $_size_execute0_lowered;
	s2 =	sadd.s32 s2, s4;
	[dreg:$0x0] =	wrdreg $0x0  }
0xa8: {  	s4 =	sshll.u32 s28, $0x1;
	[dreg:$0x2] =	wrdreg s2  }
0xa9: {  	[dreg:$0x3] =	wrdreg s4  }
0xaa: {  	[dreg:$0x4] =	wrdreg $0xC0  }
0xab: {  	_ =	task [dreg:s6], $0x5FFFF  }
0xac: {  	[dreg:$0x1] =	wrdreg $0xFFFFFFFF  }
0xad: {  	[dreg:$0x0] =	wrdreg $0x60  }
0xae: {  	[dreg:$0x2] =	wrdreg s24  }
0xaf: {  	[dreg:$0x3] =	wrdreg $0x9  }
0xb0: {  	_ =	task.clear_ibuf [dreg:s6], $0x4FFFF;
	_ =	strace $0x90000049  }
0xb1: {  	s29 =	simm.s32 $0x9;
	_ =	strace $0x8000004B  }
0xb2: {  	_ =	swait.ge [sflag:s29], $0x1  }
0xb3: {  	[sflag:s29] =	ssyncadd.s32 $0xFFFFFFFF  }
0xb4: {  	_ =	strace $0x9000004B  }
0xb5: {  	_ =	sfence  }
0xb6: {  	s30 =	sld [smem:$0x0];
	_ =	sdelay $0x2  }
0xb7: {  	s31 =	sshll.u32 s1, $0xD;
	s1 =	sshrl.u32 s1, $0x2  }
0xb8: {  	s3 =	sand.u32 $0x4000, s31;
	s1 =	sadd.s32 s1, s30  }
0xb9: {  	s0 =	sor.u32 s3, s0;
	s1 =	sshll.u32 s1, $0x11  }
0xba: {  	s0 =	sor.u32 s1, s0  }
0xbb: {  	s0 =	sadd.s32 $0x8F2B, s0  }
0xbc: {  	[sflag:s0] =	ssyncadd.remote.s32 $0x1  }
0xbd: {  	_ =	sfence.sel $0xFFFF  }
0xbe: {  	[dreg:$0x0] =	wrdreg $0xFFFFFFFF;
	(pc) =	sbr.abs _section_cstart, $3  }
0xbf: {  	[dreg:$0x1] =	wrdreg $0xFFFFFFFF  }
0xc0: {  	_ =	task.clear_ibuf [dreg:s6], $0x2FFFF;
	_ =	strace $0x9FFFFFFF  }
0xc1: {  	(tm) =	ssettm $0x7FFFFFFF  }
tec
execute0_lowered:
.L_overlay_start_1:
0x0: {  	(tag) =	ssettag $0x1  }
0x1: {  	s0 =	rddreg [dreg:$0x0];
	s1 =	srdreg.scid  }
0x2: {  	s2 =	stileid.u32;
	s11 =	simm.s32 $0x0;
	s13 =	simm.s32 $0x10  }
0x3: {  	s14 =	simm.s32 $0x40;
	s16 =	simm.s32 $0x1;
	s17 =	simm.s32 $0x3  }
0x4: {  	s18 =	simm.s32 $0x13BB0;
	s19 =	simm.s32 $0x170D0;
	s20 =	simm.s32 $0x2  }
0x5: {  	s21 =	simm.s32 $0x4;
	s23 =	simm.s32 $0x0;
	s24 =	simm.s32 $0x0  }
0x6: {  	s1 =	sand.u32 $0x1, s1;
	s3 =	sshll.u32 s2, $0x1;
	[smem:$0x7FF] =	sst s11  }
0x7: {  	s4 =	sadd.s32 $0x3200, s0;
	s26 =	sshll.u32 s2, $0x2;
	s10 =	sshll.u32 s2, $0x1E  }
0x8: {  	s5 =	sor.u32 s1, s3;
	_ =	strace $0x8000004A;
	s3 =	sadd.s32 $0x28CC00, s0  }
0x9: {  	s1 =	ssub.s32 $0x2, s1;
	s6 =	smul.u32 $0x2710, s5;
	s25 =	sand.u32 $0x3, s5  }
0xa: {  	s10 =	sshra.s32 s10, $0x1F;
	s7 =	sshrl.u32 s1, $0x1;
	s8 =	smul.u32 $0x271000, s25  }
0xb: {  	s5 =	sand.u32 $0x30, s26;
	s9 =	smul.u32 $0x9C40, s25;
	s1 =	ssub.s32 s1, s7  }
0xc: {  	s0 =	sadd.s32 s6, s0;
	s6 =	smul.u32 $0x1388, s25;
	s31 =	smax.u32 s1, $0x1  }
0xd: {  	s8 =	sor.u32 s5, s8;
	s0 =	sadd.s32 $0x1BC00, s0;
	[dreg:$0x5] =	wrdreg s31  }
0xe: {  	s28 =	sshrl.u32 s8, $0x3;
	s29 =	sadd.s32 s4, s6;
	[dreg:$0x4] =	wrdreg s0  }
0xf: {  	s12 =	sand.u32 $0x1388, s10;
	[dreg:$0x2] =	wrdreg s29;
	s30 =	sadd.s32 s3, s28  }
0x10: {  	v1 =	vimm.f32 $-Inf;
	v0 =	vmov s12;
	s8 =	sadd.s32 $0x320, s9;
	s9 =	sadd.s32 $0x640, s9;
	[dreg:$0x3] =	wrdreg s30  }
.LBB2_1:
0x11: {  	s0 =	rddreg [dreg:$0x2]  }
0x12: {  	s1 =	simm.s32 $0x13890;
	s30 =	rddreg [dreg:$0x3]  }
0x13: {  	[tilespmem:s1], [sflag:$0x1] =	stream.linear.gather [hbm4b:s0+s11], $0x320, $0x38;
	[tilespmem:$0x1A2D0] =	vst v63  }
0x14: {  	s31 =	simm.s32 $0x13ED0;
	s0 =	simm.s32 $0x40;
	s1 =	simm.s32 $0x0  }
0x15: {  	[tilespmem:s31], [sflag:$0x3] =	stream.strided.gather [hbm4b:s30+s13], $0x3200, s14, s13, $0x38;
	[tilespmem:$0x1A2D0] =	vst v63  }
.LBB2_2:
0x16: {  	p0 =	sne.s32 s0, $0x4E1C0;
	[tilespmem:s1+$0x0] =	vst v1;
	s1 =	smov.u32 s0;
	s0 =	sadd.s32 $0x40, s0  }
.Ltmp0:
0x17: {  	(pc) =	sbr.rel @p0 .LBB2_2-.Ltmp0, $2  }
0x18: {  	_ =	sdelay $0x2  }
0x19: {  	s1 =	sshra.s32 s1, $0x2  }
0x1a: {  	[tilespmem:s1+$0x0] =	vst v1;
	s25 =	simm.s32 $0x0  }
.LBB2_4:
0x1b: {  	_ =	swait.ge [sflag:s16], $0x320;
	s26 =	smul.u32 $0x640, s25  }
0x1c: {  	[sflag:s16] =	ssyncset.done $0x0  }
0x1d: {  	[sflag:s16] =	ssyncadd.s32 $0xFFFFFCE0;
	s0 =	sadd.s32 s26, s8  }
0x1e: {  	_ =	swait.ge [sflag:s17], $0x3200;
	s1 =	sshrl.u32 s0, $0x3;
	s0 =	sshll.u32 s0, $0x6  }
0x1f: {  	[sflag:s17] =	ssyncset.done $0x0;
	s0 =	sor.u32 s5, s0  }
0x20: {  	s1 =	sadd.s32 s4, s1;
	[sflag:s17] =	ssyncadd.s32 $0xFFFFCE00;
	s0 =	sshrl.u32 s0, $0x3  }
0x21: {  	[tilespmem:s18], [sflag:$0x2] =	stream.linear.gather [hbm4b:s1+s24], $0x320, $0x38;
	[tilespmem:$0x1A2D0] =	vst v63  }
0x22: {  	s7 =	simm.s32 $0x0;
	s0 =	sadd.s32 s3, s0  }
0x23: {  	[tilespmem:s19], [sflag:$0x4] =	stream.strided.gather [hbm4b:s0+s13], $0x3200, s14, s13, $0x38;
	[tilespmem:$0x1A2D0] =	vst v63  }
0x24: {  	v2 =	vld [tilespmem:s7+$0x13890];
	_ =	sdelay $0x4  }
0x25: {  	v2 =	vsub.s32 v2, v0  }
0x26: {  	v2 =	vmin.u32 v2, $0x1388  }
0x27: {  	(v2sf) =	vpush v2, $0x3  }
0x28: {  	(v2sf) =	vpush v2, $0x2  }
0x29: {  	(v2sf) =	vpush v2, $0x0  }
0x2a: {  	(v2sf) =	vpush v2, $0x1;
	_ =	sdelay $0x7  }
0x2b: {  	(v2sf) =	vpush v2, $0x8  }
0x2c: {  	(v2sf) =	vpush v2, $0x4  }
0x2d: {  	(v2sf) =	vpush v2, $0x5  }
0x2e: {  	s28 =	simm.s32 $0x13F50;
	(v2sf) =	vpush v2, $0x9  }
0x2f: {  	v3 =	vld [tilespmem:s28+$0xFFFFFF90];
	(v2sf) =	vpush v2, $0xA;
	s0 =	spop (v2sf)  }
0x30: {  	v4 =	vld [tilespmem:s28+$0xFFFFFF80];
	(v2sf) =	vpush v2, $0xC;
	s1 =	spop (v2sf)  }
0x31: {  	(v2sf) =	vpush v2, $0xD;
	s12 =	spop (v2sf)  }
0x32: {  	v5 =	vld [tilespmem:s28+$0xFFFFFFA0];
	(v2sf) =	vpush v2, $0xE;
	s15 =	spop (v2sf)  }
0x33: {  	p0 =	seq.s32 s0, s12;
	p1 =	seq.s32 s1, s12;
	(v2sf) =	vpush v2, $0x7;
	p3 =	seq.s32 s15, s12  }
0x34: {  	v6 =	vld [tilespmem:s28+$0xFFFFFFB0];
	s0 =	simm.s32 @p0 $0x1388;
	s1 =	simm.s32 @p1 $0x1388;
	(v2sf) =	vpush v2, $0x6;
	s15 =	simm.s32 @p3 $0x1388  }
0x35: {  	v7 =	vmax.f32 v4, v3;
	s12 =	sshll.u32 s12, $0x4;
	p4 =	seq.s32 s1, s15;
	p2 =	seq.s32 s0, s15  }
0x36: {  	v4 =	vpsel p3, v7, v4;
	v7 =	vld [tilespmem:s12+$0x0];
	s29 =	sshll.u32 s15, $0x4;
	s1 =	simm.s32 @p4 $0x1388;
	s0 =	simm.s32 @p2 $0x1388  }
0x37: {  	v8 =	vmax.f32 v4, v5;
	v9 =	vld [tilespmem:s29+$0x0];
	p3 =	seq.s32 s0, s1;
	s1 =	sshll.u32 s1, $0x4;
	s0 =	sshll.u32 s0, $0x4  }
0x38: {  	v10 =	vmax.f32 v3, v5;
	v4 =	vpsel p1, v8, v4;
	v8 =	vld [tilespmem:s1+$0x0];
	s0 =	simm.s32 @p3 $0x13880  }
0x39: {  	v3 =	vpsel p4, v10, v3;
	v10 =	vmax.f32 v4, v6;
	v11 =	vld [tilespmem:s0+$0x0]  }
0x3a: {  	s10 =	spop (v2sf);
	v12 =	vmax.f32 v3, v6;
	v4 =	vpsel p0, v10, v4  }
0x3b: {  	s31 =	spop (v2sf);
	v3 =	vpsel p2, v12, v3;
	v10 =	vmax.f32 v5, v6;
	v4 =	vmax.f32 v7, v4  }
0x3c: {  	s2 =	spop (v2sf);
	v5 =	vpsel p3, v10, v5;
	[tilespmem:s12+$0x0] =	vst v4;
	v3 =	vmax.f32 v9, v3  }
0x3d: {  	s30 =	spop (v2sf);
	[tilespmem:s29+$0x0] =	vst v3;
	v4 =	vmax.f32 v8, v5  }
0x3e: {  	s29 =	spop (v2sf);
	[tilespmem:s1+$0x0] =	vst v4;
	v3 =	vmax.f32 v11, v6  }
0x3f: {  	s11 =	spop (v2sf);
	[tilespmem:s0+$0x0] =	vst v3  }
0x40: {  	s1 =	spop (v2sf);
	v3 =	vld [tilespmem:s28+$0xFFFFFFD0]  }
0x41: {  	s0 =	spop (v2sf);
	v4 =	vld [tilespmem:s28+$0xFFFFFFC0]  }
0x42: {  	s6 =	spop (v2sf)  }
0x43: {  	v5 =	vld [tilespmem:s28+$0xFFFFFFE0];
	s7 =	spop (v2sf)  }
0x44: {  	p4 =	seq.s32 s2, s31;
	p0 =	seq.s32 s6, s31;
	p2 =	seq.s32 s7, s31  }
0x45: {  	s2 =	simm.s32 @p4 $0x1388;
	(v2sf) =	vpush v2, $0xB;
	v6 =	vld [tilespmem:s28+$0xFFFFFFF0];
	s6 =	simm.s32 @p0 $0x1388;
	s7 =	simm.s32 @p2 $0x1388  }
0x46: {  	s31 =	sshll.u32 s31, $0x4;
	p1 =	seq.s32 s6, s2;
	v7 =	vmax.f32 v4, v3;
	p3 =	seq.s32 s7, s2  }
0x47: {  	s6 =	simm.s32 @p1 $0x1388;
	s2 =	sshll.u32 s2, $0x4;
	v4 =	vpsel p4, v7, v4;
	s7 =	simm.s32 @p3 $0x1388;
	v7 =	vld [tilespmem:s31+$0x0]  }
0x48: {  	v9 =	vld [tilespmem:s2+$0x0];
	v8 =	vmax.f32 v4, v5;
	p4 =	seq.s32 s6, s7;
	s7 =	sshll.u32 s7, $0x4;
	s6 =	sshll.u32 s6, $0x4  }
0x49: {  	v10 =	vmax.f32 v3, v5;
	v4 =	vpsel p2, v8, v4;
	v8 =	vld [tilespmem:s7+$0x0];
	s6 =	simm.s32 @p4 $0x13880  }
0x4a: {  	v3 =	vpsel p3, v10, v3;
	v10 =	vmax.f32 v4, v6;
	v11 =	vld [tilespmem:s6+$0x0]  }
0x4b: {  	v63 =	vmax.f32 v3, v6;
	v4 =	vpsel p0, v10, v4  }
0x4c: {  	v3 =	vpsel p1, v63, v3;
	v10 =	vmax.f32 v5, v6;
	v4 =	vmax.f32 v7, v4  }
0x4d: {  	v5 =	vpsel p4, v10, v5;
	v3 =	vmax.f32 v9, v3;
	[tilespmem:s31+$0x0] =	vst v4  }
0x4e: {  	v4 =	vmax.f32 v8, v5;
	[tilespmem:s2+$0x0] =	vst v3  }
0x4f: {  	v3 =	vmax.f32 v11, v6;
	[tilespmem:s7+$0x0] =	vst v4  }
0x50: {  	[tilespmem:s6+$0x0] =	vst v3  }
0x51: {  	v3 =	vld [tilespmem:s28+$0x0]  }
0x52: {  	v4 =	vld [tilespmem:s28+$0x10]  }
0x53: {  	(v2sf) =	vpush v2, $0xF  }
0x54: {  	s2 =	spop (v2sf);
	v2 =	vld [tilespmem:s28+$0x20]  }
0x55: {  	p2 =	seq.s32 s29, s10;
	p4 =	seq.s32 s30, s10;
	p0 =	seq.s32 s2, s10  }
0x56: {  	s29 =	simm.s32 @p2 $0x1388;
	s30 =	simm.s32 @p4 $0x1388;
	s2 =	simm.s32 @p0 $0x1388;
	v5 =	vld [tilespmem:s28+$0x30]  }
0x57: {  	s22 =	sshll.u32 s10, $0x4;
	p3 =	seq.s32 s29, s30;
	p1 =	seq.s32 s2, s30;
	v6 =	vmax.f32 v3, v4  }
0x58: {  	s29 =	simm.s32 @p3 $0x1388;
	s30 =	sshll.u32 s30, $0x4;
	s2 =	simm.s32 @p1 $0x1388;
	v3 =	vpsel p4, v6, v3;
	v6 =	vld [tilespmem:s22+$0x0]  }
0x59: {  	s31 =	sshll.u32 s29, $0x4;
	v8 =	vld [tilespmem:s30+$0x0];
	p4 =	seq.s32 s2, s29;
	s2 =	sshll.u32 s2, $0x4;
	v7 =	vmax.f32 v3, v2  }
0x5a: {  	v9 =	vmax.f32 v4, v2;
	s2 =	simm.s32 @p4 $0x13880;
	v3 =	vpsel p2, v7, v3;
	v7 =	vld [tilespmem:s31+$0x0]  }
0x5b: {  	v4 =	vpsel p3, v9, v4;
	v10 =	vld [tilespmem:s2+$0x0];
	v9 =	vmax.f32 v3, v5  }
0x5c: {  	v11 =	vmax.f32 v4, v5;
	v3 =	vpsel p0, v9, v3  }
0x5d: {  	v4 =	vpsel p1, v11, v4;
	v9 =	vmax.f32 v2, v5;
	v3 =	vmax.f32 v6, v3  }
0x5e: {  	v4 =	vmax.f32 v8, v4;
	v2 =	vpsel p4, v9, v2;
	[tilespmem:s22+$0x0] =	vst v3  }
0x5f: {  	v2 =	vmax.f32 v7, v2;
	[tilespmem:s30+$0x0] =	vst v4  }
0x60: {  	v3 =	vmax.f32 v10, v5;
	[tilespmem:s31+$0x0] =	vst v2  }
0x61: {  	[tilespmem:s2+$0x0] =	vst v3  }
0x62: {  	p1 =	seq.s32 s0, s11;
	p0 =	seq.s32 s1, s11;
	s2 =	spop (v2sf);
	v8 =	vld [tilespmem:s28+$0x40]  }
0x63: {  	s0 =	simm.s32 @p1 $0x1388;
	s1 =	simm.s32 @p0 $0x1388;
	v4 =	vld [tilespmem:s28+$0x50];
	p3 =	seq.s32 s2, s11  }
0x64: {  	p5 =	seq.s32 s0, s1;
	v3 =	vld [tilespmem:s28+$0x60];
	s2 =	simm.s32 @p3 $0x1388  }
0x65: {  	s12 =	sshll.u32 s11, $0x4;
	s0 =	simm.s32 @p5 $0x1388;
	v2 =	vld [tilespmem:s28+$0x70];
	p4 =	seq.s32 s2, s1  }
0x66: {  	s15 =	sshll.u32 s0, $0x4;
	v5 =	vld [tilespmem:s12+$0x0];
	s2 =	simm.s32 @p4 $0x1388  }
0x67: {  	v7 =	vld [tilespmem:s15+$0x0];
	s1 =	sshll.u32 s1, $0x4;
	p6 =	seq.s32 s2, s0;
	s0 =	sshll.u32 s2, $0x4  }
0x68: {  	v6 =	vld [tilespmem:s1+$0x0];
	v9 =	vmax.f32 v8, v4;
	s0 =	simm.s32 @p6 $0x13880  }
0x69: {  	s29 =	simm.s32 $0x40;
	v10 =	vmax.f32 v4, v3;
	v9 =	vpsel p0, v9, v8;
	v8 =	vld [tilespmem:s0+$0x0]  }
.LBB2_5:
0x6a: {  	v11 =	vmax.f32 v9, v3  }
0x6b: {  	v9 =	vpsel p1, v11, v9  }
0x6c: {  	v4 =	vpsel p5, v10, v4;
	v10 =	vmax.f32 v9, v2  }
0x6d: {  	v11 =	vmax.f32 v4, v2;
	v9 =	vpsel p3, v10, v9  }
0x6e: {  	v4 =	vpsel p4, v11, v4;
	v10 =	vmax.f32 v3, v2;
	v5 =	vmax.f32 v5, v9  }
0x6f: {  	v3 =	vpsel p6, v10, v3;
	v4 =	vmax.f32 v6, v4;
	[tilespmem:s12+$0x0] =	vst v5  }
0x70: {  	v3 =	vmax.f32 v7, v3;
	[tilespmem:s1+$0x0] =	vst v4  }
0x71: {  	s7 =	smov.u32 s29;
	v2 =	vmax.f32 v8, v2;
	[tilespmem:s15+$0x0] =	vst v3  }
0x72: {  	s10 =	sshra.s32 s7, $0x2;
	[tilespmem:s0+$0x0] =	vst v2  }
0x73: {  	v2 =	vld [tilespmem:s10+$0x13890];
	_ =	sdelay $0x4  }
0x74: {  	v2 =	vsub.s32 v2, v0  }
0x75: {  	v2 =	vmin.u32 v2, $0x1388  }
0x76: {  	(v2sf) =	vpush v2, $0x3  }
0x77: {  	(v2sf) =	vpush v2, $0x2  }
0x78: {  	(v2sf) =	vpush v2, $0x0  }
0x79: {  	(v2sf) =	vpush v2, $0x1;
	_ =	sdelay $0x1  }
0x7a: {  	(v2sf) =	vpush v2, $0x8  }
0x7b: {  	(v2sf) =	vpush v2, $0x4  }
0x7c: {  	(v2sf) =	vpush v2, $0x5  }
0x7d: {  	(v2sf) =	vpush v2, $0x9;
	_ =	sdelay $0x1  }
0x7e: {  	(v2sf) =	vpush v2, $0xA  }
0x7f: {  	(v2sf) =	vpush v2, $0xC  }
0x80: {  	(v2sf) =	vpush v2, $0xD  }
0x81: {  	p0 =	sne.s32 s29, $0xC40;
	s28 =	sadd.s32 $0x100, s28  }
0x82: {  	s2 =	simm.s32 @!p0 $0x0;
	v3 =	vld [tilespmem:s28+$0xFFFFFF90]  }
0x83: {  	s2 =	simm.s32 @p0 $0x1;
	v4 =	vld [tilespmem:s28+$0xFFFFFF80];
	s0 =	spop (v2sf)  }
0x84: {  	[smem:$0x7FD] =	sst s2;
	(v2sf) =	vpush v2, $0xE;
	s2 =	spop (v2sf)  }
0x85: {  	v5 =	vld [tilespmem:s28+$0xFFFFFFA0];
	s6 =	spop (v2sf)  }
0x86: {  	p1 =	seq.s32 s0, s6;
	s7 =	spop (v2sf)  }
0x87: {  	v6 =	vld [tilespmem:s28+$0xFFFFFFB0];
	p0 =	seq.s32 s2, s6;
	p2 =	seq.s32 s7, s6;
	s0 =	simm.s32 @p1 $0x1388  }
0x88: {  	v7 =	vmax.f32 v4, v3;
	s1 =	spop (v2sf);
	s2 =	simm.s32 @p0 $0x1388;
	(v2sf) =	vpush v2, $0x7;
	s7 =	simm.s32 @p2 $0x1388  }
0x89: {  	s6 =	sshll.u32 s6, $0x4;
	v4 =	vpsel p2, v7, v4;
	(v2sf) =	vpush v2, $0x6;
	s10 =	spop (v2sf);
	p3 =	seq.s32 s2, s7  }
0x8a: {  	v7 =	vmax.f32 v4, v5;
	p2 =	seq.s32 s0, s7;
	s7 =	sshll.u32 s7, $0x4;
	s22 =	spop (v2sf)  }
0x8b: {  	v8 =	vmax.f32 v3, v5;
	v4 =	vpsel p0, v7, v4;
	s2 =	simm.s32 @p3 $0x1388;
	s0 =	simm.s32 @p2 $0x1388;
	v7 =	vld [tilespmem:s6+$0x0];
	s15 =	spop (v2sf)  }
0x8c: {  	v3 =	vpsel p3, v8, v3;
	v10 =	vld [tilespmem:s7+$0x0];
	v8 =	vmax.f32 v4, v6;
	p0 =	seq.s32 s0, s2;
	s2 =	sshll.u32 s2, $0x4;
	s11 =	sshll.u32 s0, $0x4  }
0x8d: {  	v9 =	vmax.f32 v3, v6;
	s12 =	spop (v2sf);
	v4 =	vpsel p1, v8, v4;
	v8 =	vld [tilespmem:s2+$0x0];
	s11 =	simm.s32 @p0 $0x13880  }
0x8e: {  	v3 =	vpsel p2, v9, v3;
	s30 =	spop (v2sf);
	v9 =	vld [tilespmem:s11+$0x0]  }
0x8f: {  	v11 =	vmax.f32 v5, v6;
	s31 =	spop (v2sf)  }
0x90: {  	v5 =	vpsel p0, v11, v5;
	p0 =	seq.s32 s31, s30;
	v4 =	vmax.f32 v7, v4  }
0x91: {  	v3 =	vmax.f32 v10, v3;
	s0 =	simm.s32 @!p0 $0x0;
	[tilespmem:s6+$0x0] =	vst v4  }
0x92: {  	s0 =	simm.s32 @p0 $0x1;
	v4 =	vmax.f32 v8, v5;
	[tilespmem:s7+$0x0] =	vst v3  }
0x93: {  	[smem:$0x7FC] =	sst s0;
	s0 =	spop (v2sf);
	[tilespmem:s2+$0x0] =	vst v4;
	v3 =	vmax.f32 v9, v6  }
0x94: {  	p0 =	seq.s32 s0, s30;
	[tilespmem:s11+$0x0] =	vst v3  }
0x95: {  	s2 =	simm.s32 @!p0 $0x0;
	v3 =	vld [tilespmem:s28+$0xFFFFFFD0]  }
0x96: {  	s2 =	simm.s32 @p0 $0x1;
	v4 =	vld [tilespmem:s28+$0xFFFFFFC0]  }
0x97: {  	[smem:$0x7FB] =	sst s2;
	s2 =	spop (v2sf)  }
0x98: {  	v6 =	vld [tilespmem:s28+$0xFFFFFFE0];
	s6 =	spop (v2sf)  }
0x99: {  	p5 =	seq.s32 s22, s10;
	p6 =	seq.s32 s2, s10;
	p1 =	seq.s32 s6, s10  }
0x9a: {  	s22 =	simm.s32 @p5 $0x1388;
	v5 =	vld [tilespmem:s28+$0xFFFFFFF0];
	(v2sf) =	vpush v2, $0xB;
	s2 =	simm.s32 @p6 $0x1388;
	s6 =	simm.s32 @p1 $0x1388  }
0x9b: {  	s11 =	sshll.u32 s10, $0x4;
	v7 =	vmax.f32 v4, v3;
	p0 =	seq.s32 s2, s22;
	p2 =	seq.s32 s6, s22  }
0x9c: {  	v4 =	vpsel p5, v7, v4;
	s2 =	simm.s32 @p0 $0x1388;
	v7 =	vld [tilespmem:s11+$0x0];
	s22 =	sshll.u32 s22, $0x4;
	s6 =	simm.s32 @p2 $0x1388  }
0x9d: {  	v8 =	vmax.f32 v4, v6;
	v11 =	vld [tilespmem:s22+$0x0];
	p5 =	seq.s32 s2, s6;
	s6 =	sshll.u32 s6, $0x4;
	s2 =	sshll.u32 s2, $0x4  }
0x9e: {  	v9 =	vmax.f32 v3, v6;
	v4 =	vpsel p1, v8, v4;
	v8 =	vld [tilespmem:s6+$0x0];
	s2 =	simm.s32 @p5 $0x13880  }
0x9f: {  	v10 =	vmax.f32 v6, v5;
	v3 =	vpsel p2, v9, v3;
	v9 =	vmax.f32 v4, v5;
	v12 =	vld [tilespmem:s2+$0x0]  }
0xa0: {  	v6 =	vpsel p5, v10, v6;
	v10 =	vmax.f32 v3, v5;
	v4 =	vpsel p6, v9, v4  }
0xa1: {  	v3 =	vpsel p0, v10, v3;
	v4 =	vmax.f32 v7, v4  }
0xa2: {  	v3 =	vmax.f32 v11, v3;
	[tilespmem:s11+$0x0] =	vst v4  }
0xa3: {  	[tilespmem:s22+$0x0] =	vst v3;
	v4 =	vmax.f32 v8, v6  }
0xa4: {  	v3 =	vmax.f32 v12, v5;
	[tilespmem:s6+$0x0] =	vst v4  }
0xa5: {  	[tilespmem:s2+$0x0] =	vst v3  }
0xa6: {  	v3 =	vld [tilespmem:s28+$0x0]  }
0xa7: {  	v4 =	vld [tilespmem:s28+$0x10];
	_ =	sdelay $0x1  }
0xa8: {  	(v2sf) =	vpush v2, $0xF;
	v2 =	vld [tilespmem:s28+$0x20];
	s2 =	spop (v2sf)  }
0xa9: {  	p4 =	seq.s32 s15, s1;
	p3 =	seq.s32 s12, s1;
	p5 =	seq.s32 s2, s1  }
0xaa: {  	s15 =	simm.s32 @p4 $0x1388;
	s12 =	simm.s32 @p3 $0x1388;
	v5 =	vld [tilespmem:s28+$0x30];
	s2 =	simm.s32 @p5 $0x1388  }
0xab: {  	p1 =	seq.s32 s12, s15;
	s1 =	sshll.u32 s1, $0x4;
	p0 =	seq.s32 s2, s15;
	v6 =	vmax.f32 v3, v4  }
0xac: {  	s12 =	simm.s32 @p1 $0x1388;
	s11 =	sshll.u32 s15, $0x4;
	s2 =	simm.s32 @p0 $0x1388;
	v3 =	vpsel p4, v6, v3;
	v6 =	vld [tilespmem:s1+$0x0]  }
0xad: {  	v10 =	vld [tilespmem:s11+$0x0];
	p2 =	seq.s32 s2, s12;
	s12 =	sshll.u32 s12, $0x4;
	s2 =	sshll.u32 s2, $0x4;
	v7 =	vmax.f32 v3, v2  }
0xae: {  	v8 =	vmax.f32 v4, v2;
	s2 =	simm.s32 @p2 $0x13880;
	v3 =	vpsel p3, v7, v3;
	v7 =	vld [tilespmem:s12+$0x0]  }
0xaf: {  	v9 =	vmax.f32 v2, v5;
	v4 =	vpsel p1, v8, v4;
	v11 =	vld [tilespmem:s2+$0x0];
	v8 =	vmax.f32 v3, v5  }
0xb0: {  	v2 =	vpsel p2, v9, v2;
	v9 =	vmax.f32 v4, v5;
	v3 =	vpsel p5, v8, v3  }
0xb1: {  	v4 =	vpsel p0, v9, v4;
	v3 =	vmax.f32 v6, v3  }
0xb2: {  	v4 =	vmax.f32 v10, v4;
	[tilespmem:s1+$0x0] =	vst v3  }
0xb3: {  	s22 =	sld [smem:$0x7FC];
	v2 =	vmax.f32 v7, v2;
	[tilespmem:s11+$0x0] =	vst v4  }
0xb4: {  	s15 =	sld [smem:$0x7FB];
	v3 =	vmax.f32 v11, v5;
	[tilespmem:s12+$0x0] =	vst v2  }
0xb5: {  	[tilespmem:s2+$0x0] =	vst v3  }
0xb6: {  	v8 =	vld [tilespmem:s28+$0x40]  }
0xb7: {  	p1 =	seq.s32 s15, $0x1;
	p0 =	seq.s32 s22, $0x1;
	s2 =	spop (v2sf);
	v4 =	vld [tilespmem:s28+$0x50]  }
0xb8: {  	s0 =	simm.s32 @p1 $0x1388;
	s31 =	simm.s32 @p0 $0x1388;
	p3 =	seq.s32 s2, s30  }
0xb9: {  	p5 =	seq.s32 s0, s31;
	s2 =	simm.s32 @p3 $0x1388  }
0xba: {  	s1 =	sshll.u32 s31, $0x4;
	p4 =	seq.s32 s2, s31;
	s31 =	sld [smem:$0x7FD]  }
0xbb: {  	_ = 	snop  }
0xbc: {  	v9 =	vmax.f32 v8, v4  }
0xbd: {  	v3 =	vld [tilespmem:s28+$0x60];
	v9 =	vpsel p0, v9, v8;
	p0 =	seq.s32 s31, $0x1  }
.Ltmp1:
0xbe: {  	s12 =	sshll.u32 s30, $0x4;
	v2 =	vld [tilespmem:s28+$0x70];
	(pc) =	sbr.rel @p0 .LBB2_5-.Ltmp1, $4  }
0xbf: {  	s0 =	simm.s32 @p5 $0x1388;
	v5 =	vld [tilespmem:s12+$0x0];
	s2 =	simm.s32 @p4 $0x1388  }
0xc0: {  	s15 =	sshll.u32 s0, $0x4;
	v6 =	vld [tilespmem:s1+$0x0];
	p6 =	seq.s32 s2, s0;
	s0 =	sshll.u32 s2, $0x4  }
0xc1: {  	v7 =	vld [tilespmem:s15+$0x0];
	s0 =	simm.s32 @p6 $0x13880  }
0xc2: {  	s29 =	sadd.s32 $0x40, s29;
	v10 =	vmax.f32 v4, v3;
	v8 =	vld [tilespmem:s0+$0x0]  }
0xc3: {  	v11 =	vmax.f32 v9, v3  }
0xc4: {  	v9 =	vpsel p1, v11, v9  }
0xc5: {  	v4 =	vpsel p5, v10, v4;
	v10 =	vmax.f32 v9, v2  }
0xc6: {  	v11 =	vmax.f32 v4, v2;
	v9 =	vpsel p3, v10, v9  }
0xc7: {  	v4 =	vpsel p4, v11, v4;
	v10 =	vmax.f32 v3, v2;
	v5 =	vmax.f32 v5, v9  }
0xc8: {  	v4 =	vmax.f32 v6, v4;
	v3 =	vpsel p6, v10, v3;
	[tilespmem:s12+$0x0] =	vst v5  }
0xc9: {  	v3 =	vmax.f32 v7, v3;
	[tilespmem:s1+$0x0] =	vst v4  }
0xca: {  	v2 =	vmax.f32 v8, v2;
	[tilespmem:s15+$0x0] =	vst v3  }
0xcb: {  	[tilespmem:s0+$0x0] =	vst v2  }
0xcc: {  	p0 =	seq.s32 s25, $0x18;
	_ =	swait.ge [sflag:s20], $0x320  }
0xcd: {  	s29 =	simm.s32 $0x0;
	s0 =	sadd.s32 @!p0 s26, s9;
	[sflag:s20] =	ssyncset.done $0x0  }
0xce: {  	s1 =	sshrl.u32 @!p0 s0, $0x3;
	s0 =	sshll.u32 @!p0 s0, $0x6;
	[sflag:s20] =	ssyncadd.s32 $0xFFFFFCE0  }
0xcf: {  	s2 =	simm.s32 @!p0 $0x0;
	s0 =	sor.u32 @!p0 s5, s0;
	_ =	swait.ge [sflag:s21], $0x3200  }
0xd0: {  	s6 =	simm.s32 @!p0 $0x13890;
	s0 =	sshrl.u32 @!p0 s0, $0x3;
	[sflag:s21] =	ssyncset.done $0x0  }
0xd1: {  	s1 =	sadd.s32 @!p0 s4, s1;
	s0 =	sadd.s32 @!p0 s3, s0;
	[sflag:s21] =	ssyncadd.s32 $0xFFFFCE00  }
0xd2: {  	[tilespmem:s6], [sflag:$0x1] =	stream.linear.gather @!p0 [hbm4b:s1+s2], $0x320, $0x38;
	[tilespmem:$0x1A2D0] =	vst v63  }
0xd3: {  	s1 =	simm.s32 @!p0 $0x10;
	s2 =	simm.s32 @!p0 $0x40;
	s6 =	simm.s32 @!p0 $0x13ED0  }
0xd4: {  	[tilespmem:s6], [sflag:$0x3] =	stream.strided.gather @!p0 [hbm4b:s0+s1], $0x3200, s2, s1, $0x38;
	[tilespmem:$0x1A2D0] =	vst v63  }
0xd5: {  	v2 =	vld [tilespmem:s29+$0x13BB0];
	_ =	sdelay $0x4  }
0xd6: {  	v2 =	vsub.s32 v2, v0  }
0xd7: {  	v2 =	vmin.u32 v2, $0x1388  }
0xd8: {  	(v2sf) =	vpush v2, $0x3  }
0xd9: {  	(v2sf) =	vpush v2, $0x2  }
0xda: {  	(v2sf) =	vpush v2, $0x0  }
0xdb: {  	(v2sf) =	vpush v2, $0x1;
	_ =	sdelay $0x7  }
0xdc: {  	(v2sf) =	vpush v2, $0x8  }
0xdd: {  	(v2sf) =	vpush v2, $0x4  }
0xde: {  	(v2sf) =	vpush v2, $0x5  }
0xdf: {  	s26 =	simm.s32 $0x171C0;
	(v2sf) =	vpush v2, $0x9  }
0xe0: {  	v3 =	vld [tilespmem:s26+$0xFFFFFF20];
	(v2sf) =	vpush v2, $0xA;
	s0 =	spop (v2sf)  }
0xe1: {  	v4 =	vld [tilespmem:s26+$0xFFFFFF10];
	(v2sf) =	vpush v2, $0xC;
	s1 =	spop (v2sf)  }
0xe2: {  	(v2sf) =	vpush v2, $0xD;
	s30 =	spop (v2sf)  }
0xe3: {  	v5 =	vld [tilespmem:s26+$0xFFFFFF30];
	(v2sf) =	vpush v2, $0xE;
	s6 =	spop (v2sf)  }
0xe4: {  	p0 =	seq.s32 s0, s30;
	p1 =	seq.s32 s1, s30;
	(v2sf) =	vpush v2, $0x7;
	p3 =	seq.s32 s6, s30  }
0xe5: {  	v6 =	vld [tilespmem:s26+$0xFFFFFF40];
	s0 =	simm.s32 @p0 $0x1388;
	s1 =	simm.s32 @p1 $0x1388;
	(v2sf) =	vpush v2, $0x6;
	s6 =	simm.s32 @p3 $0x1388  }
0xe6: {  	v7 =	vmax.f32 v4, v3;
	s2 =	sshll.u32 s30, $0x4;
	p4 =	seq.s32 s1, s6;
	p2 =	seq.s32 s0, s6  }
0xe7: {  	v4 =	vpsel p3, v7, v4;
	v7 =	vld [tilespmem:s2+$0x0];
	s6 =	sshll.u32 s6, $0x4;
	s1 =	simm.s32 @p4 $0x1388;
	s0 =	simm.s32 @p2 $0x1388  }
0xe8: {  	v8 =	vmax.f32 v4, v5;
	v9 =	vld [tilespmem:s6+$0x0];
	p3 =	seq.s32 s0, s1;
	s1 =	sshll.u32 s1, $0x4;
	s0 =	sshll.u32 s0, $0x4  }
0xe9: {  	v10 =	vmax.f32 v3, v5;
	v4 =	vpsel p1, v8, v4;
	v8 =	vld [tilespmem:s1+$0x0];
	s0 =	simm.s32 @p3 $0x13880  }
0xea: {  	v3 =	vpsel p4, v10, v3;
	v10 =	vmax.f32 v4, v6;
	v11 =	vld [tilespmem:s0+$0x0]  }
0xeb: {  	s31 =	spop (v2sf);
	v12 =	vmax.f32 v3, v6;
	v4 =	vpsel p0, v10, v4  }
0xec: {  	s7 =	spop (v2sf);
	v3 =	vpsel p2, v12, v3;
	v10 =	vmax.f32 v5, v6;
	v4 =	vmax.f32 v7, v4  }
0xed: {  	s10 =	spop (v2sf);
	v5 =	vpsel p3, v10, v5;
	[tilespmem:s2+$0x0] =	vst v4;
	v3 =	vmax.f32 v9, v3  }
0xee: {  	s29 =	spop (v2sf);
	[tilespmem:s6+$0x0] =	vst v3;
	v4 =	vmax.f32 v8, v5  }
0xef: {  	s28 =	spop (v2sf);
	[tilespmem:s1+$0x0] =	vst v4;
	v3 =	vmax.f32 v11, v6  }
0xf0: {  	s11 =	spop (v2sf);
	[tilespmem:s0+$0x0] =	vst v3  }
0xf1: {  	s1 =	spop (v2sf);
	v3 =	vld [tilespmem:s26+$0xFFFFFF60]  }
0xf2: {  	s0 =	spop (v2sf);
	v4 =	vld [tilespmem:s26+$0xFFFFFF50]  }
0xf3: {  	s2 =	spop (v2sf)  }
0xf4: {  	v5 =	vld [tilespmem:s26+$0xFFFFFF70];
	s6 =	spop (v2sf)  }
0xf5: {  	p4 =	seq.s32 s10, s7;
	p0 =	seq.s32 s2, s7;
	p2 =	seq.s32 s6, s7  }
0xf6: {  	s10 =	simm.s32 @p4 $0x1388;
	(v2sf) =	vpush v2, $0xB;
	v6 =	vld [tilespmem:s26+$0xFFFFFF80];
	s2 =	simm.s32 @p0 $0x1388;
	s6 =	simm.s32 @p2 $0x1388  }
0xf7: {  	s7 =	sshll.u32 s7, $0x4;
	p1 =	seq.s32 s2, s10;
	v7 =	vmax.f32 v4, v3;
	p3 =	seq.s32 s6, s10  }
0xf8: {  	s2 =	simm.s32 @p1 $0x1388;
	s10 =	sshll.u32 s10, $0x4;
	v4 =	vpsel p4, v7, v4;
	s6 =	simm.s32 @p3 $0x1388;
	v7 =	vld [tilespmem:s7+$0x0]  }
0xf9: {  	v9 =	vld [tilespmem:s10+$0x0];
	v8 =	vmax.f32 v4, v5;
	p4 =	seq.s32 s2, s6;
	s6 =	sshll.u32 s6, $0x4;
	s2 =	sshll.u32 s2, $0x4  }
0xfa: {  	v10 =	vmax.f32 v3, v5;
	v4 =	vpsel p2, v8, v4;
	v8 =	vld [tilespmem:s6+$0x0];
	s2 =	simm.s32 @p4 $0x13880  }
0xfb: {  	v3 =	vpsel p3, v10, v3;
	v10 =	vmax.f32 v4, v6;
	v11 =	vld [tilespmem:s2+$0x0]  }
0xfc: {  	v63 =	vmax.f32 v3, v6;
	v4 =	vpsel p0, v10, v4  }
0xfd: {  	v3 =	vpsel p1, v63, v3;
	v10 =	vmax.f32 v5, v6;
	v4 =	vmax.f32 v7, v4  }
0xfe: {  	v5 =	vpsel p4, v10, v5;
	v3 =	vmax.f32 v9, v3;
	[tilespmem:s7+$0x0] =	vst v4  }
0xff: {  	v4 =	vmax.f32 v8, v5;
	[tilespmem:s10+$0x0] =	vst v3  }
0x100: {  	v3 =	vmax.f32 v11, v6;
	[tilespmem:s6+$0x0] =	vst v4  }
0x101: {  	[tilespmem:s2+$0x0] =	vst v3  }
0x102: {  	v3 =	vld [tilespmem:s26+$0xFFFFFF90]  }
0x103: {  	v4 =	vld [tilespmem:s26+$0xFFFFFFA0]  }
0x104: {  	(v2sf) =	vpush v2, $0xF  }
0x105: {  	s2 =	spop (v2sf);
	v2 =	vld [tilespmem:s26+$0xFFFFFFB0]  }
0x106: {  	p2 =	seq.s32 s28, s31;
	p4 =	seq.s32 s29, s31;
	p0 =	seq.s32 s2, s31  }
0x107: {  	s28 =	simm.s32 @p2 $0x1388;
	s29 =	simm.s32 @p4 $0x1388;
	v5 =	vld [tilespmem:s26+$0xFFFFFFC0];
	s2 =	simm.s32 @p0 $0x1388  }
0x108: {  	s22 =	sshll.u32 s31, $0x4;
	p3 =	seq.s32 s28, s29;
	p1 =	seq.s32 s2, s29;
	v6 =	vmax.f32 v3, v4  }
0x109: {  	s30 =	sshll.u32 s29, $0x4;
	s28 =	simm.s32 @p3 $0x1388;
	s2 =	simm.s32 @p1 $0x1388;
	v3 =	vpsel p4, v6, v3;
	v6 =	vld [tilespmem:s22+$0x0]  }
0x10a: {  	v8 =	vld [tilespmem:s30+$0x0];
	s31 =	sshll.u32 s28, $0x4;
	p4 =	seq.s32 s2, s28;
	s2 =	sshll.u32 s2, $0x4;
	v7 =	vmax.f32 v3, v2  }
0x10b: {  	v9 =	vmax.f32 v4, v2;
	s2 =	simm.s32 @p4 $0x13880;
	v3 =	vpsel p2, v7, v3;
	v7 =	vld [tilespmem:s31+$0x0]  }
0x10c: {  	v4 =	vpsel p3, v9, v4;
	v10 =	vld [tilespmem:s2+$0x0];
	v9 =	vmax.f32 v3, v5  }
0x10d: {  	v11 =	vmax.f32 v4, v5;
	v3 =	vpsel p0, v9, v3  }
0x10e: {  	v4 =	vpsel p1, v11, v4;
	v9 =	vmax.f32 v2, v5;
	v3 =	vmax.f32 v6, v3  }
0x10f: {  	v4 =	vmax.f32 v8, v4;
	v2 =	vpsel p4, v9, v2;
	[tilespmem:s22+$0x0] =	vst v3  }
0x110: {  	v2 =	vmax.f32 v7, v2;
	[tilespmem:s30+$0x0] =	vst v4  }
0x111: {  	v3 =	vmax.f32 v10, v5;
	[tilespmem:s31+$0x0] =	vst v2  }
0x112: {  	[tilespmem:s2+$0x0] =	vst v3  }
0x113: {  	p1 =	seq.s32 s0, s11;
	p0 =	seq.s32 s1, s11;
	s2 =	spop (v2sf);
	v8 =	vld [tilespmem:s26+$0xFFFFFFD0]  }
0x114: {  	s0 =	simm.s32 @p1 $0x1388;
	s1 =	simm.s32 @p0 $0x1388;
	v4 =	vld [tilespmem:s26+$0xFFFFFFE0];
	p3 =	seq.s32 s2, s11  }
0x115: {  	p5 =	seq.s32 s0, s1;
	v3 =	vld [tilespmem:s26+$0xFFFFFFF0];
	s2 =	simm.s32 @p3 $0x1388  }
0x116: {  	s12 =	sshll.u32 s11, $0x4;
	s0 =	simm.s32 @p5 $0x1388;
	v2 =	vld [tilespmem:s26+$0x0];
	p4 =	seq.s32 s2, s1  }
0x117: {  	s15 =	sshll.u32 s0, $0x4;
	v5 =	vld [tilespmem:s12+$0x0];
	s2 =	simm.s32 @p4 $0x1388  }
0x118: {  	v7 =	vld [tilespmem:s15+$0x0];
	s1 =	sshll.u32 s1, $0x4;
	p6 =	seq.s32 s2, s0;
	s0 =	sshll.u32 s2, $0x4  }
0x119: {  	v6 =	vld [tilespmem:s1+$0x0];
	v9 =	vmax.f32 v8, v4;
	s0 =	simm.s32 @p6 $0x13880  }
0x11a: {  	s28 =	simm.s32 $0x40;
	v10 =	vmax.f32 v4, v3;
	v9 =	vpsel p0, v9, v8;
	v8 =	vld [tilespmem:s0+$0x0]  }
.LBB2_7:
0x11b: {  	v11 =	vmax.f32 v9, v3  }
0x11c: {  	v9 =	vpsel p1, v11, v9  }
0x11d: {  	v4 =	vpsel p5, v10, v4;
	v10 =	vmax.f32 v9, v2  }
0x11e: {  	v11 =	vmax.f32 v4, v2;
	v9 =	vpsel p3, v10, v9  }
0x11f: {  	v4 =	vpsel p4, v11, v4;
	v10 =	vmax.f32 v3, v2;
	v5 =	vmax.f32 v5, v9  }
0x120: {  	v3 =	vpsel p6, v10, v3;
	v4 =	vmax.f32 v6, v4;
	[tilespmem:s12+$0x0] =	vst v5  }
0x121: {  	v3 =	vmax.f32 v7, v3;
	[tilespmem:s1+$0x0] =	vst v4  }
0x122: {  	s7 =	smov.u32 s28;
	v2 =	vmax.f32 v8, v2;
	[tilespmem:s15+$0x0] =	vst v3  }
0x123: {  	s10 =	sshra.s32 s7, $0x2;
	[tilespmem:s0+$0x0] =	vst v2  }
0x124: {  	v2 =	vld [tilespmem:s10+$0x13BB0];
	_ =	sdelay $0x4  }
0x125: {  	v2 =	vsub.s32 v2, v0  }
0x126: {  	v2 =	vmin.u32 v2, $0x1388  }
0x127: {  	(v2sf) =	vpush v2, $0x3  }
0x128: {  	(v2sf) =	vpush v2, $0x2  }
0x129: {  	(v2sf) =	vpush v2, $0x0  }
0x12a: {  	(v2sf) =	vpush v2, $0x1;
	_ =	sdelay $0x1  }
0x12b: {  	(v2sf) =	vpush v2, $0x8  }
0x12c: {  	(v2sf) =	vpush v2, $0x4  }
0x12d: {  	(v2sf) =	vpush v2, $0x5  }
0x12e: {  	(v2sf) =	vpush v2, $0x9;
	_ =	sdelay $0x1  }
0x12f: {  	(v2sf) =	vpush v2, $0xA  }
0x130: {  	(v2sf) =	vpush v2, $0xC  }
0x131: {  	(v2sf) =	vpush v2, $0xD  }
0x132: {  	p0 =	sne.s32 s28, $0xC40;
	s26 =	sadd.s32 $0x100, s26  }
0x133: {  	s2 =	simm.s32 @!p0 $0x0;
	v3 =	vld [tilespmem:s26+$0xFFFFFF20]  }
0x134: {  	s2 =	simm.s32 @p0 $0x1;
	v4 =	vld [tilespmem:s26+$0xFFFFFF10];
	s0 =	spop (v2sf)  }
0x135: {  	[smem:$0x7FA] =	sst s2;
	(v2sf) =	vpush v2, $0xE;
	s2 =	spop (v2sf)  }
0x136: {  	v5 =	vld [tilespmem:s26+$0xFFFFFF30];
	s6 =	spop (v2sf)  }
0x137: {  	p1 =	seq.s32 s0, s6;
	s7 =	spop (v2sf)  }
0x138: {  	v6 =	vld [tilespmem:s26+$0xFFFFFF40];
	p0 =	seq.s32 s2, s6;
	p2 =	seq.s32 s7, s6;
	s0 =	simm.s32 @p1 $0x1388  }
0x139: {  	v7 =	vmax.f32 v4, v3;
	s1 =	spop (v2sf);
	s2 =	simm.s32 @p0 $0x1388;
	(v2sf) =	vpush v2, $0x7;
	s7 =	simm.s32 @p2 $0x1388  }
0x13a: {  	s6 =	sshll.u32 s6, $0x4;
	v4 =	vpsel p2, v7, v4;
	(v2sf) =	vpush v2, $0x6;
	s10 =	spop (v2sf);
	p3 =	seq.s32 s2, s7  }
0x13b: {  	v7 =	vmax.f32 v4, v5;
	p2 =	seq.s32 s0, s7;
	s7 =	sshll.u32 s7, $0x4;
	s22 =	spop (v2sf)  }
0x13c: {  	v8 =	vmax.f32 v3, v5;
	v4 =	vpsel p0, v7, v4;
	s2 =	simm.s32 @p3 $0x1388;
	s0 =	simm.s32 @p2 $0x1388;
	v7 =	vld [tilespmem:s6+$0x0];
	s15 =	spop (v2sf)  }
0x13d: {  	v3 =	vpsel p3, v8, v3;
	v10 =	vld [tilespmem:s7+$0x0];
	v8 =	vmax.f32 v4, v6;
	p0 =	seq.s32 s0, s2;
	s2 =	sshll.u32 s2, $0x4;
	s11 =	sshll.u32 s0, $0x4  }
0x13e: {  	v9 =	vmax.f32 v3, v6;
	s12 =	spop (v2sf);
	v4 =	vpsel p1, v8, v4;
	v8 =	vld [tilespmem:s2+$0x0];
	s11 =	simm.s32 @p0 $0x13880  }
0x13f: {  	v3 =	vpsel p2, v9, v3;
	s29 =	spop (v2sf);
	v9 =	vld [tilespmem:s11+$0x0]  }
0x140: {  	v11 =	vmax.f32 v5, v6;
	s30 =	spop (v2sf)  }
0x141: {  	v5 =	vpsel p0, v11, v5;
	p0 =	seq.s32 s30, s29;
	v4 =	vmax.f32 v7, v4  }
0x142: {  	v3 =	vmax.f32 v10, v3;
	s0 =	simm.s32 @!p0 $0x0;
	[tilespmem:s6+$0x0] =	vst v4  }
0x143: {  	s0 =	simm.s32 @p0 $0x1;
	v4 =	vmax.f32 v8, v5;
	[tilespmem:s7+$0x0] =	vst v3  }
0x144: {  	[smem:$0x7F9] =	sst s0;
	s0 =	spop (v2sf);
	[tilespmem:s2+$0x0] =	vst v4;
	v3 =	vmax.f32 v9, v6  }
0x145: {  	p0 =	seq.s32 s0, s29;
	[tilespmem:s11+$0x0] =	vst v3  }
0x146: {  	s2 =	simm.s32 @!p0 $0x0;
	v3 =	vld [tilespmem:s26+$0xFFFFFF60]  }
0x147: {  	s2 =	simm.s32 @p0 $0x1;
	v4 =	vld [tilespmem:s26+$0xFFFFFF50]  }
0x148: {  	[smem:$0x7F8] =	sst s2;
	s2 =	spop (v2sf)  }
0x149: {  	v6 =	vld [tilespmem:s26+$0xFFFFFF70];
	s6 =	spop (v2sf)  }
0x14a: {  	p5 =	seq.s32 s22, s10;
	p6 =	seq.s32 s2, s10;
	p1 =	seq.s32 s6, s10  }
0x14b: {  	s22 =	simm.s32 @p5 $0x1388;
	v5 =	vld [tilespmem:s26+$0xFFFFFF80];
	(v2sf) =	vpush v2, $0xB;
	s2 =	simm.s32 @p6 $0x1388;
	s6 =	simm.s32 @p1 $0x1388  }
0x14c: {  	s11 =	sshll.u32 s10, $0x4;
	v7 =	vmax.f32 v4, v3;
	p0 =	seq.s32 s2, s22;
	p2 =	seq.s32 s6, s22  }
0x14d: {  	s31 =	sshll.u32 s22, $0x4;
	v4 =	vpsel p5, v7, v4;
	s2 =	simm.s32 @p0 $0x1388;
	v7 =	vld [tilespmem:s11+$0x0];
	s6 =	simm.s32 @p2 $0x1388  }
0x14e: {  	v11 =	vld [tilespmem:s31+$0x0];
	v8 =	vmax.f32 v4, v6;
	p5 =	seq.s32 s2, s6;
	s6 =	sshll.u32 s6, $0x4;
	s2 =	sshll.u32 s2, $0x4  }
0x14f: {  	v9 =	vmax.f32 v3, v6;
	v4 =	vpsel p1, v8, v4;
	v8 =	vld [tilespmem:s6+$0x0];
	s2 =	simm.s32 @p5 $0x13880  }
0x150: {  	v10 =	vmax.f32 v6, v5;
	v3 =	vpsel p2, v9, v3;
	v9 =	vmax.f32 v4, v5;
	v12 =	vld [tilespmem:s2+$0x0]  }
0x151: {  	v6 =	vpsel p5, v10, v6;
	v10 =	vmax.f32 v3, v5;
	v4 =	vpsel p6, v9, v4  }
0x152: {  	v3 =	vpsel p0, v10, v3;
	v4 =	vmax.f32 v7, v4  }
0x153: {  	v3 =	vmax.f32 v11, v3;
	[tilespmem:s11+$0x0] =	vst v4  }
0x154: {  	[tilespmem:s31+$0x0] =	vst v3;
	v4 =	vmax.f32 v8, v6  }
0x155: {  	v3 =	vmax.f32 v12, v5;
	[tilespmem:s6+$0x0] =	vst v4  }
0x156: {  	[tilespmem:s2+$0x0] =	vst v3  }
0x157: {  	v3 =	vld [tilespmem:s26+$0xFFFFFF90]  }
0x158: {  	v4 =	vld [tilespmem:s26+$0xFFFFFFA0];
	_ =	sdelay $0x1  }
0x159: {  	(v2sf) =	vpush v2, $0xF;
	v2 =	vld [tilespmem:s26+$0xFFFFFFB0];
	s2 =	spop (v2sf)  }
0x15a: {  	p4 =	seq.s32 s15, s1;
	p3 =	seq.s32 s12, s1;
	p5 =	seq.s32 s2, s1  }
0x15b: {  	s15 =	simm.s32 @p4 $0x1388;
	s12 =	simm.s32 @p3 $0x1388;
	v5 =	vld [tilespmem:s26+$0xFFFFFFC0];
	s2 =	simm.s32 @p5 $0x1388  }
0x15c: {  	p1 =	seq.s32 s12, s15;
	s1 =	sshll.u32 s1, $0x4;
	p0 =	seq.s32 s2, s15;
	v6 =	vmax.f32 v3, v4  }
0x15d: {  	s12 =	simm.s32 @p1 $0x1388;
	s11 =	sshll.u32 s15, $0x4;
	s2 =	simm.s32 @p0 $0x1388;
	v3 =	vpsel p4, v6, v3;
	v6 =	vld [tilespmem:s1+$0x0]  }
0x15e: {  	v10 =	vld [tilespmem:s11+$0x0];
	p2 =	seq.s32 s2, s12;
	s12 =	sshll.u32 s12, $0x4;
	s2 =	sshll.u32 s2, $0x4;
	v7 =	vmax.f32 v3, v2  }
0x15f: {  	v8 =	vmax.f32 v4, v2;
	s2 =	simm.s32 @p2 $0x13880;
	v3 =	vpsel p3, v7, v3;
	v7 =	vld [tilespmem:s12+$0x0]  }
0x160: {  	v9 =	vmax.f32 v2, v5;
	v4 =	vpsel p1, v8, v4;
	v11 =	vld [tilespmem:s2+$0x0];
	v8 =	vmax.f32 v3, v5  }
0x161: {  	v2 =	vpsel p2, v9, v2;
	v9 =	vmax.f32 v4, v5;
	v3 =	vpsel p5, v8, v3  }
0x162: {  	v4 =	vpsel p0, v9, v4;
	v3 =	vmax.f32 v6, v3  }
0x163: {  	v4 =	vmax.f32 v10, v4;
	[tilespmem:s1+$0x0] =	vst v3  }
0x164: {  	v2 =	vmax.f32 v7, v2;
	[tilespmem:s11+$0x0] =	vst v4  }
0x165: {  	v3 =	vmax.f32 v11, v5;
	[tilespmem:s12+$0x0] =	vst v2  }
0x166: {  	[tilespmem:s2+$0x0] =	vst v3  }
0x167: {  	v8 =	vld [tilespmem:s26+$0xFFFFFFD0]  }
0x168: {  	s22 =	sld [smem:$0x7F9];
	v4 =	vld [tilespmem:s26+$0xFFFFFFE0]  }
0x169: {  	s15 =	sld [smem:$0x7F8];
	_ =	sdelay $0x1  }
0x16a: {  	s31 =	sld [smem:$0x7FA]  }
0x16b: {  	p1 =	seq.s32 s15, $0x1;
	p0 =	seq.s32 s22, $0x1;
	s2 =	spop (v2sf)  }
0x16c: {  	s0 =	simm.s32 @p1 $0x1388;
	s30 =	simm.s32 @p0 $0x1388;
	p3 =	seq.s32 s2, s29;
	v9 =	vmax.f32 v8, v4  }
0x16d: {  	p5 =	seq.s32 s0, s30;
	v3 =	vld [tilespmem:s26+$0xFFFFFFF0];
	s2 =	simm.s32 @p3 $0x1388;
	v9 =	vpsel p0, v9, v8;
	p0 =	seq.s32 s31, $0x1  }
.Ltmp2:
0x16e: {  	s12 =	sshll.u32 s29, $0x4;
	v2 =	vld [tilespmem:s26+$0x0];
	p4 =	seq.s32 s2, s30;
	(pc) =	sbr.rel @p0 .LBB2_7-.Ltmp2, $4  }
0x16f: {  	s0 =	simm.s32 @p5 $0x1388;
	s1 =	sshll.u32 s30, $0x4;
	v5 =	vld [tilespmem:s12+$0x0];
	s2 =	simm.s32 @p4 $0x1388  }
0x170: {  	s15 =	sshll.u32 s0, $0x4;
	v6 =	vld [tilespmem:s1+$0x0];
	p6 =	seq.s32 s2, s0;
	s0 =	sshll.u32 s2, $0x4  }
0x171: {  	v7 =	vld [tilespmem:s15+$0x0];
	s0 =	simm.s32 @p6 $0x13880  }
0x172: {  	s28 =	sadd.s32 $0x40, s28;
	v10 =	vmax.f32 v4, v3;
	v8 =	vld [tilespmem:s0+$0x0]  }
0x173: {  	v11 =	vmax.f32 v9, v3  }
0x174: {  	v9 =	vpsel p1, v11, v9  }
0x175: {  	v4 =	vpsel p5, v10, v4;
	s25 =	sadd.s32 $0x1, s25;
	v61 =	vmax.f32 v9, v2  }
0x176: {  	v62 =	vmax.f32 v4, v2;
	p0 =	sne.s32 s25, $0x19;
	v9 =	vpsel p3, v61, v9  }
.Ltmp3:
0x177: {  	v63 =	vmax.f32 v3, v2;
	v4 =	vpsel p4, v62, v4;
	v5 =	vmax.f32 v5, v9;
	(pc) =	sbr.rel @p0 .LBB2_4-.Ltmp3, $4  }
0x178: {  	v3 =	vpsel p6, v63, v3;
	v4 =	vmax.f32 v6, v4;
	[tilespmem:s12+$0x0] =	vst v5  }
0x179: {  	v3 =	vmax.f32 v7, v3;
	[tilespmem:s1+$0x0] =	vst v4  }
0x17a: {  	v2 =	vmax.f32 v8, v2;
	[tilespmem:s15+$0x0] =	vst v3  }
0x17b: {  	[tilespmem:s0+$0x0] =	vst v2  }
0x17c: {  	s11 =	simm.s32 $0x0;
	s0 =	rddreg [dreg:$0x4];
	s1 =	simm.s32 $0x5  }
0x17d: {  	[hbm4b:s0+s11] =	stream.linear.scatter [tilespmem:s11], [sflag:$0x5], $0x13880, $0x38;
	[tilespmem:$0x1A2D0] =	vst v63  }
0x17e: {  	_ =	swait.ge [sflag:s1], $0x13880  }
0x17f: {  	s23 =	sadd.s32 $0x1, s23;
	s31 =	rddreg [dreg:$0x5]  }
0x180: {  	p0 =	sne.s32 s23, s31  }
.Ltmp4:
0x181: {  	_ = 	snop;
	(pc) =	sbr.rel @p0 .LBB2_1-.Ltmp4, $3  }
0x182: {  	_ =	sdelay $0x1  }
0x183: {  	[sflag:s1] =	ssyncset.done $0x0  }
0x184: {  	[sflag:s1] =	ssyncadd.s32 $0xFFFEC780  }
0x185: {  	_ =	sfence.sel $0x180000  }
0x186: {  	[bflag:$0x0] =	sbarrier.arrive $0xFFFF  }
0x187: {  	_ =	strace $0x9000004A  }
0x188: {  	s0 =	stileid.u32;
	[bflag:$0x2] =	sbarrier.arrive $0xFFFF  }
0x189: {  	p0 =	sne.s32 s0, $0x0;
	s0 =	rddreg [dreg:$0x1]  }
0x18a: {  	s0 =	sadd.s32 @!p0 $0x100000, s0  }
0x18b: {  	[sflag:s0] =	ssyncadd.tile.s32 @!p0 $0x1;
	_ =	shalt  }
.Lfunc_end2:
_tile_overlayer_lowered:
.L_overlay_start_2:
0x18c: {  	(tag) =	ssettag $0x2  }
0x18d: {  	s0 =	rddreg [dreg:$0x0];
	s2 =	stileid.u32  }
0x18e: {  	s1 =	rddreg [dreg:$0x1];
	p0 =	sne.s32 s2, $0x0  }
0x18f: {  	s3 =	rddreg [dreg:$0x2];
	[bflag:$0x3] =	sbarrier.arrive $0xFFFF;
	s2 =	simm.s32 @!p0 $0x1C05  }
0x190: {  	[timem:s3], [sflag:s2] =	dma.local @!p0 [hbm:s0], s1  }
0x191: {  	s0 =	simm.s32 @!p0 $0x5  }
0x192: {  	_ =	swait.ge @!p0 [sflag:s0], s1  }
0x193: {  	s1 =	ssub.s32 @!p0 $0x0, s1;
	[sflag:s0] =	ssyncset.done @!p0 $0x0  }
0x194: {  	[sflag:s0] =	ssyncadd.s32 @!p0 s1  }
0x195: {  	[bflag:$0x3] =	sbarrier.arrive $0xFFFF  }
0x196: {  	_ =	shalt  }

// kernel: kernel.19.cloned.1.call-start
scs
__scs_entry_jumppad:
0x0: {  	(pc) =	sbr.rel $0x88, $3  }
0x1: {  	(tag) =	ssettag $0x0;
	lr =	simm.s32 $0x1  }
0x2: {  	[smem:$0x3F96] =	sst lr;
	_ =	strace $0xD0000000  }
0x3: {  	_ = 	snop  }
0x4: {  	_ = 	snop  }
0x5: {  	_ = 	snop  }
0x6: {  	_ = 	snop  }
0x7: {  	_ = 	snop  }
__scs_overlays_trampoline_lowered:
0x8: {  	[smem:$0x3FA5] =	sst s0  }
0x9: {  	[smem:$0x3FA6] =	sst s1  }
0xa: {  	[smem:$0x3FA7] =	sst s2  }
0xb: {  	[smem:$0x3FA8] =	sst s3  }
0xc: {  	[smem:$0x3FA9] =	sst s4  }
0xd: {  	[smem:$0x3FAA] =	sst s5  }
0xe: {  	[smem:$0x3FAB] =	sst s6  }
0xf: {  	[smem:$0x3FAC] =	sst s7  }
0x10: {  	[smem:$0x3FAD] =	sst s8  }
0x11: {  	[smem:$0x3FAE] =	sst s9;
	s0 =	simm.s32 @!p0 $0x0  }
0x12: {  	s1 =	sld [smem:$0x3F94];
	s0 =	simm.s32 @p0 $0x1  }
0x13: {  	[smem:$0x3FAF] =	sst s0;
	s0 =	simm.s32 @!p1 $0x0  }
0x14: {  	s2 =	sld [smem:$0x3F93];
	s0 =	simm.s32 @p1 $0x1  }
0x15: {  	[smem:$0x3FB0] =	sst s0;
	s0 =	simm.s32 @!p2 $0x0  }
0x16: {  	s3 =	sld [smem:$0x3FDB];
	s0 =	simm.s32 @p2 $0x1  }
0x17: {  	s4 =	simm.s32 $0x1BF5;
	[smem:$0x3FB2] =	sst s0  }
0x18: {  	s0 =	sld [smem:$0x3F95];
	_ =	swait.ge [sflag:s4], $0x0  }
0x19: {  	s7 =	sld [smem:$0x3F96]  }
0x1a: {  	s8 =	sadd.s32 $0xFFFFE003, lr  }
0x1b: {  	s9 =	sadd.s32 $0xFFFFFEF7, lr;
	s5 =	simm.s32 $0xFFFFFFFF;
	p2 =	slt.u32 s8, $0xFFFFF086  }
0x1c: {  	p1 =	slt.u32 s9, $0xF7A;
	s5 =	simm.s32 @!p2 $0x0  }
0x1d: {  	s5 =	simm.s32 @p1 $0x1;
	p0 =	seq.s32 s7, s2  }
0x1e: {  	s7 =	smul.u32 @!p0 $0xF7A, s2;
	p2 =	seq.s32 @!p0 s5, $0x0  }
0x1f: {  	s9 =	smul.u32 $0xF7A, s1;
	s8 =	simm.s32 @!p0 $0x1BF5;
	p2 =	por !p2, p0  }
0x20: {  	[sflag:s8] =	ssyncset.s32 @!p0 $0xFFFFF086;
	s6 =	sadd.s32 @!p0 s3, s7;
	s7 =	simm.s32 @!p0 $0x108  }
0x21: {  	s3 =	sadd.s32 s3, s9;
	s6 =	sadd.s32 @!p0 $0x88, s6;
	s7 =	simm.s32 @p2 $0x1082  }
0x22: {  	[simem:s7], [sflag:s8] =	dma.local @!p0 [hbm:s6], $0xF7A  }
0x23: {  	s9 =	sor.u32 $0xD0000000, s2;
	s6 =	simm.s32 $0x108;
	_ =	swait.ge @!p0 [sflag:s8], $0x0  }
0x24: {  	s3 =	sadd.s32 $0x88, s3;
	s6 =	simm.s32 @!p1 $0x1082;
	[sflag:s4] =	ssyncset.s32 $0xFFFFF086  }
0x25: {  	[simem:s6], [sflag:s4] =	dma.local [hbm:s3], $0xF7A  }
0x26: {  	[smem:$0x3F96] =	sst s1;
	(tag) =	ssettag s2;
	_ =	strace s9  }
0x27: {  	s1 =	sld [smem:$0x3FA6]  }
0x28: {  	s2 =	sld [smem:$0x3FA7]  }
0x29: {  	s4 =	sld [smem:$0x3FA9]  }
0x2a: {  	p0 =	seq.s32 s5, $0x0;
	s5 =	sld [smem:$0x3FAA]  }
0x2b: {  	s6 =	sld [smem:$0x3FAB]  }
0x2c: {  	s7 =	sld [smem:$0x3FAC]  }
0x2d: {  	s3 =	simm.s32 $0x108;
	s8 =	sld [smem:$0x3FAD]  }
0x2e: {  	s3 =	simm.s32 @!p0 $0x1082;
	s9 =	sld [smem:$0x3FAE]  }
0x2f: {  	lr =	sadd.s32 s0, s3;
	s0 =	sld [smem:$0x3FA5]  }
0x30: {  	s3 =	sld [smem:$0x3FA8]  }
0x31: {  	[smem:$0x3FB1] =	sst s10  }
0x32: {  	s10 =	sld [smem:$0x3FAF];
	_ =	sdelay $0x3  }
0x33: {  	p0 =	seq.s32 s10, $0x1;
	s10 =	sld [smem:$0x3FB1];
	_ =	sdelay $0x3  }
0x34: {  	[smem:$0x3FB1] =	sst s10  }
0x35: {  	s10 =	sld [smem:$0x3FB0];
	_ =	sdelay $0x3  }
0x36: {  	p1 =	seq.s32 s10, $0x1;
	s10 =	sld [smem:$0x3FB1];
	_ =	sdelay $0x3  }
0x37: {  	[smem:$0x3FB1] =	sst s10  }
0x38: {  	s10 =	sld [smem:$0x3FB2]  }
0x39: {  	_ = 	snop;
	(pc) =	sbr.ind lr, $3  }
0x3a: {  	_ = 	snop  }
0x3b: {  	_ = 	snop  }
0x3c: {  	p2 =	seq.s32 s10, $0x1;
	s10 =	sld [smem:$0x3FB1]  }
0x3d: {  	_ =	shalt  }
0x3e: {  	_ =	shalt  }
0x3f: {  	_ =	shalt  }
0x40: {  	_ =	shalt  }
0x41: {  	_ =	shalt  }
0x42: {  	_ =	shalt  }
0x43: {  	_ =	shalt  }
0x44: {  	_ =	shalt  }
0x45: {  	_ =	shalt  }
0x46: {  	_ =	shalt  }
0x47: {  	_ =	shalt  }
0x48: {  	_ =	shalt  }
0x49: {  	_ =	shalt  }
0x4a: {  	_ =	shalt  }
0x4b: {  	_ =	shalt  }
0x4c: {  	_ =	shalt  }
0x4d: {  	_ =	shalt  }
0x4e: {  	_ =	shalt  }
0x4f: {  	_ =	shalt  }
0x50: {  	_ =	shalt  }
0x51: {  	_ =	shalt  }
0x52: {  	_ =	shalt  }
0x53: {  	_ =	shalt  }
0x54: {  	_ =	shalt  }
0x55: {  	_ =	shalt  }
0x56: {  	_ =	shalt  }
0x57: {  	_ =	shalt  }
0x58: {  	_ =	shalt  }
0x59: {  	_ =	shalt  }
0x5a: {  	_ =	shalt  }
0x5b: {  	_ =	shalt  }
0x5c: {  	_ =	shalt  }
0x5d: {  	_ =	shalt  }
0x5e: {  	_ =	shalt  }
0x5f: {  	_ =	shalt  }
0x60: {  	_ =	shalt  }
0x61: {  	_ =	shalt  }
0x62: {  	_ =	shalt  }
0x63: {  	_ =	shalt  }
0x64: {  	_ =	shalt  }
0x65: {  	_ =	shalt  }
0x66: {  	_ =	shalt  }
0x67: {  	_ =	shalt  }
0x68: {  	_ =	shalt  }
0x69: {  	_ =	shalt  }
0x6a: {  	_ =	shalt  }
0x6b: {  	_ =	shalt  }
0x6c: {  	_ =	shalt  }
0x6d: {  	_ =	shalt  }
0x6e: {  	_ =	shalt  }
0x6f: {  	_ =	shalt  }
0x70: {  	_ =	shalt  }
0x71: {  	_ =	shalt  }
0x72: {  	_ =	shalt  }
0x73: {  	_ =	shalt  }
0x74: {  	_ =	shalt  }
0x75: {  	_ =	shalt  }
0x76: {  	_ =	shalt  }
0x77: {  	_ =	shalt  }
0x78: {  	_ =	shalt  }
0x79: {  	_ =	shalt  }
0x7a: {  	_ =	shalt  }
0x7b: {  	_ =	shalt  }
0x7c: {  	_ =	shalt  }
0x7d: {  	_ =	shalt  }
0x7e: {  	_ =	shalt  }
0x7f: {  	_ =	shalt  }
0x80: {  	_ =	shalt  }
0x81: {  	_ =	shalt  }
0x82: {  	_ =	shalt  }
0x83: {  	_ =	shalt  }
0x84: {  	_ =	shalt  }
0x85: {  	_ =	shalt  }
0x86: {  	_ =	shalt  }
0x87: {  	_ =	shalt  }
.Lfunc_end0:
.L_simem_size_0:
called_computation.2_lowered:
.L_overlay_start_0:
0x88: {  	s2 =	sld [smem:$0x3FD9]  }
0x89: {  	s3 =	sld [smem:$0x3FFE];
	_ =	sdelay $0x1  }
0x8a: {  	s1 =	srdreg.scid  }
0x8b: {  	s0 =	sand.u32 $0x1, s1  }
0x8c: {  	s16 =	sshll.u32 s0, $0xA;
	s2 =	sadd.s32 s3, s2  }
0x8d: {  	s2 =	sadd.s32 s2, s16  }
0x8e: {  	[smem:$0x3FBD] =	sst s2  }
0x8f: {  	_ = 	snop  }
0x90: {  	(tm) =	ssettm $0x1  }
0x91: {  	s17 =	sld [smem:$0x3FFB];
	_ =	sdelay $0x3  }
0x92: {  	_ =	strace s17  }
0x93: {  	s2 =	sld [smem:$0x3FFC];
	_ =	sdelay $0x3  }
0x94: {  	_ =	strace s2  }
0x95: {  	s2 =	sld [smem:$0x3FFD];
	_ =	sdelay $0x3  }
0x96: {  	_ =	strace s2  }
0x97: {  	_ =	strace $0x8FFFFFFF  }
0x98: {  	s18 =	sld [smem:$0x3FDB];
	_ =	sdelay $0x1  }
0x99: {  	s19 =	simm.s32 $_scs_section_size  }
0x9a: {  	s4 =	simm.s32 $_size__tile_overlayer_lowered;
	s5 =	simm.s32 $_tile_overlayer_lowered  }
0x9b: {  	s22 =	simm.s32 $0x1BFF;
	s21 =	sshll.u32 s5, $0x1;
	s2 =	sadd.s32 s19, s18  }
0x9c: {  	s6 =	simm.s32 $0x0;
	s20 =	sshll.u32 s4, $0x1;
	s4 =	sadd.s32 s21, s2  }
0x9d: {  	[timem:s6], [sflag:s22] =	dma.local [hbm:s4], s20  }
0x9e: {  	_ =	swait.ge [sflag:s22], s20  }
0x9f: {  	s3 =	ssub.s32 $0x0, s20;
	[sflag:s22] =	ssyncset.done $0x0  }
0xa0: {  	[sflag:s22] =	ssyncadd.s32 s3;
	_ =	sdelay $0x1  }
0xa1: {  	s23 =	simm.s32 $0x1B8B  }
0xa2: {  	_ =	swait.ge [sflag:s23], $0x1  }
0xa3: {  	[sflag:s23] =	ssyncset.done $0x0  }
0xa4: {  	s25 =	simm.s32 $0x1B8E;
	s24 =	sld [smem:$0x3FFE];
	[sflag:s23] =	ssyncadd.s32 $0xFFFFFFFF  }
0xa5: {  	s26 =	simm.s32 $execute0_lowered;
	[smem:$0x3FD2] =	sst s25  }
0xa6: {  	s4 =	sshll.u32 s26, $0x1;
	_ =	strace $0x8000004C;
	[dreg:$0x1] =	wrdreg $0xFFFFFFFF  }
0xa7: {  	s28 =	simm.s32 $_size_execute0_lowered;
	s2 =	sadd.s32 s2, s4;
	[dreg:$0x0] =	wrdreg $0x0  }
0xa8: {  	s4 =	sshll.u32 s28, $0x1;
	[dreg:$0x2] =	wrdreg s2  }
0xa9: {  	[dreg:$0x3] =	wrdreg s4  }
0xaa: {  	[dreg:$0x4] =	wrdreg $0xC0  }
0xab: {  	_ =	task [dreg:s6], $0x5FFFF  }
0xac: {  	[dreg:$0x1] =	wrdreg $0xFFFFFFFF  }
0xad: {  	[dreg:$0x0] =	wrdreg $0x60  }
0xae: {  	[dreg:$0x2] =	wrdreg s24  }
0xaf: {  	[dreg:$0x3] =	wrdreg $0x9  }
0xb0: {  	_ =	task.clear_ibuf [dreg:s6], $0x4FFFF;
	_ =	strace $0x9000004C  }
0xb1: {  	s29 =	simm.s32 $0x9;
	_ =	strace $0x8000004E  }
0xb2: {  	_ =	swait.ge [sflag:s29], $0x1  }
0xb3: {  	[sflag:s29] =	ssyncadd.s32 $0xFFFFFFFF  }
0xb4: {  	_ =	strace $0x9000004E  }
0xb5: {  	_ =	sfence  }
0xb6: {  	s30 =	sld [smem:$0x0];
	_ =	sdelay $0x2  }
0xb7: {  	s31 =	sshll.u32 s1, $0xD;
	s1 =	sshrl.u32 s1, $0x2  }
0xb8: {  	s3 =	sand.u32 $0x4000, s31;
	s1 =	sadd.s32 s1, s30  }
0xb9: {  	s0 =	sor.u32 s3, s0;
	s1 =	sshll.u32 s1, $0x11  }
0xba: {  	s0 =	sor.u32 s1, s0  }
0xbb: {  	s0 =	sadd.s32 $0x8F2B, s0  }
0xbc: {  	[sflag:s0] =	ssyncadd.remote.s32 $0x1  }
0xbd: {  	_ =	sfence.sel $0xFFFF  }
0xbe: {  	[dreg:$0x0] =	wrdreg $0xFFFFFFFF;
	(pc) =	sbr.abs _section_cstart, $3  }
0xbf: {  	[dreg:$0x1] =	wrdreg $0xFFFFFFFF  }
0xc0: {  	_ =	task.clear_ibuf [dreg:s6], $0x2FFFF;
	_ =	strace $0x9FFFFFFF  }
0xc1: {  	(tm) =	ssettm $0x7FFFFFFF  }
tec
execute0_lowered:
.L_overlay_start_1:
0x0: {  	(tag) =	ssettag $0x1  }
0x1: {  	s4 =	rddreg [dreg:$0x0]  }
0x2: {  	s0 =	rddreg [dreg:$0x1];
	s2 =	simm.s32 $0x0  }
0x3: {  	s3 =	srdreg.scid;
	s1 =	stileid.u32;
	s13 =	simm.s32 $0x1  }
0x4: {  	s14 =	simm.s32 $0x2;
	s15 =	simm.s32 $0x0;
	s6 =	smul.u32 $0x4E200, s1  }
0x5: {  	[smem:$0x7FF] =	sst s2;
	s5 =	sand.u32 $0x1, s3;
	s8 =	smul.u32 $0x9C40, s1  }
0x6: {  	s3 =	sadd.s32 $0x42E00, s4;
	s9 =	sadd.s32 $0x8200, s4;
	s11 =	smul.u32 $0x4E20, s5  }
0x7: {  	s12 =	sadd.s32 $0x22B400, s4;
	s7 =	ssub.s32 $0x2, s5;
	s5 =	smul.u32 $0x27100, s5  }
0x8: {  	_ =	strace $0x8000004D;
	s10 =	sshrl.u32 s7, $0x1;
	s6 =	sadd.s32 s6, s12  }
0x9: {  	s26 =	ssub.s32 s7, s10;
	s28 =	sadd.s32 s11, s8;
	s5 =	sadd.s32 s5, s6  }
0xa: {  	s10 =	simm.s32 $0x190;
	s11 =	simm.s32 $0x320;
	s7 =	sadd.s32 $0x190, s28  }
0xb: {  	s4 =	smax.u32 s26, $0x1;
	s29 =	sshrl.u32 s28, $0x3;
	s30 =	sshll.u32 s7, $0x3  }
0xc: {  	s6 =	sadd.s32 s29, s9;
	s31 =	sshrl.u32 s7, $0x3;
	s7 =	sadd.s32 s30, s12  }
0xd: {  	s8 =	sadd.s32 s31, s9;
	s9 =	simm.s32 $0x3;
	s12 =	simm.s32 $0x6720  }
.LBB2_1:
0xe: {  	s16 =	sadd.s32 $0x0, s6  }
0xf: {  	[tilespmem:s2], [sflag:$0x3] =	stream.linear.gather [hbm4b:s16+s2], $0x190, $0x38;
	[tilespmem:$0xCB20] =	vst v63  }
0x10: {  	_ =	swait.ge [sflag:s9], $0x190  }
0x11: {  	[sflag:s9] =	ssyncset.done $0x0  }
0x12: {  	[sflag:s9] =	ssyncadd.s32 $0xFFFFFE70  }
0x13: {  	[tilespmem:s11], [sflag:$0x1] =	stream.indirect.gather [hbm4b:s3+s10], $0x40, s2, s10, $0xb8;
	[tilespmem:$0xCB20] =	vst v63  }
0x14: {  	s31 =	sadd.s32 $0x0, s8  }
0x15: {  	[tilespmem:s10], [sflag:$0x3] =	stream.linear.gather [hbm4b:s31+s2], $0x190, $0x38;
	[tilespmem:$0xCB20] =	vst v63  }
0x16: {  	_ =	swait.ge [sflag:s9], $0x190  }
0x17: {  	[sflag:s9] =	ssyncset.done $0x0  }
0x18: {  	[sflag:s9] =	ssyncadd.s32 $0xFFFFFE70  }
0x19: {  	[tilespmem:s12], [sflag:$0x2] =	stream.indirect.gather [hbm4b:s3+s10], $0x40, s10, s10, $0xb8;
	[tilespmem:$0xCB20] =	vst v63  }
0x1a: {  	_ =	swait.ge [sflag:s13], $0x6400  }
0x1b: {  	[sflag:s13] =	ssyncset.done $0x0  }
0x1c: {  	[sflag:s13] =	ssyncadd.s32 $0xFFFF9C00  }
0x1d: {  	[hbm4b:s5+s2] =	stream.linear.scatter [tilespmem:s11], [sflag:$0x3], $0x6400, $0x38;
	[tilespmem:$0xCB20] =	vst v63  }
0x1e: {  	_ =	swait.ge [sflag:s9], $0x6400  }
0x1f: {  	[sflag:s9] =	ssyncset.done $0x0  }
0x20: {  	[sflag:s9] =	ssyncadd.s32 $0xFFFF9C00  }
0x21: {  	_ =	swait.ge [sflag:s14], $0x6400  }
0x22: {  	[sflag:s14] =	ssyncset.done $0x0  }
0x23: {  	[sflag:s14] =	ssyncadd.s32 $0xFFFF9C00  }
0x24: {  	[hbm4b:s7+s2] =	stream.linear.scatter [tilespmem:s12], [sflag:$0x3], $0x6400, $0x38;
	[tilespmem:$0xCB20] =	vst v63  }
0x25: {  	s18 =	simm.s32 $0x64;
	s19 =	simm.s32 $0xC8;
	_ =	swait.ge [sflag:s9], $0x6400  }
0x26: {  	s17 =	sadd.s32 $0x1900, s5;
	s16 =	sadd.s32 $0x1900, s7;
	[sflag:s9] =	ssyncset.done $0x0  }
.LBB2_2:
0x27: {  	s20 =	sadd.s32 s18, s6  }
0x28: {  	[sflag:s9] =	ssyncadd.s32 $0xFFFF9C00;
	s21 =	smov.u32 s19;
	s22 =	sadd.s32 $0x64, s19  }
0x29: {  	[tilespmem:s2], [sflag:$0x3] =	stream.linear.gather [hbm4b:s20+s2], $0x190, $0x38;
	[tilespmem:$0xCB20] =	vst v63  }
0x2a: {  	p0 =	sne.s32 s19, $0x960;
	_ =	swait.ge [sflag:s9], $0x190  }
0x2b: {  	[sflag:s9] =	ssyncset.done $0x0  }
0x2c: {  	[sflag:s9] =	ssyncadd.s32 $0xFFFFFE70  }
0x2d: {  	[tilespmem:s11], [sflag:$0x1] =	stream.indirect.gather [hbm4b:s3+s10], $0x40, s2, s10, $0xb8;
	[tilespmem:$0xCB20] =	vst v63  }
0x2e: {  	s19 =	sadd.s32 s18, s8;
	s18 =	smov.u32 s21  }
0x2f: {  	[tilespmem:s10], [sflag:$0x3] =	stream.linear.gather [hbm4b:s19+s2], $0x190, $0x38;
	[tilespmem:$0xCB20] =	vst v63  }
0x30: {  	_ =	swait.ge [sflag:s9], $0x190  }
0x31: {  	[sflag:s9] =	ssyncset.done $0x0  }
0x32: {  	[sflag:s9] =	ssyncadd.s32 $0xFFFFFE70  }
0x33: {  	[tilespmem:s12], [sflag:$0x2] =	stream.indirect.gather [hbm4b:s3+s10], $0x40, s10, s10, $0xb8;
	[tilespmem:$0xCB20] =	vst v63  }
0x34: {  	_ =	swait.ge [sflag:s13], $0x6400  }
0x35: {  	[sflag:s13] =	ssyncset.done $0x0  }
0x36: {  	[sflag:s13] =	ssyncadd.s32 $0xFFFF9C00  }
0x37: {  	[hbm4b:s17+s2] =	stream.linear.scatter [tilespmem:s11], [sflag:$0x3], $0x6400, $0x38;
	[tilespmem:$0xCB20] =	vst v63  }
0x38: {  	_ =	swait.ge [sflag:s9], $0x6400  }
0x39: {  	[sflag:s9] =	ssyncset.done $0x0  }
0x3a: {  	[sflag:s9] =	ssyncadd.s32 $0xFFFF9C00  }
0x3b: {  	_ =	swait.ge [sflag:s14], $0x6400  }
.Ltmp0:
0x3c: {  	[sflag:s14] =	ssyncset.done $0x0;
	(pc) =	sbr.rel @p0 .LBB2_2-.Ltmp0, $4  }
0x3d: {  	[sflag:s14] =	ssyncadd.s32 $0xFFFF9C00  }
0x3e: {  	[hbm4b:s16+s2] =	stream.linear.scatter [tilespmem:s12], [sflag:$0x3], $0x6400, $0x38;
	[tilespmem:$0xCB20] =	vst v63  }
0x3f: {  	s19 =	smov.u32 s22;
	_ =	swait.ge [sflag:s9], $0x6400  }
0x40: {  	s17 =	sadd.s32 $0x1900, s17;
	s16 =	sadd.s32 $0x1900, s16;
	[sflag:s9] =	ssyncset.done $0x0  }
0x41: {  	s19 =	sadd.s32 s18, s6;
	[sflag:s9] =	ssyncadd.s32 $0xFFFF9C00  }
0x42: {  	[tilespmem:s2], [sflag:$0x3] =	stream.linear.gather [hbm4b:s19+s2], $0x190, $0x38;
	[tilespmem:$0xCB20] =	vst v63  }
0x43: {  	_ =	swait.ge [sflag:s9], $0x190  }
0x44: {  	[sflag:s9] =	ssyncset.done $0x0  }
0x45: {  	[sflag:s9] =	ssyncadd.s32 $0xFFFFFE70  }
0x46: {  	[tilespmem:s11], [sflag:$0x1] =	stream.indirect.gather [hbm4b:s3+s10], $0x40, s2, s10, $0xb8;
	[tilespmem:$0xCB20] =	vst v63  }
0x47: {  	s31 =	sadd.s32 s18, s8  }
0x48: {  	[tilespmem:s10], [sflag:$0x3] =	stream.linear.gather [hbm4b:s31+s2], $0x190, $0x38;
	[tilespmem:$0xCB20] =	vst v63  }
0x49: {  	_ =	swait.ge [sflag:s9], $0x190  }
0x4a: {  	[sflag:s9] =	ssyncset.done $0x0  }
0x4b: {  	[sflag:s9] =	ssyncadd.s32 $0xFFFFFE70  }
0x4c: {  	[tilespmem:s12], [sflag:$0x2] =	stream.indirect.gather [hbm4b:s3+s10], $0x40, s10, s10, $0xb8;
	[tilespmem:$0xCB20] =	vst v63  }
0x4d: {  	_ =	swait.ge [sflag:s13], $0x6400  }
0x4e: {  	[sflag:s13] =	ssyncset.done $0x0  }
0x4f: {  	[sflag:s13] =	ssyncadd.s32 $0xFFFF9C00  }
0x50: {  	[hbm4b:s17+s2] =	stream.linear.scatter [tilespmem:s11], [sflag:$0x3], $0x6400, $0x38;
	[tilespmem:$0xCB20] =	vst v63  }
0x51: {  	_ =	swait.ge [sflag:s9], $0x6400  }
0x52: {  	[sflag:s9] =	ssyncset.done $0x0  }
0x53: {  	[sflag:s9] =	ssyncadd.s32 $0xFFFF9C00  }
0x54: {  	s15 =	sadd.s32 $0x1, s15;
	_ =	swait.ge [sflag:s14], $0x6400  }
0x55: {  	p0 =	sne.s32 s15, s4;
	[sflag:s14] =	ssyncset.done $0x0  }
.Ltmp1:
0x56: {  	[sflag:s14] =	ssyncadd.s32 $0xFFFF9C00;
	(pc) =	sbr.rel @p0 .LBB2_1-.Ltmp1, $4  }
0x57: {  	[hbm4b:s16+s2] =	stream.linear.scatter [tilespmem:s12], [sflag:$0x3], $0x6400, $0x38;
	[tilespmem:$0xCB20] =	vst v63  }
0x58: {  	_ =	swait.ge [sflag:s9], $0x6400  }
0x59: {  	[sflag:s9] =	ssyncset.done $0x0  }
0x5a: {  	[sflag:s9] =	ssyncadd.s32 $0xFFFF9C00  }
0x5b: {  	_ =	sfence.sel $0x180000  }
0x5c: {  	[bflag:$0x0] =	sbarrier.arrive $0xFFFF  }
0x5d: {  	p0 =	sne.s32 s1, $0x0;
	_ =	strace $0x9000004D  }
0x5e: {  	s0 =	sadd.s32 @!p0 $0x100000, s0;
	[bflag:$0x2] =	sbarrier.arrive $0xFFFF  }
0x5f: {  	[sflag:s0] =	ssyncadd.tile.s32 @!p0 $0x1;
	_ =	shalt  }
.Lfunc_end2:
_tile_overlayer_lowered:
.L_overlay_start_2:
0x60: {  	(tag) =	ssettag $0x2  }
0x61: {  	s0 =	rddreg [dreg:$0x0];
	s2 =	stileid.u32  }
0x62: {  	s1 =	rddreg [dreg:$0x1];
	p0 =	sne.s32 s2, $0x0  }
0x63: {  	s3 =	rddreg [dreg:$0x2];
	[bflag:$0x3] =	sbarrier.arrive $0xFFFF;
	s2 =	simm.s32 @!p0 $0x1C03  }
0x64: {  	[timem:s3], [sflag:s2] =	dma.local @!p0 [hbm:s0], s1  }
0x65: {  	s0 =	simm.s32 @!p0 $0x3  }
0x66: {  	_ =	swait.ge @!p0 [sflag:s0], s1  }
0x67: {  	s1 =	ssub.s32 @!p0 $0x0, s1;
	[sflag:s0] =	ssyncset.done @!p0 $0x0  }
0x68: {  	[sflag:s0] =	ssyncadd.s32 @!p0 s1  }
0x69: {  	[bflag:$0x3] =	sbarrier.arrive $0xFFFF  }
0x6a: {  	_ =	shalt  }

// kernel: kernel.22.cloned.1.call-start
scs
__scs_entry_jumppad:
0x0: {  	(pc) =	sbr.rel $0x88, $3  }
0x1: {  	(tag) =	ssettag $0x0;
	lr =	simm.s32 $0x1  }
0x2: {  	[smem:$0x3F96] =	sst lr;
	_ =	strace $0xD0000000  }
0x3: {  	_ = 	snop  }
0x4: {  	_ = 	snop  }
0x5: {  	_ = 	snop  }
0x6: {  	_ = 	snop  }
0x7: {  	_ = 	snop  }
__scs_overlays_trampoline_lowered:
0x8: {  	[smem:$0x3FA5] =	sst s0  }
0x9: {  	[smem:$0x3FA6] =	sst s1  }
0xa: {  	[smem:$0x3FA7] =	sst s2  }
0xb: {  	[smem:$0x3FA8] =	sst s3  }
0xc: {  	[smem:$0x3FA9] =	sst s4  }
0xd: {  	[smem:$0x3FAA] =	sst s5  }
0xe: {  	[smem:$0x3FAB] =	sst s6  }
0xf: {  	[smem:$0x3FAC] =	sst s7  }
0x10: {  	[smem:$0x3FAD] =	sst s8  }
0x11: {  	[smem:$0x3FAE] =	sst s9;
	s0 =	simm.s32 @!p0 $0x0  }
0x12: {  	s1 =	sld [smem:$0x3F94];
	s0 =	simm.s32 @p0 $0x1  }
0x13: {  	[smem:$0x3FAF] =	sst s0;
	s0 =	simm.s32 @!p1 $0x0  }
0x14: {  	s2 =	sld [smem:$0x3F93];
	s0 =	simm.s32 @p1 $0x1  }
0x15: {  	[smem:$0x3FB0] =	sst s0;
	s0 =	simm.s32 @!p2 $0x0  }
0x16: {  	s3 =	sld [smem:$0x3FDB];
	s0 =	simm.s32 @p2 $0x1  }
0x17: {  	s4 =	simm.s32 $0x1BF5;
	[smem:$0x3FB2] =	sst s0  }
0x18: {  	s0 =	sld [smem:$0x3F95];
	_ =	swait.ge [sflag:s4], $0x0  }
0x19: {  	s7 =	sld [smem:$0x3F96]  }
0x1a: {  	s8 =	sadd.s32 $0xFFFFE003, lr  }
0x1b: {  	s9 =	sadd.s32 $0xFFFFFEF7, lr;
	s5 =	simm.s32 $0xFFFFFFFF;
	p2 =	slt.u32 s8, $0xFFFFF086  }
0x1c: {  	p1 =	slt.u32 s9, $0xF7A;
	s5 =	simm.s32 @!p2 $0x0  }
0x1d: {  	s5 =	simm.s32 @p1 $0x1;
	p0 =	seq.s32 s7, s2  }
0x1e: {  	s7 =	smul.u32 @!p0 $0xF7A, s2;
	p2 =	seq.s32 @!p0 s5, $0x0  }
0x1f: {  	s9 =	smul.u32 $0xF7A, s1;
	s8 =	simm.s32 @!p0 $0x1BF5;
	p2 =	por !p2, p0  }
0x20: {  	[sflag:s8] =	ssyncset.s32 @!p0 $0xFFFFF086;
	s6 =	sadd.s32 @!p0 s3, s7;
	s7 =	simm.s32 @!p0 $0x108  }
0x21: {  	s3 =	sadd.s32 s3, s9;
	s6 =	sadd.s32 @!p0 $0x88, s6;
	s7 =	simm.s32 @p2 $0x1082  }
0x22: {  	[simem:s7], [sflag:s8] =	dma.local @!p0 [hbm:s6], $0xF7A  }
0x23: {  	s9 =	sor.u32 $0xD0000000, s2;
	s6 =	simm.s32 $0x108;
	_ =	swait.ge @!p0 [sflag:s8], $0x0  }
0x24: {  	s3 =	sadd.s32 $0x88, s3;
	s6 =	simm.s32 @!p1 $0x1082;
	[sflag:s4] =	ssyncset.s32 $0xFFFFF086  }
0x25: {  	[simem:s6], [sflag:s4] =	dma.local [hbm:s3], $0xF7A  }
0x26: {  	[smem:$0x3F96] =	sst s1;
	(tag) =	ssettag s2;
	_ =	strace s9  }
0x27: {  	s1 =	sld [smem:$0x3FA6]  }
0x28: {  	s2 =	sld [smem:$0x3FA7]  }
0x29: {  	s4 =	sld [smem:$0x3FA9]  }
0x2a: {  	p0 =	seq.s32 s5, $0x0;
	s5 =	sld [smem:$0x3FAA]  }
0x2b: {  	s6 =	sld [smem:$0x3FAB]  }
0x2c: {  	s7 =	sld [smem:$0x3FAC]  }
0x2d: {  	s3 =	simm.s32 $0x108;
	s8 =	sld [smem:$0x3FAD]  }
0x2e: {  	s3 =	simm.s32 @!p0 $0x1082;
	s9 =	sld [smem:$0x3FAE]  }
0x2f: {  	lr =	sadd.s32 s0, s3;
	s0 =	sld [smem:$0x3FA5]  }
0x30: {  	s3 =	sld [smem:$0x3FA8]  }
0x31: {  	[smem:$0x3FB1] =	sst s10  }
0x32: {  	s10 =	sld [smem:$0x3FAF];
	_ =	sdelay $0x3  }
0x33: {  	p0 =	seq.s32 s10, $0x1;
	s10 =	sld [smem:$0x3FB1];
	_ =	sdelay $0x3  }
0x34: {  	[smem:$0x3FB1] =	sst s10  }
0x35: {  	s10 =	sld [smem:$0x3FB0];
	_ =	sdelay $0x3  }
0x36: {  	p1 =	seq.s32 s10, $0x1;
	s10 =	sld [smem:$0x3FB1];
	_ =	sdelay $0x3  }
0x37: {  	[smem:$0x3FB1] =	sst s10  }
0x38: {  	s10 =	sld [smem:$0x3FB2]  }
0x39: {  	_ = 	snop;
	(pc) =	sbr.ind lr, $3  }
0x3a: {  	_ = 	snop  }
0x3b: {  	_ = 	snop  }
0x3c: {  	p2 =	seq.s32 s10, $0x1;
	s10 =	sld [smem:$0x3FB1]  }
0x3d: {  	_ =	shalt  }
0x3e: {  	_ =	shalt  }
0x3f: {  	_ =	shalt  }
0x40: {  	_ =	shalt  }
0x41: {  	_ =	shalt  }
0x42: {  	_ =	shalt  }
0x43: {  	_ =	shalt  }
0x44: {  	_ =	shalt  }
0x45: {  	_ =	shalt  }
0x46: {  	_ =	shalt  }
0x47: {  	_ =	shalt  }
0x48: {  	_ =	shalt  }
0x49: {  	_ =	shalt  }
0x4a: {  	_ =	shalt  }
0x4b: {  	_ =	shalt  }
0x4c: {  	_ =	shalt  }
0x4d: {  	_ =	shalt  }
0x4e: {  	_ =	shalt  }
0x4f: {  	_ =	shalt  }
0x50: {  	_ =	shalt  }
0x51: {  	_ =	shalt  }
0x52: {  	_ =	shalt  }
0x53: {  	_ =	shalt  }
0x54: {  	_ =	shalt  }
0x55: {  	_ =	shalt  }
0x56: {  	_ =	shalt  }
0x57: {  	_ =	shalt  }
0x58: {  	_ =	shalt  }
0x59: {  	_ =	shalt  }
0x5a: {  	_ =	shalt  }
0x5b: {  	_ =	shalt  }
0x5c: {  	_ =	shalt  }
0x5d: {  	_ =	shalt  }
0x5e: {  	_ =	shalt  }
0x5f: {  	_ =	shalt  }
0x60: {  	_ =	shalt  }
0x61: {  	_ =	shalt  }
0x62: {  	_ =	shalt  }
0x63: {  	_ =	shalt  }
0x64: {  	_ =	shalt  }
0x65: {  	_ =	shalt  }
0x66: {  	_ =	shalt  }
0x67: {  	_ =	shalt  }
0x68: {  	_ =	shalt  }
0x69: {  	_ =	shalt  }
0x6a: {  	_ =	shalt  }
0x6b: {  	_ =	shalt  }
0x6c: {  	_ =	shalt  }
0x6d: {  	_ =	shalt  }
0x6e: {  	_ =	shalt  }
0x6f: {  	_ =	shalt  }
0x70: {  	_ =	shalt  }
0x71: {  	_ =	shalt  }
0x72: {  	_ =	shalt  }
0x73: {  	_ =	shalt  }
0x74: {  	_ =	shalt  }
0x75: {  	_ =	shalt  }
0x76: {  	_ =	shalt  }
0x77: {  	_ =	shalt  }
0x78: {  	_ =	shalt  }
0x79: {  	_ =	shalt  }
0x7a: {  	_ =	shalt  }
0x7b: {  	_ =	shalt  }
0x7c: {  	_ =	shalt  }
0x7d: {  	_ =	shalt  }
0x7e: {  	_ =	shalt  }
0x7f: {  	_ =	shalt  }
0x80: {  	_ =	shalt  }
0x81: {  	_ =	shalt  }
0x82: {  	_ =	shalt  }
0x83: {  	_ =	shalt  }
0x84: {  	_ =	shalt  }
0x85: {  	_ =	shalt  }
0x86: {  	_ =	shalt  }
0x87: {  	_ =	shalt  }
.Lfunc_end0:
.L_simem_size_0:
called_computation.3_lowered:
.L_overlay_start_0:
0x88: {  	s2 =	sld [smem:$0x3FD9]  }
0x89: {  	s3 =	sld [smem:$0x3FFE];
	_ =	sdelay $0x1  }
0x8a: {  	s1 =	srdreg.scid  }
0x8b: {  	s0 =	sand.u32 $0x1, s1  }
0x8c: {  	s16 =	sshll.u32 s0, $0xA;
	s2 =	sadd.s32 s3, s2  }
0x8d: {  	s2 =	sadd.s32 s2, s16  }
0x8e: {  	[smem:$0x3FBD] =	sst s2  }
0x8f: {  	_ = 	snop  }
0x90: {  	(tm) =	ssettm $0x1  }
0x91: {  	s17 =	sld [smem:$0x3FFB];
	_ =	sdelay $0x3  }
0x92: {  	_ =	strace s17  }
0x93: {  	s2 =	sld [smem:$0x3FFC];
	_ =	sdelay $0x3  }
0x94: {  	_ =	strace s2  }
0x95: {  	s2 =	sld [smem:$0x3FFD];
	_ =	sdelay $0x3  }
0x96: {  	_ =	strace s2  }
0x97: {  	_ =	strace $0x8FFFFFFF  }
0x98: {  	s18 =	sld [smem:$0x3FDB];
	_ =	sdelay $0x1  }
0x99: {  	s19 =	simm.s32 $_scs_section_size  }
0x9a: {  	s4 =	simm.s32 $_size__tile_overlayer_lowered;
	s5 =	simm.s32 $_tile_overlayer_lowered  }
0x9b: {  	s22 =	simm.s32 $0x1BFF;
	s21 =	sshll.u32 s5, $0x1;
	s2 =	sadd.s32 s19, s18  }
0x9c: {  	s6 =	simm.s32 $0x0;
	s20 =	sshll.u32 s4, $0x1;
	s4 =	sadd.s32 s21, s2  }
0x9d: {  	[timem:s6], [sflag:s22] =	dma.local [hbm:s4], s20  }
0x9e: {  	_ =	swait.ge [sflag:s22], s20  }
0x9f: {  	s3 =	ssub.s32 $0x0, s20;
	[sflag:s22] =	ssyncset.done $0x0  }
0xa0: {  	[sflag:s22] =	ssyncadd.s32 s3;
	_ =	sdelay $0x1  }
0xa1: {  	s23 =	simm.s32 $0x1B8B  }
0xa2: {  	_ =	swait.ge [sflag:s23], $0x1  }
0xa3: {  	[sflag:s23] =	ssyncset.done $0x0  }
0xa4: {  	s25 =	simm.s32 $0x1B8E;
	s24 =	sld [smem:$0x3FFE];
	[sflag:s23] =	ssyncadd.s32 $0xFFFFFFFF  }
0xa5: {  	s26 =	simm.s32 $execute0_lowered;
	[smem:$0x3FD2] =	sst s25  }
0xa6: {  	s4 =	sshll.u32 s26, $0x1;
	_ =	strace $0x8000004F;
	[dreg:$0x1] =	wrdreg $0xFFFFFFFF  }
0xa7: {  	s28 =	simm.s32 $_size_execute0_lowered;
	s2 =	sadd.s32 s2, s4;
	[dreg:$0x0] =	wrdreg $0x0  }
0xa8: {  	s4 =	sshll.u32 s28, $0x1;
	[dreg:$0x2] =	wrdreg s2  }
0xa9: {  	[dreg:$0x3] =	wrdreg s4  }
0xaa: {  	[dreg:$0x4] =	wrdreg $0xC0  }
0xab: {  	_ =	task [dreg:s6], $0x5FFFF  }
0xac: {  	[dreg:$0x1] =	wrdreg $0xFFFFFFFF  }
0xad: {  	[dreg:$0x0] =	wrdreg $0x60  }
0xae: {  	[dreg:$0x2] =	wrdreg s24  }
0xaf: {  	[dreg:$0x3] =	wrdreg $0x9  }
0xb0: {  	_ =	task.clear_ibuf [dreg:s6], $0x4FFFF;
	_ =	strace $0x9000004F  }
0xb1: {  	s29 =	simm.s32 $0x9;
	_ =	strace $0x80000051  }
0xb2: {  	_ =	swait.ge [sflag:s29], $0x1  }
0xb3: {  	[sflag:s29] =	ssyncadd.s32 $0xFFFFFFFF  }
0xb4: {  	_ =	strace $0x90000051  }
0xb5: {  	_ =	sfence  }
0xb6: {  	s30 =	sld [smem:$0x0];
	_ =	sdelay $0x2  }
0xb7: {  	s31 =	sshll.u32 s1, $0xD;
	s1 =	sshrl.u32 s1, $0x2  }
0xb8: {  	s3 =	sand.u32 $0x4000, s31;
	s1 =	sadd.s32 s1, s30  }
0xb9: {  	s0 =	sor.u32 s3, s0;
	s1 =	sshll.u32 s1, $0x11  }
0xba: {  	s0 =	sor.u32 s1, s0  }
0xbb: {  	s0 =	sadd.s32 $0x8F2B, s0  }
0xbc: {  	[sflag:s0] =	ssyncadd.remote.s32 $0x1  }
0xbd: {  	_ =	sfence.sel $0xFFFF  }
0xbe: {  	[dreg:$0x0] =	wrdreg $0xFFFFFFFF;
	(pc) =	sbr.abs _section_cstart, $3  }
0xbf: {  	[dreg:$0x1] =	wrdreg $0xFFFFFFFF  }
0xc0: {  	_ =	task.clear_ibuf [dreg:s6], $0x2FFFF;
	_ =	strace $0x9FFFFFFF  }
0xc1: {  	(tm) =	ssettm $0x7FFFFFFF  }
tec
execute0_lowered:
.L_overlay_start_1:
0x0: {  	(tag) =	ssettag $0x1  }
0x1: {  	s0 =	rddreg [dreg:$0x0];
	s1 =	srdreg.scid  }
0x2: {  	s2 =	stileid.u32;
	s11 =	simm.s32 $0x0;
	s13 =	simm.s32 $0x10  }
0x3: {  	s14 =	simm.s32 $0x40;
	s16 =	simm.s32 $0x1;
	s17 =	simm.s32 $0x3  }
0x4: {  	s18 =	simm.s32 $0x13BB0;
	s19 =	simm.s32 $0x170D0;
	s20 =	simm.s32 $0x2  }
0x5: {  	s21 =	simm.s32 $0x4;
	s23 =	simm.s32 $0x0;
	s24 =	simm.s32 $0x0  }
0x6: {  	s1 =	sand.u32 $0x1, s1;
	s3 =	sshll.u32 s2, $0x1;
	[smem:$0x7FF] =	sst s11  }
0x7: {  	s4 =	sadd.s32 $0x3200, s0;
	s26 =	sshll.u32 s2, $0x2;
	s10 =	sshll.u32 s2, $0x1E  }
0x8: {  	s5 =	sor.u32 s1, s3;
	_ =	strace $0x80000050;
	s3 =	sadd.s32 $0x2B3E00, s0  }
0x9: {  	s1 =	ssub.s32 $0x2, s1;
	s6 =	smul.u32 $0x2710, s5;
	s25 =	sand.u32 $0x3, s5  }
0xa: {  	s10 =	sshra.s32 s10, $0x1F;
	s7 =	sshrl.u32 s1, $0x1;
	s8 =	smul.u32 $0x271000, s25  }
0xb: {  	s5 =	sand.u32 $0x30, s26;
	s9 =	smul.u32 $0x9C40, s25;
	s1 =	ssub.s32 s1, s7  }
0xc: {  	s0 =	sadd.s32 s6, s0;
	s6 =	smul.u32 $0x1388, s25;
	s31 =	smax.u32 s1, $0x1  }
0xd: {  	s8 =	sor.u32 s5, s8;
	s0 =	sadd.s32 $0x42E00, s0;
	[dreg:$0x5] =	wrdreg s31  }
0xe: {  	s28 =	sshrl.u32 s8, $0x3;
	s29 =	sadd.s32 s4, s6;
	[dreg:$0x4] =	wrdreg s0  }
0xf: {  	s12 =	sand.u32 $0x1388, s10;
	[dreg:$0x2] =	wrdreg s29;
	s30 =	sadd.s32 s3, s28  }
0x10: {  	v1 =	vimm.f32 $-Inf;
	v0 =	vmov s12;
	s8 =	sadd.s32 $0x320, s9;
	s9 =	sadd.s32 $0x640, s9;
	[dreg:$0x3] =	wrdreg s30  }
.LBB2_1:
0x11: {  	s0 =	rddreg [dreg:$0x2]  }
0x12: {  	s1 =	simm.s32 $0x13890;
	s30 =	rddreg [dreg:$0x3]  }
0x13: {  	[tilespmem:s1], [sflag:$0x1] =	stream.linear.gather [hbm4b:s0+s11], $0x320, $0x38;
	[tilespmem:$0x1A2D0] =	vst v63  }
0x14: {  	s31 =	simm.s32 $0x13ED0;
	s0 =	simm.s32 $0x40;
	s1 =	simm.s32 $0x0  }
0x15: {  	[tilespmem:s31], [sflag:$0x3] =	stream.strided.gather [hbm4b:s30+s13], $0x3200, s14, s13, $0x38;
	[tilespmem:$0x1A2D0] =	vst v63  }
.LBB2_2:
0x16: {  	p0 =	sne.s32 s0, $0x4E1C0;
	[tilespmem:s1+$0x0] =	vst v1;
	s1 =	smov.u32 s0;
	s0 =	sadd.s32 $0x40, s0  }
.Ltmp0:
0x17: {  	(pc) =	sbr.rel @p0 .LBB2_2-.Ltmp0, $2  }
0x18: {  	_ =	sdelay $0x2  }
0x19: {  	s1 =	sshra.s32 s1, $0x2  }
0x1a: {  	[tilespmem:s1+$0x0] =	vst v1;
	s25 =	simm.s32 $0x0  }
.LBB2_4:
0x1b: {  	_ =	swait.ge [sflag:s16], $0x320;
	s26 =	smul.u32 $0x640, s25  }
0x1c: {  	[sflag:s16] =	ssyncset.done $0x0  }
0x1d: {  	[sflag:s16] =	ssyncadd.s32 $0xFFFFFCE0;
	s0 =	sadd.s32 s26, s8  }
0x1e: {  	_ =	swait.ge [sflag:s17], $0x3200;
	s1 =	sshrl.u32 s0, $0x3;
	s0 =	sshll.u32 s0, $0x6  }
0x1f: {  	[sflag:s17] =	ssyncset.done $0x0;
	s0 =	sor.u32 s5, s0  }
0x20: {  	s1 =	sadd.s32 s4, s1;
	[sflag:s17] =	ssyncadd.s32 $0xFFFFCE00;
	s0 =	sshrl.u32 s0, $0x3  }
0x21: {  	[tilespmem:s18], [sflag:$0x2] =	stream.linear.gather [hbm4b:s1+s24], $0x320, $0x38;
	[tilespmem:$0x1A2D0] =	vst v63  }
0x22: {  	s7 =	simm.s32 $0x0;
	s0 =	sadd.s32 s3, s0  }
0x23: {  	[tilespmem:s19], [sflag:$0x4] =	stream.strided.gather [hbm4b:s0+s13], $0x3200, s14, s13, $0x38;
	[tilespmem:$0x1A2D0] =	vst v63  }
0x24: {  	v2 =	vld [tilespmem:s7+$0x13890];
	_ =	sdelay $0x4  }
0x25: {  	v2 =	vsub.s32 v2, v0  }
0x26: {  	v2 =	vmin.u32 v2, $0x1388  }
0x27: {  	(v2sf) =	vpush v2, $0x3  }
0x28: {  	(v2sf) =	vpush v2, $0x2  }
0x29: {  	(v2sf) =	vpush v2, $0x0  }
0x2a: {  	(v2sf) =	vpush v2, $0x1;
	_ =	sdelay $0x7  }
0x2b: {  	(v2sf) =	vpush v2, $0x8  }
0x2c: {  	(v2sf) =	vpush v2, $0x4  }
0x2d: {  	(v2sf) =	vpush v2, $0x5  }
0x2e: {  	s28 =	simm.s32 $0x13F50;
	(v2sf) =	vpush v2, $0x9  }
0x2f: {  	v3 =	vld [tilespmem:s28+$0xFFFFFF90];
	(v2sf) =	vpush v2, $0xA;
	s0 =	spop (v2sf)  }
0x30: {  	v4 =	vld [tilespmem:s28+$0xFFFFFF80];
	(v2sf) =	vpush v2, $0xC;
	s1 =	spop (v2sf)  }
0x31: {  	(v2sf) =	vpush v2, $0xD;
	s12 =	spop (v2sf)  }
0x32: {  	v5 =	vld [tilespmem:s28+$0xFFFFFFA0];
	(v2sf) =	vpush v2, $0xE;
	s15 =	spop (v2sf)  }
0x33: {  	p0 =	seq.s32 s0, s12;
	p1 =	seq.s32 s1, s12;
	(v2sf) =	vpush v2, $0x7;
	p3 =	seq.s32 s15, s12  }
0x34: {  	v6 =	vld [tilespmem:s28+$0xFFFFFFB0];
	s0 =	simm.s32 @p0 $0x1388;
	s1 =	simm.s32 @p1 $0x1388;
	(v2sf) =	vpush v2, $0x6;
	s15 =	simm.s32 @p3 $0x1388  }
0x35: {  	v7 =	vmax.f32 v4, v3;
	s12 =	sshll.u32 s12, $0x4;
	p4 =	seq.s32 s1, s15;
	p2 =	seq.s32 s0, s15  }
0x36: {  	v4 =	vpsel p3, v7, v4;
	v7 =	vld [tilespmem:s12+$0x0];
	s29 =	sshll.u32 s15, $0x4;
	s1 =	simm.s32 @p4 $0x1388;
	s0 =	simm.s32 @p2 $0x1388  }
0x37: {  	v8 =	vmax.f32 v4, v5;
	v9 =	vld [tilespmem:s29+$0x0];
	p3 =	seq.s32 s0, s1;
	s1 =	sshll.u32 s1, $0x4;
	s0 =	sshll.u32 s0, $0x4  }
0x38: {  	v10 =	vmax.f32 v3, v5;
	v4 =	vpsel p1, v8, v4;
	v8 =	vld [tilespmem:s1+$0x0];
	s0 =	simm.s32 @p3 $0x13880  }
0x39: {  	v3 =	vpsel p4, v10, v3;
	v10 =	vmax.f32 v4, v6;
	v11 =	vld [tilespmem:s0+$0x0]  }
0x3a: {  	s10 =	spop (v2sf);
	v12 =	vmax.f32 v3, v6;
	v4 =	vpsel p0, v10, v4  }
0x3b: {  	s31 =	spop (v2sf);
	v3 =	vpsel p2, v12, v3;
	v10 =	vmax.f32 v5, v6;
	v4 =	vmax.f32 v7, v4  }
0x3c: {  	s2 =	spop (v2sf);
	v5 =	vpsel p3, v10, v5;
	[tilespmem:s12+$0x0] =	vst v4;
	v3 =	vmax.f32 v9, v3  }
0x3d: {  	s30 =	spop (v2sf);
	[tilespmem:s29+$0x0] =	vst v3;
	v4 =	vmax.f32 v8, v5  }
0x3e: {  	s29 =	spop (v2sf);
	[tilespmem:s1+$0x0] =	vst v4;
	v3 =	vmax.f32 v11, v6  }
0x3f: {  	s11 =	spop (v2sf);
	[tilespmem:s0+$0x0] =	vst v3  }
0x40: {  	s1 =	spop (v2sf);
	v3 =	vld [tilespmem:s28+$0xFFFFFFD0]  }
0x41: {  	s0 =	spop (v2sf);
	v4 =	vld [tilespmem:s28+$0xFFFFFFC0]  }
0x42: {  	s6 =	spop (v2sf)  }
0x43: {  	v5 =	vld [tilespmem:s28+$0xFFFFFFE0];
	s7 =	spop (v2sf)  }
0x44: {  	p4 =	seq.s32 s2, s31;
	p0 =	seq.s32 s6, s31;
	p2 =	seq.s32 s7, s31  }
0x45: {  	s2 =	simm.s32 @p4 $0x1388;
	(v2sf) =	vpush v2, $0xB;
	v6 =	vld [tilespmem:s28+$0xFFFFFFF0];
	s6 =	simm.s32 @p0 $0x1388;
	s7 =	simm.s32 @p2 $0x1388  }
0x46: {  	s31 =	sshll.u32 s31, $0x4;
	p1 =	seq.s32 s6, s2;
	v7 =	vmax.f32 v4, v3;
	p3 =	seq.s32 s7, s2  }
0x47: {  	s6 =	simm.s32 @p1 $0x1388;
	s2 =	sshll.u32 s2, $0x4;
	v4 =	vpsel p4, v7, v4;
	s7 =	simm.s32 @p3 $0x1388;
	v7 =	vld [tilespmem:s31+$0x0]  }
0x48: {  	v9 =	vld [tilespmem:s2+$0x0];
	v8 =	vmax.f32 v4, v5;
	p4 =	seq.s32 s6, s7;
	s7 =	sshll.u32 s7, $0x4;
	s6 =	sshll.u32 s6, $0x4  }
0x49: {  	v10 =	vmax.f32 v3, v5;
	v4 =	vpsel p2, v8, v4;
	v8 =	vld [tilespmem:s7+$0x0];
	s6 =	simm.s32 @p4 $0x13880  }
0x4a: {  	v3 =	vpsel p3, v10, v3;
	v10 =	vmax.f32 v4, v6;
	v11 =	vld [tilespmem:s6+$0x0]  }
0x4b: {  	v63 =	vmax.f32 v3, v6;
	v4 =	vpsel p0, v10, v4  }
0x4c: {  	v3 =	vpsel p1, v63, v3;
	v10 =	vmax.f32 v5, v6;
	v4 =	vmax.f32 v7, v4  }
0x4d: {  	v5 =	vpsel p4, v10, v5;
	v3 =	vmax.f32 v9, v3;
	[tilespmem:s31+$0x0] =	vst v4  }
0x4e: {  	v4 =	vmax.f32 v8, v5;
	[tilespmem:s2+$0x0] =	vst v3  }
0x4f: {  	v3 =	vmax.f32 v11, v6;
	[tilespmem:s7+$0x0] =	vst v4  }
0x50: {  	[tilespmem:s6+$0x0] =	vst v3  }
0x51: {  	v3 =	vld [tilespmem:s28+$0x0]  }
0x52: {  	v4 =	vld [tilespmem:s28+$0x10]  }
0x53: {  	(v2sf) =	vpush v2, $0xF  }
0x54: {  	s2 =	spop (v2sf);
	v2 =	vld [tilespmem:s28+$0x20]  }
0x55: {  	p2 =	seq.s32 s29, s10;
	p4 =	seq.s32 s30, s10;
	p0 =	seq.s32 s2, s10  }
0x56: {  	s29 =	simm.s32 @p2 $0x1388;
	s30 =	simm.s32 @p4 $0x1388;
	s2 =	simm.s32 @p0 $0x1388;
	v5 =	vld [tilespmem:s28+$0x30]  }
0x57: {  	s22 =	sshll.u32 s10, $0x4;
	p3 =	seq.s32 s29, s30;
	p1 =	seq.s32 s2, s30;
	v6 =	vmax.f32 v3, v4  }
0x58: {  	s29 =	simm.s32 @p3 $0x1388;
	s30 =	sshll.u32 s30, $0x4;
	s2 =	simm.s32 @p1 $0x1388;
	v3 =	vpsel p4, v6, v3;
	v6 =	vld [tilespmem:s22+$0x0]  }
0x59: {  	s31 =	sshll.u32 s29, $0x4;
	v8 =	vld [tilespmem:s30+$0x0];
	p4 =	seq.s32 s2, s29;
	s2 =	sshll.u32 s2, $0x4;
	v7 =	vmax.f32 v3, v2  }
0x5a: {  	v9 =	vmax.f32 v4, v2;
	s2 =	simm.s32 @p4 $0x13880;
	v3 =	vpsel p2, v7, v3;
	v7 =	vld [tilespmem:s31+$0x0]  }
0x5b: {  	v4 =	vpsel p3, v9, v4;
	v10 =	vld [tilespmem:s2+$0x0];
	v9 =	vmax.f32 v3, v5  }
0x5c: {  	v11 =	vmax.f32 v4, v5;
	v3 =	vpsel p0, v9, v3  }
0x5d: {  	v4 =	vpsel p1, v11, v4;
	v9 =	vmax.f32 v2, v5;
	v3 =	vmax.f32 v6, v3  }
0x5e: {  	v4 =	vmax.f32 v8, v4;
	v2 =	vpsel p4, v9, v2;
	[tilespmem:s22+$0x0] =	vst v3  }
0x5f: {  	v2 =	vmax.f32 v7, v2;
	[tilespmem:s30+$0x0] =	vst v4  }
0x60: {  	v3 =	vmax.f32 v10, v5;
	[tilespmem:s31+$0x0] =	vst v2  }
0x61: {  	[tilespmem:s2+$0x0] =	vst v3  }
0x62: {  	p1 =	seq.s32 s0, s11;
	p0 =	seq.s32 s1, s11;
	s2 =	spop (v2sf);
	v8 =	vld [tilespmem:s28+$0x40]  }
0x63: {  	s0 =	simm.s32 @p1 $0x1388;
	s1 =	simm.s32 @p0 $0x1388;
	v4 =	vld [tilespmem:s28+$0x50];
	p3 =	seq.s32 s2, s11  }
0x64: {  	p5 =	seq.s32 s0, s1;
	v3 =	vld [tilespmem:s28+$0x60];
	s2 =	simm.s32 @p3 $0x1388  }
0x65: {  	s12 =	sshll.u32 s11, $0x4;
	s0 =	simm.s32 @p5 $0x1388;
	v2 =	vld [tilespmem:s28+$0x70];
	p4 =	seq.s32 s2, s1  }
0x66: {  	s15 =	sshll.u32 s0, $0x4;
	v5 =	vld [tilespmem:s12+$0x0];
	s2 =	simm.s32 @p4 $0x1388  }
0x67: {  	v7 =	vld [tilespmem:s15+$0x0];
	s1 =	sshll.u32 s1, $0x4;
	p6 =	seq.s32 s2, s0;
	s0 =	sshll.u32 s2, $0x4  }
0x68: {  	v6 =	vld [tilespmem:s1+$0x0];
	v9 =	vmax.f32 v8, v4;
	s0 =	simm.s32 @p6 $0x13880  }
0x69: {  	s29 =	simm.s32 $0x40;
	v10 =	vmax.f32 v4, v3;
	v9 =	vpsel p0, v9, v8;
	v8 =	vld [tilespmem:s0+$0x0]  }
.LBB2_5:
0x6a: {  	v11 =	vmax.f32 v9, v3  }
0x6b: {  	v9 =	vpsel p1, v11, v9  }
0x6c: {  	v4 =	vpsel p5, v10, v4;
	v10 =	vmax.f32 v9, v2  }
0x6d: {  	v11 =	vmax.f32 v4, v2;
	v9 =	vpsel p3, v10, v9  }
0x6e: {  	v4 =	vpsel p4, v11, v4;
	v10 =	vmax.f32 v3, v2;
	v5 =	vmax.f32 v5, v9  }
0x6f: {  	v3 =	vpsel p6, v10, v3;
	v4 =	vmax.f32 v6, v4;
	[tilespmem:s12+$0x0] =	vst v5  }
0x70: {  	v3 =	vmax.f32 v7, v3;
	[tilespmem:s1+$0x0] =	vst v4  }
0x71: {  	s7 =	smov.u32 s29;
	v2 =	vmax.f32 v8, v2;
	[tilespmem:s15+$0x0] =	vst v3  }
0x72: {  	s10 =	sshra.s32 s7, $0x2;
	[tilespmem:s0+$0x0] =	vst v2  }
0x73: {  	v2 =	vld [tilespmem:s10+$0x13890];
	_ =	sdelay $0x4  }
0x74: {  	v2 =	vsub.s32 v2, v0  }
0x75: {  	v2 =	vmin.u32 v2, $0x1388  }
0x76: {  	(v2sf) =	vpush v2, $0x3  }
0x77: {  	(v2sf) =	vpush v2, $0x2  }
0x78: {  	(v2sf) =	vpush v2, $0x0  }
0x79: {  	(v2sf) =	vpush v2, $0x1;
	_ =	sdelay $0x1  }
0x7a: {  	(v2sf) =	vpush v2, $0x8  }
0x7b: {  	(v2sf) =	vpush v2, $0x4  }
0x7c: {  	(v2sf) =	vpush v2, $0x5  }
0x7d: {  	(v2sf) =	vpush v2, $0x9;
	_ =	sdelay $0x1  }
0x7e: {  	(v2sf) =	vpush v2, $0xA  }
0x7f: {  	(v2sf) =	vpush v2, $0xC  }
0x80: {  	(v2sf) =	vpush v2, $0xD  }
0x81: {  	p0 =	sne.s32 s29, $0xC40;
	s28 =	sadd.s32 $0x100, s28  }
0x82: {  	s2 =	simm.s32 @!p0 $0x0;
	v3 =	vld [tilespmem:s28+$0xFFFFFF90]  }
0x83: {  	s2 =	simm.s32 @p0 $0x1;
	v4 =	vld [tilespmem:s28+$0xFFFFFF80];
	s0 =	spop (v2sf)  }
0x84: {  	[smem:$0x7FD] =	sst s2;
	(v2sf) =	vpush v2, $0xE;
	s2 =	spop (v2sf)  }
0x85: {  	v5 =	vld [tilespmem:s28+$0xFFFFFFA0];
	s6 =	spop (v2sf)  }
0x86: {  	p1 =	seq.s32 s0, s6;
	s7 =	spop (v2sf)  }
0x87: {  	v6 =	vld [tilespmem:s28+$0xFFFFFFB0];
	p0 =	seq.s32 s2, s6;
	p2 =	seq.s32 s7, s6;
	s0 =	simm.s32 @p1 $0x1388  }
0x88: {  	v7 =	vmax.f32 v4, v3;
	s1 =	spop (v2sf);
	s2 =	simm.s32 @p0 $0x1388;
	(v2sf) =	vpush v2, $0x7;
	s7 =	simm.s32 @p2 $0x1388  }
0x89: {  	s6 =	sshll.u32 s6, $0x4;
	v4 =	vpsel p2, v7, v4;
	(v2sf) =	vpush v2, $0x6;
	s10 =	spop (v2sf);
	p3 =	seq.s32 s2, s7  }
0x8a: {  	v7 =	vmax.f32 v4, v5;
	p2 =	seq.s32 s0, s7;
	s7 =	sshll.u32 s7, $0x4;
	s22 =	spop (v2sf)  }
0x8b: {  	v8 =	vmax.f32 v3, v5;
	v4 =	vpsel p0, v7, v4;
	s2 =	simm.s32 @p3 $0x1388;
	s0 =	simm.s32 @p2 $0x1388;
	v7 =	vld [tilespmem:s6+$0x0];
	s15 =	spop (v2sf)  }
0x8c: {  	v3 =	vpsel p3, v8, v3;
	v10 =	vld [tilespmem:s7+$0x0];
	v8 =	vmax.f32 v4, v6;
	p0 =	seq.s32 s0, s2;
	s2 =	sshll.u32 s2, $0x4;
	s11 =	sshll.u32 s0, $0x4  }
0x8d: {  	v9 =	vmax.f32 v3, v6;
	s12 =	spop (v2sf);
	v4 =	vpsel p1, v8, v4;
	v8 =	vld [tilespmem:s2+$0x0];
	s11 =	simm.s32 @p0 $0x13880  }
0x8e: {  	v3 =	vpsel p2, v9, v3;
	s30 =	spop (v2sf);
	v9 =	vld [tilespmem:s11+$0x0]  }
0x8f: {  	v11 =	vmax.f32 v5, v6;
	s31 =	spop (v2sf)  }
0x90: {  	v5 =	vpsel p0, v11, v5;
	p0 =	seq.s32 s31, s30;
	v4 =	vmax.f32 v7, v4  }
0x91: {  	v3 =	vmax.f32 v10, v3;
	s0 =	simm.s32 @!p0 $0x0;
	[tilespmem:s6+$0x0] =	vst v4  }
0x92: {  	s0 =	simm.s32 @p0 $0x1;
	v4 =	vmax.f32 v8, v5;
	[tilespmem:s7+$0x0] =	vst v3  }
0x93: {  	[smem:$0x7FC] =	sst s0;
	s0 =	spop (v2sf);
	[tilespmem:s2+$0x0] =	vst v4;
	v3 =	vmax.f32 v9, v6  }
0x94: {  	p0 =	seq.s32 s0, s30;
	[tilespmem:s11+$0x0] =	vst v3  }
0x95: {  	s2 =	simm.s32 @!p0 $0x0;
	v3 =	vld [tilespmem:s28+$0xFFFFFFD0]  }
0x96: {  	s2 =	simm.s32 @p0 $0x1;
	v4 =	vld [tilespmem:s28+$0xFFFFFFC0]  }
0x97: {  	[smem:$0x7FB] =	sst s2;
	s2 =	spop (v2sf)  }
0x98: {  	v6 =	vld [tilespmem:s28+$0xFFFFFFE0];
	s6 =	spop (v2sf)  }
0x99: {  	p5 =	seq.s32 s22, s10;
	p6 =	seq.s32 s2, s10;
	p1 =	seq.s32 s6, s10  }
0x9a: {  	s22 =	simm.s32 @p5 $0x1388;
	v5 =	vld [tilespmem:s28+$0xFFFFFFF0];
	(v2sf) =	vpush v2, $0xB;
	s2 =	simm.s32 @p6 $0x1388;
	s6 =	simm.s32 @p1 $0x1388  }
0x9b: {  	s11 =	sshll.u32 s10, $0x4;
	v7 =	vmax.f32 v4, v3;
	p0 =	seq.s32 s2, s22;
	p2 =	seq.s32 s6, s22  }
0x9c: {  	v4 =	vpsel p5, v7, v4;
	s2 =	simm.s32 @p0 $0x1388;
	v7 =	vld [tilespmem:s11+$0x0];
	s22 =	sshll.u32 s22, $0x4;
	s6 =	simm.s32 @p2 $0x1388  }
0x9d: {  	v8 =	vmax.f32 v4, v6;
	v11 =	vld [tilespmem:s22+$0x0];
	p5 =	seq.s32 s2, s6;
	s6 =	sshll.u32 s6, $0x4;
	s2 =	sshll.u32 s2, $0x4  }
0x9e: {  	v9 =	vmax.f32 v3, v6;
	v4 =	vpsel p1, v8, v4;
	v8 =	vld [tilespmem:s6+$0x0];
	s2 =	simm.s32 @p5 $0x13880  }
0x9f: {  	v10 =	vmax.f32 v6, v5;
	v3 =	vpsel p2, v9, v3;
	v9 =	vmax.f32 v4, v5;
	v12 =	vld [tilespmem:s2+$0x0]  }
0xa0: {  	v6 =	vpsel p5, v10, v6;
	v10 =	vmax.f32 v3, v5;
	v4 =	vpsel p6, v9, v4  }
0xa1: {  	v3 =	vpsel p0, v10, v3;
	v4 =	vmax.f32 v7, v4  }
0xa2: {  	v3 =	vmax.f32 v11, v3;
	[tilespmem:s11+$0x0] =	vst v4  }
0xa3: {  	[tilespmem:s22+$0x0] =	vst v3;
	v4 =	vmax.f32 v8, v6  }
0xa4: {  	v3 =	vmax.f32 v12, v5;
	[tilespmem:s6+$0x0] =	vst v4  }
0xa5: {  	[tilespmem:s2+$0x0] =	vst v3  }
0xa6: {  	v3 =	vld [tilespmem:s28+$0x0]  }
0xa7: {  	v4 =	vld [tilespmem:s28+$0x10];
	_ =	sdelay $0x1  }
0xa8: {  	(v2sf) =	vpush v2, $0xF;
	v2 =	vld [tilespmem:s28+$0x20];
	s2 =	spop (v2sf)  }
0xa9: {  	p4 =	seq.s32 s15, s1;
	p3 =	seq.s32 s12, s1;
	p5 =	seq.s32 s2, s1  }
0xaa: {  	s15 =	simm.s32 @p4 $0x1388;
	s12 =	simm.s32 @p3 $0x1388;
	v5 =	vld [tilespmem:s28+$0x30];
	s2 =	simm.s32 @p5 $0x1388  }
0xab: {  	p1 =	seq.s32 s12, s15;
	s1 =	sshll.u32 s1, $0x4;
	p0 =	seq.s32 s2, s15;
	v6 =	vmax.f32 v3, v4  }
0xac: {  	s12 =	simm.s32 @p1 $0x1388;
	s11 =	sshll.u32 s15, $0x4;
	s2 =	simm.s32 @p0 $0x1388;
	v3 =	vpsel p4, v6, v3;
	v6 =	vld [tilespmem:s1+$0x0]  }
0xad: {  	v10 =	vld [tilespmem:s11+$0x0];
	p2 =	seq.s32 s2, s12;
	s12 =	sshll.u32 s12, $0x4;
	s2 =	sshll.u32 s2, $0x4;
	v7 =	vmax.f32 v3, v2  }
0xae: {  	v8 =	vmax.f32 v4, v2;
	s2 =	simm.s32 @p2 $0x13880;
	v3 =	vpsel p3, v7, v3;
	v7 =	vld [tilespmem:s12+$0x0]  }
0xaf: {  	v9 =	vmax.f32 v2, v5;
	v4 =	vpsel p1, v8, v4;
	v11 =	vld [tilespmem:s2+$0x0];
	v8 =	vmax.f32 v3, v5  }
0xb0: {  	v2 =	vpsel p2, v9, v2;
	v9 =	vmax.f32 v4, v5;
	v3 =	vpsel p5, v8, v3  }
0xb1: {  	v4 =	vpsel p0, v9, v4;
	v3 =	vmax.f32 v6, v3  }
0xb2: {  	v4 =	vmax.f32 v10, v4;
	[tilespmem:s1+$0x0] =	vst v3  }
0xb3: {  	s22 =	sld [smem:$0x7FC];
	v2 =	vmax.f32 v7, v2;
	[tilespmem:s11+$0x0] =	vst v4  }
0xb4: {  	s15 =	sld [smem:$0x7FB];
	v3 =	vmax.f32 v11, v5;
	[tilespmem:s12+$0x0] =	vst v2  }
0xb5: {  	[tilespmem:s2+$0x0] =	vst v3  }
0xb6: {  	v8 =	vld [tilespmem:s28+$0x40]  }
0xb7: {  	p1 =	seq.s32 s15, $0x1;
	p0 =	seq.s32 s22, $0x1;
	s2 =	spop (v2sf);
	v4 =	vld [tilespmem:s28+$0x50]  }
0xb8: {  	s0 =	simm.s32 @p1 $0x1388;
	s31 =	simm.s32 @p0 $0x1388;
	p3 =	seq.s32 s2, s30  }
0xb9: {  	p5 =	seq.s32 s0, s31;
	s2 =	simm.s32 @p3 $0x1388  }
0xba: {  	s1 =	sshll.u32 s31, $0x4;
	p4 =	seq.s32 s2, s31;
	s31 =	sld [smem:$0x7FD]  }
0xbb: {  	_ = 	snop  }
0xbc: {  	v9 =	vmax.f32 v8, v4  }
0xbd: {  	v3 =	vld [tilespmem:s28+$0x60];
	v9 =	vpsel p0, v9, v8;
	p0 =	seq.s32 s31, $0x1  }
.Ltmp1:
0xbe: {  	s12 =	sshll.u32 s30, $0x4;
	v2 =	vld [tilespmem:s28+$0x70];
	(pc) =	sbr.rel @p0 .LBB2_5-.Ltmp1, $4  }
0xbf: {  	s0 =	simm.s32 @p5 $0x1388;
	v5 =	vld [tilespmem:s12+$0x0];
	s2 =	simm.s32 @p4 $0x1388  }
0xc0: {  	s15 =	sshll.u32 s0, $0x4;
	v6 =	vld [tilespmem:s1+$0x0];
	p6 =	seq.s32 s2, s0;
	s0 =	sshll.u32 s2, $0x4  }
0xc1: {  	v7 =	vld [tilespmem:s15+$0x0];
	s0 =	simm.s32 @p6 $0x13880  }
0xc2: {  	s29 =	sadd.s32 $0x40, s29;
	v10 =	vmax.f32 v4, v3;
	v8 =	vld [tilespmem:s0+$0x0]  }
0xc3: {  	v11 =	vmax.f32 v9, v3  }
0xc4: {  	v9 =	vpsel p1, v11, v9  }
0xc5: {  	v4 =	vpsel p5, v10, v4;
	v10 =	vmax.f32 v9, v2  }
0xc6: {  	v11 =	vmax.f32 v4, v2;
	v9 =	vpsel p3, v10, v9  }
0xc7: {  	v4 =	vpsel p4, v11, v4;
	v10 =	vmax.f32 v3, v2;
	v5 =	vmax.f32 v5, v9  }
0xc8: {  	v4 =	vmax.f32 v6, v4;
	v3 =	vpsel p6, v10, v3;
	[tilespmem:s12+$0x0] =	vst v5  }
0xc9: {  	v3 =	vmax.f32 v7, v3;
	[tilespmem:s1+$0x0] =	vst v4  }
0xca: {  	v2 =	vmax.f32 v8, v2;
	[tilespmem:s15+$0x0] =	vst v3  }
0xcb: {  	[tilespmem:s0+$0x0] =	vst v2  }
0xcc: {  	p0 =	seq.s32 s25, $0x18;
	_ =	swait.ge [sflag:s20], $0x320  }
0xcd: {  	s29 =	simm.s32 $0x0;
	s0 =	sadd.s32 @!p0 s26, s9;
	[sflag:s20] =	ssyncset.done $0x0  }
0xce: {  	s1 =	sshrl.u32 @!p0 s0, $0x3;
	s0 =	sshll.u32 @!p0 s0, $0x6;
	[sflag:s20] =	ssyncadd.s32 $0xFFFFFCE0  }
0xcf: {  	s2 =	simm.s32 @!p0 $0x0;
	s0 =	sor.u32 @!p0 s5, s0;
	_ =	swait.ge [sflag:s21], $0x3200  }
0xd0: {  	s6 =	simm.s32 @!p0 $0x13890;
	s0 =	sshrl.u32 @!p0 s0, $0x3;
	[sflag:s21] =	ssyncset.done $0x0  }
0xd1: {  	s1 =	sadd.s32 @!p0 s4, s1;
	s0 =	sadd.s32 @!p0 s3, s0;
	[sflag:s21] =	ssyncadd.s32 $0xFFFFCE00  }
0xd2: {  	[tilespmem:s6], [sflag:$0x1] =	stream.linear.gather @!p0 [hbm4b:s1+s2], $0x320, $0x38;
	[tilespmem:$0x1A2D0] =	vst v63  }
0xd3: {  	s1 =	simm.s32 @!p0 $0x10;
	s2 =	simm.s32 @!p0 $0x40;
	s6 =	simm.s32 @!p0 $0x13ED0  }
0xd4: {  	[tilespmem:s6], [sflag:$0x3] =	stream.strided.gather @!p0 [hbm4b:s0+s1], $0x3200, s2, s1, $0x38;
	[tilespmem:$0x1A2D0] =	vst v63  }
0xd5: {  	v2 =	vld [tilespmem:s29+$0x13BB0];
	_ =	sdelay $0x4  }
0xd6: {  	v2 =	vsub.s32 v2, v0  }
0xd7: {  	v2 =	vmin.u32 v2, $0x1388  }
0xd8: {  	(v2sf) =	vpush v2, $0x3  }
0xd9: {  	(v2sf) =	vpush v2, $0x2  }
0xda: {  	(v2sf) =	vpush v2, $0x0  }
0xdb: {  	(v2sf) =	vpush v2, $0x1;
	_ =	sdelay $0x7  }
0xdc: {  	(v2sf) =	vpush v2, $0x8  }
0xdd: {  	(v2sf) =	vpush v2, $0x4  }
0xde: {  	(v2sf) =	vpush v2, $0x5  }
0xdf: {  	s26 =	simm.s32 $0x171C0;
	(v2sf) =	vpush v2, $0x9  }
0xe0: {  	v3 =	vld [tilespmem:s26+$0xFFFFFF20];
	(v2sf) =	vpush v2, $0xA;
	s0 =	spop (v2sf)  }
0xe1: {  	v4 =	vld [tilespmem:s26+$0xFFFFFF10];
	(v2sf) =	vpush v2, $0xC;
	s1 =	spop (v2sf)  }
0xe2: {  	(v2sf) =	vpush v2, $0xD;
	s30 =	spop (v2sf)  }
0xe3: {  	v5 =	vld [tilespmem:s26+$0xFFFFFF30];
	(v2sf) =	vpush v2, $0xE;
	s6 =	spop (v2sf)  }
0xe4: {  	p0 =	seq.s32 s0, s30;
	p1 =	seq.s32 s1, s30;
	(v2sf) =	vpush v2, $0x7;
	p3 =	seq.s32 s6, s30  }
0xe5: {  	v6 =	vld [tilespmem:s26+$0xFFFFFF40];
	s0 =	simm.s32 @p0 $0x1388;
	s1 =	simm.s32 @p1 $0x1388;
	(v2sf) =	vpush v2, $0x6;
	s6 =	simm.s32 @p3 $0x1388  }
0xe6: {  	v7 =	vmax.f32 v4, v3;
	s2 =	sshll.u32 s30, $0x4;
	p4 =	seq.s32 s1, s6;
	p2 =	seq.s32 s0, s6  }
0xe7: {  	v4 =	vpsel p3, v7, v4;
	v7 =	vld [tilespmem:s2+$0x0];
	s6 =	sshll.u32 s6, $0x4;
	s1 =	simm.s32 @p4 $0x1388;
	s0 =	simm.s32 @p2 $0x1388  }
0xe8: {  	v8 =	vmax.f32 v4, v5;
	v9 =	vld [tilespmem:s6+$0x0];
	p3 =	seq.s32 s0, s1;
	s1 =	sshll.u32 s1, $0x4;
	s0 =	sshll.u32 s0, $0x4  }
0xe9: {  	v10 =	vmax.f32 v3, v5;
	v4 =	vpsel p1, v8, v4;
	v8 =	vld [tilespmem:s1+$0x0];
	s0 =	simm.s32 @p3 $0x13880  }
0xea: {  	v3 =	vpsel p4, v10, v3;
	v10 =	vmax.f32 v4, v6;
	v11 =	vld [tilespmem:s0+$0x0]  }
0xeb: {  	s31 =	spop (v2sf);
	v12 =	vmax.f32 v3, v6;
	v4 =	vpsel p0, v10, v4  }
0xec: {  	s7 =	spop (v2sf);
	v3 =	vpsel p2, v12, v3;
	v10 =	vmax.f32 v5, v6;
	v4 =	vmax.f32 v7, v4  }
0xed: {  	s10 =	spop (v2sf);
	v5 =	vpsel p3, v10, v5;
	[tilespmem:s2+$0x0] =	vst v4;
	v3 =	vmax.f32 v9, v3  }
0xee: {  	s29 =	spop (v2sf);
	[tilespmem:s6+$0x0] =	vst v3;
	v4 =	vmax.f32 v8, v5  }
0xef: {  	s28 =	spop (v2sf);
	[tilespmem:s1+$0x0] =	vst v4;
	v3 =	vmax.f32 v11, v6  }
0xf0: {  	s11 =	spop (v2sf);
	[tilespmem:s0+$0x0] =	vst v3  }
0xf1: {  	s1 =	spop (v2sf);
	v3 =	vld [tilespmem:s26+$0xFFFFFF60]  }
0xf2: {  	s0 =	spop (v2sf);
	v4 =	vld [tilespmem:s26+$0xFFFFFF50]  }
0xf3: {  	s2 =	spop (v2sf)  }
0xf4: {  	v5 =	vld [tilespmem:s26+$0xFFFFFF70];
	s6 =	spop (v2sf)  }
0xf5: {  	p4 =	seq.s32 s10, s7;
	p0 =	seq.s32 s2, s7;
	p2 =	seq.s32 s6, s7  }
0xf6: {  	s10 =	simm.s32 @p4 $0x1388;
	(v2sf) =	vpush v2, $0xB;
	v6 =	vld [tilespmem:s26+$0xFFFFFF80];
	s2 =	simm.s32 @p0 $0x1388;
	s6 =	simm.s32 @p2 $0x1388  }
0xf7: {  	s7 =	sshll.u32 s7, $0x4;
	p1 =	seq.s32 s2, s10;
	v7 =	vmax.f32 v4, v3;
	p3 =	seq.s32 s6, s10  }
0xf8: {  	s2 =	simm.s32 @p1 $0x1388;
	s10 =	sshll.u32 s10, $0x4;
	v4 =	vpsel p4, v7, v4;
	s6 =	simm.s32 @p3 $0x1388;
	v7 =	vld [tilespmem:s7+$0x0]  }
0xf9: {  	v9 =	vld [tilespmem:s10+$0x0];
	v8 =	vmax.f32 v4, v5;
	p4 =	seq.s32 s2, s6;
	s6 =	sshll.u32 s6, $0x4;
	s2 =	sshll.u32 s2, $0x4  }
0xfa: {  	v10 =	vmax.f32 v3, v5;
	v4 =	vpsel p2, v8, v4;
	v8 =	vld [tilespmem:s6+$0x0];
	s2 =	simm.s32 @p4 $0x13880  }
0xfb: {  	v3 =	vpsel p3, v10, v3;
	v10 =	vmax.f32 v4, v6;
	v11 =	vld [tilespmem:s2+$0x0]  }
0xfc: {  	v63 =	vmax.f32 v3, v6;
	v4 =	vpsel p0, v10, v4  }
0xfd: {  	v3 =	vpsel p1, v63, v3;
	v10 =	vmax.f32 v5, v6;
	v4 =	vmax.f32 v7, v4  }
0xfe: {  	v5 =	vpsel p4, v10, v5;
	v3 =	vmax.f32 v9, v3;
	[tilespmem:s7+$0x0] =	vst v4  }
0xff: {  	v4 =	vmax.f32 v8, v5;
	[tilespmem:s10+$0x0] =	vst v3  }
0x100: {  	v3 =	vmax.f32 v11, v6;
	[tilespmem:s6+$0x0] =	vst v4  }
0x101: {  	[tilespmem:s2+$0x0] =	vst v3  }
0x102: {  	v3 =	vld [tilespmem:s26+$0xFFFFFF90]  }
0x103: {  	v4 =	vld [tilespmem:s26+$0xFFFFFFA0]  }
0x104: {  	(v2sf) =	vpush v2, $0xF  }
0x105: {  	s2 =	spop (v2sf);
	v2 =	vld [tilespmem:s26+$0xFFFFFFB0]  }
0x106: {  	p2 =	seq.s32 s28, s31;
	p4 =	seq.s32 s29, s31;
	p0 =	seq.s32 s2, s31  }
0x107: {  	s28 =	simm.s32 @p2 $0x1388;
	s29 =	simm.s32 @p4 $0x1388;
	v5 =	vld [tilespmem:s26+$0xFFFFFFC0];
	s2 =	simm.s32 @p0 $0x1388  }
0x108: {  	s22 =	sshll.u32 s31, $0x4;
	p3 =	seq.s32 s28, s29;
	p1 =	seq.s32 s2, s29;
	v6 =	vmax.f32 v3, v4  }
0x109: {  	s30 =	sshll.u32 s29, $0x4;
	s28 =	simm.s32 @p3 $0x1388;
	s2 =	simm.s32 @p1 $0x1388;
	v3 =	vpsel p4, v6, v3;
	v6 =	vld [tilespmem:s22+$0x0]  }
0x10a: {  	v8 =	vld [tilespmem:s30+$0x0];
	s31 =	sshll.u32 s28, $0x4;
	p4 =	seq.s32 s2, s28;
	s2 =	sshll.u32 s2, $0x4;
	v7 =	vmax.f32 v3, v2  }
0x10b: {  	v9 =	vmax.f32 v4, v2;
	s2 =	simm.s32 @p4 $0x13880;
	v3 =	vpsel p2, v7, v3;
	v7 =	vld [tilespmem:s31+$0x0]  }
0x10c: {  	v4 =	vpsel p3, v9, v4;
	v10 =	vld [tilespmem:s2+$0x0];
	v9 =	vmax.f32 v3, v5  }
0x10d: {  	v11 =	vmax.f32 v4, v5;
	v3 =	vpsel p0, v9, v3  }
0x10e: {  	v4 =	vpsel p1, v11, v4;
	v9 =	vmax.f32 v2, v5;
	v3 =	vmax.f32 v6, v3  }
0x10f: {  	v4 =	vmax.f32 v8, v4;
	v2 =	vpsel p4, v9, v2;
	[tilespmem:s22+$0x0] =	vst v3  }
0x110: {  	v2 =	vmax.f32 v7, v2;
	[tilespmem:s30+$0x0] =	vst v4  }
0x111: {  	v3 =	vmax.f32 v10, v5;
	[tilespmem:s31+$0x0] =	vst v2  }
0x112: {  	[tilespmem:s2+$0x0] =	vst v3  }
0x113: {  	p1 =	seq.s32 s0, s11;
	p0 =	seq.s32 s1, s11;
	s2 =	spop (v2sf);
	v8 =	vld [tilespmem:s26+$0xFFFFFFD0]  }
0x114: {  	s0 =	simm.s32 @p1 $0x1388;
	s1 =	simm.s32 @p0 $0x1388;
	v4 =	vld [tilespmem:s26+$0xFFFFFFE0];
	p3 =	seq.s32 s2, s11  }
0x115: {  	p5 =	seq.s32 s0, s1;
	v3 =	vld [tilespmem:s26+$0xFFFFFFF0];
	s2 =	simm.s32 @p3 $0x1388  }
0x116: {  	s12 =	sshll.u32 s11, $0x4;
	s0 =	simm.s32 @p5 $0x1388;
	v2 =	vld [tilespmem:s26+$0x0];
	p4 =	seq.s32 s2, s1  }
0x117: {  	s15 =	sshll.u32 s0, $0x4;
	v5 =	vld [tilespmem:s12+$0x0];
	s2 =	simm.s32 @p4 $0x1388  }
0x118: {  	v7 =	vld [tilespmem:s15+$0x0];
	s1 =	sshll.u32 s1, $0x4;
	p6 =	seq.s32 s2, s0;
	s0 =	sshll.u32 s2, $0x4  }
0x119: {  	v6 =	vld [tilespmem:s1+$0x0];
	v9 =	vmax.f32 v8, v4;
	s0 =	simm.s32 @p6 $0x13880  }
0x11a: {  	s28 =	simm.s32 $0x40;
	v10 =	vmax.f32 v4, v3;
	v9 =	vpsel p0, v9, v8;
	v8 =	vld [tilespmem:s0+$0x0]  }
.LBB2_7:
0x11b: {  	v11 =	vmax.f32 v9, v3  }
0x11c: {  	v9 =	vpsel p1, v11, v9  }
0x11d: {  	v4 =	vpsel p5, v10, v4;
	v10 =	vmax.f32 v9, v2  }
0x11e: {  	v11 =	vmax.f32 v4, v2;
	v9 =	vpsel p3, v10, v9  }
0x11f: {  	v4 =	vpsel p4, v11, v4;
	v10 =	vmax.f32 v3, v2;
	v5 =	vmax.f32 v5, v9  }
0x120: {  	v3 =	vpsel p6, v10, v3;
	v4 =	vmax.f32 v6, v4;
	[tilespmem:s12+$0x0] =	vst v5  }
0x121: {  	v3 =	vmax.f32 v7, v3;
	[tilespmem:s1+$0x0] =	vst v4  }
0x122: {  	s7 =	smov.u32 s28;
	v2 =	vmax.f32 v8, v2;
	[tilespmem:s15+$0x0] =	vst v3  }
0x123: {  	s10 =	sshra.s32 s7, $0x2;
	[tilespmem:s0+$0x0] =	vst v2  }
0x124: {  	v2 =	vld [tilespmem:s10+$0x13BB0];
	_ =	sdelay $0x4  }
0x125: {  	v2 =	vsub.s32 v2, v0  }
0x126: {  	v2 =	vmin.u32 v2, $0x1388  }
0x127: {  	(v2sf) =	vpush v2, $0x3  }
0x128: {  	(v2sf) =	vpush v2, $0x2  }
0x129: {  	(v2sf) =	vpush v2, $0x0  }
0x12a: {  	(v2sf) =	vpush v2, $0x1;
	_ =	sdelay $0x1  }
0x12b: {  	(v2sf) =	vpush v2, $0x8  }
0x12c: {  	(v2sf) =	vpush v2, $0x4  }
0x12d: {  	(v2sf) =	vpush v2, $0x5  }
0x12e: {  	(v2sf) =	vpush v2, $0x9;
	_ =	sdelay $0x1  }
0x12f: {  	(v2sf) =	vpush v2, $0xA  }
0x130: {  	(v2sf) =	vpush v2, $0xC  }
0x131: {  	(v2sf) =	vpush v2, $0xD  }
0x132: {  	p0 =	sne.s32 s28, $0xC40;
	s26 =	sadd.s32 $0x100, s26  }
0x133: {  	s2 =	simm.s32 @!p0 $0x0;
	v3 =	vld [tilespmem:s26+$0xFFFFFF20]  }
0x134: {  	s2 =	simm.s32 @p0 $0x1;
	v4 =	vld [tilespmem:s26+$0xFFFFFF10];
	s0 =	spop (v2sf)  }
0x135: {  	[smem:$0x7FA] =	sst s2;
	(v2sf) =	vpush v2, $0xE;
	s2 =	spop (v2sf)  }
0x136: {  	v5 =	vld [tilespmem:s26+$0xFFFFFF30];
	s6 =	spop (v2sf)  }
0x137: {  	p1 =	seq.s32 s0, s6;
	s7 =	spop (v2sf)  }
0x138: {  	v6 =	vld [tilespmem:s26+$0xFFFFFF40];
	p0 =	seq.s32 s2, s6;
	p2 =	seq.s32 s7, s6;
	s0 =	simm.s32 @p1 $0x1388  }
0x139: {  	v7 =	vmax.f32 v4, v3;
	s1 =	spop (v2sf);
	s2 =	simm.s32 @p0 $0x1388;
	(v2sf) =	vpush v2, $0x7;
	s7 =	simm.s32 @p2 $0x1388  }
0x13a: {  	s6 =	sshll.u32 s6, $0x4;
	v4 =	vpsel p2, v7, v4;
	(v2sf) =	vpush v2, $0x6;
	s10 =	spop (v2sf);
	p3 =	seq.s32 s2, s7  }
0x13b: {  	v7 =	vmax.f32 v4, v5;
	p2 =	seq.s32 s0, s7;
	s7 =	sshll.u32 s7, $0x4;
	s22 =	spop (v2sf)  }
0x13c: {  	v8 =	vmax.f32 v3, v5;
	v4 =	vpsel p0, v7, v4;
	s2 =	simm.s32 @p3 $0x1388;
	s0 =	simm.s32 @p2 $0x1388;
	v7 =	vld [tilespmem:s6+$0x0];
	s15 =	spop (v2sf)  }
0x13d: {  	v3 =	vpsel p3, v8, v3;
	v10 =	vld [tilespmem:s7+$0x0];
	v8 =	vmax.f32 v4, v6;
	p0 =	seq.s32 s0, s2;
	s2 =	sshll.u32 s2, $0x4;
	s11 =	sshll.u32 s0, $0x4  }
0x13e: {  	v9 =	vmax.f32 v3, v6;
	s12 =	spop (v2sf);
	v4 =	vpsel p1, v8, v4;
	v8 =	vld [tilespmem:s2+$0x0];
	s11 =	simm.s32 @p0 $0x13880  }
0x13f: {  	v3 =	vpsel p2, v9, v3;
	s29 =	spop (v2sf);
	v9 =	vld [tilespmem:s11+$0x0]  }
0x140: {  	v11 =	vmax.f32 v5, v6;
	s30 =	spop (v2sf)  }
0x141: {  	v5 =	vpsel p0, v11, v5;
	p0 =	seq.s32 s30, s29;
	v4 =	vmax.f32 v7, v4  }
0x142: {  	v3 =	vmax.f32 v10, v3;
	s0 =	simm.s32 @!p0 $0x0;
	[tilespmem:s6+$0x0] =	vst v4  }
0x143: {  	s0 =	simm.s32 @p0 $0x1;
	v4 =	vmax.f32 v8, v5;
	[tilespmem:s7+$0x0] =	vst v3  }
0x144: {  	[smem:$0x7F9] =	sst s0;
	s0 =	spop (v2sf);
	[tilespmem:s2+$0x0] =	vst v4;
	v3 =	vmax.f32 v9, v6  }
0x145: {  	p0 =	seq.s32 s0, s29;
	[tilespmem:s11+$0x0] =	vst v3  }
0x146: {  	s2 =	simm.s32 @!p0 $0x0;
	v3 =	vld [tilespmem:s26+$0xFFFFFF60]  }
0x147: {  	s2 =	simm.s32 @p0 $0x1;
	v4 =	vld [tilespmem:s26+$0xFFFFFF50]  }
0x148: {  	[smem:$0x7F8] =	sst s2;
	s2 =	spop (v2sf)  }
0x149: {  	v6 =	vld [tilespmem:s26+$0xFFFFFF70];
	s6 =	spop (v2sf)  }
0x14a: {  	p5 =	seq.s32 s22, s10;
	p6 =	seq.s32 s2, s10;
	p1 =	seq.s32 s6, s10  }
0x14b: {  	s22 =	simm.s32 @p5 $0x1388;
	v5 =	vld [tilespmem:s26+$0xFFFFFF80];
	(v2sf) =	vpush v2, $0xB;
	s2 =	simm.s32 @p6 $0x1388;
	s6 =	simm.s32 @p1 $0x1388  }
0x14c: {  	s11 =	sshll.u32 s10, $0x4;
	v7 =	vmax.f32 v4, v3;
	p0 =	seq.s32 s2, s22;
	p2 =	seq.s32 s6, s22  }
0x14d: {  	s31 =	sshll.u32 s22, $0x4;
	v4 =	vpsel p5, v7, v4;
	s2 =	simm.s32 @p0 $0x1388;
	v7 =	vld [tilespmem:s11+$0x0];
	s6 =	simm.s32 @p2 $0x1388  }
0x14e: {  	v11 =	vld [tilespmem:s31+$0x0];
	v8 =	vmax.f32 v4, v6;
	p5 =	seq.s32 s2, s6;
	s6 =	sshll.u32 s6, $0x4;
	s2 =	sshll.u32 s2, $0x4  }
0x14f: {  	v9 =	vmax.f32 v3, v6;
	v4 =	vpsel p1, v8, v4;
	v8 =	vld [tilespmem:s6+$0x0];
	s2 =	simm.s32 @p5 $0x13880  }
0x150: {  	v10 =	vmax.f32 v6, v5;
	v3 =	vpsel p2, v9, v3;
	v9 =	vmax.f32 v4, v5;
	v12 =	vld [tilespmem:s2+$0x0]  }
0x151: {  	v6 =	vpsel p5, v10, v6;
	v10 =	vmax.f32 v3, v5;
	v4 =	vpsel p6, v9, v4  }
0x152: {  	v3 =	vpsel p0, v10, v3;
	v4 =	vmax.f32 v7, v4  }
0x153: {  	v3 =	vmax.f32 v11, v3;
	[tilespmem:s11+$0x0] =	vst v4  }
0x154: {  	[tilespmem:s31+$0x0] =	vst v3;
	v4 =	vmax.f32 v8, v6  }
0x155: {  	v3 =	vmax.f32 v12, v5;
	[tilespmem:s6+$0x0] =	vst v4  }
0x156: {  	[tilespmem:s2+$0x0] =	vst v3  }
0x157: {  	v3 =	vld [tilespmem:s26+$0xFFFFFF90]  }
0x158: {  	v4 =	vld [tilespmem:s26+$0xFFFFFFA0];
	_ =	sdelay $0x1  }
0x159: {  	(v2sf) =	vpush v2, $0xF;
	v2 =	vld [tilespmem:s26+$0xFFFFFFB0];
	s2 =	spop (v2sf)  }
0x15a: {  	p4 =	seq.s32 s15, s1;
	p3 =	seq.s32 s12, s1;
	p5 =	seq.s32 s2, s1  }
0x15b: {  	s15 =	simm.s32 @p4 $0x1388;
	s12 =	simm.s32 @p3 $0x1388;
	v5 =	vld [tilespmem:s26+$0xFFFFFFC0];
	s2 =	simm.s32 @p5 $0x1388  }
0x15c: {  	p1 =	seq.s32 s12, s15;
	s1 =	sshll.u32 s1, $0x4;
	p0 =	seq.s32 s2, s15;
	v6 =	vmax.f32 v3, v4  }
0x15d: {  	s12 =	simm.s32 @p1 $0x1388;
	s11 =	sshll.u32 s15, $0x4;
	s2 =	simm.s32 @p0 $0x1388;
	v3 =	vpsel p4, v6, v3;
	v6 =	vld [tilespmem:s1+$0x0]  }
0x15e: {  	v10 =	vld [tilespmem:s11+$0x0];
	p2 =	seq.s32 s2, s12;
	s12 =	sshll.u32 s12, $0x4;
	s2 =	sshll.u32 s2, $0x4;
	v7 =	vmax.f32 v3, v2  }
0x15f: {  	v8 =	vmax.f32 v4, v2;
	s2 =	simm.s32 @p2 $0x13880;
	v3 =	vpsel p3, v7, v3;
	v7 =	vld [tilespmem:s12+$0x0]  }
0x160: {  	v9 =	vmax.f32 v2, v5;
	v4 =	vpsel p1, v8, v4;
	v11 =	vld [tilespmem:s2+$0x0];
	v8 =	vmax.f32 v3, v5  }
0x161: {  	v2 =	vpsel p2, v9, v2;
	v9 =	vmax.f32 v4, v5;
	v3 =	vpsel p5, v8, v3  }
0x162: {  	v4 =	vpsel p0, v9, v4;
	v3 =	vmax.f32 v6, v3  }
0x163: {  	v4 =	vmax.f32 v10, v4;
	[tilespmem:s1+$0x0] =	vst v3  }
0x164: {  	v2 =	vmax.f32 v7, v2;
	[tilespmem:s11+$0x0] =	vst v4  }
0x165: {  	v3 =	vmax.f32 v11, v5;
	[tilespmem:s12+$0x0] =	vst v2  }
0x166: {  	[tilespmem:s2+$0x0] =	vst v3  }
0x167: {  	v8 =	vld [tilespmem:s26+$0xFFFFFFD0]  }
0x168: {  	s22 =	sld [smem:$0x7F9];
	v4 =	vld [tilespmem:s26+$0xFFFFFFE0]  }
0x169: {  	s15 =	sld [smem:$0x7F8];
	_ =	sdelay $0x1  }
0x16a: {  	s31 =	sld [smem:$0x7FA]  }
0x16b: {  	p1 =	seq.s32 s15, $0x1;
	p0 =	seq.s32 s22, $0x1;
	s2 =	spop (v2sf)  }
0x16c: {  	s0 =	simm.s32 @p1 $0x1388;
	s30 =	simm.s32 @p0 $0x1388;
	p3 =	seq.s32 s2, s29;
	v9 =	vmax.f32 v8, v4  }
0x16d: {  	p5 =	seq.s32 s0, s30;
	v3 =	vld [tilespmem:s26+$0xFFFFFFF0];
	s2 =	simm.s32 @p3 $0x1388;
	v9 =	vpsel p0, v9, v8;
	p0 =	seq.s32 s31, $0x1  }
.Ltmp2:
0x16e: {  	s12 =	sshll.u32 s29, $0x4;
	v2 =	vld [tilespmem:s26+$0x0];
	p4 =	seq.s32 s2, s30;
	(pc) =	sbr.rel @p0 .LBB2_7-.Ltmp2, $4  }
0x16f: {  	s0 =	simm.s32 @p5 $0x1388;
	s1 =	sshll.u32 s30, $0x4;
	v5 =	vld [tilespmem:s12+$0x0];
	s2 =	simm.s32 @p4 $0x1388  }
0x170: {  	s15 =	sshll.u32 s0, $0x4;
	v6 =	vld [tilespmem:s1+$0x0];
	p6 =	seq.s32 s2, s0;
	s0 =	sshll.u32 s2, $0x4  }
0x171: {  	v7 =	vld [tilespmem:s15+$0x0];
	s0 =	simm.s32 @p6 $0x13880  }
0x172: {  	s28 =	sadd.s32 $0x40, s28;
	v10 =	vmax.f32 v4, v3;
	v8 =	vld [tilespmem:s0+$0x0]  }
0x173: {  	v11 =	vmax.f32 v9, v3  }
0x174: {  	v9 =	vpsel p1, v11, v9  }
0x175: {  	v4 =	vpsel p5, v10, v4;
	s25 =	sadd.s32 $0x1, s25;
	v61 =	vmax.f32 v9, v2  }
0x176: {  	v62 =	vmax.f32 v4, v2;
	p0 =	sne.s32 s25, $0x19;
	v9 =	vpsel p3, v61, v9  }
.Ltmp3:
0x177: {  	v63 =	vmax.f32 v3, v2;
	v4 =	vpsel p4, v62, v4;
	v5 =	vmax.f32 v5, v9;
	(pc) =	sbr.rel @p0 .LBB2_4-.Ltmp3, $4  }
0x178: {  	v3 =	vpsel p6, v63, v3;
	v4 =	vmax.f32 v6, v4;
	[tilespmem:s12+$0x0] =	vst v5  }
0x179: {  	v3 =	vmax.f32 v7, v3;
	[tilespmem:s1+$0x0] =	vst v4  }
0x17a: {  	v2 =	vmax.f32 v8, v2;
	[tilespmem:s15+$0x0] =	vst v3  }
0x17b: {  	[tilespmem:s0+$0x0] =	vst v2  }
0x17c: {  	s11 =	simm.s32 $0x0;
	s0 =	rddreg [dreg:$0x4];
	s1 =	simm.s32 $0x5  }
0x17d: {  	[hbm4b:s0+s11] =	stream.linear.scatter [tilespmem:s11], [sflag:$0x5], $0x13880, $0x38;
	[tilespmem:$0x1A2D0] =	vst v63  }
0x17e: {  	_ =	swait.ge [sflag:s1], $0x13880  }
0x17f: {  	s23 =	sadd.s32 $0x1, s23;
	s31 =	rddreg [dreg:$0x5]  }
0x180: {  	p0 =	sne.s32 s23, s31  }
.Ltmp4:
0x181: {  	_ = 	snop;
	(pc) =	sbr.rel @p0 .LBB2_1-.Ltmp4, $3  }
0x182: {  	_ =	sdelay $0x1  }
0x183: {  	[sflag:s1] =	ssyncset.done $0x0  }
0x184: {  	[sflag:s1] =	ssyncadd.s32 $0xFFFEC780  }
0x185: {  	_ =	sfence.sel $0x180000  }
0x186: {  	[bflag:$0x0] =	sbarrier.arrive $0xFFFF  }
0x187: {  	_ =	strace $0x90000050  }
0x188: {  	s0 =	stileid.u32;
	[bflag:$0x2] =	sbarrier.arrive $0xFFFF  }
0x189: {  	p0 =	sne.s32 s0, $0x0;
	s0 =	rddreg [dreg:$0x1]  }
0x18a: {  	s0 =	sadd.s32 @!p0 $0x100000, s0  }
0x18b: {  	[sflag:s0] =	ssyncadd.tile.s32 @!p0 $0x1;
	_ =	shalt  }
.Lfunc_end2:
_tile_overlayer_lowered:
.L_overlay_start_2:
0x18c: {  	(tag) =	ssettag $0x2  }
0x18d: {  	s0 =	rddreg [dreg:$0x0];
	s2 =	stileid.u32  }
0x18e: {  	s1 =	rddreg [dreg:$0x1];
	p0 =	sne.s32 s2, $0x0  }
0x18f: {  	s3 =	rddreg [dreg:$0x2];
	[bflag:$0x3] =	sbarrier.arrive $0xFFFF;
	s2 =	simm.s32 @!p0 $0x1C05  }
0x190: {  	[timem:s3], [sflag:s2] =	dma.local @!p0 [hbm:s0], s1  }
0x191: {  	s0 =	simm.s32 @!p0 $0x5  }
0x192: {  	_ =	swait.ge @!p0 [sflag:s0], s1  }
0x193: {  	s1 =	ssub.s32 @!p0 $0x0, s1;
	[sflag:s0] =	ssyncset.done @!p0 $0x0  }
0x194: {  	[sflag:s0] =	ssyncadd.s32 @!p0 s1  }
0x195: {  	[bflag:$0x3] =	sbarrier.arrive $0xFFFF  }
0x196: {  	_ =	shalt  }

</sc_bundles>
